<compile_context>
chip_gen: v7x
topology: tpu7x:2x2x1
jax: 0.10.2.dev20260603
libtpu: 0.0.44.dev20260713+nightly
codegen_flags: <defaults>
</compile_context>

<pallas_src>
import functools

import jax
import jax.numpy as jnp
from jax import lax
from jax.experimental import pallas as pl
from jax.experimental.pallas import tpu as pltpu
from jax.experimental.pallas import tpu_sc as plsc

B, V, E, D = 2, 50000, 150000, 128
NC, NS = 2, 16
NW = NC * NS
TPB = NW // B
EPT = 9376
C = 96
NCHT = EPT // C + 1
REM = EPT - (NCHT - 1) * C
EPT_PAD = NCHT * C
NPAIR = (NCHT - 2) // 2
RPT = 3128
NCC = RPT // C
REMC = RPT - NCC * C
NCP = NCC // 2
OUTR = B * (V + E)

_mesh_kw = dict(core_axis_name="c", subcore_axis_name="s",
                num_cores=NC, num_subcores=NS)


@functools.cache
def _build_feats():
  mesh = plsc.VectorSubcoreMesh(**_mesh_kw)

  @functools.partial(
      pl.kernel,
      out_type=jax.ShapeDtypeStruct((OUTR, D), jnp.float32),
      mesh=mesh,
      scratch_types=[
          pltpu.VMEM((EPT_PAD,), jnp.int32),
          pltpu.VMEM((EPT_PAD,), jnp.int32),
          pltpu.VMEM((C, D), jnp.float32),
          pltpu.VMEM((C, D), jnp.float32),
          pltpu.VMEM((C, D), jnp.float32),
          pltpu.VMEM((C, D), jnp.float32),
          pltpu.VMEM((C, D), jnp.float32),
          pltpu.VMEM((C, D), jnp.float32),
          pltpu.SemaphoreType.DMA,
          pltpu.SemaphoreType.DMA,
          pltpu.SemaphoreType.DMA,
          pltpu.SemaphoreType.DMA,
          pltpu.SemaphoreType.DMA,
          pltpu.SemaphoreType.DMA,
          pltpu.SemaphoreType.DMA,
          pltpu.SemaphoreType.DMA,
      ],
  )
  def _run(i0_hbm, i1_hbm, tab_hbm, out_hbm,
           iall0, iall1, fa0, fa1, fb0, fb1, wo0, wo1,
           sg0, sg1, sw0, sw1, sci0, sci1, sco0, sco1):
    wid = lax.axis_index("s") * NC + lax.axis_index("c")
    b = wid // TPB
    j = wid % TPB
    idx_base = wid * EPT_PAD
    start = jnp.minimum(j * EPT, E - EPT)
    mid_base = b * (V + E) + V + start
    cstart = jnp.minimum(j * RPT, V - RPT)
    cin_base = b * V + cstart
    cout_base = b * (V + E) + cstart

    bufs = ((fa0, fb0, wo0, sg0, sw0), (fa1, fb1, wo1, sg1, sw1))

    def issue_gathers(g, p):
      fa, fb, _, sg, _ = bufs[p]
      pltpu.async_copy(tab_hbm.at[iall0.at[pl.ds(g * C, C)]], fa, sg)
      pltpu.async_copy(tab_hbm.at[iall1.at[pl.ds(g * C, C)]], fb, sg)

    def wait_gathers(p):
      fa, fb, _, sg, _ = bufs[p]
      d = iall0.at[pl.ds(0, C)]
      pltpu.make_async_copy(tab_hbm.at[d], fa, sg).wait()
      pltpu.make_async_copy(tab_hbm.at[d], fb, sg).wait()

    def compute(p):
      fa, fb, wo, _, _ = bufs[p]

      @plsc.parallel_loop(0, C, step=1, unroll=4)
      def row(r):
        for k in range(D // 16):
          wo[r, pl.ds(k * 16, 16)] = (
              fa[r, pl.ds(k * 16, 16)] + fb[r, pl.ds(k * 16, 16)]) * 0.5

    def issue_writes(g, p, nrows):
      _, _, wo, _, sw = bufs[p]
      pltpu.async_copy(wo.at[pl.ds(0, nrows)],
                       out_hbm.at[pl.ds(mid_base + g * C, nrows)], sw)

    def wait_writes(p, nrows):
      _, _, wo, _, sw = bufs[p]
      pltpu.make_async_copy(wo.at[pl.ds(0, nrows)],
                            out_hbm.at[pl.ds(0, nrows)], sw).wait()

    pltpu.sync_copy(i0_hbm.at[pl.ds(idx_base, EPT_PAD)], iall0)
    pltpu.sync_copy(i1_hbm.at[pl.ds(idx_base, EPT_PAD)], iall1)
    issue_gathers(0, 0)
    issue_gathers(1, 1)

    def pair(i, carry):
      for p in (0, 1):
        g = 2 * i + p
        wait_gathers(p)

        @pl.when(g >= 2)
        def _():
          wait_writes(p, C)

        compute(p)
        issue_gathers(g + 2, p)
        issue_writes(g, p, C)
      return carry

    lax.fori_loop(0, NPAIR, pair, 0)

    wait_gathers(0)
    wait_writes(0, C)
    compute(0)
    issue_writes(NCHT - 2, 0, C)
    wait_gathers(1)
    wait_writes(1, C)
    compute(1)
    issue_writes(NCHT - 1, 1, REM)

    cbufs = ((fa0, sci0, sco0), (fa1, sci1, sco1))

    def cpair(jj, carry):
      for p in (0, 1):
        cf, sci, sco = cbufs[p]
        c = 2 * jj + p

        @pl.when(c >= 2)
        def _():
          pltpu.make_async_copy(cf, out_hbm.at[pl.ds(0, C)], sco).wait()

        pltpu.async_copy(tab_hbm.at[pl.ds(cin_base + c * C, C)], cf, sci)
      for p in (0, 1):
        cf, sci, sco = cbufs[p]
        c = 2 * jj + p
        pltpu.make_async_copy(tab_hbm.at[pl.ds(0, C)], cf, sci).wait()
        pltpu.async_copy(cf, out_hbm.at[pl.ds(cout_base + c * C, C)], sco)
      return carry

    lax.fori_loop(0, NCP, cpair, 0)

    for p in (0, 1):
      cf, _, sco = cbufs[p]
      pltpu.make_async_copy(cf, out_hbm.at[pl.ds(0, C)], sco).wait()

    pltpu.sync_copy(tab_hbm.at[pl.ds(cin_base + NCC * C, REMC)],
                    fa0.at[pl.ds(0, REMC)])
    pltpu.sync_copy(fa0.at[pl.ds(0, REMC)],
                    out_hbm.at[pl.ds(cout_base + NCC * C, REMC)])

    wait_writes(0, C)
    wait_writes(1, REM)

  return _run


CV = C * 3
NG = CV // 16


@functools.cache
def _build_verts():
  mesh = plsc.VectorSubcoreMesh(**_mesh_kw)

  @functools.partial(
      pl.kernel,
      out_type=jax.ShapeDtypeStruct((B * E * 3,), jnp.float32),
      mesh=mesh,
      compiler_params=pltpu.CompilerParams(use_tc_tiling_on_sc=False,
                                           needs_layout_passes=False),
      scratch_types=[
          pltpu.VMEM((EPT_PAD,), jnp.int32),
          pltpu.VMEM((EPT_PAD,), jnp.int32),
          pltpu.VMEM((CV,), jnp.int32),
          pltpu.VMEM((CV,), jnp.int32),
          pltpu.VMEM((CV,), jnp.int32),
          pltpu.VMEM((CV,), jnp.int32),
          pltpu.VMEM((CV,), jnp.float32),
          pltpu.VMEM((CV,), jnp.float32),
          pltpu.VMEM((CV,), jnp.float32),
          pltpu.VMEM((CV,), jnp.float32),
          pltpu.VMEM((CV,), jnp.float32),
          pltpu.VMEM((CV,), jnp.float32),
          pltpu.SemaphoreType.DMA,
          pltpu.SemaphoreType.DMA,
          pltpu.SemaphoreType.DMA,
          pltpu.SemaphoreType.DMA,
      ],
  )
  def _run(i0_hbm, i1_hbm, tab_hbm, out_hbm,
           iall0, iall1, ie0a, ie0b, ie1a, ie1b,
           fa0, fa1, fb0, fb1, wo0, wo1, sg0, sg1, sw0, sw1):
    wid = lax.axis_index("s") * NC + lax.axis_index("c")
    b = wid // TPB
    j = wid % TPB
    idx_base = wid * EPT_PAD
    start = jnp.minimum(j * EPT, E - EPT)
    mid_base = (b * E + start) * 3

    io = lax.iota(jnp.int32, 16)
    rowp = []
    colp = []
    for t in range(3):
      q = io + 16 * t
      r = lax.shift_right_logical(q * 21846, 16)
      rowp.append(r)
      colp.append(q - r * 3)

    bufs = ((fa0, fb0, ie0a, ie0b, wo0, sg0, sw0),
            (fa1, fb1, ie1a, ie1b, wo1, sg1, sw1))

    def issue_gathers(g, p):
      fa, fb, iea, ieb, _, sg, _ = bufs[p]
      for i in range(NG):
        m, t = divmod(i, 3)
        rows = g * C + (rowp[t] + 16 * m)
        r0 = plsc.load_gather(iall0, [rows])
        r1 = plsc.load_gather(iall1, [rows])
        iea[pl.ds(i * 16, 16)] = r0 * 3 + colp[t]
        ieb[pl.ds(i * 16, 16)] = r1 * 3 + colp[t]
      pltpu.async_copy(tab_hbm.at[iea], fa, sg)
      pltpu.async_copy(tab_hbm.at[ieb], fb, sg)

    def wait_gathers(p):
      fa, fb, iea, ieb, _, sg, _ = bufs[p]
      pltpu.make_async_copy(tab_hbm.at[iea], fa, sg).wait()
      pltpu.make_async_copy(tab_hbm.at[ieb], fb, sg).wait()

    def compute(p):
      fa, fb, _, _, wo, _, _ = bufs[p]

      @plsc.parallel_loop(0, NG, step=1, unroll=2)
      def grp(i):
        wo[pl.ds(i * 16, 16)] = (
            fa[pl.ds(i * 16, 16)] + fb[pl.ds(i * 16, 16)]) * 0.5

    def issue_writes(g, p, nrows):
      _, _, _, _, wo, _, sw = bufs[p]
      pltpu.async_copy(wo.at[pl.ds(0, nrows * 3)],
                       out_hbm.at[pl.ds(mid_base + g * CV, nrows * 3)], sw)

    def wait_writes(p, nrows):
      _, _, _, _, wo, _, sw = bufs[p]
      pltpu.make_async_copy(wo.at[pl.ds(0, nrows * 3)],
                            out_hbm.at[pl.ds(0, nrows * 3)], sw).wait()

    pltpu.sync_copy(i0_hbm.at[pl.ds(idx_base, EPT_PAD)], iall0)
    pltpu.sync_copy(i1_hbm.at[pl.ds(idx_base, EPT_PAD)], iall1)
    issue_gathers(0, 0)
    issue_gathers(1, 1)

    def pair(i, carry):
      for p in (0, 1):
        g = 2 * i + p
        wait_gathers(p)

        @pl.when(g >= 2)
        def _():
          wait_writes(p, C)

        compute(p)
        issue_gathers(g + 2, p)
        issue_writes(g, p, C)
      return carry

    lax.fori_loop(0, NPAIR, pair, 0)

    wait_gathers(0)
    wait_writes(0, C)
    compute(0)
    issue_writes(NCHT - 2, 0, C)
    wait_gathers(1)
    wait_writes(1, C)
    compute(1)
    issue_writes(NCHT - 1, 1, REM)

    wait_writes(0, C)
    wait_writes(1, REM)

  return _run


def _tile_indices(e, offs):
  main = e[:(TPB - 1) * EPT].reshape(TPB - 1, EPT)
  last = e[E - EPT:][None, :]
  per_tile = jnp.concatenate([main, last], axis=0)
  both = per_tile[None, :, :] + offs[:, None, None]
  return jnp.pad(both, ((0, 0), (0, 0), (0, EPT_PAD - EPT))).reshape(-1)


@jax.jit
def kernel(verts, feats, edges):
  offs = jnp.arange(B, dtype=jnp.int32) * V
  i0 = _tile_indices(edges[:, 0], offs)
  i1 = _tile_indices(edges[:, 1], offs)
  new_feats = _build_feats()(i0, i1, feats)
  mid_v = _build_verts()(i0, i1, verts.reshape(-1))
  new_verts = jnp.concatenate([verts, mid_v.reshape(B, E, 3)], axis=1)
  return new_verts, new_feats

# --- scband reference (transcript-rebuilt; emitter-appended) ---
"""Pipeline reference for scband-subdivide-meshes-670014898988 (READ-ONLY COPY).

The authoritative reference and input builder live on the scoring server;
editing this copy changes nothing except your own understanding.
"""

import jax, jax.numpy as jnp
import numpy as np


def setup_inputs(seed: int = 0) -> dict:
    key = jax.random.key(seed)
    k1, k2, k3 = jax.random.split(key, 3)
    B, V, E, D = 2, 50000, 150000, 128
    verts = jax.random.normal(k1, (B, V, 3), dtype=jnp.float32)
    feats = jax.random.normal(k2, (B * V, D), dtype=jnp.float32)
    edges = jax.random.randint(k3, (E, 2), 0, V, dtype=jnp.int32)
    return {"verts": verts, "feats": feats, "edges": edges}


def reference(verts, feats, edges):
    # SubdivideMeshes.subdivide_homogeneous numeric core:
    # 1) new vertex at the midpoint of every edge: verts[:, edges].mean(dim=2)
    # 2) concat original verts with midpoint verts -> packed subdivided verts
    # 3) same averaging applied to per-vertex features (packed (B*V, D) layout)
    B, V, _ = verts.shape
    D = feats.shape[-1]
    ev = verts[:, edges]                      # (B, E, 2, 3) gather of edge endpoints
    mid_verts = ev.mean(axis=2)               # (B, E, 3)
    new_verts = jnp.concatenate([verts, mid_verts], axis=1)   # (B, V+E, 3)
    feats_r = feats.reshape(B, V, D)
    ef = feats_r[:, edges]                    # (B, E, 2, D)
    mid_feats = ef.mean(axis=2)               # (B, E, D)
    new_feats = jnp.concatenate([feats_r, mid_feats], axis=1).reshape(-1, D)  # (B*(V+E), D)
    return new_verts, new_feats

if __name__ == "__main__":
    import jax
    _d = setup_inputs()
    print(jax.jit(kernel)(*tuple(_d.values())))

</pallas_src>

<mosaic_0001>
#map = affine_map<(d0, d1) -> (0)>
module attributes {stable_mosaic.version = 14 : i64} {
  func.func @_run(%arg0: i32, %arg1: i32, %arg2: memref<301056xi32, #tpu.memory_space<hbm>>, %arg3: memref<301056xi32, #tpu.memory_space<hbm>>, %arg4: memref<300000xf32, #tpu.memory_space<hbm>>, %arg5: memref<900000xf32, #tpu.memory_space<hbm>>, %arg6: memref<9408xi32, #tpu.memory_space<vmem>>, %arg7: memref<9408xi32, #tpu.memory_space<vmem>>, %arg8: memref<288xi32, #tpu.memory_space<vmem>>, %arg9: memref<288xi32, #tpu.memory_space<vmem>>, %arg10: memref<288xi32, #tpu.memory_space<vmem>>, %arg11: memref<288xi32, #tpu.memory_space<vmem>>, %arg12: memref<288xf32, #tpu.memory_space<vmem>>, %arg13: memref<288xf32, #tpu.memory_space<vmem>>, %arg14: memref<288xf32, #tpu.memory_space<vmem>>, %arg15: memref<288xf32, #tpu.memory_space<vmem>>, %arg16: memref<288xf32, #tpu.memory_space<vmem>>, %arg17: memref<288xf32, #tpu.memory_space<vmem>>, %arg18: memref<!tpu.dma_semaphore, #tpu.memory_space<semaphore_mem>>, %arg19: memref<!tpu.dma_semaphore, #tpu.memory_space<semaphore_mem>>, %arg20: memref<!tpu.dma_semaphore, #tpu.memory_space<semaphore_mem>>, %arg21: memref<!tpu.dma_semaphore, #tpu.memory_space<semaphore_mem>>) attributes {dimension_semantics = [#tpu.dimension_semantics<core_parallel>, #tpu.dimension_semantics<subcore_parallel>], iteration_bounds = array<i64: 2, 16>, scalar_prefetch = 0 : i64, scratch_operands = 16 : i64, tpu.core_type = #tpu.core_type<sc_vector_subcore>, window_params = [{transform_indices = #map}, {transform_indices = #map}, {transform_indices = #map}, {transform_indices = #map}]} {
    %mul3A = arith.constant 2 : i32
    %mul3A_0 = arith.muli %arg1, %mul3A : i32
    %add3A = arith.addi %mul3A_0, %arg0 : i32
    %jit3A = arith.constant 16 : i32
    %div3A = arith.divsi %add3A, %jit3A : i32
    %sign3A = arith.constant 0 : i32
    %sign3A_1 = arith.cmpi sgt, %add3A, %sign3A : i32
    %sign3A_2 = arith.extui %sign3A_1 : i1 to i32
    %sign3A_3 = arith.constant 0 : i32
    %sign3A_4 = arith.cmpi slt, %add3A, %sign3A_3 : i32
    %sign3A_5 = arith.extui %sign3A_4 : i1 to i32
    %sign3A_6 = arith.subi %sign3A_2, %sign3A_5 : i32
    %sign3A_7 = arith.constant 0 : i32
    %sign3A_8 = arith.cmpi sgt, %jit3A, %sign3A_7 : i32
    %sign3A_9 = arith.extui %sign3A_8 : i1 to i32
    %sign3A_10 = arith.constant 0 : i32
    %sign3A_11 = arith.cmpi slt, %jit3A, %sign3A_10 : i32
    %sign3A_12 = arith.extui %sign3A_11 : i1 to i32
    %sign3A_13 = arith.subi %sign3A_9, %sign3A_12 : i32
    %ne3A = arith.cmpi ne, %sign3A_6, %sign3A_13 : i32
    %rem3A = arith.remsi %add3A, %jit3A : i32
    %ne3A_14 = arith.constant 0 : i32
    %ne3A_15 = arith.cmpi ne, %rem3A, %ne3A_14 : i32
    %and3A = arith.andi %ne3A, %ne3A_15 : i1
    %sub3A = arith.constant 1 : i32
    %sub3A_16 = arith.subi %div3A, %sub3A : i32
    %select_n3A = arith.select %and3A, %sub3A_16, %div3A : i32
    %jit3A_17 = arith.constant 16 : i32
    %eq3A = arith.constant 0 : i32
    %eq3A_18 = arith.cmpi eq, %jit3A_17, %eq3A : i32
    %jit3A_19 = arith.constant 1 : i32
    %select_n3A_20 = arith.select %eq3A_18, %jit3A_19, %jit3A_17 : i32
    %rem3A_21 = arith.remsi %add3A, %select_n3A_20 : i32
    %ne3A_22 = arith.constant 0 : i32
    %ne3A_23 = arith.cmpi ne, %rem3A_21, %ne3A_22 : i32
    %lt3A = arith.constant 0 : i32
    %lt3A_24 = arith.cmpi slt, %rem3A_21, %lt3A : i32
    %lt3A_25 = arith.constant 0 : i32
    %lt3A_26 = arith.cmpi slt, %select_n3A_20, %lt3A_25 : i32
    %ne3A_27 = arith.xori %lt3A_24, %lt3A_26 : i1
    %and3A_28 = arith.andi %ne3A_27, %ne3A_23 : i1
    %add3A_29 = arith.addi %rem3A_21, %select_n3A_20 : i32
    %select_n3A_30 = arith.select %and3A_28, %add3A_29, %rem3A_21 : i32
    %mul3A_31 = arith.constant 9408 : i32
    %mul3A_32 = arith.muli %add3A, %mul3A_31 : i32
    %mul3A_33 = arith.constant 9376 : i32
    %mul3A_34 = arith.muli %select_n3A_30, %mul3A_33 : i32
    %min3A = arith.constant 140624 : i32
    %min3A_35 = arith.minsi %mul3A_34, %min3A : i32
    %mul3A_36 = arith.constant 150000 : i32
    %mul3A_37 = arith.muli %select_n3A, %mul3A_36 : i32
    %add3A_38 = arith.addi %mul3A_37, %min3A_35 : i32
    %mul3A_39 = arith.constant 3 : i32
    %mul3A_40 = arith.muli %add3A_38, %mul3A_39 : i32
    %iota3A = tpu.iota {dimensions = array<i32: 0>} : vector<16xi32>
    %add3A_41 = arith.constant 0 : i32
    %add3A_42 = vector.broadcast %add3A_41 : i32 to vector<16xi32>
    %add3A_43 = arith.addi %iota3A, %add3A_42 : vector<16xi32>
    %mul3A_44 = arith.constant 21846 : i32
    %mul3A_45 = vector.broadcast %mul3A_44 : i32 to vector<16xi32>
    %mul3A_46 = arith.muli %add3A_43, %mul3A_45 : vector<16xi32>
    %shift_right_logical3A = arith.constant 16 : i32
    %shift_right_logical3A_47 = vector.broadcast %shift_right_logical3A : i32 to vector<16xi32>
    %shift_right_logical3A_48 = arith.shrui %mul3A_46, %shift_right_logical3A_47 : vector<16xi32>
    %mul3A_49 = arith.constant 3 : i32
    %mul3A_50 = vector.broadcast %mul3A_49 : i32 to vector<16xi32>
    %mul3A_51 = arith.muli %shift_right_logical3A_48, %mul3A_50 : vector<16xi32>
    %sub3A_52 = arith.subi %add3A_43, %mul3A_51 : vector<16xi32>
    %add3A_53 = arith.constant 16 : i32
    %add3A_54 = vector.broadcast %add3A_53 : i32 to vector<16xi32>
    %add3A_55 = arith.addi %iota3A, %add3A_54 : vector<16xi32>
    %mul3A_56 = arith.constant 21846 : i32
    %mul3A_57 = vector.broadcast %mul3A_56 : i32 to vector<16xi32>
    %mul3A_58 = arith.muli %add3A_55, %mul3A_57 : vector<16xi32>
    %shift_right_logical3A_59 = arith.constant 16 : i32
    %shift_right_logical3A_60 = vector.broadcast %shift_right_logical3A_59 : i32 to vector<16xi32>
    %shift_right_logical3A_61 = arith.shrui %mul3A_58, %shift_right_logical3A_60 : vector<16xi32>
    %mul3A_62 = arith.constant 3 : i32
    %mul3A_63 = vector.broadcast %mul3A_62 : i32 to vector<16xi32>
    %mul3A_64 = arith.muli %shift_right_logical3A_61, %mul3A_63 : vector<16xi32>
    %sub3A_65 = arith.subi %add3A_55, %mul3A_64 : vector<16xi32>
    %add3A_66 = arith.constant 32 : i32
    %add3A_67 = vector.broadcast %add3A_66 : i32 to vector<16xi32>
    %add3A_68 = arith.addi %iota3A, %add3A_67 : vector<16xi32>
    %mul3A_69 = arith.constant 21846 : i32
    %mul3A_70 = vector.broadcast %mul3A_69 : i32 to vector<16xi32>
    %mul3A_71 = arith.muli %add3A_68, %mul3A_70 : vector<16xi32>
    %shift_right_logical3A_72 = arith.constant 16 : i32
    %shift_right_logical3A_73 = vector.broadcast %shift_right_logical3A_72 : i32 to vector<16xi32>
    %shift_right_logical3A_74 = arith.shrui %mul3A_71, %shift_right_logical3A_73 : vector<16xi32>
    %mul3A_75 = arith.constant 3 : i32
    %mul3A_76 = vector.broadcast %mul3A_75 : i32 to vector<16xi32>
    %mul3A_77 = arith.muli %shift_right_logical3A_74, %mul3A_76 : vector<16xi32>
    %sub3A_78 = arith.subi %add3A_68, %mul3A_77 : vector<16xi32>
    "tpu.region"() ({
      %run_scoped3A = tpu.sem_alloc : memref<!tpu.dma_semaphore, #tpu.memory_space<semaphore_mem>>
      %dma_start3A_869 = tpu.memref_slice %arg2[%mul3A_32] : memref<301056xi32, #tpu.memory_space<hbm>> -> memref<9408xi32, #tpu.memory_space<hbm>>
      %dma_start3A_870 = tpu.memref_slice %arg2[%mul3A_32] : memref<301056xi32, #tpu.memory_space<hbm>> -> memref<9408xi32, #tpu.memory_space<hbm>>
      tpu.enqueue_dma source(%dma_start3A_870 : memref<9408xi32, #tpu.memory_space<hbm>>) target(%arg6 : memref<9408xi32, #tpu.memory_space<vmem>>) target_semaphore(%run_scoped3A : memref<!tpu.dma_semaphore, #tpu.memory_space<semaphore_mem>>)
      %dma_wait3A_871 = tpu.memref_slice %arg2[%mul3A_32] : memref<301056xi32, #tpu.memory_space<hbm>> -> memref<9408xi32, #tpu.memory_space<hbm>>
      %dma_wait3A_872 = tpu.memref_slice %arg2[%mul3A_32] : memref<301056xi32, #tpu.memory_space<hbm>> -> memref<9408xi32, #tpu.memory_space<hbm>>
      tpu.wait_dma2 semaphore(%run_scoped3A : memref<!tpu.dma_semaphore, #tpu.memory_space<semaphore_mem>>) src(%dma_wait3A_872 : memref<9408xi32, #tpu.memory_space<hbm>>) dst(%arg6 : memref<9408xi32, #tpu.memory_space<vmem>>)
      tpu.yield
    }) : () -> ()
    "tpu.region"() ({
      %run_scoped3A = tpu.sem_alloc : memref<!tpu.dma_semaphore, #tpu.memory_space<semaphore_mem>>
      %dma_start3A_869 = tpu.memref_slice %arg3[%mul3A_32] : memref<301056xi32, #tpu.memory_space<hbm>> -> memref<9408xi32, #tpu.memory_space<hbm>>
      %dma_start3A_870 = tpu.memref_slice %arg3[%mul3A_32] : memref<301056xi32, #tpu.memory_space<hbm>> -> memref<9408xi32, #tpu.memory_space<hbm>>
      tpu.enqueue_dma source(%dma_start3A_870 : memref<9408xi32, #tpu.memory_space<hbm>>) target(%arg7 : memref<9408xi32, #tpu.memory_space<vmem>>) target_semaphore(%run_scoped3A : memref<!tpu.dma_semaphore, #tpu.memory_space<semaphore_mem>>)
      %dma_wait3A_871 = tpu.memref_slice %arg3[%mul3A_32] : memref<301056xi32, #tpu.memory_space<hbm>> -> memref<9408xi32, #tpu.memory_space<hbm>>
      %dma_wait3A_872 = tpu.memref_slice %arg3[%mul3A_32] : memref<301056xi32, #tpu.memory_space<hbm>> -> memref<9408xi32, #tpu.memory_space<hbm>>
      tpu.wait_dma2 semaphore(%run_scoped3A : memref<!tpu.dma_semaphore, #tpu.memory_space<semaphore_mem>>) src(%dma_wait3A_872 : memref<9408xi32, #tpu.memory_space<hbm>>) dst(%arg7 : memref<9408xi32, #tpu.memory_space<vmem>>)
      tpu.yield
    }) : () -> ()
    %add3A_79 = arith.constant 0 : i32
    %add3A_80 = vector.broadcast %add3A_79 : i32 to vector<16xi32>
    %add3A_81 = arith.addi %shift_right_logical3A_48, %add3A_80 : vector<16xi32>
    %add3A_82 = arith.constant 0 : i32
    %add3A_83 = vector.broadcast %add3A_82 : i32 to vector<16xi32>
    %add3A_84 = arith.addi %add3A_83, %add3A_81 : vector<16xi32>
    %gather3A = tpu.vector_load_idx %arg6[%add3A_84] : memref<9408xi32, #tpu.memory_space<vmem>>[vector<16xi32>], vector<16xi32>,
    %gather3A_85 = tpu.vector_load_idx %arg7[%add3A_84] : memref<9408xi32, #tpu.memory_space<vmem>>[vector<16xi32>], vector<16xi32>,
    %mul3A_86 = arith.constant 3 : i32
    %mul3A_87 = vector.broadcast %mul3A_86 : i32 to vector<16xi32>
    %mul3A_88 = arith.muli %gather3A, %mul3A_87 : vector<16xi32>
    %add3A_89 = arith.addi %mul3A_88, %sub3A_52 : vector<16xi32>
    %swap3A = arith.constant 0 : index
    %swap3A_90 = tpu.vector_load %arg8[%swap3A] {strides = array<i32>} : memref<288xi32, #tpu.memory_space<vmem>>, vector<16xi32>,
    tpu.vector_store %arg8[%swap3A], %add3A_89 {strides = array<i32>} : memref<288xi32, #tpu.memory_space<vmem>>, vector<16xi32>,
    %mul3A_91 = arith.constant 3 : i32
    %mul3A_92 = vector.broadcast %mul3A_91 : i32 to vector<16xi32>
    %mul3A_93 = arith.muli %gather3A_85, %mul3A_92 : vector<16xi32>
    %add3A_94 = arith.addi %mul3A_93, %sub3A_52 : vector<16xi32>
    %swap3A_95 = arith.constant 0 : index
    %swap3A_96 = tpu.vector_load %arg9[%swap3A_95] {strides = array<i32>} : memref<288xi32, #tpu.memory_space<vmem>>, vector<16xi32>,
    tpu.vector_store %arg9[%swap3A_95], %add3A_94 {strides = array<i32>} : memref<288xi32, #tpu.memory_space<vmem>>, vector<16xi32>,
    %add3A_97 = arith.constant 0 : i32
    %add3A_98 = vector.broadcast %add3A_97 : i32 to vector<16xi32>
    %add3A_99 = arith.addi %shift_right_logical3A_61, %add3A_98 : vector<16xi32>
    %add3A_100 = arith.constant 0 : i32
    %add3A_101 = vector.broadcast %add3A_100 : i32 to vector<16xi32>
    %add3A_102 = arith.addi %add3A_101, %add3A_99 : vector<16xi32>
    %gather3A_103 = tpu.vector_load_idx %arg6[%add3A_102] : memref<9408xi32, #tpu.memory_space<vmem>>[vector<16xi32>], vector<16xi32>,
    %gather3A_104 = tpu.vector_load_idx %arg7[%add3A_102] : memref<9408xi32, #tpu.memory_space<vmem>>[vector<16xi32>], vector<16xi32>,
    %mul3A_105 = arith.constant 3 : i32
    %mul3A_106 = vector.broadcast %mul3A_105 : i32 to vector<16xi32>
    %mul3A_107 = arith.muli %gather3A_103, %mul3A_106 : vector<16xi32>
    %add3A_108 = arith.addi %mul3A_107, %sub3A_65 : vector<16xi32>
    %swap3A_109 = arith.constant 16 : index
    %swap3A_110 = tpu.vector_load %arg8[%swap3A_109] {strides = array<i32>} : memref<288xi32, #tpu.memory_space<vmem>>, vector<16xi32>,
    tpu.vector_store %arg8[%swap3A_109], %add3A_108 {strides = array<i32>} : memref<288xi32, #tpu.memory_space<vmem>>, vector<16xi32>,
    %mul3A_111 = arith.constant 3 : i32
    %mul3A_112 = vector.broadcast %mul3A_111 : i32 to vector<16xi32>
    %mul3A_113 = arith.muli %gather3A_104, %mul3A_112 : vector<16xi32>
    %add3A_114 = arith.addi %mul3A_113, %sub3A_65 : vector<16xi32>
    %swap3A_115 = arith.constant 16 : index
    %swap3A_116 = tpu.vector_load %arg9[%swap3A_115] {strides = array<i32>} : memref<288xi32, #tpu.memory_space<vmem>>, vector<16xi32>,
    tpu.vector_store %arg9[%swap3A_115], %add3A_114 {strides = array<i32>} : memref<288xi32, #tpu.memory_space<vmem>>, vector<16xi32>,
    %add3A_117 = arith.constant 0 : i32
    %add3A_118 = vector.broadcast %add3A_117 : i32 to vector<16xi32>
    %add3A_119 = arith.addi %shift_right_logical3A_74, %add3A_118 : vector<16xi32>
    %add3A_120 = arith.constant 0 : i32
    %add3A_121 = vector.broadcast %add3A_120 : i32 to vector<16xi32>
    %add3A_122 = arith.addi %add3A_121, %add3A_119 : vector<16xi32>
    %gather3A_123 = tpu.vector_load_idx %arg6[%add3A_122] : memref<9408xi32, #tpu.memory_space<vmem>>[vector<16xi32>], vector<16xi32>,
    %gather3A_124 = tpu.vector_load_idx %arg7[%add3A_122] : memref<9408xi32, #tpu.memory_space<vmem>>[vector<16xi32>], vector<16xi32>,
    %mul3A_125 = arith.constant 3 : i32
    %mul3A_126 = vector.broadcast %mul3A_125 : i32 to vector<16xi32>
    %mul3A_127 = arith.muli %gather3A_123, %mul3A_126 : vector<16xi32>
    %add3A_128 = arith.addi %mul3A_127, %sub3A_78 : vector<16xi32>
    %swap3A_129 = arith.constant 32 : index
    %swap3A_130 = tpu.vector_load %arg8[%swap3A_129] {strides = array<i32>} : memref<288xi32, #tpu.memory_space<vmem>>, vector<16xi32>,
    tpu.vector_store %arg8[%swap3A_129], %add3A_128 {strides = array<i32>} : memref<288xi32, #tpu.memory_space<vmem>>, vector<16xi32>,
    %mul3A_131 = arith.constant 3 : i32
    %mul3A_132 = vector.broadcast %mul3A_131 : i32 to vector<16xi32>
    %mul3A_133 = arith.muli %gather3A_124, %mul3A_132 : vector<16xi32>
    %add3A_134 = arith.addi %mul3A_133, %sub3A_78 : vector<16xi32>
    %swap3A_135 = arith.constant 32 : index
    %swap3A_136 = tpu.vector_load %arg9[%swap3A_135] {strides = array<i32>} : memref<288xi32, #tpu.memory_space<vmem>>, vector<16xi32>,
    tpu.vector_store %arg9[%swap3A_135], %add3A_134 {strides = array<i32>} : memref<288xi32, #tpu.memory_space<vmem>>, vector<16xi32>,
    %add3A_137 = arith.constant 16 : i32
    %add3A_138 = vector.broadcast %add3A_137 : i32 to vector<16xi32>
    %add3A_139 = arith.addi %shift_right_logical3A_48, %add3A_138 : vector<16xi32>
    %add3A_140 = arith.constant 0 : i32
    %add3A_141 = vector.broadcast %add3A_140 : i32 to vector<16xi32>
    %add3A_142 = arith.addi %add3A_141, %add3A_139 : vector<16xi32>
    %gather3A_143 = tpu.vector_load_idx %arg6[%add3A_142] : memref<9408xi32, #tpu.memory_space<vmem>>[vector<16xi32>], vector<16xi32>,
    %gather3A_144 = tpu.vector_load_idx %arg7[%add3A_142] : memref<9408xi32, #tpu.memory_space<vmem>>[vector<16xi32>], vector<16xi32>,
    %mul3A_145 = arith.constant 3 : i32
    %mul3A_146 = vector.broadcast %mul3A_145 : i32 to vector<16xi32>
    %mul3A_147 = arith.muli %gather3A_143, %mul3A_146 : vector<16xi32>
    %add3A_148 = arith.addi %mul3A_147, %sub3A_52 : vector<16xi32>
    %swap3A_149 = arith.constant 48 : index
    %swap3A_150 = tpu.vector_load %arg8[%swap3A_149] {strides = array<i32>} : memref<288xi32, #tpu.memory_space<vmem>>, vector<16xi32>,
    tpu.vector_store %arg8[%swap3A_149], %add3A_148 {strides = array<i32>} : memref<288xi32, #tpu.memory_space<vmem>>, vector<16xi32>,
    %mul3A_151 = arith.constant 3 : i32
    %mul3A_152 = vector.broadcast %mul3A_151 : i32 to vector<16xi32>
    %mul3A_153 = arith.muli %gather3A_144, %mul3A_152 : vector<16xi32>
    %add3A_154 = arith.addi %mul3A_153, %sub3A_52 : vector<16xi32>
    %swap3A_155 = arith.constant 48 : index
    %swap3A_156 = tpu.vector_load %arg9[%swap3A_155] {strides = array<i32>} : memref<288xi32, #tpu.memory_space<vmem>>, vector<16xi32>,
    tpu.vector_store %arg9[%swap3A_155], %add3A_154 {strides = array<i32>} : memref<288xi32, #tpu.memory_space<vmem>>, vector<16xi32>,
    %add3A_157 = arith.constant 16 : i32
    %add3A_158 = vector.broadcast %add3A_157 : i32 to vector<16xi32>
    %add3A_159 = arith.addi %shift_right_logical3A_61, %add3A_158 : vector<16xi32>
    %add3A_160 = arith.constant 0 : i32
    %add3A_161 = vector.broadcast %add3A_160 : i32 to vector<16xi32>
    %add3A_162 = arith.addi %add3A_161, %add3A_159 : vector<16xi32>
    %gather3A_163 = tpu.vector_load_idx %arg6[%add3A_162] : memref<9408xi32, #tpu.memory_space<vmem>>[vector<16xi32>], vector<16xi32>,
    %gather3A_164 = tpu.vector_load_idx %arg7[%add3A_162] : memref<9408xi32, #tpu.memory_space<vmem>>[vector<16xi32>], vector<16xi32>,
    %mul3A_165 = arith.constant 3 : i32
    %mul3A_166 = vector.broadcast %mul3A_165 : i32 to vector<16xi32>
    %mul3A_167 = arith.muli %gather3A_163, %mul3A_166 : vector<16xi32>
    %add3A_168 = arith.addi %mul3A_167, %sub3A_65 : vector<16xi32>
    %swap3A_169 = arith.constant 64 : index
    %swap3A_170 = tpu.vector_load %arg8[%swap3A_169] {strides = array<i32>} : memref<288xi32, #tpu.memory_space<vmem>>, vector<16xi32>,
    tpu.vector_store %arg8[%swap3A_169], %add3A_168 {strides = array<i32>} : memref<288xi32, #tpu.memory_space<vmem>>, vector<16xi32>,
    %mul3A_171 = arith.constant 3 : i32
    %mul3A_172 = vector.broadcast %mul3A_171 : i32 to vector<16xi32>
    %mul3A_173 = arith.muli %gather3A_164, %mul3A_172 : vector<16xi32>
    %add3A_174 = arith.addi %mul3A_173, %sub3A_65 : vector<16xi32>
    %swap3A_175 = arith.constant 64 : index
    %swap3A_176 = tpu.vector_load %arg9[%swap3A_175] {strides = array<i32>} : memref<288xi32, #tpu.memory_space<vmem>>, vector<16xi32>,
    tpu.vector_store %arg9[%swap3A_175], %add3A_174 {strides = array<i32>} : memref<288xi32, #tpu.memory_space<vmem>>, vector<16xi32>,
    %add3A_177 = arith.constant 16 : i32
    %add3A_178 = vector.broadcast %add3A_177 : i32 to vector<16xi32>
    %add3A_179 = arith.addi %shift_right_logical3A_74, %add3A_178 : vector<16xi32>
    %add3A_180 = arith.constant 0 : i32
    %add3A_181 = vector.broadcast %add3A_180 : i32 to vector<16xi32>
    %add3A_182 = arith.addi %add3A_181, %add3A_179 : vector<16xi32>
    %gather3A_183 = tpu.vector_load_idx %arg6[%add3A_182] : memref<9408xi32, #tpu.memory_space<vmem>>[vector<16xi32>], vector<16xi32>,
    %gather3A_184 = tpu.vector_load_idx %arg7[%add3A_182] : memref<9408xi32, #tpu.memory_space<vmem>>[vector<16xi32>], vector<16xi32>,
    %mul3A_185 = arith.constant 3 : i32
    %mul3A_186 = vector.broadcast %mul3A_185 : i32 to vector<16xi32>
    %mul3A_187 = arith.muli %gather3A_183, %mul3A_186 : vector<16xi32>
    %add3A_188 = arith.addi %mul3A_187, %sub3A_78 : vector<16xi32>
    %swap3A_189 = arith.constant 80 : index
    %swap3A_190 = tpu.vector_load %arg8[%swap3A_189] {strides = array<i32>} : memref<288xi32, #tpu.memory_space<vmem>>, vector<16xi32>,
    tpu.vector_store %arg8[%swap3A_189], %add3A_188 {strides = array<i32>} : memref<288xi32, #tpu.memory_space<vmem>>, vector<16xi32>,
    %mul3A_191 = arith.constant 3 : i32
    %mul3A_192 = vector.broadcast %mul3A_191 : i32 to vector<16xi32>
    %mul3A_193 = arith.muli %gather3A_184, %mul3A_192 : vector<16xi32>
    %add3A_194 = arith.addi %mul3A_193, %sub3A_78 : vector<16xi32>
    %swap3A_195 = arith.constant 80 : index
    %swap3A_196 = tpu.vector_load %arg9[%swap3A_195] {strides = array<i32>} : memref<288xi32, #tpu.memory_space<vmem>>, vector<16xi32>,
    tpu.vector_store %arg9[%swap3A_195], %add3A_194 {strides = array<i32>} : memref<288xi32, #tpu.memory_space<vmem>>, vector<16xi32>,
    %add3A_197 = arith.constant 32 : i32
    %add3A_198 = vector.broadcast %add3A_197 : i32 to vector<16xi32>
    %add3A_199 = arith.addi %shift_right_logical3A_48, %add3A_198 : vector<16xi32>
    %add3A_200 = arith.constant 0 : i32
    %add3A_201 = vector.broadcast %add3A_200 : i32 to vector<16xi32>
    %add3A_202 = arith.addi %add3A_201, %add3A_199 : vector<16xi32>
    %gather3A_203 = tpu.vector_load_idx %arg6[%add3A_202] : memref<9408xi32, #tpu.memory_space<vmem>>[vector<16xi32>], vector<16xi32>,
    %gather3A_204 = tpu.vector_load_idx %arg7[%add3A_202] : memref<9408xi32, #tpu.memory_space<vmem>>[vector<16xi32>], vector<16xi32>,
    %mul3A_205 = arith.constant 3 : i32
    %mul3A_206 = vector.broadcast %mul3A_205 : i32 to vector<16xi32>
    %mul3A_207 = arith.muli %gather3A_203, %mul3A_206 : vector<16xi32>
    %add3A_208 = arith.addi %mul3A_207, %sub3A_52 : vector<16xi32>
    %swap3A_209 = arith.constant 96 : index
    %swap3A_210 = tpu.vector_load %arg8[%swap3A_209] {strides = array<i32>} : memref<288xi32, #tpu.memory_space<vmem>>, vector<16xi32>,
    tpu.vector_store %arg8[%swap3A_209], %add3A_208 {strides = array<i32>} : memref<288xi32, #tpu.memory_space<vmem>>, vector<16xi32>,
    %mul3A_211 = arith.constant 3 : i32
    %mul3A_212 = vector.broadcast %mul3A_211 : i32 to vector<16xi32>
    %mul3A_213 = arith.muli %gather3A_204, %mul3A_212 : vector<16xi32>
    %add3A_214 = arith.addi %mul3A_213, %sub3A_52 : vector<16xi32>
    %swap3A_215 = arith.constant 96 : index
    %swap3A_216 = tpu.vector_load %arg9[%swap3A_215] {strides = array<i32>} : memref<288xi32, #tpu.memory_space<vmem>>, vector<16xi32>,
    tpu.vector_store %arg9[%swap3A_215], %add3A_214 {strides = array<i32>} : memref<288xi32, #tpu.memory_space<vmem>>, vector<16xi32>,
    %add3A_217 = arith.constant 32 : i32
    %add3A_218 = vector.broadcast %add3A_217 : i32 to vector<16xi32>
    %add3A_219 = arith.addi %shift_right_logical3A_61, %add3A_218 : vector<16xi32>
    %add3A_220 = arith.constant 0 : i32
    %add3A_221 = vector.broadcast %add3A_220 : i32 to vector<16xi32>
    %add3A_222 = arith.addi %add3A_221, %add3A_219 : vector<16xi32>
    %gather3A_223 = tpu.vector_load_idx %arg6[%add3A_222] : memref<9408xi32, #tpu.memory_space<vmem>>[vector<16xi32>], vector<16xi32>,
    %gather3A_224 = tpu.vector_load_idx %arg7[%add3A_222] : memref<9408xi32, #tpu.memory_space<vmem>>[vector<16xi32>], vector<16xi32>,
    %mul3A_225 = arith.constant 3 : i32
    %mul3A_226 = vector.broadcast %mul3A_225 : i32 to vector<16xi32>
    %mul3A_227 = arith.muli %gather3A_223, %mul3A_226 : vector<16xi32>
    %add3A_228 = arith.addi %mul3A_227, %sub3A_65 : vector<16xi32>
    %swap3A_229 = arith.constant 112 : index
    %swap3A_230 = tpu.vector_load %arg8[%swap3A_229] {strides = array<i32>} : memref<288xi32, #tpu.memory_space<vmem>>, vector<16xi32>,
    tpu.vector_store %arg8[%swap3A_229], %add3A_228 {strides = array<i32>} : memref<288xi32, #tpu.memory_space<vmem>>, vector<16xi32>,
    %mul3A_231 = arith.constant 3 : i32
    %mul3A_232 = vector.broadcast %mul3A_231 : i32 to vector<16xi32>
    %mul3A_233 = arith.muli %gather3A_224, %mul3A_232 : vector<16xi32>
    %add3A_234 = arith.addi %mul3A_233, %sub3A_65 : vector<16xi32>
    %swap3A_235 = arith.constant 112 : index
    %swap3A_236 = tpu.vector_load %arg9[%swap3A_235] {strides = array<i32>} : memref<288xi32, #tpu.memory_space<vmem>>, vector<16xi32>,
    tpu.vector_store %arg9[%swap3A_235], %add3A_234 {strides = array<i32>} : memref<288xi32, #tpu.memory_space<vmem>>, vector<16xi32>,
    %add3A_237 = arith.constant 32 : i32
    %add3A_238 = vector.broadcast %add3A_237 : i32 to vector<16xi32>
    %add3A_239 = arith.addi %shift_right_logical3A_74, %add3A_238 : vector<16xi32>
    %add3A_240 = arith.constant 0 : i32
    %add3A_241 = vector.broadcast %add3A_240 : i32 to vector<16xi32>
    %add3A_242 = arith.addi %add3A_241, %add3A_239 : vector<16xi32>
    %gather3A_243 = tpu.vector_load_idx %arg6[%add3A_242] : memref<9408xi32, #tpu.memory_space<vmem>>[vector<16xi32>], vector<16xi32>,
    %gather3A_244 = tpu.vector_load_idx %arg7[%add3A_242] : memref<9408xi32, #tpu.memory_space<vmem>>[vector<16xi32>], vector<16xi32>,
    %mul3A_245 = arith.constant 3 : i32
    %mul3A_246 = vector.broadcast %mul3A_245 : i32 to vector<16xi32>
    %mul3A_247 = arith.muli %gather3A_243, %mul3A_246 : vector<16xi32>
    %add3A_248 = arith.addi %mul3A_247, %sub3A_78 : vector<16xi32>
    %swap3A_249 = arith.constant 128 : index
    %swap3A_250 = tpu.vector_load %arg8[%swap3A_249] {strides = array<i32>} : memref<288xi32, #tpu.memory_space<vmem>>, vector<16xi32>,
    tpu.vector_store %arg8[%swap3A_249], %add3A_248 {strides = array<i32>} : memref<288xi32, #tpu.memory_space<vmem>>, vector<16xi32>,
    %mul3A_251 = arith.constant 3 : i32
    %mul3A_252 = vector.broadcast %mul3A_251 : i32 to vector<16xi32>
    %mul3A_253 = arith.muli %gather3A_244, %mul3A_252 : vector<16xi32>
    %add3A_254 = arith.addi %mul3A_253, %sub3A_78 : vector<16xi32>
    %swap3A_255 = arith.constant 128 : index
    %swap3A_256 = tpu.vector_load %arg9[%swap3A_255] {strides = array<i32>} : memref<288xi32, #tpu.memory_space<vmem>>, vector<16xi32>,
    tpu.vector_store %arg9[%swap3A_255], %add3A_254 {strides = array<i32>} : memref<288xi32, #tpu.memory_space<vmem>>, vector<16xi32>,
    %add3A_257 = arith.constant 48 : i32
    %add3A_258 = vector.broadcast %add3A_257 : i32 to vector<16xi32>
    %add3A_259 = arith.addi %shift_right_logical3A_48, %add3A_258 : vector<16xi32>
    %add3A_260 = arith.constant 0 : i32
    %add3A_261 = vector.broadcast %add3A_260 : i32 to vector<16xi32>
    %add3A_262 = arith.addi %add3A_261, %add3A_259 : vector<16xi32>
    %gather3A_263 = tpu.vector_load_idx %arg6[%add3A_262] : memref<9408xi32, #tpu.memory_space<vmem>>[vector<16xi32>], vector<16xi32>,
    %gather3A_264 = tpu.vector_load_idx %arg7[%add3A_262] : memref<9408xi32, #tpu.memory_space<vmem>>[vector<16xi32>], vector<16xi32>,
    %mul3A_265 = arith.constant 3 : i32
    %mul3A_266 = vector.broadcast %mul3A_265 : i32 to vector<16xi32>
    %mul3A_267 = arith.muli %gather3A_263, %mul3A_266 : vector<16xi32>
    %add3A_268 = arith.addi %mul3A_267, %sub3A_52 : vector<16xi32>
    %swap3A_269 = arith.constant 144 : index
    %swap3A_270 = tpu.vector_load %arg8[%swap3A_269] {strides = array<i32>} : memref<288xi32, #tpu.memory_space<vmem>>, vector<16xi32>,
    tpu.vector_store %arg8[%swap3A_269], %add3A_268 {strides = array<i32>} : memref<288xi32, #tpu.memory_space<vmem>>, vector<16xi32>,
    %mul3A_271 = arith.constant 3 : i32
    %mul3A_272 = vector.broadcast %mul3A_271 : i32 to vector<16xi32>
    %mul3A_273 = arith.muli %gather3A_264, %mul3A_272 : vector<16xi32>
    %add3A_274 = arith.addi %mul3A_273, %sub3A_52 : vector<16xi32>
    %swap3A_275 = arith.constant 144 : index
    %swap3A_276 = tpu.vector_load %arg9[%swap3A_275] {strides = array<i32>} : memref<288xi32, #tpu.memory_space<vmem>>, vector<16xi32>,
    tpu.vector_store %arg9[%swap3A_275], %add3A_274 {strides = array<i32>} : memref<288xi32, #tpu.memory_space<vmem>>, vector<16xi32>,
    %add3A_277 = arith.constant 48 : i32
    %add3A_278 = vector.broadcast %add3A_277 : i32 to vector<16xi32>
    %add3A_279 = arith.addi %shift_right_logical3A_61, %add3A_278 : vector<16xi32>
    %add3A_280 = arith.constant 0 : i32
    %add3A_281 = vector.broadcast %add3A_280 : i32 to vector<16xi32>
    %add3A_282 = arith.addi %add3A_281, %add3A_279 : vector<16xi32>
    %gather3A_283 = tpu.vector_load_idx %arg6[%add3A_282] : memref<9408xi32, #tpu.memory_space<vmem>>[vector<16xi32>], vector<16xi32>,
    %gather3A_284 = tpu.vector_load_idx %arg7[%add3A_282] : memref<9408xi32, #tpu.memory_space<vmem>>[vector<16xi32>], vector<16xi32>,
    %mul3A_285 = arith.constant 3 : i32
    %mul3A_286 = vector.broadcast %mul3A_285 : i32 to vector<16xi32>
    %mul3A_287 = arith.muli %gather3A_283, %mul3A_286 : vector<16xi32>
    %add3A_288 = arith.addi %mul3A_287, %sub3A_65 : vector<16xi32>
    %swap3A_289 = arith.constant 160 : index
    %swap3A_290 = tpu.vector_load %arg8[%swap3A_289] {strides = array<i32>} : memref<288xi32, #tpu.memory_space<vmem>>, vector<16xi32>,
    tpu.vector_store %arg8[%swap3A_289], %add3A_288 {strides = array<i32>} : memref<288xi32, #tpu.memory_space<vmem>>, vector<16xi32>,
    %mul3A_291 = arith.constant 3 : i32
    %mul3A_292 = vector.broadcast %mul3A_291 : i32 to vector<16xi32>
    %mul3A_293 = arith.muli %gather3A_284, %mul3A_292 : vector<16xi32>
    %add3A_294 = arith.addi %mul3A_293, %sub3A_65 : vector<16xi32>
    %swap3A_295 = arith.constant 160 : index
    %swap3A_296 = tpu.vector_load %arg9[%swap3A_295] {strides = array<i32>} : memref<288xi32, #tpu.memory_space<vmem>>, vector<16xi32>,
    tpu.vector_store %arg9[%swap3A_295], %add3A_294 {strides = array<i32>} : memref<288xi32, #tpu.memory_space<vmem>>, vector<16xi32>,
    %add3A_297 = arith.constant 48 : i32
    %add3A_298 = vector.broadcast %add3A_297 : i32 to vector<16xi32>
    %add3A_299 = arith.addi %shift_right_logical3A_74, %add3A_298 : vector<16xi32>
    %add3A_300 = arith.constant 0 : i32
    %add3A_301 = vector.broadcast %add3A_300 : i32 to vector<16xi32>
    %add3A_302 = arith.addi %add3A_301, %add3A_299 : vector<16xi32>
    %gather3A_303 = tpu.vector_load_idx %arg6[%add3A_302] : memref<9408xi32, #tpu.memory_space<vmem>>[vector<16xi32>], vector<16xi32>,
    %gather3A_304 = tpu.vector_load_idx %arg7[%add3A_302] : memref<9408xi32, #tpu.memory_space<vmem>>[vector<16xi32>], vector<16xi32>,
    %mul3A_305 = arith.constant 3 : i32
    %mul3A_306 = vector.broadcast %mul3A_305 : i32 to vector<16xi32>
    %mul3A_307 = arith.muli %gather3A_303, %mul3A_306 : vector<16xi32>
    %add3A_308 = arith.addi %mul3A_307, %sub3A_78 : vector<16xi32>
    %swap3A_309 = arith.constant 176 : index
    %swap3A_310 = tpu.vector_load %arg8[%swap3A_309] {strides = array<i32>} : memref<288xi32, #tpu.memory_space<vmem>>, vector<16xi32>,
    tpu.vector_store %arg8[%swap3A_309], %add3A_308 {strides = array<i32>} : memref<288xi32, #tpu.memory_space<vmem>>, vector<16xi32>,
    %mul3A_311 = arith.constant 3 : i32
    %mul3A_312 = vector.broadcast %mul3A_311 : i32 to vector<16xi32>
    %mul3A_313 = arith.muli %gather3A_304, %mul3A_312 : vector<16xi32>
    %add3A_314 = arith.addi %mul3A_313, %sub3A_78 : vector<16xi32>
    %swap3A_315 = arith.constant 176 : index
    %swap3A_316 = tpu.vector_load %arg9[%swap3A_315] {strides = array<i32>} : memref<288xi32, #tpu.memory_space<vmem>>, vector<16xi32>,
    tpu.vector_store %arg9[%swap3A_315], %add3A_314 {strides = array<i32>} : memref<288xi32, #tpu.memory_space<vmem>>, vector<16xi32>,
    %add3A_317 = arith.constant 64 : i32
    %add3A_318 = vector.broadcast %add3A_317 : i32 to vector<16xi32>
    %add3A_319 = arith.addi %shift_right_logical3A_48, %add3A_318 : vector<16xi32>
    %add3A_320 = arith.constant 0 : i32
    %add3A_321 = vector.broadcast %add3A_320 : i32 to vector<16xi32>
    %add3A_322 = arith.addi %add3A_321, %add3A_319 : vector<16xi32>
    %gather3A_323 = tpu.vector_load_idx %arg6[%add3A_322] : memref<9408xi32, #tpu.memory_space<vmem>>[vector<16xi32>], vector<16xi32>,
    %gather3A_324 = tpu.vector_load_idx %arg7[%add3A_322] : memref<9408xi32, #tpu.memory_space<vmem>>[vector<16xi32>], vector<16xi32>,
    %mul3A_325 = arith.constant 3 : i32
    %mul3A_326 = vector.broadcast %mul3A_325 : i32 to vector<16xi32>
    %mul3A_327 = arith.muli %gather3A_323, %mul3A_326 : vector<16xi32>
    %add3A_328 = arith.addi %mul3A_327, %sub3A_52 : vector<16xi32>
    %swap3A_329 = arith.constant 192 : index
    %swap3A_330 = tpu.vector_load %arg8[%swap3A_329] {strides = array<i32>} : memref<288xi32, #tpu.memory_space<vmem>>, vector<16xi32>,
    tpu.vector_store %arg8[%swap3A_329], %add3A_328 {strides = array<i32>} : memref<288xi32, #tpu.memory_space<vmem>>, vector<16xi32>,
    %mul3A_331 = arith.constant 3 : i32
    %mul3A_332 = vector.broadcast %mul3A_331 : i32 to vector<16xi32>
    %mul3A_333 = arith.muli %gather3A_324, %mul3A_332 : vector<16xi32>
    %add3A_334 = arith.addi %mul3A_333, %sub3A_52 : vector<16xi32>
    %swap3A_335 = arith.constant 192 : index
    %swap3A_336 = tpu.vector_load %arg9[%swap3A_335] {strides = array<i32>} : memref<288xi32, #tpu.memory_space<vmem>>, vector<16xi32>,
    tpu.vector_store %arg9[%swap3A_335], %add3A_334 {strides = array<i32>} : memref<288xi32, #tpu.memory_space<vmem>>, vector<16xi32>,
    %add3A_337 = arith.constant 64 : i32
    %add3A_338 = vector.broadcast %add3A_337 : i32 to vector<16xi32>
    %add3A_339 = arith.addi %shift_right_logical3A_61, %add3A_338 : vector<16xi32>
    %add3A_340 = arith.constant 0 : i32
    %add3A_341 = vector.broadcast %add3A_340 : i32 to vector<16xi32>
    %add3A_342 = arith.addi %add3A_341, %add3A_339 : vector<16xi32>
    %gather3A_343 = tpu.vector_load_idx %arg6[%add3A_342] : memref<9408xi32, #tpu.memory_space<vmem>>[vector<16xi32>], vector<16xi32>,
    %gather3A_344 = tpu.vector_load_idx %arg7[%add3A_342] : memref<9408xi32, #tpu.memory_space<vmem>>[vector<16xi32>], vector<16xi32>,
    %mul3A_345 = arith.constant 3 : i32
    %mul3A_346 = vector.broadcast %mul3A_345 : i32 to vector<16xi32>
    %mul3A_347 = arith.muli %gather3A_343, %mul3A_346 : vector<16xi32>
    %add3A_348 = arith.addi %mul3A_347, %sub3A_65 : vector<16xi32>
    %swap3A_349 = arith.constant 208 : index
    %swap3A_350 = tpu.vector_load %arg8[%swap3A_349] {strides = array<i32>} : memref<288xi32, #tpu.memory_space<vmem>>, vector<16xi32>,
    tpu.vector_store %arg8[%swap3A_349], %add3A_348 {strides = array<i32>} : memref<288xi32, #tpu.memory_space<vmem>>, vector<16xi32>,
    %mul3A_351 = arith.constant 3 : i32
    %mul3A_352 = vector.broadcast %mul3A_351 : i32 to vector<16xi32>
    %mul3A_353 = arith.muli %gather3A_344, %mul3A_352 : vector<16xi32>
    %add3A_354 = arith.addi %mul3A_353, %sub3A_65 : vector<16xi32>
    %swap3A_355 = arith.constant 208 : index
    %swap3A_356 = tpu.vector_load %arg9[%swap3A_355] {strides = array<i32>} : memref<288xi32, #tpu.memory_space<vmem>>, vector<16xi32>,
    tpu.vector_store %arg9[%swap3A_355], %add3A_354 {strides = array<i32>} : memref<288xi32, #tpu.memory_space<vmem>>, vector<16xi32>,
    %add3A_357 = arith.constant 64 : i32
    %add3A_358 = vector.broadcast %add3A_357 : i32 to vector<16xi32>
    %add3A_359 = arith.addi %shift_right_logical3A_74, %add3A_358 : vector<16xi32>
    %add3A_360 = arith.constant 0 : i32
    %add3A_361 = vector.broadcast %add3A_360 : i32 to vector<16xi32>
    %add3A_362 = arith.addi %add3A_361, %add3A_359 : vector<16xi32>
    %gather3A_363 = tpu.vector_load_idx %arg6[%add3A_362] : memref<9408xi32, #tpu.memory_space<vmem>>[vector<16xi32>], vector<16xi32>,
    %gather3A_364 = tpu.vector_load_idx %arg7[%add3A_362] : memref<9408xi32, #tpu.memory_space<vmem>>[vector<16xi32>], vector<16xi32>,
    %mul3A_365 = arith.constant 3 : i32
    %mul3A_366 = vector.broadcast %mul3A_365 : i32 to vector<16xi32>
    %mul3A_367 = arith.muli %gather3A_363, %mul3A_366 : vector<16xi32>
    %add3A_368 = arith.addi %mul3A_367, %sub3A_78 : vector<16xi32>
    %swap3A_369 = arith.constant 224 : index
    %swap3A_370 = tpu.vector_load %arg8[%swap3A_369] {strides = array<i32>} : memref<288xi32, #tpu.memory_space<vmem>>, vector<16xi32>,
    tpu.vector_store %arg8[%swap3A_369], %add3A_368 {strides = array<i32>} : memref<288xi32, #tpu.memory_space<vmem>>, vector<16xi32>,
    %mul3A_371 = arith.constant 3 : i32
    %mul3A_372 = vector.broadcast %mul3A_371 : i32 to vector<16xi32>
    %mul3A_373 = arith.muli %gather3A_364, %mul3A_372 : vector<16xi32>
    %add3A_374 = arith.addi %mul3A_373, %sub3A_78 : vector<16xi32>
    %swap3A_375 = arith.constant 224 : index
    %swap3A_376 = tpu.vector_load %arg9[%swap3A_375] {strides = array<i32>} : memref<288xi32, #tpu.memory_space<vmem>>, vector<16xi32>,
    tpu.vector_store %arg9[%swap3A_375], %add3A_374 {strides = array<i32>} : memref<288xi32, #tpu.memory_space<vmem>>, vector<16xi32>,
    %add3A_377 = arith.constant 80 : i32
    %add3A_378 = vector.broadcast %add3A_377 : i32 to vector<16xi32>
    %add3A_379 = arith.addi %shift_right_logical3A_48, %add3A_378 : vector<16xi32>
    %add3A_380 = arith.constant 0 : i32
    %add3A_381 = vector.broadcast %add3A_380 : i32 to vector<16xi32>
    %add3A_382 = arith.addi %add3A_381, %add3A_379 : vector<16xi32>
    %gather3A_383 = tpu.vector_load_idx %arg6[%add3A_382] : memref<9408xi32, #tpu.memory_space<vmem>>[vector<16xi32>], vector<16xi32>,
    %gather3A_384 = tpu.vector_load_idx %arg7[%add3A_382] : memref<9408xi32, #tpu.memory_space<vmem>>[vector<16xi32>], vector<16xi32>,
    %mul3A_385 = arith.constant 3 : i32
    %mul3A_386 = vector.broadcast %mul3A_385 : i32 to vector<16xi32>
    %mul3A_387 = arith.muli %gather3A_383, %mul3A_386 : vector<16xi32>
    %add3A_388 = arith.addi %mul3A_387, %sub3A_52 : vector<16xi32>
    %swap3A_389 = arith.constant 240 : index
    %swap3A_390 = tpu.vector_load %arg8[%swap3A_389] {strides = array<i32>} : memref<288xi32, #tpu.memory_space<vmem>>, vector<16xi32>,
    tpu.vector_store %arg8[%swap3A_389], %add3A_388 {strides = array<i32>} : memref<288xi32, #tpu.memory_space<vmem>>, vector<16xi32>,
    %mul3A_391 = arith.constant 3 : i32
    %mul3A_392 = vector.broadcast %mul3A_391 : i32 to vector<16xi32>
    %mul3A_393 = arith.muli %gather3A_384, %mul3A_392 : vector<16xi32>
    %add3A_394 = arith.addi %mul3A_393, %sub3A_52 : vector<16xi32>
    %swap3A_395 = arith.constant 240 : index
    %swap3A_396 = tpu.vector_load %arg9[%swap3A_395] {strides = array<i32>} : memref<288xi32, #tpu.memory_space<vmem>>, vector<16xi32>,
    tpu.vector_store %arg9[%swap3A_395], %add3A_394 {strides = array<i32>} : memref<288xi32, #tpu.memory_space<vmem>>, vector<16xi32>,
    %add3A_397 = arith.constant 80 : i32
    %add3A_398 = vector.broadcast %add3A_397 : i32 to vector<16xi32>
    %add3A_399 = arith.addi %shift_right_logical3A_61, %add3A_398 : vector<16xi32>
    %add3A_400 = arith.constant 0 : i32
    %add3A_401 = vector.broadcast %add3A_400 : i32 to vector<16xi32>
    %add3A_402 = arith.addi %add3A_401, %add3A_399 : vector<16xi32>
    %gather3A_403 = tpu.vector_load_idx %arg6[%add3A_402] : memref<9408xi32, #tpu.memory_space<vmem>>[vector<16xi32>], vector<16xi32>,
    %gather3A_404 = tpu.vector_load_idx %arg7[%add3A_402] : memref<9408xi32, #tpu.memory_space<vmem>>[vector<16xi32>], vector<16xi32>,
    %mul3A_405 = arith.constant 3 : i32
    %mul3A_406 = vector.broadcast %mul3A_405 : i32 to vector<16xi32>
    %mul3A_407 = arith.muli %gather3A_403, %mul3A_406 : vector<16xi32>
    %add3A_408 = arith.addi %mul3A_407, %sub3A_65 : vector<16xi32>
    %swap3A_409 = arith.constant 256 : index
    %swap3A_410 = tpu.vector_load %arg8[%swap3A_409] {strides = array<i32>} : memref<288xi32, #tpu.memory_space<vmem>>, vector<16xi32>,
    tpu.vector_store %arg8[%swap3A_409], %add3A_408 {strides = array<i32>} : memref<288xi32, #tpu.memory_space<vmem>>, vector<16xi32>,
    %mul3A_411 = arith.constant 3 : i32
    %mul3A_412 = vector.broadcast %mul3A_411 : i32 to vector<16xi32>
    %mul3A_413 = arith.muli %gather3A_404, %mul3A_412 : vector<16xi32>
    %add3A_414 = arith.addi %mul3A_413, %sub3A_65 : vector<16xi32>
    %swap3A_415 = arith.constant 256 : index
    %swap3A_416 = tpu.vector_load %arg9[%swap3A_415] {strides = array<i32>} : memref<288xi32, #tpu.memory_space<vmem>>, vector<16xi32>,
    tpu.vector_store %arg9[%swap3A_415], %add3A_414 {strides = array<i32>} : memref<288xi32, #tpu.memory_space<vmem>>, vector<16xi32>,
    %add3A_417 = arith.constant 80 : i32
    %add3A_418 = vector.broadcast %add3A_417 : i32 to vector<16xi32>
    %add3A_419 = arith.addi %shift_right_logical3A_74, %add3A_418 : vector<16xi32>
    %add3A_420 = arith.constant 0 : i32
    %add3A_421 = vector.broadcast %add3A_420 : i32 to vector<16xi32>
    %add3A_422 = arith.addi %add3A_421, %add3A_419 : vector<16xi32>
    %gather3A_423 = tpu.vector_load_idx %arg6[%add3A_422] : memref<9408xi32, #tpu.memory_space<vmem>>[vector<16xi32>], vector<16xi32>,
    %gather3A_424 = tpu.vector_load_idx %arg7[%add3A_422] : memref<9408xi32, #tpu.memory_space<vmem>>[vector<16xi32>], vector<16xi32>,
    %mul3A_425 = arith.constant 3 : i32
    %mul3A_426 = vector.broadcast %mul3A_425 : i32 to vector<16xi32>
    %mul3A_427 = arith.muli %gather3A_423, %mul3A_426 : vector<16xi32>
    %add3A_428 = arith.addi %mul3A_427, %sub3A_78 : vector<16xi32>
    %swap3A_429 = arith.constant 272 : index
    %swap3A_430 = tpu.vector_load %arg8[%swap3A_429] {strides = array<i32>} : memref<288xi32, #tpu.memory_space<vmem>>, vector<16xi32>,
    tpu.vector_store %arg8[%swap3A_429], %add3A_428 {strides = array<i32>} : memref<288xi32, #tpu.memory_space<vmem>>, vector<16xi32>,
    %mul3A_431 = arith.constant 3 : i32
    %mul3A_432 = vector.broadcast %mul3A_431 : i32 to vector<16xi32>
    %mul3A_433 = arith.muli %gather3A_424, %mul3A_432 : vector<16xi32>
    %add3A_434 = arith.addi %mul3A_433, %sub3A_78 : vector<16xi32>
    %swap3A_435 = arith.constant 272 : index
    %swap3A_436 = tpu.vector_load %arg9[%swap3A_435] {strides = array<i32>} : memref<288xi32, #tpu.memory_space<vmem>>, vector<16xi32>,
    tpu.vector_store %arg9[%swap3A_435], %add3A_434 {strides = array<i32>} : memref<288xi32, #tpu.memory_space<vmem>>, vector<16xi32>,
    %dma_start3A = arith.constant 0 : i32
    %dma_start3A_437 = tpu.memref_slice %arg4[%dma_start3A] : memref<300000xf32, #tpu.memory_space<hbm>> -> memref<300000xf32, #tpu.memory_space<hbm>>
    tpu.enqueue_indirect_dma source(%dma_start3A_437 : memref<300000xf32, #tpu.memory_space<hbm>>) target(%arg12 : memref<288xf32, #tpu.memory_space<vmem>>) offsets(%arg8 : memref<288xi32, #tpu.memory_space<vmem>>) semaphore(%arg18 : memref<!tpu.dma_semaphore, #tpu.memory_space<semaphore_mem>>)
    %dma_start3A_438 = arith.constant 0 : i32
    %dma_start3A_439 = tpu.memref_slice %arg4[%dma_start3A_438] : memref<300000xf32, #tpu.memory_space<hbm>> -> memref<300000xf32, #tpu.memory_space<hbm>>
    tpu.enqueue_indirect_dma source(%dma_start3A_439 : memref<300000xf32, #tpu.memory_space<hbm>>) target(%arg14 : memref<288xf32, #tpu.memory_space<vmem>>) offsets(%arg9 : memref<288xi32, #tpu.memory_space<vmem>>) semaphore(%arg18 : memref<!tpu.dma_semaphore, #tpu.memory_space<semaphore_mem>>)
    %add3A_440 = arith.constant 0 : i32
    %add3A_441 = vector.broadcast %add3A_440 : i32 to vector<16xi32>
    %add3A_442 = arith.addi %shift_right_logical3A_48, %add3A_441 : vector<16xi32>
    %add3A_443 = arith.constant 96 : i32
    %add3A_444 = vector.broadcast %add3A_443 : i32 to vector<16xi32>
    %add3A_445 = arith.addi %add3A_444, %add3A_442 : vector<16xi32>
    %gather3A_446 = tpu.vector_load_idx %arg6[%add3A_445] : memref<9408xi32, #tpu.memory_space<vmem>>[vector<16xi32>], vector<16xi32>,
    %gather3A_447 = tpu.vector_load_idx %arg7[%add3A_445] : memref<9408xi32, #tpu.memory_space<vmem>>[vector<16xi32>], vector<16xi32>,
    %mul3A_448 = arith.constant 3 : i32
    %mul3A_449 = vector.broadcast %mul3A_448 : i32 to vector<16xi32>
    %mul3A_450 = arith.muli %gather3A_446, %mul3A_449 : vector<16xi32>
    %add3A_451 = arith.addi %mul3A_450, %sub3A_52 : vector<16xi32>
    %swap3A_452 = arith.constant 0 : index
    %swap3A_453 = tpu.vector_load %arg10[%swap3A_452] {strides = array<i32>} : memref<288xi32, #tpu.memory_space<vmem>>, vector<16xi32>,
    tpu.vector_store %arg10[%swap3A_452], %add3A_451 {strides = array<i32>} : memref<288xi32, #tpu.memory_space<vmem>>, vector<16xi32>,
    %mul3A_454 = arith.constant 3 : i32
    %mul3A_455 = vector.broadcast %mul3A_454 : i32 to vector<16xi32>
    %mul3A_456 = arith.muli %gather3A_447, %mul3A_455 : vector<16xi32>
    %add3A_457 = arith.addi %mul3A_456, %sub3A_52 : vector<16xi32>
    %swap3A_458 = arith.constant 0 : index
    %swap3A_459 = tpu.vector_load %arg11[%swap3A_458] {strides = array<i32>} : memref<288xi32, #tpu.memory_space<vmem>>, vector<16xi32>,
    tpu.vector_store %arg11[%swap3A_458], %add3A_457 {strides = array<i32>} : memref<288xi32, #tpu.memory_space<vmem>>, vector<16xi32>,
    %add3A_460 = arith.constant 0 : i32
    %add3A_461 = vector.broadcast %add3A_460 : i32 to vector<16xi32>
    %add3A_462 = arith.addi %shift_right_logical3A_61, %add3A_461 : vector<16xi32>
    %add3A_463 = arith.constant 96 : i32
    %add3A_464 = vector.broadcast %add3A_463 : i32 to vector<16xi32>
    %add3A_465 = arith.addi %add3A_464, %add3A_462 : vector<16xi32>
    %gather3A_466 = tpu.vector_load_idx %arg6[%add3A_465] : memref<9408xi32, #tpu.memory_space<vmem>>[vector<16xi32>], vector<16xi32>,
    %gather3A_467 = tpu.vector_load_idx %arg7[%add3A_465] : memref<9408xi32, #tpu.memory_space<vmem>>[vector<16xi32>], vector<16xi32>,
    %mul3A_468 = arith.constant 3 : i32
    %mul3A_469 = vector.broadcast %mul3A_468 : i32 to vector<16xi32>
    %mul3A_470 = arith.muli %gather3A_466, %mul3A_469 : vector<16xi32>
    %add3A_471 = arith.addi %mul3A_470, %sub3A_65 : vector<16xi32>
    %swap3A_472 = arith.constant 16 : index
    %swap3A_473 = tpu.vector_load %arg10[%swap3A_472] {strides = array<i32>} : memref<288xi32, #tpu.memory_space<vmem>>, vector<16xi32>,
    tpu.vector_store %arg10[%swap3A_472], %add3A_471 {strides = array<i32>} : memref<288xi32, #tpu.memory_space<vmem>>, vector<16xi32>,
    %mul3A_474 = arith.constant 3 : i32
    %mul3A_475 = vector.broadcast %mul3A_474 : i32 to vector<16xi32>
    %mul3A_476 = arith.muli %gather3A_467, %mul3A_475 : vector<16xi32>
    %add3A_477 = arith.addi %mul3A_476, %sub3A_65 : vector<16xi32>
    %swap3A_478 = arith.constant 16 : index
    %swap3A_479 = tpu.vector_load %arg11[%swap3A_478] {strides = array<i32>} : memref<288xi32, #tpu.memory_space<vmem>>, vector<16xi32>,
    tpu.vector_store %arg11[%swap3A_478], %add3A_477 {strides = array<i32>} : memref<288xi32, #tpu.memory_space<vmem>>, vector<16xi32>,
    %add3A_480 = arith.constant 0 : i32
    %add3A_481 = vector.broadcast %add3A_480 : i32 to vector<16xi32>
    %add3A_482 = arith.addi %shift_right_logical3A_74, %add3A_481 : vector<16xi32>
    %add3A_483 = arith.constant 96 : i32
    %add3A_484 = vector.broadcast %add3A_483 : i32 to vector<16xi32>
    %add3A_485 = arith.addi %add3A_484, %add3A_482 : vector<16xi32>
    %gather3A_486 = tpu.vector_load_idx %arg6[%add3A_485] : memref<9408xi32, #tpu.memory_space<vmem>>[vector<16xi32>], vector<16xi32>,
    %gather3A_487 = tpu.vector_load_idx %arg7[%add3A_485] : memref<9408xi32, #tpu.memory_space<vmem>>[vector<16xi32>], vector<16xi32>,
    %mul3A_488 = arith.constant 3 : i32
    %mul3A_489 = vector.broadcast %mul3A_488 : i32 to vector<16xi32>
    %mul3A_490 = arith.muli %gather3A_486, %mul3A_489 : vector<16xi32>
    %add3A_491 = arith.addi %mul3A_490, %sub3A_78 : vector<16xi32>
    %swap3A_492 = arith.constant 32 : index
    %swap3A_493 = tpu.vector_load %arg10[%swap3A_492] {strides = array<i32>} : memref<288xi32, #tpu.memory_space<vmem>>, vector<16xi32>,
    tpu.vector_store %arg10[%swap3A_492], %add3A_491 {strides = array<i32>} : memref<288xi32, #tpu.memory_space<vmem>>, vector<16xi32>,
    %mul3A_494 = arith.constant 3 : i32
    %mul3A_495 = vector.broadcast %mul3A_494 : i32 to vector<16xi32>
    %mul3A_496 = arith.muli %gather3A_487, %mul3A_495 : vector<16xi32>
    %add3A_497 = arith.addi %mul3A_496, %sub3A_78 : vector<16xi32>
    %swap3A_498 = arith.constant 32 : index
    %swap3A_499 = tpu.vector_load %arg11[%swap3A_498] {strides = array<i32>} : memref<288xi32, #tpu.memory_space<vmem>>, vector<16xi32>,
    tpu.vector_store %arg11[%swap3A_498], %add3A_497 {strides = array<i32>} : memref<288xi32, #tpu.memory_space<vmem>>, vector<16xi32>,
    %add3A_500 = arith.constant 16 : i32
    %add3A_501 = vector.broadcast %add3A_500 : i32 to vector<16xi32>
    %add3A_502 = arith.addi %shift_right_logical3A_48, %add3A_501 : vector<16xi32>
    %add3A_503 = arith.constant 96 : i32
    %add3A_504 = vector.broadcast %add3A_503 : i32 to vector<16xi32>
    %add3A_505 = arith.addi %add3A_504, %add3A_502 : vector<16xi32>
    %gather3A_506 = tpu.vector_load_idx %arg6[%add3A_505] : memref<9408xi32, #tpu.memory_space<vmem>>[vector<16xi32>], vector<16xi32>,
    %gather3A_507 = tpu.vector_load_idx %arg7[%add3A_505] : memref<9408xi32, #tpu.memory_space<vmem>>[vector<16xi32>], vector<16xi32>,
    %mul3A_508 = arith.constant 3 : i32
    %mul3A_509 = vector.broadcast %mul3A_508 : i32 to vector<16xi32>
    %mul3A_510 = arith.muli %gather3A_506, %mul3A_509 : vector<16xi32>
    %add3A_511 = arith.addi %mul3A_510, %sub3A_52 : vector<16xi32>
    %swap3A_512 = arith.constant 48 : index
    %swap3A_513 = tpu.vector_load %arg10[%swap3A_512] {strides = array<i32>} : memref<288xi32, #tpu.memory_space<vmem>>, vector<16xi32>,
    tpu.vector_store %arg10[%swap3A_512], %add3A_511 {strides = array<i32>} : memref<288xi32, #tpu.memory_space<vmem>>, vector<16xi32>,
    %mul3A_514 = arith.constant 3 : i32
    %mul3A_515 = vector.broadcast %mul3A_514 : i32 to vector<16xi32>
    %mul3A_516 = arith.muli %gather3A_507, %mul3A_515 : vector<16xi32>
    %add3A_517 = arith.addi %mul3A_516, %sub3A_52 : vector<16xi32>
    %swap3A_518 = arith.constant 48 : index
    %swap3A_519 = tpu.vector_load %arg11[%swap3A_518] {strides = array<i32>} : memref<288xi32, #tpu.memory_space<vmem>>, vector<16xi32>,
    tpu.vector_store %arg11[%swap3A_518], %add3A_517 {strides = array<i32>} : memref<288xi32, #tpu.memory_space<vmem>>, vector<16xi32>,
    %add3A_520 = arith.constant 16 : i32
    %add3A_521 = vector.broadcast %add3A_520 : i32 to vector<16xi32>
    %add3A_522 = arith.addi %shift_right_logical3A_61, %add3A_521 : vector<16xi32>
    %add3A_523 = arith.constant 96 : i32
    %add3A_524 = vector.broadcast %add3A_523 : i32 to vector<16xi32>
    %add3A_525 = arith.addi %add3A_524, %add3A_522 : vector<16xi32>
    %gather3A_526 = tpu.vector_load_idx %arg6[%add3A_525] : memref<9408xi32, #tpu.memory_space<vmem>>[vector<16xi32>], vector<16xi32>,
    %gather3A_527 = tpu.vector_load_idx %arg7[%add3A_525] : memref<9408xi32, #tpu.memory_space<vmem>>[vector<16xi32>], vector<16xi32>,
    %mul3A_528 = arith.constant 3 : i32
    %mul3A_529 = vector.broadcast %mul3A_528 : i32 to vector<16xi32>
    %mul3A_530 = arith.muli %gather3A_526, %mul3A_529 : vector<16xi32>
    %add3A_531 = arith.addi %mul3A_530, %sub3A_65 : vector<16xi32>
    %swap3A_532 = arith.constant 64 : index
    %swap3A_533 = tpu.vector_load %arg10[%swap3A_532] {strides = array<i32>} : memref<288xi32, #tpu.memory_space<vmem>>, vector<16xi32>,
    tpu.vector_store %arg10[%swap3A_532], %add3A_531 {strides = array<i32>} : memref<288xi32, #tpu.memory_space<vmem>>, vector<16xi32>,
    %mul3A_534 = arith.constant 3 : i32
    %mul3A_535 = vector.broadcast %mul3A_534 : i32 to vector<16xi32>
    %mul3A_536 = arith.muli %gather3A_527, %mul3A_535 : vector<16xi32>
    %add3A_537 = arith.addi %mul3A_536, %sub3A_65 : vector<16xi32>
    %swap3A_538 = arith.constant 64 : index
    %swap3A_539 = tpu.vector_load %arg11[%swap3A_538] {strides = array<i32>} : memref<288xi32, #tpu.memory_space<vmem>>, vector<16xi32>,
    tpu.vector_store %arg11[%swap3A_538], %add3A_537 {strides = array<i32>} : memref<288xi32, #tpu.memory_space<vmem>>, vector<16xi32>,
    %add3A_540 = arith.constant 16 : i32
    %add3A_541 = vector.broadcast %add3A_540 : i32 to vector<16xi32>
    %add3A_542 = arith.addi %shift_right_logical3A_74, %add3A_541 : vector<16xi32>
    %add3A_543 = arith.constant 96 : i32
    %add3A_544 = vector.broadcast %add3A_543 : i32 to vector<16xi32>
    %add3A_545 = arith.addi %add3A_544, %add3A_542 : vector<16xi32>
    %gather3A_546 = tpu.vector_load_idx %arg6[%add3A_545] : memref<9408xi32, #tpu.memory_space<vmem>>[vector<16xi32>], vector<16xi32>,
    %gather3A_547 = tpu.vector_load_idx %arg7[%add3A_545] : memref<9408xi32, #tpu.memory_space<vmem>>[vector<16xi32>], vector<16xi32>,
    %mul3A_548 = arith.constant 3 : i32
    %mul3A_549 = vector.broadcast %mul3A_548 : i32 to vector<16xi32>
    %mul3A_550 = arith.muli %gather3A_546, %mul3A_549 : vector<16xi32>
    %add3A_551 = arith.addi %mul3A_550, %sub3A_78 : vector<16xi32>
    %swap3A_552 = arith.constant 80 : index
    %swap3A_553 = tpu.vector_load %arg10[%swap3A_552] {strides = array<i32>} : memref<288xi32, #tpu.memory_space<vmem>>, vector<16xi32>,
    tpu.vector_store %arg10[%swap3A_552], %add3A_551 {strides = array<i32>} : memref<288xi32, #tpu.memory_space<vmem>>, vector<16xi32>,
    %mul3A_554 = arith.constant 3 : i32
    %mul3A_555 = vector.broadcast %mul3A_554 : i32 to vector<16xi32>
    %mul3A_556 = arith.muli %gather3A_547, %mul3A_555 : vector<16xi32>
    %add3A_557 = arith.addi %mul3A_556, %sub3A_78 : vector<16xi32>
    %swap3A_558 = arith.constant 80 : index
    %swap3A_559 = tpu.vector_load %arg11[%swap3A_558] {strides = array<i32>} : memref<288xi32, #tpu.memory_space<vmem>>, vector<16xi32>,
    tpu.vector_store %arg11[%swap3A_558], %add3A_557 {strides = array<i32>} : memref<288xi32, #tpu.memory_space<vmem>>, vector<16xi32>,
    %add3A_560 = arith.constant 32 : i32
    %add3A_561 = vector.broadcast %add3A_560 : i32 to vector<16xi32>
    %add3A_562 = arith.addi %shift_right_logical3A_48, %add3A_561 : vector<16xi32>
    %add3A_563 = arith.constant 96 : i32
    %add3A_564 = vector.broadcast %add3A_563 : i32 to vector<16xi32>
    %add3A_565 = arith.addi %add3A_564, %add3A_562 : vector<16xi32>
    %gather3A_566 = tpu.vector_load_idx %arg6[%add3A_565] : memref<9408xi32, #tpu.memory_space<vmem>>[vector<16xi32>], vector<16xi32>,
    %gather3A_567 = tpu.vector_load_idx %arg7[%add3A_565] : memref<9408xi32, #tpu.memory_space<vmem>>[vector<16xi32>], vector<16xi32>,
    %mul3A_568 = arith.constant 3 : i32
    %mul3A_569 = vector.broadcast %mul3A_568 : i32 to vector<16xi32>
    %mul3A_570 = arith.muli %gather3A_566, %mul3A_569 : vector<16xi32>
    %add3A_571 = arith.addi %mul3A_570, %sub3A_52 : vector<16xi32>
    %swap3A_572 = arith.constant 96 : index
    %swap3A_573 = tpu.vector_load %arg10[%swap3A_572] {strides = array<i32>} : memref<288xi32, #tpu.memory_space<vmem>>, vector<16xi32>,
    tpu.vector_store %arg10[%swap3A_572], %add3A_571 {strides = array<i32>} : memref<288xi32, #tpu.memory_space<vmem>>, vector<16xi32>,
    %mul3A_574 = arith.constant 3 : i32
    %mul3A_575 = vector.broadcast %mul3A_574 : i32 to vector<16xi32>
    %mul3A_576 = arith.muli %gather3A_567, %mul3A_575 : vector<16xi32>
    %add3A_577 = arith.addi %mul3A_576, %sub3A_52 : vector<16xi32>
    %swap3A_578 = arith.constant 96 : index
    %swap3A_579 = tpu.vector_load %arg11[%swap3A_578] {strides = array<i32>} : memref<288xi32, #tpu.memory_space<vmem>>, vector<16xi32>,
    tpu.vector_store %arg11[%swap3A_578], %add3A_577 {strides = array<i32>} : memref<288xi32, #tpu.memory_space<vmem>>, vector<16xi32>,
    %add3A_580 = arith.constant 32 : i32
    %add3A_581 = vector.broadcast %add3A_580 : i32 to vector<16xi32>
    %add3A_582 = arith.addi %shift_right_logical3A_61, %add3A_581 : vector<16xi32>
    %add3A_583 = arith.constant 96 : i32
    %add3A_584 = vector.broadcast %add3A_583 : i32 to vector<16xi32>
    %add3A_585 = arith.addi %add3A_584, %add3A_582 : vector<16xi32>
    %gather3A_586 = tpu.vector_load_idx %arg6[%add3A_585] : memref<9408xi32, #tpu.memory_space<vmem>>[vector<16xi32>], vector<16xi32>,
    %gather3A_587 = tpu.vector_load_idx %arg7[%add3A_585] : memref<9408xi32, #tpu.memory_space<vmem>>[vector<16xi32>], vector<16xi32>,
    %mul3A_588 = arith.constant 3 : i32
    %mul3A_589 = vector.broadcast %mul3A_588 : i32 to vector<16xi32>
    %mul3A_590 = arith.muli %gather3A_586, %mul3A_589 : vector<16xi32>
    %add3A_591 = arith.addi %mul3A_590, %sub3A_65 : vector<16xi32>
    %swap3A_592 = arith.constant 112 : index
    %swap3A_593 = tpu.vector_load %arg10[%swap3A_592] {strides = array<i32>} : memref<288xi32, #tpu.memory_space<vmem>>, vector<16xi32>,
    tpu.vector_store %arg10[%swap3A_592], %add3A_591 {strides = array<i32>} : memref<288xi32, #tpu.memory_space<vmem>>, vector<16xi32>,
    %mul3A_594 = arith.constant 3 : i32
    %mul3A_595 = vector.broadcast %mul3A_594 : i32 to vector<16xi32>
    %mul3A_596 = arith.muli %gather3A_587, %mul3A_595 : vector<16xi32>
    %add3A_597 = arith.addi %mul3A_596, %sub3A_65 : vector<16xi32>
    %swap3A_598 = arith.constant 112 : index
    %swap3A_599 = tpu.vector_load %arg11[%swap3A_598] {strides = array<i32>} : memref<288xi32, #tpu.memory_space<vmem>>, vector<16xi32>,
    tpu.vector_store %arg11[%swap3A_598], %add3A_597 {strides = array<i32>} : memref<288xi32, #tpu.memory_space<vmem>>, vector<16xi32>,
    %add3A_600 = arith.constant 32 : i32
    %add3A_601 = vector.broadcast %add3A_600 : i32 to vector<16xi32>
    %add3A_602 = arith.addi %shift_right_logical3A_74, %add3A_601 : vector<16xi32>
    %add3A_603 = arith.constant 96 : i32
    %add3A_604 = vector.broadcast %add3A_603 : i32 to vector<16xi32>
    %add3A_605 = arith.addi %add3A_604, %add3A_602 : vector<16xi32>
    %gather3A_606 = tpu.vector_load_idx %arg6[%add3A_605] : memref<9408xi32, #tpu.memory_space<vmem>>[vector<16xi32>], vector<16xi32>,
    %gather3A_607 = tpu.vector_load_idx %arg7[%add3A_605] : memref<9408xi32, #tpu.memory_space<vmem>>[vector<16xi32>], vector<16xi32>,
    %mul3A_608 = arith.constant 3 : i32
    %mul3A_609 = vector.broadcast %mul3A_608 : i32 to vector<16xi32>
    %mul3A_610 = arith.muli %gather3A_606, %mul3A_609 : vector<16xi32>
    %add3A_611 = arith.addi %mul3A_610, %sub3A_78 : vector<16xi32>
    %swap3A_612 = arith.constant 128 : index
    %swap3A_613 = tpu.vector_load %arg10[%swap3A_612] {strides = array<i32>} : memref<288xi32, #tpu.memory_space<vmem>>, vector<16xi32>,
    tpu.vector_store %arg10[%swap3A_612], %add3A_611 {strides = array<i32>} : memref<288xi32, #tpu.memory_space<vmem>>, vector<16xi32>,
    %mul3A_614 = arith.constant 3 : i32
    %mul3A_615 = vector.broadcast %mul3A_614 : i32 to vector<16xi32>
    %mul3A_616 = arith.muli %gather3A_607, %mul3A_615 : vector<16xi32>
    %add3A_617 = arith.addi %mul3A_616, %sub3A_78 : vector<16xi32>
    %swap3A_618 = arith.constant 128 : index
    %swap3A_619 = tpu.vector_load %arg11[%swap3A_618] {strides = array<i32>} : memref<288xi32, #tpu.memory_space<vmem>>, vector<16xi32>,
    tpu.vector_store %arg11[%swap3A_618], %add3A_617 {strides = array<i32>} : memref<288xi32, #tpu.memory_space<vmem>>, vector<16xi32>,
    %add3A_620 = arith.constant 48 : i32
    %add3A_621 = vector.broadcast %add3A_620 : i32 to vector<16xi32>
    %add3A_622 = arith.addi %shift_right_logical3A_48, %add3A_621 : vector<16xi32>
    %add3A_623 = arith.constant 96 : i32
    %add3A_624 = vector.broadcast %add3A_623 : i32 to vector<16xi32>
    %add3A_625 = arith.addi %add3A_624, %add3A_622 : vector<16xi32>
    %gather3A_626 = tpu.vector_load_idx %arg6[%add3A_625] : memref<9408xi32, #tpu.memory_space<vmem>>[vector<16xi32>], vector<16xi32>,
    %gather3A_627 = tpu.vector_load_idx %arg7[%add3A_625] : memref<9408xi32, #tpu.memory_space<vmem>>[vector<16xi32>], vector<16xi32>,
    %mul3A_628 = arith.constant 3 : i32
    %mul3A_629 = vector.broadcast %mul3A_628 : i32 to vector<16xi32>
    %mul3A_630 = arith.muli %gather3A_626, %mul3A_629 : vector<16xi32>
    %add3A_631 = arith.addi %mul3A_630, %sub3A_52 : vector<16xi32>
    %swap3A_632 = arith.constant 144 : index
    %swap3A_633 = tpu.vector_load %arg10[%swap3A_632] {strides = array<i32>} : memref<288xi32, #tpu.memory_space<vmem>>, vector<16xi32>,
    tpu.vector_store %arg10[%swap3A_632], %add3A_631 {strides = array<i32>} : memref<288xi32, #tpu.memory_space<vmem>>, vector<16xi32>,
    %mul3A_634 = arith.constant 3 : i32
    %mul3A_635 = vector.broadcast %mul3A_634 : i32 to vector<16xi32>
    %mul3A_636 = arith.muli %gather3A_627, %mul3A_635 : vector<16xi32>
    %add3A_637 = arith.addi %mul3A_636, %sub3A_52 : vector<16xi32>
    %swap3A_638 = arith.constant 144 : index
    %swap3A_639 = tpu.vector_load %arg11[%swap3A_638] {strides = array<i32>} : memref<288xi32, #tpu.memory_space<vmem>>, vector<16xi32>,
    tpu.vector_store %arg11[%swap3A_638], %add3A_637 {strides = array<i32>} : memref<288xi32, #tpu.memory_space<vmem>>, vector<16xi32>,
    %add3A_640 = arith.constant 48 : i32
    %add3A_641 = vector.broadcast %add3A_640 : i32 to vector<16xi32>
    %add3A_642 = arith.addi %shift_right_logical3A_61, %add3A_641 : vector<16xi32>
    %add3A_643 = arith.constant 96 : i32
    %add3A_644 = vector.broadcast %add3A_643 : i32 to vector<16xi32>
    %add3A_645 = arith.addi %add3A_644, %add3A_642 : vector<16xi32>
    %gather3A_646 = tpu.vector_load_idx %arg6[%add3A_645] : memref<9408xi32, #tpu.memory_space<vmem>>[vector<16xi32>], vector<16xi32>,
    %gather3A_647 = tpu.vector_load_idx %arg7[%add3A_645] : memref<9408xi32, #tpu.memory_space<vmem>>[vector<16xi32>], vector<16xi32>,
    %mul3A_648 = arith.constant 3 : i32
    %mul3A_649 = vector.broadcast %mul3A_648 : i32 to vector<16xi32>
    %mul3A_650 = arith.muli %gather3A_646, %mul3A_649 : vector<16xi32>
    %add3A_651 = arith.addi %mul3A_650, %sub3A_65 : vector<16xi32>
    %swap3A_652 = arith.constant 160 : index
    %swap3A_653 = tpu.vector_load %arg10[%swap3A_652] {strides = array<i32>} : memref<288xi32, #tpu.memory_space<vmem>>, vector<16xi32>,
    tpu.vector_store %arg10[%swap3A_652], %add3A_651 {strides = array<i32>} : memref<288xi32, #tpu.memory_space<vmem>>, vector<16xi32>,
    %mul3A_654 = arith.constant 3 : i32
    %mul3A_655 = vector.broadcast %mul3A_654 : i32 to vector<16xi32>
    %mul3A_656 = arith.muli %gather3A_647, %mul3A_655 : vector<16xi32>
    %add3A_657 = arith.addi %mul3A_656, %sub3A_65 : vector<16xi32>
    %swap3A_658 = arith.constant 160 : index
    %swap3A_659 = tpu.vector_load %arg11[%swap3A_658] {strides = array<i32>} : memref<288xi32, #tpu.memory_space<vmem>>, vector<16xi32>,
    tpu.vector_store %arg11[%swap3A_658], %add3A_657 {strides = array<i32>} : memref<288xi32, #tpu.memory_space<vmem>>, vector<16xi32>,
    %add3A_660 = arith.constant 48 : i32
    %add3A_661 = vector.broadcast %add3A_660 : i32 to vector<16xi32>
    %add3A_662 = arith.addi %shift_right_logical3A_74, %add3A_661 : vector<16xi32>
    %add3A_663 = arith.constant 96 : i32
    %add3A_664 = vector.broadcast %add3A_663 : i32 to vector<16xi32>
    %add3A_665 = arith.addi %add3A_664, %add3A_662 : vector<16xi32>
    %gather3A_666 = tpu.vector_load_idx %arg6[%add3A_665] : memref<9408xi32, #tpu.memory_space<vmem>>[vector<16xi32>], vector<16xi32>,
    %gather3A_667 = tpu.vector_load_idx %arg7[%add3A_665] : memref<9408xi32, #tpu.memory_space<vmem>>[vector<16xi32>], vector<16xi32>,
    %mul3A_668 = arith.constant 3 : i32
    %mul3A_669 = vector.broadcast %mul3A_668 : i32 to vector<16xi32>
    %mul3A_670 = arith.muli %gather3A_666, %mul3A_669 : vector<16xi32>
    %add3A_671 = arith.addi %mul3A_670, %sub3A_78 : vector<16xi32>
    %swap3A_672 = arith.constant 176 : index
    %swap3A_673 = tpu.vector_load %arg10[%swap3A_672] {strides = array<i32>} : memref<288xi32, #tpu.memory_space<vmem>>, vector<16xi32>,
    tpu.vector_store %arg10[%swap3A_672], %add3A_671 {strides = array<i32>} : memref<288xi32, #tpu.memory_space<vmem>>, vector<16xi32>,
    %mul3A_674 = arith.constant 3 : i32
    %mul3A_675 = vector.broadcast %mul3A_674 : i32 to vector<16xi32>
    %mul3A_676 = arith.muli %gather3A_667, %mul3A_675 : vector<16xi32>
    %add3A_677 = arith.addi %mul3A_676, %sub3A_78 : vector<16xi32>
    %swap3A_678 = arith.constant 176 : index
    %swap3A_679 = tpu.vector_load %arg11[%swap3A_678] {strides = array<i32>} : memref<288xi32, #tpu.memory_space<vmem>>, vector<16xi32>,
    tpu.vector_store %arg11[%swap3A_678], %add3A_677 {strides = array<i32>} : memref<288xi32, #tpu.memory_space<vmem>>, vector<16xi32>,
    %add3A_680 = arith.constant 64 : i32
    %add3A_681 = vector.broadcast %add3A_680 : i32 to vector<16xi32>
    %add3A_682 = arith.addi %shift_right_logical3A_48, %add3A_681 : vector<16xi32>
    %add3A_683 = arith.constant 96 : i32
    %add3A_684 = vector.broadcast %add3A_683 : i32 to vector<16xi32>
    %add3A_685 = arith.addi %add3A_684, %add3A_682 : vector<16xi32>
    %gather3A_686 = tpu.vector_load_idx %arg6[%add3A_685] : memref<9408xi32, #tpu.memory_space<vmem>>[vector<16xi32>], vector<16xi32>,
    %gather3A_687 = tpu.vector_load_idx %arg7[%add3A_685] : memref<9408xi32, #tpu.memory_space<vmem>>[vector<16xi32>], vector<16xi32>,
    %mul3A_688 = arith.constant 3 : i32
    %mul3A_689 = vector.broadcast %mul3A_688 : i32 to vector<16xi32>
    %mul3A_690 = arith.muli %gather3A_686, %mul3A_689 : vector<16xi32>
    %add3A_691 = arith.addi %mul3A_690, %sub3A_52 : vector<16xi32>
    %swap3A_692 = arith.constant 192 : index
    %swap3A_693 = tpu.vector_load %arg10[%swap3A_692] {strides = array<i32>} : memref<288xi32, #tpu.memory_space<vmem>>, vector<16xi32>,
    tpu.vector_store %arg10[%swap3A_692], %add3A_691 {strides = array<i32>} : memref<288xi32, #tpu.memory_space<vmem>>, vector<16xi32>,
    %mul3A_694 = arith.constant 3 : i32
    %mul3A_695 = vector.broadcast %mul3A_694 : i32 to vector<16xi32>
    %mul3A_696 = arith.muli %gather3A_687, %mul3A_695 : vector<16xi32>
    %add3A_697 = arith.addi %mul3A_696, %sub3A_52 : vector<16xi32>
    %swap3A_698 = arith.constant 192 : index
    %swap3A_699 = tpu.vector_load %arg11[%swap3A_698] {strides = array<i32>} : memref<288xi32, #tpu.memory_space<vmem>>, vector<16xi32>,
    tpu.vector_store %arg11[%swap3A_698], %add3A_697 {strides = array<i32>} : memref<288xi32, #tpu.memory_space<vmem>>, vector<16xi32>,
    %add3A_700 = arith.constant 64 : i32
    %add3A_701 = vector.broadcast %add3A_700 : i32 to vector<16xi32>
    %add3A_702 = arith.addi %shift_right_logical3A_61, %add3A_701 : vector<16xi32>
    %add3A_703 = arith.constant 96 : i32
    %add3A_704 = vector.broadcast %add3A_703 : i32 to vector<16xi32>
    %add3A_705 = arith.addi %add3A_704, %add3A_702 : vector<16xi32>
    %gather3A_706 = tpu.vector_load_idx %arg6[%add3A_705] : memref<9408xi32, #tpu.memory_space<vmem>>[vector<16xi32>], vector<16xi32>,
    %gather3A_707 = tpu.vector_load_idx %arg7[%add3A_705] : memref<9408xi32, #tpu.memory_space<vmem>>[vector<16xi32>], vector<16xi32>,
    %mul3A_708 = arith.constant 3 : i32
    %mul3A_709 = vector.broadcast %mul3A_708 : i32 to vector<16xi32>
    %mul3A_710 = arith.muli %gather3A_706, %mul3A_709 : vector<16xi32>
    %add3A_711 = arith.addi %mul3A_710, %sub3A_65 : vector<16xi32>
    %swap3A_712 = arith.constant 208 : index
    %swap3A_713 = tpu.vector_load %arg10[%swap3A_712] {strides = array<i32>} : memref<288xi32, #tpu.memory_space<vmem>>, vector<16xi32>,
    tpu.vector_store %arg10[%swap3A_712], %add3A_711 {strides = array<i32>} : memref<288xi32, #tpu.memory_space<vmem>>, vector<16xi32>,
    %mul3A_714 = arith.constant 3 : i32
    %mul3A_715 = vector.broadcast %mul3A_714 : i32 to vector<16xi32>
    %mul3A_716 = arith.muli %gather3A_707, %mul3A_715 : vector<16xi32>
    %add3A_717 = arith.addi %mul3A_716, %sub3A_65 : vector<16xi32>
    %swap3A_718 = arith.constant 208 : index
    %swap3A_719 = tpu.vector_load %arg11[%swap3A_718] {strides = array<i32>} : memref<288xi32, #tpu.memory_space<vmem>>, vector<16xi32>,
    tpu.vector_store %arg11[%swap3A_718], %add3A_717 {strides = array<i32>} : memref<288xi32, #tpu.memory_space<vmem>>, vector<16xi32>,
    %add3A_720 = arith.constant 64 : i32
    %add3A_721 = vector.broadcast %add3A_720 : i32 to vector<16xi32>
    %add3A_722 = arith.addi %shift_right_logical3A_74, %add3A_721 : vector<16xi32>
    %add3A_723 = arith.constant 96 : i32
    %add3A_724 = vector.broadcast %add3A_723 : i32 to vector<16xi32>
    %add3A_725 = arith.addi %add3A_724, %add3A_722 : vector<16xi32>
    %gather3A_726 = tpu.vector_load_idx %arg6[%add3A_725] : memref<9408xi32, #tpu.memory_space<vmem>>[vector<16xi32>], vector<16xi32>,
    %gather3A_727 = tpu.vector_load_idx %arg7[%add3A_725] : memref<9408xi32, #tpu.memory_space<vmem>>[vector<16xi32>], vector<16xi32>,
    %mul3A_728 = arith.constant 3 : i32
    %mul3A_729 = vector.broadcast %mul3A_728 : i32 to vector<16xi32>
    %mul3A_730 = arith.muli %gather3A_726, %mul3A_729 : vector<16xi32>
    %add3A_731 = arith.addi %mul3A_730, %sub3A_78 : vector<16xi32>
    %swap3A_732 = arith.constant 224 : index
    %swap3A_733 = tpu.vector_load %arg10[%swap3A_732] {strides = array<i32>} : memref<288xi32, #tpu.memory_space<vmem>>, vector<16xi32>,
    tpu.vector_store %arg10[%swap3A_732], %add3A_731 {strides = array<i32>} : memref<288xi32, #tpu.memory_space<vmem>>, vector<16xi32>,
    %mul3A_734 = arith.constant 3 : i32
    %mul3A_735 = vector.broadcast %mul3A_734 : i32 to vector<16xi32>
    %mul3A_736 = arith.muli %gather3A_727, %mul3A_735 : vector<16xi32>
    %add3A_737 = arith.addi %mul3A_736, %sub3A_78 : vector<16xi32>
    %swap3A_738 = arith.constant 224 : index
    %swap3A_739 = tpu.vector_load %arg11[%swap3A_738] {strides = array<i32>} : memref<288xi32, #tpu.memory_space<vmem>>, vector<16xi32>,
    tpu.vector_store %arg11[%swap3A_738], %add3A_737 {strides = array<i32>} : memref<288xi32, #tpu.memory_space<vmem>>, vector<16xi32>,
    %add3A_740 = arith.constant 80 : i32
    %add3A_741 = vector.broadcast %add3A_740 : i32 to vector<16xi32>
    %add3A_742 = arith.addi %shift_right_logical3A_48, %add3A_741 : vector<16xi32>
    %add3A_743 = arith.constant 96 : i32
    %add3A_744 = vector.broadcast %add3A_743 : i32 to vector<16xi32>
    %add3A_745 = arith.addi %add3A_744, %add3A_742 : vector<16xi32>
    %gather3A_746 = tpu.vector_load_idx %arg6[%add3A_745] : memref<9408xi32, #tpu.memory_space<vmem>>[vector<16xi32>], vector<16xi32>,
    %gather3A_747 = tpu.vector_load_idx %arg7[%add3A_745] : memref<9408xi32, #tpu.memory_space<vmem>>[vector<16xi32>], vector<16xi32>,
    %mul3A_748 = arith.constant 3 : i32
    %mul3A_749 = vector.broadcast %mul3A_748 : i32 to vector<16xi32>
    %mul3A_750 = arith.muli %gather3A_746, %mul3A_749 : vector<16xi32>
    %add3A_751 = arith.addi %mul3A_750, %sub3A_52 : vector<16xi32>
    %swap3A_752 = arith.constant 240 : index
    %swap3A_753 = tpu.vector_load %arg10[%swap3A_752] {strides = array<i32>} : memref<288xi32, #tpu.memory_space<vmem>>, vector<16xi32>,
    tpu.vector_store %arg10[%swap3A_752], %add3A_751 {strides = array<i32>} : memref<288xi32, #tpu.memory_space<vmem>>, vector<16xi32>,
    %mul3A_754 = arith.constant 3 : i32
    %mul3A_755 = vector.broadcast %mul3A_754 : i32 to vector<16xi32>
    %mul3A_756 = arith.muli %gather3A_747, %mul3A_755 : vector<16xi32>
    %add3A_757 = arith.addi %mul3A_756, %sub3A_52 : vector<16xi32>
    %swap3A_758 = arith.constant 240 : index
    %swap3A_759 = tpu.vector_load %arg11[%swap3A_758] {strides = array<i32>} : memref<288xi32, #tpu.memory_space<vmem>>, vector<16xi32>,
    tpu.vector_store %arg11[%swap3A_758], %add3A_757 {strides = array<i32>} : memref<288xi32, #tpu.memory_space<vmem>>, vector<16xi32>,
    %add3A_760 = arith.constant 80 : i32
    %add3A_761 = vector.broadcast %add3A_760 : i32 to vector<16xi32>
    %add3A_762 = arith.addi %shift_right_logical3A_61, %add3A_761 : vector<16xi32>
    %add3A_763 = arith.constant 96 : i32
    %add3A_764 = vector.broadcast %add3A_763 : i32 to vector<16xi32>
    %add3A_765 = arith.addi %add3A_764, %add3A_762 : vector<16xi32>
    %gather3A_766 = tpu.vector_load_idx %arg6[%add3A_765] : memref<9408xi32, #tpu.memory_space<vmem>>[vector<16xi32>], vector<16xi32>,
    %gather3A_767 = tpu.vector_load_idx %arg7[%add3A_765] : memref<9408xi32, #tpu.memory_space<vmem>>[vector<16xi32>], vector<16xi32>,
    %mul3A_768 = arith.constant 3 : i32
    %mul3A_769 = vector.broadcast %mul3A_768 : i32 to vector<16xi32>
    %mul3A_770 = arith.muli %gather3A_766, %mul3A_769 : vector<16xi32>
    %add3A_771 = arith.addi %mul3A_770, %sub3A_65 : vector<16xi32>
    %swap3A_772 = arith.constant 256 : index
    %swap3A_773 = tpu.vector_load %arg10[%swap3A_772] {strides = array<i32>} : memref<288xi32, #tpu.memory_space<vmem>>, vector<16xi32>,
    tpu.vector_store %arg10[%swap3A_772], %add3A_771 {strides = array<i32>} : memref<288xi32, #tpu.memory_space<vmem>>, vector<16xi32>,
    %mul3A_774 = arith.constant 3 : i32
    %mul3A_775 = vector.broadcast %mul3A_774 : i32 to vector<16xi32>
    %mul3A_776 = arith.muli %gather3A_767, %mul3A_775 : vector<16xi32>
    %add3A_777 = arith.addi %mul3A_776, %sub3A_65 : vector<16xi32>
    %swap3A_778 = arith.constant 256 : index
    %swap3A_779 = tpu.vector_load %arg11[%swap3A_778] {strides = array<i32>} : memref<288xi32, #tpu.memory_space<vmem>>, vector<16xi32>,
    tpu.vector_store %arg11[%swap3A_778], %add3A_777 {strides = array<i32>} : memref<288xi32, #tpu.memory_space<vmem>>, vector<16xi32>,
    %add3A_780 = arith.constant 80 : i32
    %add3A_781 = vector.broadcast %add3A_780 : i32 to vector<16xi32>
    %add3A_782 = arith.addi %shift_right_logical3A_74, %add3A_781 : vector<16xi32>
    %add3A_783 = arith.constant 96 : i32
    %add3A_784 = vector.broadcast %add3A_783 : i32 to vector<16xi32>
    %add3A_785 = arith.addi %add3A_784, %add3A_782 : vector<16xi32>
    %gather3A_786 = tpu.vector_load_idx %arg6[%add3A_785] : memref<9408xi32, #tpu.memory_space<vmem>>[vector<16xi32>], vector<16xi32>,
    %gather3A_787 = tpu.vector_load_idx %arg7[%add3A_785] : memref<9408xi32, #tpu.memory_space<vmem>>[vector<16xi32>], vector<16xi32>,
    %mul3A_788 = arith.constant 3 : i32
    %mul3A_789 = vector.broadcast %mul3A_788 : i32 to vector<16xi32>
    %mul3A_790 = arith.muli %gather3A_786, %mul3A_789 : vector<16xi32>
    %add3A_791 = arith.addi %mul3A_790, %sub3A_78 : vector<16xi32>
    %swap3A_792 = arith.constant 272 : index
    %swap3A_793 = tpu.vector_load %arg10[%swap3A_792] {strides = array<i32>} : memref<288xi32, #tpu.memory_space<vmem>>, vector<16xi32>,
    tpu.vector_store %arg10[%swap3A_792], %add3A_791 {strides = array<i32>} : memref<288xi32, #tpu.memory_space<vmem>>, vector<16xi32>,
    %mul3A_794 = arith.constant 3 : i32
    %mul3A_795 = vector.broadcast %mul3A_794 : i32 to vector<16xi32>
    %mul3A_796 = arith.muli %gather3A_787, %mul3A_795 : vector<16xi32>
    %add3A_797 = arith.addi %mul3A_796, %sub3A_78 : vector<16xi32>
    %swap3A_798 = arith.constant 272 : index
    %swap3A_799 = tpu.vector_load %arg11[%swap3A_798] {strides = array<i32>} : memref<288xi32, #tpu.memory_space<vmem>>, vector<16xi32>,
    tpu.vector_store %arg11[%swap3A_798], %add3A_797 {strides = array<i32>} : memref<288xi32, #tpu.memory_space<vmem>>, vector<16xi32>,
    %dma_start3A_800 = arith.constant 0 : i32
    %dma_start3A_801 = tpu.memref_slice %arg4[%dma_start3A_800] : memref<300000xf32, #tpu.memory_space<hbm>> -> memref<300000xf32, #tpu.memory_space<hbm>>
    tpu.enqueue_indirect_dma source(%dma_start3A_801 : memref<300000xf32, #tpu.memory_space<hbm>>) target(%arg13 : memref<288xf32, #tpu.memory_space<vmem>>) offsets(%arg10 : memref<288xi32, #tpu.memory_space<vmem>>) semaphore(%arg19 : memref<!tpu.dma_semaphore, #tpu.memory_space<semaphore_mem>>)
    %dma_start3A_802 = arith.constant 0 : i32
    %dma_start3A_803 = tpu.memref_slice %arg4[%dma_start3A_802] : memref<300000xf32, #tpu.memory_space<hbm>> -> memref<300000xf32, #tpu.memory_space<hbm>>
    tpu.enqueue_indirect_dma source(%dma_start3A_803 : memref<300000xf32, #tpu.memory_space<hbm>>) target(%arg15 : memref<288xf32, #tpu.memory_space<vmem>>) offsets(%arg11 : memref<288xi32, #tpu.memory_space<vmem>>) semaphore(%arg19 : memref<!tpu.dma_semaphore, #tpu.memory_space<semaphore_mem>>)
    %scan3A = arith.constant 0 : i32
    %scan3A_804 = arith.constant 0 : i32
    %scan3A_805 = arith.constant 48 : i32
    %scan3A_806 = arith.addi %scan3A_804, %scan3A_805 : i32
    %scan3A_807 = arith.constant 1 : i32
    scf.for %scan3A_869 = %scan3A_804 to %scan3A_806 step %scan3A_807  : i32 {
      %mul3A_870 = arith.constant 2 : i32
      %mul3A_871 = arith.muli %mul3A_870, %scan3A_869 : i32
      %add3A_872 = arith.constant 0 : i32
      %add3A_873 = arith.addi %mul3A_871, %add3A_872 : i32
      %dma_wait3A_874 = arith.constant 0 : i32
      %dma_wait3A_875 = tpu.memref_slice %arg4[%dma_wait3A_874] : memref<300000xf32, #tpu.memory_space<hbm>> -> memref<300000xf32, #tpu.memory_space<hbm>>
      tpu.wait_indirect_dma semaphore(%arg18 : memref<!tpu.dma_semaphore, #tpu.memory_space<semaphore_mem>>) src(%dma_wait3A_875 : memref<300000xf32, #tpu.memory_space<hbm>>) dst(%arg12 : memref<288xf32, #tpu.memory_space<vmem>>)
      %dma_wait3A_876 = arith.constant 0 : i32
      %dma_wait3A_877 = tpu.memref_slice %arg4[%dma_wait3A_876] : memref<300000xf32, #tpu.memory_space<hbm>> -> memref<300000xf32, #tpu.memory_space<hbm>>
      tpu.wait_indirect_dma semaphore(%arg18 : memref<!tpu.dma_semaphore, #tpu.memory_space<semaphore_mem>>) src(%dma_wait3A_877 : memref<300000xf32, #tpu.memory_space<hbm>>) dst(%arg14 : memref<288xf32, #tpu.memory_space<vmem>>)
      %ge3A = arith.constant 2 : i32
      %ge3A_878 = arith.cmpi sge, %add3A_873, %ge3A : i32
      %convert_element_type3A = arith.extui %ge3A_878 : i1 to i32
      %cond3A = arith.constant 0 : i32
      %cond3A_879 = arith.cmpi ne, %convert_element_type3A, %cond3A : i32
      scf.if %cond3A_879 {
        %dma_wait3A_1685 = arith.constant 0 : i32
        %dma_wait3A_1686 = tpu.memref_slice %arg16[%dma_wait3A_1685] : memref<288xf32, #tpu.memory_space<vmem>> -> memref<288xf32, #tpu.memory_space<vmem>>
        %dma_wait3A_1687 = arith.constant 0 : i32
        %dma_wait3A_1688 = tpu.memref_slice %arg5[%dma_wait3A_1687] : memref<900000xf32, #tpu.memory_space<hbm>> -> memref<288xf32, #tpu.memory_space<hbm>>
        %dma_wait3A_1689 = arith.constant 0 : i32
        %dma_wait3A_1690 = tpu.memref_slice %arg5[%dma_wait3A_1689] : memref<900000xf32, #tpu.memory_space<hbm>> -> memref<288xf32, #tpu.memory_space<hbm>>
        %dma_wait3A_1691 = arith.constant 0 : i32
        %dma_wait3A_1692 = tpu.memref_slice %arg16[%dma_wait3A_1691] : memref<288xf32, #tpu.memory_space<vmem>> -> memref<288xf32, #tpu.memory_space<vmem>>
        tpu.wait_dma2 semaphore(%arg20 : memref<!tpu.dma_semaphore, #tpu.memory_space<semaphore_mem>>) src(%dma_wait3A_1692 : memref<288xf32, #tpu.memory_space<vmem>>) dst(%dma_wait3A_1690 : memref<288xf32, #tpu.memory_space<hbm>>)
      } else {
      }
      %parallel_loop3A_880 = arith.constant 0 : i32
      %parallel_loop3A_881 = arith.constant 18 : i32
      %parallel_loop3A_882 = arith.constant 1 : i32
      scf.for %parallel_loop3A_1685 = %parallel_loop3A_880 to %parallel_loop3A_881 step %parallel_loop3A_882  : i32 {
        %parallel_loop3A_1686 = arith.constant 16 : i32
        %parallel_loop3A_1687 = arith.muli %parallel_loop3A_1685, %parallel_loop3A_1686 : i32
        %parallel_loop3A_1688 = arith.index_cast %parallel_loop3A_1687 : i32 to index
        %parallel_loop3A_1689 = tpu.vector_load %arg12[%parallel_loop3A_1688] {strides = array<i32>} : memref<288xf32, #tpu.memory_space<vmem>>, vector<16xf32>,
        %parallel_loop3A_1690 = arith.constant 16 : i32
        %parallel_loop3A_1691 = arith.muli %parallel_loop3A_1685, %parallel_loop3A_1690 : i32
        %parallel_loop3A_1692 = arith.index_cast %parallel_loop3A_1691 : i32 to index
        %parallel_loop3A_1693 = tpu.vector_load %arg14[%parallel_loop3A_1692] {strides = array<i32>} : memref<288xf32, #tpu.memory_space<vmem>>, vector<16xf32>,
        %parallel_loop3A_1694 = arith.addf %parallel_loop3A_1689, %parallel_loop3A_1693 : vector<16xf32>
        %parallel_loop3A_1695 = arith.constant 5.000000e-01 : f32
        %parallel_loop3A_1696 = vector.broadcast %parallel_loop3A_1695 : f32 to vector<16xf32>
        %parallel_loop3A_1697 = arith.mulf %parallel_loop3A_1694, %parallel_loop3A_1696 : vector<16xf32>
        %parallel_loop3A_1698 = arith.constant 16 : i32
        %parallel_loop3A_1699 = arith.muli %parallel_loop3A_1685, %parallel_loop3A_1698 : i32
        %parallel_loop3A_1700 = arith.index_cast %parallel_loop3A_1699 : i32 to index
        %parallel_loop3A_1701 = tpu.vector_load %arg16[%parallel_loop3A_1700] {strides = array<i32>} : memref<288xf32, #tpu.memory_space<vmem>>, vector<16xf32>,
        tpu.vector_store %arg16[%parallel_loop3A_1700], %parallel_loop3A_1697 {strides = array<i32>} : memref<288xf32, #tpu.memory_space<vmem>>, vector<16xf32>,
      } {sc.loop_unroll_factor = 2 : i64, sc.parallel_access}
      %add3A_883 = arith.constant 2 : i32
      %add3A_884 = arith.addi %add3A_873, %add3A_883 : i32
      %mul3A_885 = arith.constant 96 : i32
      %mul3A_886 = arith.muli %add3A_884, %mul3A_885 : i32
      %add3A_887 = arith.constant 0 : i32
      %add3A_888 = vector.broadcast %add3A_887 : i32 to vector<16xi32>
      %add3A_889 = arith.addi %shift_right_logical3A_48, %add3A_888 : vector<16xi32>
      %add3A_890 = vector.broadcast %mul3A_886 : i32 to vector<16xi32>
      %add3A_891 = arith.addi %add3A_890, %add3A_889 : vector<16xi32>
      %gather3A_892 = tpu.vector_load_idx %arg6[%add3A_891] : memref<9408xi32, #tpu.memory_space<vmem>>[vector<16xi32>], vector<16xi32>,
      %gather3A_893 = tpu.vector_load_idx %arg7[%add3A_891] : memref<9408xi32, #tpu.memory_space<vmem>>[vector<16xi32>], vector<16xi32>,
      %mul3A_894 = arith.constant 3 : i32
      %mul3A_895 = vector.broadcast %mul3A_894 : i32 to vector<16xi32>
      %mul3A_896 = arith.muli %gather3A_892, %mul3A_895 : vector<16xi32>
      %add3A_897 = arith.addi %mul3A_896, %sub3A_52 : vector<16xi32>
      %swap3A_898 = arith.constant 0 : index
      %swap3A_899 = tpu.vector_load %arg8[%swap3A_898] {strides = array<i32>} : memref<288xi32, #tpu.memory_space<vmem>>, vector<16xi32>,
      tpu.vector_store %arg8[%swap3A_898], %add3A_897 {strides = array<i32>} : memref<288xi32, #tpu.memory_space<vmem>>, vector<16xi32>,
      %mul3A_900 = arith.constant 3 : i32
      %mul3A_901 = vector.broadcast %mul3A_900 : i32 to vector<16xi32>
      %mul3A_902 = arith.muli %gather3A_893, %mul3A_901 : vector<16xi32>
      %add3A_903 = arith.addi %mul3A_902, %sub3A_52 : vector<16xi32>
      %swap3A_904 = arith.constant 0 : index
      %swap3A_905 = tpu.vector_load %arg9[%swap3A_904] {strides = array<i32>} : memref<288xi32, #tpu.memory_space<vmem>>, vector<16xi32>,
      tpu.vector_store %arg9[%swap3A_904], %add3A_903 {strides = array<i32>} : memref<288xi32, #tpu.memory_space<vmem>>, vector<16xi32>,
      %mul3A_906 = arith.constant 96 : i32
      %mul3A_907 = arith.muli %add3A_884, %mul3A_906 : i32
      %add3A_908 = arith.constant 0 : i32
      %add3A_909 = vector.broadcast %add3A_908 : i32 to vector<16xi32>
      %add3A_910 = arith.addi %shift_right_logical3A_61, %add3A_909 : vector<16xi32>
      %add3A_911 = vector.broadcast %mul3A_907 : i32 to vector<16xi32>
      %add3A_912 = arith.addi %add3A_911, %add3A_910 : vector<16xi32>
      %gather3A_913 = tpu.vector_load_idx %arg6[%add3A_912] : memref<9408xi32, #tpu.memory_space<vmem>>[vector<16xi32>], vector<16xi32>,
      %gather3A_914 = tpu.vector_load_idx %arg7[%add3A_912] : memref<9408xi32, #tpu.memory_space<vmem>>[vector<16xi32>], vector<16xi32>,
      %mul3A_915 = arith.constant 3 : i32
      %mul3A_916 = vector.broadcast %mul3A_915 : i32 to vector<16xi32>
      %mul3A_917 = arith.muli %gather3A_913, %mul3A_916 : vector<16xi32>
      %add3A_918 = arith.addi %mul3A_917, %sub3A_65 : vector<16xi32>
      %swap3A_919 = arith.constant 16 : index
      %swap3A_920 = tpu.vector_load %arg8[%swap3A_919] {strides = array<i32>} : memref<288xi32, #tpu.memory_space<vmem>>, vector<16xi32>,
      tpu.vector_store %arg8[%swap3A_919], %add3A_918 {strides = array<i32>} : memref<288xi32, #tpu.memory_space<vmem>>, vector<16xi32>,
      %mul3A_921 = arith.constant 3 : i32
      %mul3A_922 = vector.broadcast %mul3A_921 : i32 to vector<16xi32>
      %mul3A_923 = arith.muli %gather3A_914, %mul3A_922 : vector<16xi32>
      %add3A_924 = arith.addi %mul3A_923, %sub3A_65 : vector<16xi32>
      %swap3A_925 = arith.constant 16 : index
      %swap3A_926 = tpu.vector_load %arg9[%swap3A_925] {strides = array<i32>} : memref<288xi32, #tpu.memory_space<vmem>>, vector<16xi32>,
      tpu.vector_store %arg9[%swap3A_925], %add3A_924 {strides = array<i32>} : memref<288xi32, #tpu.memory_space<vmem>>, vector<16xi32>,
      %mul3A_927 = arith.constant 96 : i32
      %mul3A_928 = arith.muli %add3A_884, %mul3A_927 : i32
      %add3A_929 = arith.constant 0 : i32
      %add3A_930 = vector.broadcast %add3A_929 : i32 to vector<16xi32>
      %add3A_931 = arith.addi %shift_right_logical3A_74, %add3A_930 : vector<16xi32>
      %add3A_932 = vector.broadcast %mul3A_928 : i32 to vector<16xi32>
      %add3A_933 = arith.addi %add3A_932, %add3A_931 : vector<16xi32>
      %gather3A_934 = tpu.vector_load_idx %arg6[%add3A_933] : memref<9408xi32, #tpu.memory_space<vmem>>[vector<16xi32>], vector<16xi32>,
      %gather3A_935 = tpu.vector_load_idx %arg7[%add3A_933] : memref<9408xi32, #tpu.memory_space<vmem>>[vector<16xi32>], vector<16xi32>,
      %mul3A_936 = arith.constant 3 : i32
      %mul3A_937 = vector.broadcast %mul3A_936 : i32 to vector<16xi32>
      %mul3A_938 = arith.muli %gather3A_934, %mul3A_937 : vector<16xi32>
      %add3A_939 = arith.addi %mul3A_938, %sub3A_78 : vector<16xi32>
      %swap3A_940 = arith.constant 32 : index
      %swap3A_941 = tpu.vector_load %arg8[%swap3A_940] {strides = array<i32>} : memref<288xi32, #tpu.memory_space<vmem>>, vector<16xi32>,
      tpu.vector_store %arg8[%swap3A_940], %add3A_939 {strides = array<i32>} : memref<288xi32, #tpu.memory_space<vmem>>, vector<16xi32>,
      %mul3A_942 = arith.constant 3 : i32
      %mul3A_943 = vector.broadcast %mul3A_942 : i32 to vector<16xi32>
      %mul3A_944 = arith.muli %gather3A_935, %mul3A_943 : vector<16xi32>
      %add3A_945 = arith.addi %mul3A_944, %sub3A_78 : vector<16xi32>
      %swap3A_946 = arith.constant 32 : index
      %swap3A_947 = tpu.vector_load %arg9[%swap3A_946] {strides = array<i32>} : memref<288xi32, #tpu.memory_space<vmem>>, vector<16xi32>,
      tpu.vector_store %arg9[%swap3A_946], %add3A_945 {strides = array<i32>} : memref<288xi32, #tpu.memory_space<vmem>>, vector<16xi32>,
      %mul3A_948 = arith.constant 96 : i32
      %mul3A_949 = arith.muli %add3A_884, %mul3A_948 : i32
      %add3A_950 = arith.constant 16 : i32
      %add3A_951 = vector.broadcast %add3A_950 : i32 to vector<16xi32>
      %add3A_952 = arith.addi %shift_right_logical3A_48, %add3A_951 : vector<16xi32>
      %add3A_953 = vector.broadcast %mul3A_949 : i32 to vector<16xi32>
      %add3A_954 = arith.addi %add3A_953, %add3A_952 : vector<16xi32>
      %gather3A_955 = tpu.vector_load_idx %arg6[%add3A_954] : memref<9408xi32, #tpu.memory_space<vmem>>[vector<16xi32>], vector<16xi32>,
      %gather3A_956 = tpu.vector_load_idx %arg7[%add3A_954] : memref<9408xi32, #tpu.memory_space<vmem>>[vector<16xi32>], vector<16xi32>,
      %mul3A_957 = arith.constant 3 : i32
      %mul3A_958 = vector.broadcast %mul3A_957 : i32 to vector<16xi32>
      %mul3A_959 = arith.muli %gather3A_955, %mul3A_958 : vector<16xi32>
      %add3A_960 = arith.addi %mul3A_959, %sub3A_52 : vector<16xi32>
      %swap3A_961 = arith.constant 48 : index
      %swap3A_962 = tpu.vector_load %arg8[%swap3A_961] {strides = array<i32>} : memref<288xi32, #tpu.memory_space<vmem>>, vector<16xi32>,
      tpu.vector_store %arg8[%swap3A_961], %add3A_960 {strides = array<i32>} : memref<288xi32, #tpu.memory_space<vmem>>, vector<16xi32>,
      %mul3A_963 = arith.constant 3 : i32
      %mul3A_964 = vector.broadcast %mul3A_963 : i32 to vector<16xi32>
      %mul3A_965 = arith.muli %gather3A_956, %mul3A_964 : vector<16xi32>
      %add3A_966 = arith.addi %mul3A_965, %sub3A_52 : vector<16xi32>
      %swap3A_967 = arith.constant 48 : index
      %swap3A_968 = tpu.vector_load %arg9[%swap3A_967] {strides = array<i32>} : memref<288xi32, #tpu.memory_space<vmem>>, vector<16xi32>,
      tpu.vector_store %arg9[%swap3A_967], %add3A_966 {strides = array<i32>} : memref<288xi32, #tpu.memory_space<vmem>>, vector<16xi32>,
      %mul3A_969 = arith.constant 96 : i32
      %mul3A_970 = arith.muli %add3A_884, %mul3A_969 : i32
      %add3A_971 = arith.constant 16 : i32
      %add3A_972 = vector.broadcast %add3A_971 : i32 to vector<16xi32>
      %add3A_973 = arith.addi %shift_right_logical3A_61, %add3A_972 : vector<16xi32>
      %add3A_974 = vector.broadcast %mul3A_970 : i32 to vector<16xi32>
      %add3A_975 = arith.addi %add3A_974, %add3A_973 : vector<16xi32>
      %gather3A_976 = tpu.vector_load_idx %arg6[%add3A_975] : memref<9408xi32, #tpu.memory_space<vmem>>[vector<16xi32>], vector<16xi32>,
      %gather3A_977 = tpu.vector_load_idx %arg7[%add3A_975] : memref<9408xi32, #tpu.memory_space<vmem>>[vector<16xi32>], vector<16xi32>,
      %mul3A_978 = arith.constant 3 : i32
      %mul3A_979 = vector.broadcast %mul3A_978 : i32 to vector<16xi32>
      %mul3A_980 = arith.muli %gather3A_976, %mul3A_979 : vector<16xi32>
      %add3A_981 = arith.addi %mul3A_980, %sub3A_65 : vector<16xi32>
      %swap3A_982 = arith.constant 64 : index
      %swap3A_983 = tpu.vector_load %arg8[%swap3A_982] {strides = array<i32>} : memref<288xi32, #tpu.memory_space<vmem>>, vector<16xi32>,
      tpu.vector_store %arg8[%swap3A_982], %add3A_981 {strides = array<i32>} : memref<288xi32, #tpu.memory_space<vmem>>, vector<16xi32>,
      %mul3A_984 = arith.constant 3 : i32
      %mul3A_985 = vector.broadcast %mul3A_984 : i32 to vector<16xi32>
      %mul3A_986 = arith.muli %gather3A_977, %mul3A_985 : vector<16xi32>
      %add3A_987 = arith.addi %mul3A_986, %sub3A_65 : vector<16xi32>
      %swap3A_988 = arith.constant 64 : index
      %swap3A_989 = tpu.vector_load %arg9[%swap3A_988] {strides = array<i32>} : memref<288xi32, #tpu.memory_space<vmem>>, vector<16xi32>,
      tpu.vector_store %arg9[%swap3A_988], %add3A_987 {strides = array<i32>} : memref<288xi32, #tpu.memory_space<vmem>>, vector<16xi32>,
      %mul3A_990 = arith.constant 96 : i32
      %mul3A_991 = arith.muli %add3A_884, %mul3A_990 : i32
      %add3A_992 = arith.constant 16 : i32
      %add3A_993 = vector.broadcast %add3A_992 : i32 to vector<16xi32>
      %add3A_994 = arith.addi %shift_right_logical3A_74, %add3A_993 : vector<16xi32>
      %add3A_995 = vector.broadcast %mul3A_991 : i32 to vector<16xi32>
      %add3A_996 = arith.addi %add3A_995, %add3A_994 : vector<16xi32>
      %gather3A_997 = tpu.vector_load_idx %arg6[%add3A_996] : memref<9408xi32, #tpu.memory_space<vmem>>[vector<16xi32>], vector<16xi32>,
      %gather3A_998 = tpu.vector_load_idx %arg7[%add3A_996] : memref<9408xi32, #tpu.memory_space<vmem>>[vector<16xi32>], vector<16xi32>,
      %mul3A_999 = arith.constant 3 : i32
      %mul3A_1000 = vector.broadcast %mul3A_999 : i32 to vector<16xi32>
      %mul3A_1001 = arith.muli %gather3A_997, %mul3A_1000 : vector<16xi32>
      %add3A_1002 = arith.addi %mul3A_1001, %sub3A_78 : vector<16xi32>
      %swap3A_1003 = arith.constant 80 : index
      %swap3A_1004 = tpu.vector_load %arg8[%swap3A_1003] {strides = array<i32>} : memref<288xi32, #tpu.memory_space<vmem>>, vector<16xi32>,
      tpu.vector_store %arg8[%swap3A_1003], %add3A_1002 {strides = array<i32>} : memref<288xi32, #tpu.memory_space<vmem>>, vector<16xi32>,
      %mul3A_1005 = arith.constant 3 : i32
      %mul3A_1006 = vector.broadcast %mul3A_1005 : i32 to vector<16xi32>
      %mul3A_1007 = arith.muli %gather3A_998, %mul3A_1006 : vector<16xi32>
      %add3A_1008 = arith.addi %mul3A_1007, %sub3A_78 : vector<16xi32>
      %swap3A_1009 = arith.constant 80 : index
      %swap3A_1010 = tpu.vector_load %arg9[%swap3A_1009] {strides = array<i32>} : memref<288xi32, #tpu.memory_space<vmem>>, vector<16xi32>,
      tpu.vector_store %arg9[%swap3A_1009], %add3A_1008 {strides = array<i32>} : memref<288xi32, #tpu.memory_space<vmem>>, vector<16xi32>,
      %mul3A_1011 = arith.constant 96 : i32
      %mul3A_1012 = arith.muli %add3A_884, %mul3A_1011 : i32
      %add3A_1013 = arith.constant 32 : i32
      %add3A_1014 = vector.broadcast %add3A_1013 : i32 to vector<16xi32>
      %add3A_1015 = arith.addi %shift_right_logical3A_48, %add3A_1014 : vector<16xi32>
      %add3A_1016 = vector.broadcast %mul3A_1012 : i32 to vector<16xi32>
      %add3A_1017 = arith.addi %add3A_1016, %add3A_1015 : vector<16xi32>
      %gather3A_1018 = tpu.vector_load_idx %arg6[%add3A_1017] : memref<9408xi32, #tpu.memory_space<vmem>>[vector<16xi32>], vector<16xi32>,
      %gather3A_1019 = tpu.vector_load_idx %arg7[%add3A_1017] : memref<9408xi32, #tpu.memory_space<vmem>>[vector<16xi32>], vector<16xi32>,
      %mul3A_1020 = arith.constant 3 : i32
      %mul3A_1021 = vector.broadcast %mul3A_1020 : i32 to vector<16xi32>
      %mul3A_1022 = arith.muli %gather3A_1018, %mul3A_1021 : vector<16xi32>
      %add3A_1023 = arith.addi %mul3A_1022, %sub3A_52 : vector<16xi32>
      %swap3A_1024 = arith.constant 96 : index
      %swap3A_1025 = tpu.vector_load %arg8[%swap3A_1024] {strides = array<i32>} : memref<288xi32, #tpu.memory_space<vmem>>, vector<16xi32>,
      tpu.vector_store %arg8[%swap3A_1024], %add3A_1023 {strides = array<i32>} : memref<288xi32, #tpu.memory_space<vmem>>, vector<16xi32>,
      %mul3A_1026 = arith.constant 3 : i32
      %mul3A_1027 = vector.broadcast %mul3A_1026 : i32 to vector<16xi32>
      %mul3A_1028 = arith.muli %gather3A_1019, %mul3A_1027 : vector<16xi32>
      %add3A_1029 = arith.addi %mul3A_1028, %sub3A_52 : vector<16xi32>
      %swap3A_1030 = arith.constant 96 : index
      %swap3A_1031 = tpu.vector_load %arg9[%swap3A_1030] {strides = array<i32>} : memref<288xi32, #tpu.memory_space<vmem>>, vector<16xi32>,
      tpu.vector_store %arg9[%swap3A_1030], %add3A_1029 {strides = array<i32>} : memref<288xi32, #tpu.memory_space<vmem>>, vector<16xi32>,
      %mul3A_1032 = arith.constant 96 : i32
      %mul3A_1033 = arith.muli %add3A_884, %mul3A_1032 : i32
      %add3A_1034 = arith.constant 32 : i32
      %add3A_1035 = vector.broadcast %add3A_1034 : i32 to vector<16xi32>
      %add3A_1036 = arith.addi %shift_right_logical3A_61, %add3A_1035 : vector<16xi32>
      %add3A_1037 = vector.broadcast %mul3A_1033 : i32 to vector<16xi32>
      %add3A_1038 = arith.addi %add3A_1037, %add3A_1036 : vector<16xi32>
      %gather3A_1039 = tpu.vector_load_idx %arg6[%add3A_1038] : memref<9408xi32, #tpu.memory_space<vmem>>[vector<16xi32>], vector<16xi32>,
      %gather3A_1040 = tpu.vector_load_idx %arg7[%add3A_1038] : memref<9408xi32, #tpu.memory_space<vmem>>[vector<16xi32>], vector<16xi32>,
      %mul3A_1041 = arith.constant 3 : i32
      %mul3A_1042 = vector.broadcast %mul3A_1041 : i32 to vector<16xi32>
      %mul3A_1043 = arith.muli %gather3A_1039, %mul3A_1042 : vector<16xi32>
      %add3A_1044 = arith.addi %mul3A_1043, %sub3A_65 : vector<16xi32>
      %swap3A_1045 = arith.constant 112 : index
      %swap3A_1046 = tpu.vector_load %arg8[%swap3A_1045] {strides = array<i32>} : memref<288xi32, #tpu.memory_space<vmem>>, vector<16xi32>,
      tpu.vector_store %arg8[%swap3A_1045], %add3A_1044 {strides = array<i32>} : memref<288xi32, #tpu.memory_space<vmem>>, vector<16xi32>,
      %mul3A_1047 = arith.constant 3 : i32
      %mul3A_1048 = vector.broadcast %mul3A_1047 : i32 to vector<16xi32>
      %mul3A_1049 = arith.muli %gather3A_1040, %mul3A_1048 : vector<16xi32>
      %add3A_1050 = arith.addi %mul3A_1049, %sub3A_65 : vector<16xi32>
      %swap3A_1051 = arith.constant 112 : index
      %swap3A_1052 = tpu.vector_load %arg9[%swap3A_1051] {strides = array<i32>} : memref<288xi32, #tpu.memory_space<vmem>>, vector<16xi32>,
      tpu.vector_store %arg9[%swap3A_1051], %add3A_1050 {strides = array<i32>} : memref<288xi32, #tpu.memory_space<vmem>>, vector<16xi32>,
      %mul3A_1053 = arith.constant 96 : i32
      %mul3A_1054 = arith.muli %add3A_884, %mul3A_1053 : i32
      %add3A_1055 = arith.constant 32 : i32
      %add3A_1056 = vector.broadcast %add3A_1055 : i32 to vector<16xi32>
      %add3A_1057 = arith.addi %shift_right_logical3A_74, %add3A_1056 : vector<16xi32>
      %add3A_1058 = vector.broadcast %mul3A_1054 : i32 to vector<16xi32>
      %add3A_1059 = arith.addi %add3A_1058, %add3A_1057 : vector<16xi32>
      %gather3A_1060 = tpu.vector_load_idx %arg6[%add3A_1059] : memref<9408xi32, #tpu.memory_space<vmem>>[vector<16xi32>], vector<16xi32>,
      %gather3A_1061 = tpu.vector_load_idx %arg7[%add3A_1059] : memref<9408xi32, #tpu.memory_space<vmem>>[vector<16xi32>], vector<16xi32>,
      %mul3A_1062 = arith.constant 3 : i32
      %mul3A_1063 = vector.broadcast %mul3A_1062 : i32 to vector<16xi32>
      %mul3A_1064 = arith.muli %gather3A_1060, %mul3A_1063 : vector<16xi32>
      %add3A_1065 = arith.addi %mul3A_1064, %sub3A_78 : vector<16xi32>
      %swap3A_1066 = arith.constant 128 : index
      %swap3A_1067 = tpu.vector_load %arg8[%swap3A_1066] {strides = array<i32>} : memref<288xi32, #tpu.memory_space<vmem>>, vector<16xi32>,
      tpu.vector_store %arg8[%swap3A_1066], %add3A_1065 {strides = array<i32>} : memref<288xi32, #tpu.memory_space<vmem>>, vector<16xi32>,
      %mul3A_1068 = arith.constant 3 : i32
      %mul3A_1069 = vector.broadcast %mul3A_1068 : i32 to vector<16xi32>
      %mul3A_1070 = arith.muli %gather3A_1061, %mul3A_1069 : vector<16xi32>
      %add3A_1071 = arith.addi %mul3A_1070, %sub3A_78 : vector<16xi32>
      %swap3A_1072 = arith.constant 128 : index
      %swap3A_1073 = tpu.vector_load %arg9[%swap3A_1072] {strides = array<i32>} : memref<288xi32, #tpu.memory_space<vmem>>, vector<16xi32>,
      tpu.vector_store %arg9[%swap3A_1072], %add3A_1071 {strides = array<i32>} : memref<288xi32, #tpu.memory_space<vmem>>, vector<16xi32>,
      %mul3A_1074 = arith.constant 96 : i32
      %mul3A_1075 = arith.muli %add3A_884, %mul3A_1074 : i32
      %add3A_1076 = arith.constant 48 : i32
      %add3A_1077 = vector.broadcast %add3A_1076 : i32 to vector<16xi32>
      %add3A_1078 = arith.addi %shift_right_logical3A_48, %add3A_1077 : vector<16xi32>
      %add3A_1079 = vector.broadcast %mul3A_1075 : i32 to vector<16xi32>
      %add3A_1080 = arith.addi %add3A_1079, %add3A_1078 : vector<16xi32>
      %gather3A_1081 = tpu.vector_load_idx %arg6[%add3A_1080] : memref<9408xi32, #tpu.memory_space<vmem>>[vector<16xi32>], vector<16xi32>,
      %gather3A_1082 = tpu.vector_load_idx %arg7[%add3A_1080] : memref<9408xi32, #tpu.memory_space<vmem>>[vector<16xi32>], vector<16xi32>,
      %mul3A_1083 = arith.constant 3 : i32
      %mul3A_1084 = vector.broadcast %mul3A_1083 : i32 to vector<16xi32>
      %mul3A_1085 = arith.muli %gather3A_1081, %mul3A_1084 : vector<16xi32>
      %add3A_1086 = arith.addi %mul3A_1085, %sub3A_52 : vector<16xi32>
      %swap3A_1087 = arith.constant 144 : index
      %swap3A_1088 = tpu.vector_load %arg8[%swap3A_1087] {strides = array<i32>} : memref<288xi32, #tpu.memory_space<vmem>>, vector<16xi32>,
      tpu.vector_store %arg8[%swap3A_1087], %add3A_1086 {strides = array<i32>} : memref<288xi32, #tpu.memory_space<vmem>>, vector<16xi32>,
      %mul3A_1089 = arith.constant 3 : i32
      %mul3A_1090 = vector.broadcast %mul3A_1089 : i32 to vector<16xi32>
      %mul3A_1091 = arith.muli %gather3A_1082, %mul3A_1090 : vector<16xi32>
      %add3A_1092 = arith.addi %mul3A_1091, %sub3A_52 : vector<16xi32>
      %swap3A_1093 = arith.constant 144 : index
      %swap3A_1094 = tpu.vector_load %arg9[%swap3A_1093] {strides = array<i32>} : memref<288xi32, #tpu.memory_space<vmem>>, vector<16xi32>,
      tpu.vector_store %arg9[%swap3A_1093], %add3A_1092 {strides = array<i32>} : memref<288xi32, #tpu.memory_space<vmem>>, vector<16xi32>,
      %mul3A_1095 = arith.constant 96 : i32
      %mul3A_1096 = arith.muli %add3A_884, %mul3A_1095 : i32
      %add3A_1097 = arith.constant 48 : i32
      %add3A_1098 = vector.broadcast %add3A_1097 : i32 to vector<16xi32>
      %add3A_1099 = arith.addi %shift_right_logical3A_61, %add3A_1098 : vector<16xi32>
      %add3A_1100 = vector.broadcast %mul3A_1096 : i32 to vector<16xi32>
      %add3A_1101 = arith.addi %add3A_1100, %add3A_1099 : vector<16xi32>
      %gather3A_1102 = tpu.vector_load_idx %arg6[%add3A_1101] : memref<9408xi32, #tpu.memory_space<vmem>>[vector<16xi32>], vector<16xi32>,
      %gather3A_1103 = tpu.vector_load_idx %arg7[%add3A_1101] : memref<9408xi32, #tpu.memory_space<vmem>>[vector<16xi32>], vector<16xi32>,
      %mul3A_1104 = arith.constant 3 : i32
      %mul3A_1105 = vector.broadcast %mul3A_1104 : i32 to vector<16xi32>
      %mul3A_1106 = arith.muli %gather3A_1102, %mul3A_1105 : vector<16xi32>
      %add3A_1107 = arith.addi %mul3A_1106, %sub3A_65 : vector<16xi32>
      %swap3A_1108 = arith.constant 160 : index
      %swap3A_1109 = tpu.vector_load %arg8[%swap3A_1108] {strides = array<i32>} : memref<288xi32, #tpu.memory_space<vmem>>, vector<16xi32>,
      tpu.vector_store %arg8[%swap3A_1108], %add3A_1107 {strides = array<i32>} : memref<288xi32, #tpu.memory_space<vmem>>, vector<16xi32>,
      %mul3A_1110 = arith.constant 3 : i32
      %mul3A_1111 = vector.broadcast %mul3A_1110 : i32 to vector<16xi32>
      %mul3A_1112 = arith.muli %gather3A_1103, %mul3A_1111 : vector<16xi32>
      %add3A_1113 = arith.addi %mul3A_1112, %sub3A_65 : vector<16xi32>
      %swap3A_1114 = arith.constant 160 : index
      %swap3A_1115 = tpu.vector_load %arg9[%swap3A_1114] {strides = array<i32>} : memref<288xi32, #tpu.memory_space<vmem>>, vector<16xi32>,
      tpu.vector_store %arg9[%swap3A_1114], %add3A_1113 {strides = array<i32>} : memref<288xi32, #tpu.memory_space<vmem>>, vector<16xi32>,
      %mul3A_1116 = arith.constant 96 : i32
      %mul3A_1117 = arith.muli %add3A_884, %mul3A_1116 : i32
      %add3A_1118 = arith.constant 48 : i32
      %add3A_1119 = vector.broadcast %add3A_1118 : i32 to vector<16xi32>
      %add3A_1120 = arith.addi %shift_right_logical3A_74, %add3A_1119 : vector<16xi32>
      %add3A_1121 = vector.broadcast %mul3A_1117 : i32 to vector<16xi32>
      %add3A_1122 = arith.addi %add3A_1121, %add3A_1120 : vector<16xi32>
      %gather3A_1123 = tpu.vector_load_idx %arg6[%add3A_1122] : memref<9408xi32, #tpu.memory_space<vmem>>[vector<16xi32>], vector<16xi32>,
      %gather3A_1124 = tpu.vector_load_idx %arg7[%add3A_1122] : memref<9408xi32, #tpu.memory_space<vmem>>[vector<16xi32>], vector<16xi32>,
      %mul3A_1125 = arith.constant 3 : i32
      %mul3A_1126 = vector.broadcast %mul3A_1125 : i32 to vector<16xi32>
      %mul3A_1127 = arith.muli %gather3A_1123, %mul3A_1126 : vector<16xi32>
      %add3A_1128 = arith.addi %mul3A_1127, %sub3A_78 : vector<16xi32>
      %swap3A_1129 = arith.constant 176 : index
      %swap3A_1130 = tpu.vector_load %arg8[%swap3A_1129] {strides = array<i32>} : memref<288xi32, #tpu.memory_space<vmem>>, vector<16xi32>,
      tpu.vector_store %arg8[%swap3A_1129], %add3A_1128 {strides = array<i32>} : memref<288xi32, #tpu.memory_space<vmem>>, vector<16xi32>,
      %mul3A_1131 = arith.constant 3 : i32
      %mul3A_1132 = vector.broadcast %mul3A_1131 : i32 to vector<16xi32>
      %mul3A_1133 = arith.muli %gather3A_1124, %mul3A_1132 : vector<16xi32>
      %add3A_1134 = arith.addi %mul3A_1133, %sub3A_78 : vector<16xi32>
      %swap3A_1135 = arith.constant 176 : index
      %swap3A_1136 = tpu.vector_load %arg9[%swap3A_1135] {strides = array<i32>} : memref<288xi32, #tpu.memory_space<vmem>>, vector<16xi32>,
      tpu.vector_store %arg9[%swap3A_1135], %add3A_1134 {strides = array<i32>} : memref<288xi32, #tpu.memory_space<vmem>>, vector<16xi32>,
      %mul3A_1137 = arith.constant 96 : i32
      %mul3A_1138 = arith.muli %add3A_884, %mul3A_1137 : i32
      %add3A_1139 = arith.constant 64 : i32
      %add3A_1140 = vector.broadcast %add3A_1139 : i32 to vector<16xi32>
      %add3A_1141 = arith.addi %shift_right_logical3A_48, %add3A_1140 : vector<16xi32>
      %add3A_1142 = vector.broadcast %mul3A_1138 : i32 to vector<16xi32>
      %add3A_1143 = arith.addi %add3A_1142, %add3A_1141 : vector<16xi32>
      %gather3A_1144 = tpu.vector_load_idx %arg6[%add3A_1143] : memref<9408xi32, #tpu.memory_space<vmem>>[vector<16xi32>], vector<16xi32>,
      %gather3A_1145 = tpu.vector_load_idx %arg7[%add3A_1143] : memref<9408xi32, #tpu.memory_space<vmem>>[vector<16xi32>], vector<16xi32>,
      %mul3A_1146 = arith.constant 3 : i32
      %mul3A_1147 = vector.broadcast %mul3A_1146 : i32 to vector<16xi32>
      %mul3A_1148 = arith.muli %gather3A_1144, %mul3A_1147 : vector<16xi32>
      %add3A_1149 = arith.addi %mul3A_1148, %sub3A_52 : vector<16xi32>
      %swap3A_1150 = arith.constant 192 : index
      %swap3A_1151 = tpu.vector_load %arg8[%swap3A_1150] {strides = array<i32>} : memref<288xi32, #tpu.memory_space<vmem>>, vector<16xi32>,
      tpu.vector_store %arg8[%swap3A_1150], %add3A_1149 {strides = array<i32>} : memref<288xi32, #tpu.memory_space<vmem>>, vector<16xi32>,
      %mul3A_1152 = arith.constant 3 : i32
      %mul3A_1153 = vector.broadcast %mul3A_1152 : i32 to vector<16xi32>
      %mul3A_1154 = arith.muli %gather3A_1145, %mul3A_1153 : vector<16xi32>
      %add3A_1155 = arith.addi %mul3A_1154, %sub3A_52 : vector<16xi32>
      %swap3A_1156 = arith.constant 192 : index
      %swap3A_1157 = tpu.vector_load %arg9[%swap3A_1156] {strides = array<i32>} : memref<288xi32, #tpu.memory_space<vmem>>, vector<16xi32>,
      tpu.vector_store %arg9[%swap3A_1156], %add3A_1155 {strides = array<i32>} : memref<288xi32, #tpu.memory_space<vmem>>, vector<16xi32>,
      %mul3A_1158 = arith.constant 96 : i32
      %mul3A_1159 = arith.muli %add3A_884, %mul3A_1158 : i32
      %add3A_1160 = arith.constant 64 : i32
      %add3A_1161 = vector.broadcast %add3A_1160 : i32 to vector<16xi32>
      %add3A_1162 = arith.addi %shift_right_logical3A_61, %add3A_1161 : vector<16xi32>
      %add3A_1163 = vector.broadcast %mul3A_1159 : i32 to vector<16xi32>
      %add3A_1164 = arith.addi %add3A_1163, %add3A_1162 : vector<16xi32>
      %gather3A_1165 = tpu.vector_load_idx %arg6[%add3A_1164] : memref<9408xi32, #tpu.memory_space<vmem>>[vector<16xi32>], vector<16xi32>,
      %gather3A_1166 = tpu.vector_load_idx %arg7[%add3A_1164] : memref<9408xi32, #tpu.memory_space<vmem>>[vector<16xi32>], vector<16xi32>,
      %mul3A_1167 = arith.constant 3 : i32
      %mul3A_1168 = vector.broadcast %mul3A_1167 : i32 to vector<16xi32>
      %mul3A_1169 = arith.muli %gather3A_1165, %mul3A_1168 : vector<16xi32>
      %add3A_1170 = arith.addi %mul3A_1169, %sub3A_65 : vector<16xi32>
      %swap3A_1171 = arith.constant 208 : index
      %swap3A_1172 = tpu.vector_load %arg8[%swap3A_1171] {strides = array<i32>} : memref<288xi32, #tpu.memory_space<vmem>>, vector<16xi32>,
      tpu.vector_store %arg8[%swap3A_1171], %add3A_1170 {strides = array<i32>} : memref<288xi32, #tpu.memory_space<vmem>>, vector<16xi32>,
      %mul3A_1173 = arith.constant 3 : i32
      %mul3A_1174 = vector.broadcast %mul3A_1173 : i32 to vector<16xi32>
      %mul3A_1175 = arith.muli %gather3A_1166, %mul3A_1174 : vector<16xi32>
      %add3A_1176 = arith.addi %mul3A_1175, %sub3A_65 : vector<16xi32>
      %swap3A_1177 = arith.constant 208 : index
      %swap3A_1178 = tpu.vector_load %arg9[%swap3A_1177] {strides = array<i32>} : memref<288xi32, #tpu.memory_space<vmem>>, vector<16xi32>,
      tpu.vector_store %arg9[%swap3A_1177], %add3A_1176 {strides = array<i32>} : memref<288xi32, #tpu.memory_space<vmem>>, vector<16xi32>,
      %mul3A_1179 = arith.constant 96 : i32
      %mul3A_1180 = arith.muli %add3A_884, %mul3A_1179 : i32
      %add3A_1181 = arith.constant 64 : i32
      %add3A_1182 = vector.broadcast %add3A_1181 : i32 to vector<16xi32>
      %add3A_1183 = arith.addi %shift_right_logical3A_74, %add3A_1182 : vector<16xi32>
      %add3A_1184 = vector.broadcast %mul3A_1180 : i32 to vector<16xi32>
      %add3A_1185 = arith.addi %add3A_1184, %add3A_1183 : vector<16xi32>
      %gather3A_1186 = tpu.vector_load_idx %arg6[%add3A_1185] : memref<9408xi32, #tpu.memory_space<vmem>>[vector<16xi32>], vector<16xi32>,
      %gather3A_1187 = tpu.vector_load_idx %arg7[%add3A_1185] : memref<9408xi32, #tpu.memory_space<vmem>>[vector<16xi32>], vector<16xi32>,
      %mul3A_1188 = arith.constant 3 : i32
      %mul3A_1189 = vector.broadcast %mul3A_1188 : i32 to vector<16xi32>
      %mul3A_1190 = arith.muli %gather3A_1186, %mul3A_1189 : vector<16xi32>
      %add3A_1191 = arith.addi %mul3A_1190, %sub3A_78 : vector<16xi32>
      %swap3A_1192 = arith.constant 224 : index
      %swap3A_1193 = tpu.vector_load %arg8[%swap3A_1192] {strides = array<i32>} : memref<288xi32, #tpu.memory_space<vmem>>, vector<16xi32>,
      tpu.vector_store %arg8[%swap3A_1192], %add3A_1191 {strides = array<i32>} : memref<288xi32, #tpu.memory_space<vmem>>, vector<16xi32>,
      %mul3A_1194 = arith.constant 3 : i32
      %mul3A_1195 = vector.broadcast %mul3A_1194 : i32 to vector<16xi32>
      %mul3A_1196 = arith.muli %gather3A_1187, %mul3A_1195 : vector<16xi32>
      %add3A_1197 = arith.addi %mul3A_1196, %sub3A_78 : vector<16xi32>
      %swap3A_1198 = arith.constant 224 : index
      %swap3A_1199 = tpu.vector_load %arg9[%swap3A_1198] {strides = array<i32>} : memref<288xi32, #tpu.memory_space<vmem>>, vector<16xi32>,
      tpu.vector_store %arg9[%swap3A_1198], %add3A_1197 {strides = array<i32>} : memref<288xi32, #tpu.memory_space<vmem>>, vector<16xi32>,
      %mul3A_1200 = arith.constant 96 : i32
      %mul3A_1201 = arith.muli %add3A_884, %mul3A_1200 : i32
      %add3A_1202 = arith.constant 80 : i32
      %add3A_1203 = vector.broadcast %add3A_1202 : i32 to vector<16xi32>
      %add3A_1204 = arith.addi %shift_right_logical3A_48, %add3A_1203 : vector<16xi32>
      %add3A_1205 = vector.broadcast %mul3A_1201 : i32 to vector<16xi32>
      %add3A_1206 = arith.addi %add3A_1205, %add3A_1204 : vector<16xi32>
      %gather3A_1207 = tpu.vector_load_idx %arg6[%add3A_1206] : memref<9408xi32, #tpu.memory_space<vmem>>[vector<16xi32>], vector<16xi32>,
      %gather3A_1208 = tpu.vector_load_idx %arg7[%add3A_1206] : memref<9408xi32, #tpu.memory_space<vmem>>[vector<16xi32>], vector<16xi32>,
      %mul3A_1209 = arith.constant 3 : i32
      %mul3A_1210 = vector.broadcast %mul3A_1209 : i32 to vector<16xi32>
      %mul3A_1211 = arith.muli %gather3A_1207, %mul3A_1210 : vector<16xi32>
      %add3A_1212 = arith.addi %mul3A_1211, %sub3A_52 : vector<16xi32>
      %swap3A_1213 = arith.constant 240 : index
      %swap3A_1214 = tpu.vector_load %arg8[%swap3A_1213] {strides = array<i32>} : memref<288xi32, #tpu.memory_space<vmem>>, vector<16xi32>,
      tpu.vector_store %arg8[%swap3A_1213], %add3A_1212 {strides = array<i32>} : memref<288xi32, #tpu.memory_space<vmem>>, vector<16xi32>,
      %mul3A_1215 = arith.constant 3 : i32
      %mul3A_1216 = vector.broadcast %mul3A_1215 : i32 to vector<16xi32>
      %mul3A_1217 = arith.muli %gather3A_1208, %mul3A_1216 : vector<16xi32>
      %add3A_1218 = arith.addi %mul3A_1217, %sub3A_52 : vector<16xi32>
      %swap3A_1219 = arith.constant 240 : index
      %swap3A_1220 = tpu.vector_load %arg9[%swap3A_1219] {strides = array<i32>} : memref<288xi32, #tpu.memory_space<vmem>>, vector<16xi32>,
      tpu.vector_store %arg9[%swap3A_1219], %add3A_1218 {strides = array<i32>} : memref<288xi32, #tpu.memory_space<vmem>>, vector<16xi32>,
      %mul3A_1221 = arith.constant 96 : i32
      %mul3A_1222 = arith.muli %add3A_884, %mul3A_1221 : i32
      %add3A_1223 = arith.constant 80 : i32
      %add3A_1224 = vector.broadcast %add3A_1223 : i32 to vector<16xi32>
      %add3A_1225 = arith.addi %shift_right_logical3A_61, %add3A_1224 : vector<16xi32>
      %add3A_1226 = vector.broadcast %mul3A_1222 : i32 to vector<16xi32>
      %add3A_1227 = arith.addi %add3A_1226, %add3A_1225 : vector<16xi32>
      %gather3A_1228 = tpu.vector_load_idx %arg6[%add3A_1227] : memref<9408xi32, #tpu.memory_space<vmem>>[vector<16xi32>], vector<16xi32>,
      %gather3A_1229 = tpu.vector_load_idx %arg7[%add3A_1227] : memref<9408xi32, #tpu.memory_space<vmem>>[vector<16xi32>], vector<16xi32>,
      %mul3A_1230 = arith.constant 3 : i32
      %mul3A_1231 = vector.broadcast %mul3A_1230 : i32 to vector<16xi32>
      %mul3A_1232 = arith.muli %gather3A_1228, %mul3A_1231 : vector<16xi32>
      %add3A_1233 = arith.addi %mul3A_1232, %sub3A_65 : vector<16xi32>
      %swap3A_1234 = arith.constant 256 : index
      %swap3A_1235 = tpu.vector_load %arg8[%swap3A_1234] {strides = array<i32>} : memref<288xi32, #tpu.memory_space<vmem>>, vector<16xi32>,
      tpu.vector_store %arg8[%swap3A_1234], %add3A_1233 {strides = array<i32>} : memref<288xi32, #tpu.memory_space<vmem>>, vector<16xi32>,
      %mul3A_1236 = arith.constant 3 : i32
      %mul3A_1237 = vector.broadcast %mul3A_1236 : i32 to vector<16xi32>
      %mul3A_1238 = arith.muli %gather3A_1229, %mul3A_1237 : vector<16xi32>
      %add3A_1239 = arith.addi %mul3A_1238, %sub3A_65 : vector<16xi32>
      %swap3A_1240 = arith.constant 256 : index
      %swap3A_1241 = tpu.vector_load %arg9[%swap3A_1240] {strides = array<i32>} : memref<288xi32, #tpu.memory_space<vmem>>, vector<16xi32>,
      tpu.vector_store %arg9[%swap3A_1240], %add3A_1239 {strides = array<i32>} : memref<288xi32, #tpu.memory_space<vmem>>, vector<16xi32>,
      %mul3A_1242 = arith.constant 96 : i32
      %mul3A_1243 = arith.muli %add3A_884, %mul3A_1242 : i32
      %add3A_1244 = arith.constant 80 : i32
      %add3A_1245 = vector.broadcast %add3A_1244 : i32 to vector<16xi32>
      %add3A_1246 = arith.addi %shift_right_logical3A_74, %add3A_1245 : vector<16xi32>
      %add3A_1247 = vector.broadcast %mul3A_1243 : i32 to vector<16xi32>
      %add3A_1248 = arith.addi %add3A_1247, %add3A_1246 : vector<16xi32>
      %gather3A_1249 = tpu.vector_load_idx %arg6[%add3A_1248] : memref<9408xi32, #tpu.memory_space<vmem>>[vector<16xi32>], vector<16xi32>,
      %gather3A_1250 = tpu.vector_load_idx %arg7[%add3A_1248] : memref<9408xi32, #tpu.memory_space<vmem>>[vector<16xi32>], vector<16xi32>,
      %mul3A_1251 = arith.constant 3 : i32
      %mul3A_1252 = vector.broadcast %mul3A_1251 : i32 to vector<16xi32>
      %mul3A_1253 = arith.muli %gather3A_1249, %mul3A_1252 : vector<16xi32>
      %add3A_1254 = arith.addi %mul3A_1253, %sub3A_78 : vector<16xi32>
      %swap3A_1255 = arith.constant 272 : index
      %swap3A_1256 = tpu.vector_load %arg8[%swap3A_1255] {strides = array<i32>} : memref<288xi32, #tpu.memory_space<vmem>>, vector<16xi32>,
      tpu.vector_store %arg8[%swap3A_1255], %add3A_1254 {strides = array<i32>} : memref<288xi32, #tpu.memory_space<vmem>>, vector<16xi32>,
      %mul3A_1257 = arith.constant 3 : i32
      %mul3A_1258 = vector.broadcast %mul3A_1257 : i32 to vector<16xi32>
      %mul3A_1259 = arith.muli %gather3A_1250, %mul3A_1258 : vector<16xi32>
      %add3A_1260 = arith.addi %mul3A_1259, %sub3A_78 : vector<16xi32>
      %swap3A_1261 = arith.constant 272 : index
      %swap3A_1262 = tpu.vector_load %arg9[%swap3A_1261] {strides = array<i32>} : memref<288xi32, #tpu.memory_space<vmem>>, vector<16xi32>,
      tpu.vector_store %arg9[%swap3A_1261], %add3A_1260 {strides = array<i32>} : memref<288xi32, #tpu.memory_space<vmem>>, vector<16xi32>,
      %dma_start3A_1263 = arith.constant 0 : i32
      %dma_start3A_1264 = tpu.memref_slice %arg4[%dma_start3A_1263] : memref<300000xf32, #tpu.memory_space<hbm>> -> memref<300000xf32, #tpu.memory_space<hbm>>
      tpu.enqueue_indirect_dma source(%dma_start3A_1264 : memref<300000xf32, #tpu.memory_space<hbm>>) target(%arg12 : memref<288xf32, #tpu.memory_space<vmem>>) offsets(%arg8 : memref<288xi32, #tpu.memory_space<vmem>>) semaphore(%arg18 : memref<!tpu.dma_semaphore, #tpu.memory_space<semaphore_mem>>)
      %dma_start3A_1265 = arith.constant 0 : i32
      %dma_start3A_1266 = tpu.memref_slice %arg4[%dma_start3A_1265] : memref<300000xf32, #tpu.memory_space<hbm>> -> memref<300000xf32, #tpu.memory_space<hbm>>
      tpu.enqueue_indirect_dma source(%dma_start3A_1266 : memref<300000xf32, #tpu.memory_space<hbm>>) target(%arg14 : memref<288xf32, #tpu.memory_space<vmem>>) offsets(%arg9 : memref<288xi32, #tpu.memory_space<vmem>>) semaphore(%arg18 : memref<!tpu.dma_semaphore, #tpu.memory_space<semaphore_mem>>)
      %mul3A_1267 = arith.constant 288 : i32
      %mul3A_1268 = arith.muli %add3A_873, %mul3A_1267 : i32
      %add3A_1269 = arith.addi %mul3A_40, %mul3A_1268 : i32
      %dma_start3A_1270 = arith.constant 0 : i32
      %dma_start3A_1271 = tpu.memref_slice %arg16[%dma_start3A_1270] : memref<288xf32, #tpu.memory_space<vmem>> -> memref<288xf32, #tpu.memory_space<vmem>>
      %dma_start3A_1272 = tpu.memref_slice %arg5[%add3A_1269] : memref<900000xf32, #tpu.memory_space<hbm>> -> memref<288xf32, #tpu.memory_space<hbm>>
      %dma_start3A_1273 = tpu.memref_slice %arg5[%add3A_1269] : memref<900000xf32, #tpu.memory_space<hbm>> -> memref<288xf32, #tpu.memory_space<hbm>>
      %dma_start3A_1274 = arith.constant 0 : i32
      %dma_start3A_1275 = tpu.memref_slice %arg16[%dma_start3A_1274] : memref<288xf32, #tpu.memory_space<vmem>> -> memref<288xf32, #tpu.memory_space<vmem>>
      tpu.enqueue_dma source(%dma_start3A_1275 : memref<288xf32, #tpu.memory_space<vmem>>) target(%dma_start3A_1273 : memref<288xf32, #tpu.memory_space<hbm>>) target_semaphore(%arg20 : memref<!tpu.dma_semaphore, #tpu.memory_space<semaphore_mem>>)
      %mul3A_1276 = arith.constant 2 : i32
      %mul3A_1277 = arith.muli %mul3A_1276, %scan3A_869 : i32
      %add3A_1278 = arith.constant 1 : i32
      %add3A_1279 = arith.addi %mul3A_1277, %add3A_1278 : i32
      %dma_wait3A_1280 = arith.constant 0 : i32
      %dma_wait3A_1281 = tpu.memref_slice %arg4[%dma_wait3A_1280] : memref<300000xf32, #tpu.memory_space<hbm>> -> memref<300000xf32, #tpu.memory_space<hbm>>
      tpu.wait_indirect_dma semaphore(%arg19 : memref<!tpu.dma_semaphore, #tpu.memory_space<semaphore_mem>>) src(%dma_wait3A_1281 : memref<300000xf32, #tpu.memory_space<hbm>>) dst(%arg13 : memref<288xf32, #tpu.memory_space<vmem>>)
      %dma_wait3A_1282 = arith.constant 0 : i32
      %dma_wait3A_1283 = tpu.memref_slice %arg4[%dma_wait3A_1282] : memref<300000xf32, #tpu.memory_space<hbm>> -> memref<300000xf32, #tpu.memory_space<hbm>>
      tpu.wait_indirect_dma semaphore(%arg19 : memref<!tpu.dma_semaphore, #tpu.memory_space<semaphore_mem>>) src(%dma_wait3A_1283 : memref<300000xf32, #tpu.memory_space<hbm>>) dst(%arg15 : memref<288xf32, #tpu.memory_space<vmem>>)
      %ge3A_1284 = arith.constant 2 : i32
      %ge3A_1285 = arith.cmpi sge, %add3A_1279, %ge3A_1284 : i32
      %convert_element_type3A_1286 = arith.extui %ge3A_1285 : i1 to i32
      %cond3A_1287 = arith.constant 0 : i32
      %cond3A_1288 = arith.cmpi ne, %convert_element_type3A_1286, %cond3A_1287 : i32
      scf.if %cond3A_1288 {
        %dma_wait3A_1685 = arith.constant 0 : i32
        %dma_wait3A_1686 = tpu.memref_slice %arg17[%dma_wait3A_1685] : memref<288xf32, #tpu.memory_space<vmem>> -> memref<288xf32, #tpu.memory_space<vmem>>
        %dma_wait3A_1687 = arith.constant 0 : i32
        %dma_wait3A_1688 = tpu.memref_slice %arg5[%dma_wait3A_1687] : memref<900000xf32, #tpu.memory_space<hbm>> -> memref<288xf32, #tpu.memory_space<hbm>>
        %dma_wait3A_1689 = arith.constant 0 : i32
        %dma_wait3A_1690 = tpu.memref_slice %arg5[%dma_wait3A_1689] : memref<900000xf32, #tpu.memory_space<hbm>> -> memref<288xf32, #tpu.memory_space<hbm>>
        %dma_wait3A_1691 = arith.constant 0 : i32
        %dma_wait3A_1692 = tpu.memref_slice %arg17[%dma_wait3A_1691] : memref<288xf32, #tpu.memory_space<vmem>> -> memref<288xf32, #tpu.memory_space<vmem>>
        tpu.wait_dma2 semaphore(%arg21 : memref<!tpu.dma_semaphore, #tpu.memory_space<semaphore_mem>>) src(%dma_wait3A_1692 : memref<288xf32, #tpu.memory_space<vmem>>) dst(%dma_wait3A_1690 : memref<288xf32, #tpu.memory_space<hbm>>)
      } else {
      }
      %parallel_loop3A_1289 = arith.constant 0 : i32
      %parallel_loop3A_1290 = arith.constant 18 : i32
      %parallel_loop3A_1291 = arith.constant 1 : i32
      scf.for %parallel_loop3A_1685 = %parallel_loop3A_1289 to %parallel_loop3A_1290 step %parallel_loop3A_1291  : i32 {
        %parallel_loop3A_1686 = arith.constant 16 : i32
        %parallel_loop3A_1687 = arith.muli %parallel_loop3A_1685, %parallel_loop3A_1686 : i32
        %parallel_loop3A_1688 = arith.index_cast %parallel_loop3A_1687 : i32 to index
        %parallel_loop3A_1689 = tpu.vector_load %arg13[%parallel_loop3A_1688] {strides = array<i32>} : memref<288xf32, #tpu.memory_space<vmem>>, vector<16xf32>,
        %parallel_loop3A_1690 = arith.constant 16 : i32
        %parallel_loop3A_1691 = arith.muli %parallel_loop3A_1685, %parallel_loop3A_1690 : i32
        %parallel_loop3A_1692 = arith.index_cast %parallel_loop3A_1691 : i32 to index
        %parallel_loop3A_1693 = tpu.vector_load %arg15[%parallel_loop3A_1692] {strides = array<i32>} : memref<288xf32, #tpu.memory_space<vmem>>, vector<16xf32>,
        %parallel_loop3A_1694 = arith.addf %parallel_loop3A_1689, %parallel_loop3A_1693 : vector<16xf32>
        %parallel_loop3A_1695 = arith.constant 5.000000e-01 : f32
        %parallel_loop3A_1696 = vector.broadcast %parallel_loop3A_1695 : f32 to vector<16xf32>
        %parallel_loop3A_1697 = arith.mulf %parallel_loop3A_1694, %parallel_loop3A_1696 : vector<16xf32>
        %parallel_loop3A_1698 = arith.constant 16 : i32
        %parallel_loop3A_1699 = arith.muli %parallel_loop3A_1685, %parallel_loop3A_1698 : i32
        %parallel_loop3A_1700 = arith.index_cast %parallel_loop3A_1699 : i32 to index
        %parallel_loop3A_1701 = tpu.vector_load %arg17[%parallel_loop3A_1700] {strides = array<i32>} : memref<288xf32, #tpu.memory_space<vmem>>, vector<16xf32>,
        tpu.vector_store %arg17[%parallel_loop3A_1700], %parallel_loop3A_1697 {strides = array<i32>} : memref<288xf32, #tpu.memory_space<vmem>>, vector<16xf32>,
      } {sc.loop_unroll_factor = 2 : i64, sc.parallel_access}
      %add3A_1292 = arith.constant 2 : i32
      %add3A_1293 = arith.addi %add3A_1279, %add3A_1292 : i32
      %mul3A_1294 = arith.constant 96 : i32
      %mul3A_1295 = arith.muli %add3A_1293, %mul3A_1294 : i32
      %add3A_1296 = arith.constant 0 : i32
      %add3A_1297 = vector.broadcast %add3A_1296 : i32 to vector<16xi32>
      %add3A_1298 = arith.addi %shift_right_logical3A_48, %add3A_1297 : vector<16xi32>
      %add3A_1299 = vector.broadcast %mul3A_1295 : i32 to vector<16xi32>
      %add3A_1300 = arith.addi %add3A_1299, %add3A_1298 : vector<16xi32>
      %gather3A_1301 = tpu.vector_load_idx %arg6[%add3A_1300] : memref<9408xi32, #tpu.memory_space<vmem>>[vector<16xi32>], vector<16xi32>,
      %gather3A_1302 = tpu.vector_load_idx %arg7[%add3A_1300] : memref<9408xi32, #tpu.memory_space<vmem>>[vector<16xi32>], vector<16xi32>,
      %mul3A_1303 = arith.constant 3 : i32
      %mul3A_1304 = vector.broadcast %mul3A_1303 : i32 to vector<16xi32>
      %mul3A_1305 = arith.muli %gather3A_1301, %mul3A_1304 : vector<16xi32>
      %add3A_1306 = arith.addi %mul3A_1305, %sub3A_52 : vector<16xi32>
      %swap3A_1307 = arith.constant 0 : index
      %swap3A_1308 = tpu.vector_load %arg10[%swap3A_1307] {strides = array<i32>} : memref<288xi32, #tpu.memory_space<vmem>>, vector<16xi32>,
      tpu.vector_store %arg10[%swap3A_1307], %add3A_1306 {strides = array<i32>} : memref<288xi32, #tpu.memory_space<vmem>>, vector<16xi32>,
      %mul3A_1309 = arith.constant 3 : i32
      %mul3A_1310 = vector.broadcast %mul3A_1309 : i32 to vector<16xi32>
      %mul3A_1311 = arith.muli %gather3A_1302, %mul3A_1310 : vector<16xi32>
      %add3A_1312 = arith.addi %mul3A_1311, %sub3A_52 : vector<16xi32>
      %swap3A_1313 = arith.constant 0 : index
      %swap3A_1314 = tpu.vector_load %arg11[%swap3A_1313] {strides = array<i32>} : memref<288xi32, #tpu.memory_space<vmem>>, vector<16xi32>,
      tpu.vector_store %arg11[%swap3A_1313], %add3A_1312 {strides = array<i32>} : memref<288xi32, #tpu.memory_space<vmem>>, vector<16xi32>,
      %mul3A_1315 = arith.constant 96 : i32
      %mul3A_1316 = arith.muli %add3A_1293, %mul3A_1315 : i32
      %add3A_1317 = arith.constant 0 : i32
      %add3A_1318 = vector.broadcast %add3A_1317 : i32 to vector<16xi32>
      %add3A_1319 = arith.addi %shift_right_logical3A_61, %add3A_1318 : vector<16xi32>
      %add3A_1320 = vector.broadcast %mul3A_1316 : i32 to vector<16xi32>
      %add3A_1321 = arith.addi %add3A_1320, %add3A_1319 : vector<16xi32>
      %gather3A_1322 = tpu.vector_load_idx %arg6[%add3A_1321] : memref<9408xi32, #tpu.memory_space<vmem>>[vector<16xi32>], vector<16xi32>,
      %gather3A_1323 = tpu.vector_load_idx %arg7[%add3A_1321] : memref<9408xi32, #tpu.memory_space<vmem>>[vector<16xi32>], vector<16xi32>,
      %mul3A_1324 = arith.constant 3 : i32
      %mul3A_1325 = vector.broadcast %mul3A_1324 : i32 to vector<16xi32>
      %mul3A_1326 = arith.muli %gather3A_1322, %mul3A_1325 : vector<16xi32>
      %add3A_1327 = arith.addi %mul3A_1326, %sub3A_65 : vector<16xi32>
      %swap3A_1328 = arith.constant 16 : index
      %swap3A_1329 = tpu.vector_load %arg10[%swap3A_1328] {strides = array<i32>} : memref<288xi32, #tpu.memory_space<vmem>>, vector<16xi32>,
      tpu.vector_store %arg10[%swap3A_1328], %add3A_1327 {strides = array<i32>} : memref<288xi32, #tpu.memory_space<vmem>>, vector<16xi32>,
      %mul3A_1330 = arith.constant 3 : i32
      %mul3A_1331 = vector.broadcast %mul3A_1330 : i32 to vector<16xi32>
      %mul3A_1332 = arith.muli %gather3A_1323, %mul3A_1331 : vector<16xi32>
      %add3A_1333 = arith.addi %mul3A_1332, %sub3A_65 : vector<16xi32>
      %swap3A_1334 = arith.constant 16 : index
      %swap3A_1335 = tpu.vector_load %arg11[%swap3A_1334] {strides = array<i32>} : memref<288xi32, #tpu.memory_space<vmem>>, vector<16xi32>,
      tpu.vector_store %arg11[%swap3A_1334], %add3A_1333 {strides = array<i32>} : memref<288xi32, #tpu.memory_space<vmem>>, vector<16xi32>,
      %mul3A_1336 = arith.constant 96 : i32
      %mul3A_1337 = arith.muli %add3A_1293, %mul3A_1336 : i32
      %add3A_1338 = arith.constant 0 : i32
      %add3A_1339 = vector.broadcast %add3A_1338 : i32 to vector<16xi32>
      %add3A_1340 = arith.addi %shift_right_logical3A_74, %add3A_1339 : vector<16xi32>
      %add3A_1341 = vector.broadcast %mul3A_1337 : i32 to vector<16xi32>
      %add3A_1342 = arith.addi %add3A_1341, %add3A_1340 : vector<16xi32>
      %gather3A_1343 = tpu.vector_load_idx %arg6[%add3A_1342] : memref<9408xi32, #tpu.memory_space<vmem>>[vector<16xi32>], vector<16xi32>,
      %gather3A_1344 = tpu.vector_load_idx %arg7[%add3A_1342] : memref<9408xi32, #tpu.memory_space<vmem>>[vector<16xi32>], vector<16xi32>,
      %mul3A_1345 = arith.constant 3 : i32
      %mul3A_1346 = vector.broadcast %mul3A_1345 : i32 to vector<16xi32>
      %mul3A_1347 = arith.muli %gather3A_1343, %mul3A_1346 : vector<16xi32>
      %add3A_1348 = arith.addi %mul3A_1347, %sub3A_78 : vector<16xi32>
      %swap3A_1349 = arith.constant 32 : index
      %swap3A_1350 = tpu.vector_load %arg10[%swap3A_1349] {strides = array<i32>} : memref<288xi32, #tpu.memory_space<vmem>>, vector<16xi32>,
      tpu.vector_store %arg10[%swap3A_1349], %add3A_1348 {strides = array<i32>} : memref<288xi32, #tpu.memory_space<vmem>>, vector<16xi32>,
      %mul3A_1351 = arith.constant 3 : i32
      %mul3A_1352 = vector.broadcast %mul3A_1351 : i32 to vector<16xi32>
      %mul3A_1353 = arith.muli %gather3A_1344, %mul3A_1352 : vector<16xi32>
      %add3A_1354 = arith.addi %mul3A_1353, %sub3A_78 : vector<16xi32>
      %swap3A_1355 = arith.constant 32 : index
      %swap3A_1356 = tpu.vector_load %arg11[%swap3A_1355] {strides = array<i32>} : memref<288xi32, #tpu.memory_space<vmem>>, vector<16xi32>,
      tpu.vector_store %arg11[%swap3A_1355], %add3A_1354 {strides = array<i32>} : memref<288xi32, #tpu.memory_space<vmem>>, vector<16xi32>,
      %mul3A_1357 = arith.constant 96 : i32
      %mul3A_1358 = arith.muli %add3A_1293, %mul3A_1357 : i32
      %add3A_1359 = arith.constant 16 : i32
      %add3A_1360 = vector.broadcast %add3A_1359 : i32 to vector<16xi32>
      %add3A_1361 = arith.addi %shift_right_logical3A_48, %add3A_1360 : vector<16xi32>
      %add3A_1362 = vector.broadcast %mul3A_1358 : i32 to vector<16xi32>
      %add3A_1363 = arith.addi %add3A_1362, %add3A_1361 : vector<16xi32>
      %gather3A_1364 = tpu.vector_load_idx %arg6[%add3A_1363] : memref<9408xi32, #tpu.memory_space<vmem>>[vector<16xi32>], vector<16xi32>,
      %gather3A_1365 = tpu.vector_load_idx %arg7[%add3A_1363] : memref<9408xi32, #tpu.memory_space<vmem>>[vector<16xi32>], vector<16xi32>,
      %mul3A_1366 = arith.constant 3 : i32
      %mul3A_1367 = vector.broadcast %mul3A_1366 : i32 to vector<16xi32>
      %mul3A_1368 = arith.muli %gather3A_1364, %mul3A_1367 : vector<16xi32>
      %add3A_1369 = arith.addi %mul3A_1368, %sub3A_52 : vector<16xi32>
      %swap3A_1370 = arith.constant 48 : index
      %swap3A_1371 = tpu.vector_load %arg10[%swap3A_1370] {strides = array<i32>} : memref<288xi32, #tpu.memory_space<vmem>>, vector<16xi32>,
      tpu.vector_store %arg10[%swap3A_1370], %add3A_1369 {strides = array<i32>} : memref<288xi32, #tpu.memory_space<vmem>>, vector<16xi32>,
      %mul3A_1372 = arith.constant 3 : i32
      %mul3A_1373 = vector.broadcast %mul3A_1372 : i32 to vector<16xi32>
      %mul3A_1374 = arith.muli %gather3A_1365, %mul3A_1373 : vector<16xi32>
      %add3A_1375 = arith.addi %mul3A_1374, %sub3A_52 : vector<16xi32>
      %swap3A_1376 = arith.constant 48 : index
      %swap3A_1377 = tpu.vector_load %arg11[%swap3A_1376] {strides = array<i32>} : memref<288xi32, #tpu.memory_space<vmem>>, vector<16xi32>,
      tpu.vector_store %arg11[%swap3A_1376], %add3A_1375 {strides = array<i32>} : memref<288xi32, #tpu.memory_space<vmem>>, vector<16xi32>,
      %mul3A_1378 = arith.constant 96 : i32
      %mul3A_1379 = arith.muli %add3A_1293, %mul3A_1378 : i32
      %add3A_1380 = arith.constant 16 : i32
      %add3A_1381 = vector.broadcast %add3A_1380 : i32 to vector<16xi32>
      %add3A_1382 = arith.addi %shift_right_logical3A_61, %add3A_1381 : vector<16xi32>
      %add3A_1383 = vector.broadcast %mul3A_1379 : i32 to vector<16xi32>
      %add3A_1384 = arith.addi %add3A_1383, %add3A_1382 : vector<16xi32>
      %gather3A_1385 = tpu.vector_load_idx %arg6[%add3A_1384] : memref<9408xi32, #tpu.memory_space<vmem>>[vector<16xi32>], vector<16xi32>,
      %gather3A_1386 = tpu.vector_load_idx %arg7[%add3A_1384] : memref<9408xi32, #tpu.memory_space<vmem>>[vector<16xi32>], vector<16xi32>,
      %mul3A_1387 = arith.constant 3 : i32
      %mul3A_1388 = vector.broadcast %mul3A_1387 : i32 to vector<16xi32>
      %mul3A_1389 = arith.muli %gather3A_1385, %mul3A_1388 : vector<16xi32>
      %add3A_1390 = arith.addi %mul3A_1389, %sub3A_65 : vector<16xi32>
      %swap3A_1391 = arith.constant 64 : index
      %swap3A_1392 = tpu.vector_load %arg10[%swap3A_1391] {strides = array<i32>} : memref<288xi32, #tpu.memory_space<vmem>>, vector<16xi32>,
      tpu.vector_store %arg10[%swap3A_1391], %add3A_1390 {strides = array<i32>} : memref<288xi32, #tpu.memory_space<vmem>>, vector<16xi32>,
      %mul3A_1393 = arith.constant 3 : i32
      %mul3A_1394 = vector.broadcast %mul3A_1393 : i32 to vector<16xi32>
      %mul3A_1395 = arith.muli %gather3A_1386, %mul3A_1394 : vector<16xi32>
      %add3A_1396 = arith.addi %mul3A_1395, %sub3A_65 : vector<16xi32>
      %swap3A_1397 = arith.constant 64 : index
      %swap3A_1398 = tpu.vector_load %arg11[%swap3A_1397] {strides = array<i32>} : memref<288xi32, #tpu.memory_space<vmem>>, vector<16xi32>,
      tpu.vector_store %arg11[%swap3A_1397], %add3A_1396 {strides = array<i32>} : memref<288xi32, #tpu.memory_space<vmem>>, vector<16xi32>,
      %mul3A_1399 = arith.constant 96 : i32
      %mul3A_1400 = arith.muli %add3A_1293, %mul3A_1399 : i32
      %add3A_1401 = arith.constant 16 : i32
      %add3A_1402 = vector.broadcast %add3A_1401 : i32 to vector<16xi32>
      %add3A_1403 = arith.addi %shift_right_logical3A_74, %add3A_1402 : vector<16xi32>
      %add3A_1404 = vector.broadcast %mul3A_1400 : i32 to vector<16xi32>
      %add3A_1405 = arith.addi %add3A_1404, %add3A_1403 : vector<16xi32>
      %gather3A_1406 = tpu.vector_load_idx %arg6[%add3A_1405] : memref<9408xi32, #tpu.memory_space<vmem>>[vector<16xi32>], vector<16xi32>,
      %gather3A_1407 = tpu.vector_load_idx %arg7[%add3A_1405] : memref<9408xi32, #tpu.memory_space<vmem>>[vector<16xi32>], vector<16xi32>,
      %mul3A_1408 = arith.constant 3 : i32
      %mul3A_1409 = vector.broadcast %mul3A_1408 : i32 to vector<16xi32>
      %mul3A_1410 = arith.muli %gather3A_1406, %mul3A_1409 : vector<16xi32>
      %add3A_1411 = arith.addi %mul3A_1410, %sub3A_78 : vector<16xi32>
      %swap3A_1412 = arith.constant 80 : index
      %swap3A_1413 = tpu.vector_load %arg10[%swap3A_1412] {strides = array<i32>} : memref<288xi32, #tpu.memory_space<vmem>>, vector<16xi32>,
      tpu.vector_store %arg10[%swap3A_1412], %add3A_1411 {strides = array<i32>} : memref<288xi32, #tpu.memory_space<vmem>>, vector<16xi32>,
      %mul3A_1414 = arith.constant 3 : i32
      %mul3A_1415 = vector.broadcast %mul3A_1414 : i32 to vector<16xi32>
      %mul3A_1416 = arith.muli %gather3A_1407, %mul3A_1415 : vector<16xi32>
      %add3A_1417 = arith.addi %mul3A_1416, %sub3A_78 : vector<16xi32>
      %swap3A_1418 = arith.constant 80 : index
      %swap3A_1419 = tpu.vector_load %arg11[%swap3A_1418] {strides = array<i32>} : memref<288xi32, #tpu.memory_space<vmem>>, vector<16xi32>,
      tpu.vector_store %arg11[%swap3A_1418], %add3A_1417 {strides = array<i32>} : memref<288xi32, #tpu.memory_space<vmem>>, vector<16xi32>,
      %mul3A_1420 = arith.constant 96 : i32
      %mul3A_1421 = arith.muli %add3A_1293, %mul3A_1420 : i32
      %add3A_1422 = arith.constant 32 : i32
      %add3A_1423 = vector.broadcast %add3A_1422 : i32 to vector<16xi32>
      %add3A_1424 = arith.addi %shift_right_logical3A_48, %add3A_1423 : vector<16xi32>
      %add3A_1425 = vector.broadcast %mul3A_1421 : i32 to vector<16xi32>
      %add3A_1426 = arith.addi %add3A_1425, %add3A_1424 : vector<16xi32>
      %gather3A_1427 = tpu.vector_load_idx %arg6[%add3A_1426] : memref<9408xi32, #tpu.memory_space<vmem>>[vector<16xi32>], vector<16xi32>,
      %gather3A_1428 = tpu.vector_load_idx %arg7[%add3A_1426] : memref<9408xi32, #tpu.memory_space<vmem>>[vector<16xi32>], vector<16xi32>,
      %mul3A_1429 = arith.constant 3 : i32
      %mul3A_1430 = vector.broadcast %mul3A_1429 : i32 to vector<16xi32>
      %mul3A_1431 = arith.muli %gather3A_1427, %mul3A_1430 : vector<16xi32>
      %add3A_1432 = arith.addi %mul3A_1431, %sub3A_52 : vector<16xi32>
      %swap3A_1433 = arith.constant 96 : index
      %swap3A_1434 = tpu.vector_load %arg10[%swap3A_1433] {strides = array<i32>} : memref<288xi32, #tpu.memory_space<vmem>>, vector<16xi32>,
      tpu.vector_store %arg10[%swap3A_1433], %add3A_1432 {strides = array<i32>} : memref<288xi32, #tpu.memory_space<vmem>>, vector<16xi32>,
      %mul3A_1435 = arith.constant 3 : i32
      %mul3A_1436 = vector.broadcast %mul3A_1435 : i32 to vector<16xi32>
      %mul3A_1437 = arith.muli %gather3A_1428, %mul3A_1436 : vector<16xi32>
      %add3A_1438 = arith.addi %mul3A_1437, %sub3A_52 : vector<16xi32>
      %swap3A_1439 = arith.constant 96 : index
      %swap3A_1440 = tpu.vector_load %arg11[%swap3A_1439] {strides = array<i32>} : memref<288xi32, #tpu.memory_space<vmem>>, vector<16xi32>,
      tpu.vector_store %arg11[%swap3A_1439], %add3A_1438 {strides = array<i32>} : memref<288xi32, #tpu.memory_space<vmem>>, vector<16xi32>,
      %mul3A_1441 = arith.constant 96 : i32
      %mul3A_1442 = arith.muli %add3A_1293, %mul3A_1441 : i32
      %add3A_1443 = arith.constant 32 : i32
      %add3A_1444 = vector.broadcast %add3A_1443 : i32 to vector<16xi32>
      %add3A_1445 = arith.addi %shift_right_logical3A_61, %add3A_1444 : vector<16xi32>
      %add3A_1446 = vector.broadcast %mul3A_1442 : i32 to vector<16xi32>
      %add3A_1447 = arith.addi %add3A_1446, %add3A_1445 : vector<16xi32>
      %gather3A_1448 = tpu.vector_load_idx %arg6[%add3A_1447] : memref<9408xi32, #tpu.memory_space<vmem>>[vector<16xi32>], vector<16xi32>,
      %gather3A_1449 = tpu.vector_load_idx %arg7[%add3A_1447] : memref<9408xi32, #tpu.memory_space<vmem>>[vector<16xi32>], vector<16xi32>,
      %mul3A_1450 = arith.constant 3 : i32
      %mul3A_1451 = vector.broadcast %mul3A_1450 : i32 to vector<16xi32>
      %mul3A_1452 = arith.muli %gather3A_1448, %mul3A_1451 : vector<16xi32>
      %add3A_1453 = arith.addi %mul3A_1452, %sub3A_65 : vector<16xi32>
      %swap3A_1454 = arith.constant 112 : index
      %swap3A_1455 = tpu.vector_load %arg10[%swap3A_1454] {strides = array<i32>} : memref<288xi32, #tpu.memory_space<vmem>>, vector<16xi32>,
      tpu.vector_store %arg10[%swap3A_1454], %add3A_1453 {strides = array<i32>} : memref<288xi32, #tpu.memory_space<vmem>>, vector<16xi32>,
      %mul3A_1456 = arith.constant 3 : i32
      %mul3A_1457 = vector.broadcast %mul3A_1456 : i32 to vector<16xi32>
      %mul3A_1458 = arith.muli %gather3A_1449, %mul3A_1457 : vector<16xi32>
      %add3A_1459 = arith.addi %mul3A_1458, %sub3A_65 : vector<16xi32>
      %swap3A_1460 = arith.constant 112 : index
      %swap3A_1461 = tpu.vector_load %arg11[%swap3A_1460] {strides = array<i32>} : memref<288xi32, #tpu.memory_space<vmem>>, vector<16xi32>,
      tpu.vector_store %arg11[%swap3A_1460], %add3A_1459 {strides = array<i32>} : memref<288xi32, #tpu.memory_space<vmem>>, vector<16xi32>,
      %mul3A_1462 = arith.constant 96 : i32
      %mul3A_1463 = arith.muli %add3A_1293, %mul3A_1462 : i32
      %add3A_1464 = arith.constant 32 : i32
      %add3A_1465 = vector.broadcast %add3A_1464 : i32 to vector<16xi32>
      %add3A_1466 = arith.addi %shift_right_logical3A_74, %add3A_1465 : vector<16xi32>
      %add3A_1467 = vector.broadcast %mul3A_1463 : i32 to vector<16xi32>
      %add3A_1468 = arith.addi %add3A_1467, %add3A_1466 : vector<16xi32>
      %gather3A_1469 = tpu.vector_load_idx %arg6[%add3A_1468] : memref<9408xi32, #tpu.memory_space<vmem>>[vector<16xi32>], vector<16xi32>,
      %gather3A_1470 = tpu.vector_load_idx %arg7[%add3A_1468] : memref<9408xi32, #tpu.memory_space<vmem>>[vector<16xi32>], vector<16xi32>,
      %mul3A_1471 = arith.constant 3 : i32
      %mul3A_1472 = vector.broadcast %mul3A_1471 : i32 to vector<16xi32>
      %mul3A_1473 = arith.muli %gather3A_1469, %mul3A_1472 : vector<16xi32>
      %add3A_1474 = arith.addi %mul3A_1473, %sub3A_78 : vector<16xi32>
      %swap3A_1475 = arith.constant 128 : index
      %swap3A_1476 = tpu.vector_load %arg10[%swap3A_1475] {strides = array<i32>} : memref<288xi32, #tpu.memory_space<vmem>>, vector<16xi32>,
      tpu.vector_store %arg10[%swap3A_1475], %add3A_1474 {strides = array<i32>} : memref<288xi32, #tpu.memory_space<vmem>>, vector<16xi32>,
      %mul3A_1477 = arith.constant 3 : i32
      %mul3A_1478 = vector.broadcast %mul3A_1477 : i32 to vector<16xi32>
      %mul3A_1479 = arith.muli %gather3A_1470, %mul3A_1478 : vector<16xi32>
      %add3A_1480 = arith.addi %mul3A_1479, %sub3A_78 : vector<16xi32>
      %swap3A_1481 = arith.constant 128 : index
      %swap3A_1482 = tpu.vector_load %arg11[%swap3A_1481] {strides = array<i32>} : memref<288xi32, #tpu.memory_space<vmem>>, vector<16xi32>,
      tpu.vector_store %arg11[%swap3A_1481], %add3A_1480 {strides = array<i32>} : memref<288xi32, #tpu.memory_space<vmem>>, vector<16xi32>,
      %mul3A_1483 = arith.constant 96 : i32
      %mul3A_1484 = arith.muli %add3A_1293, %mul3A_1483 : i32
      %add3A_1485 = arith.constant 48 : i32
      %add3A_1486 = vector.broadcast %add3A_1485 : i32 to vector<16xi32>
      %add3A_1487 = arith.addi %shift_right_logical3A_48, %add3A_1486 : vector<16xi32>
      %add3A_1488 = vector.broadcast %mul3A_1484 : i32 to vector<16xi32>
      %add3A_1489 = arith.addi %add3A_1488, %add3A_1487 : vector<16xi32>
      %gather3A_1490 = tpu.vector_load_idx %arg6[%add3A_1489] : memref<9408xi32, #tpu.memory_space<vmem>>[vector<16xi32>], vector<16xi32>,
      %gather3A_1491 = tpu.vector_load_idx %arg7[%add3A_1489] : memref<9408xi32, #tpu.memory_space<vmem>>[vector<16xi32>], vector<16xi32>,
      %mul3A_1492 = arith.constant 3 : i32
      %mul3A_1493 = vector.broadcast %mul3A_1492 : i32 to vector<16xi32>
      %mul3A_1494 = arith.muli %gather3A_1490, %mul3A_1493 : vector<16xi32>
      %add3A_1495 = arith.addi %mul3A_1494, %sub3A_52 : vector<16xi32>
      %swap3A_1496 = arith.constant 144 : index
      %swap3A_1497 = tpu.vector_load %arg10[%swap3A_1496] {strides = array<i32>} : memref<288xi32, #tpu.memory_space<vmem>>, vector<16xi32>,
      tpu.vector_store %arg10[%swap3A_1496], %add3A_1495 {strides = array<i32>} : memref<288xi32, #tpu.memory_space<vmem>>, vector<16xi32>,
      %mul3A_1498 = arith.constant 3 : i32
      %mul3A_1499 = vector.broadcast %mul3A_1498 : i32 to vector<16xi32>
      %mul3A_1500 = arith.muli %gather3A_1491, %mul3A_1499 : vector<16xi32>
      %add3A_1501 = arith.addi %mul3A_1500, %sub3A_52 : vector<16xi32>
      %swap3A_1502 = arith.constant 144 : index
      %swap3A_1503 = tpu.vector_load %arg11[%swap3A_1502] {strides = array<i32>} : memref<288xi32, #tpu.memory_space<vmem>>, vector<16xi32>,
      tpu.vector_store %arg11[%swap3A_1502], %add3A_1501 {strides = array<i32>} : memref<288xi32, #tpu.memory_space<vmem>>, vector<16xi32>,
      %mul3A_1504 = arith.constant 96 : i32
      %mul3A_1505 = arith.muli %add3A_1293, %mul3A_1504 : i32
      %add3A_1506 = arith.constant 48 : i32
      %add3A_1507 = vector.broadcast %add3A_1506 : i32 to vector<16xi32>
      %add3A_1508 = arith.addi %shift_right_logical3A_61, %add3A_1507 : vector<16xi32>
      %add3A_1509 = vector.broadcast %mul3A_1505 : i32 to vector<16xi32>
      %add3A_1510 = arith.addi %add3A_1509, %add3A_1508 : vector<16xi32>
      %gather3A_1511 = tpu.vector_load_idx %arg6[%add3A_1510] : memref<9408xi32, #tpu.memory_space<vmem>>[vector<16xi32>], vector<16xi32>,
      %gather3A_1512 = tpu.vector_load_idx %arg7[%add3A_1510] : memref<9408xi32, #tpu.memory_space<vmem>>[vector<16xi32>], vector<16xi32>,
      %mul3A_1513 = arith.constant 3 : i32
      %mul3A_1514 = vector.broadcast %mul3A_1513 : i32 to vector<16xi32>
      %mul3A_1515 = arith.muli %gather3A_1511, %mul3A_1514 : vector<16xi32>
      %add3A_1516 = arith.addi %mul3A_1515, %sub3A_65 : vector<16xi32>
      %swap3A_1517 = arith.constant 160 : index
      %swap3A_1518 = tpu.vector_load %arg10[%swap3A_1517] {strides = array<i32>} : memref<288xi32, #tpu.memory_space<vmem>>, vector<16xi32>,
      tpu.vector_store %arg10[%swap3A_1517], %add3A_1516 {strides = array<i32>} : memref<288xi32, #tpu.memory_space<vmem>>, vector<16xi32>,
      %mul3A_1519 = arith.constant 3 : i32
      %mul3A_1520 = vector.broadcast %mul3A_1519 : i32 to vector<16xi32>
      %mul3A_1521 = arith.muli %gather3A_1512, %mul3A_1520 : vector<16xi32>
      %add3A_1522 = arith.addi %mul3A_1521, %sub3A_65 : vector<16xi32>
      %swap3A_1523 = arith.constant 160 : index
      %swap3A_1524 = tpu.vector_load %arg11[%swap3A_1523] {strides = array<i32>} : memref<288xi32, #tpu.memory_space<vmem>>, vector<16xi32>,
      tpu.vector_store %arg11[%swap3A_1523], %add3A_1522 {strides = array<i32>} : memref<288xi32, #tpu.memory_space<vmem>>, vector<16xi32>,
      %mul3A_1525 = arith.constant 96 : i32
      %mul3A_1526 = arith.muli %add3A_1293, %mul3A_1525 : i32
      %add3A_1527 = arith.constant 48 : i32
      %add3A_1528 = vector.broadcast %add3A_1527 : i32 to vector<16xi32>
      %add3A_1529 = arith.addi %shift_right_logical3A_74, %add3A_1528 : vector<16xi32>
      %add3A_1530 = vector.broadcast %mul3A_1526 : i32 to vector<16xi32>
      %add3A_1531 = arith.addi %add3A_1530, %add3A_1529 : vector<16xi32>
      %gather3A_1532 = tpu.vector_load_idx %arg6[%add3A_1531] : memref<9408xi32, #tpu.memory_space<vmem>>[vector<16xi32>], vector<16xi32>,
      %gather3A_1533 = tpu.vector_load_idx %arg7[%add3A_1531] : memref<9408xi32, #tpu.memory_space<vmem>>[vector<16xi32>], vector<16xi32>,
      %mul3A_1534 = arith.constant 3 : i32
      %mul3A_1535 = vector.broadcast %mul3A_1534 : i32 to vector<16xi32>
      %mul3A_1536 = arith.muli %gather3A_1532, %mul3A_1535 : vector<16xi32>
      %add3A_1537 = arith.addi %mul3A_1536, %sub3A_78 : vector<16xi32>
      %swap3A_1538 = arith.constant 176 : index
      %swap3A_1539 = tpu.vector_load %arg10[%swap3A_1538] {strides = array<i32>} : memref<288xi32, #tpu.memory_space<vmem>>, vector<16xi32>,
      tpu.vector_store %arg10[%swap3A_1538], %add3A_1537 {strides = array<i32>} : memref<288xi32, #tpu.memory_space<vmem>>, vector<16xi32>,
      %mul3A_1540 = arith.constant 3 : i32
      %mul3A_1541 = vector.broadcast %mul3A_1540 : i32 to vector<16xi32>
      %mul3A_1542 = arith.muli %gather3A_1533, %mul3A_1541 : vector<16xi32>
      %add3A_1543 = arith.addi %mul3A_1542, %sub3A_78 : vector<16xi32>
      %swap3A_1544 = arith.constant 176 : index
      %swap3A_1545 = tpu.vector_load %arg11[%swap3A_1544] {strides = array<i32>} : memref<288xi32, #tpu.memory_space<vmem>>, vector<16xi32>,
      tpu.vector_store %arg11[%swap3A_1544], %add3A_1543 {strides = array<i32>} : memref<288xi32, #tpu.memory_space<vmem>>, vector<16xi32>,
      %mul3A_1546 = arith.constant 96 : i32
      %mul3A_1547 = arith.muli %add3A_1293, %mul3A_1546 : i32
      %add3A_1548 = arith.constant 64 : i32
      %add3A_1549 = vector.broadcast %add3A_1548 : i32 to vector<16xi32>
      %add3A_1550 = arith.addi %shift_right_logical3A_48, %add3A_1549 : vector<16xi32>
      %add3A_1551 = vector.broadcast %mul3A_1547 : i32 to vector<16xi32>
      %add3A_1552 = arith.addi %add3A_1551, %add3A_1550 : vector<16xi32>
      %gather3A_1553 = tpu.vector_load_idx %arg6[%add3A_1552] : memref<9408xi32, #tpu.memory_space<vmem>>[vector<16xi32>], vector<16xi32>,
      %gather3A_1554 = tpu.vector_load_idx %arg7[%add3A_1552] : memref<9408xi32, #tpu.memory_space<vmem>>[vector<16xi32>], vector<16xi32>,
      %mul3A_1555 = arith.constant 3 : i32
      %mul3A_1556 = vector.broadcast %mul3A_1555 : i32 to vector<16xi32>
      %mul3A_1557 = arith.muli %gather3A_1553, %mul3A_1556 : vector<16xi32>
      %add3A_1558 = arith.addi %mul3A_1557, %sub3A_52 : vector<16xi32>
      %swap3A_1559 = arith.constant 192 : index
      %swap3A_1560 = tpu.vector_load %arg10[%swap3A_1559] {strides = array<i32>} : memref<288xi32, #tpu.memory_space<vmem>>, vector<16xi32>,
      tpu.vector_store %arg10[%swap3A_1559], %add3A_1558 {strides = array<i32>} : memref<288xi32, #tpu.memory_space<vmem>>, vector<16xi32>,
      %mul3A_1561 = arith.constant 3 : i32
      %mul3A_1562 = vector.broadcast %mul3A_1561 : i32 to vector<16xi32>
      %mul3A_1563 = arith.muli %gather3A_1554, %mul3A_1562 : vector<16xi32>
      %add3A_1564 = arith.addi %mul3A_1563, %sub3A_52 : vector<16xi32>
      %swap3A_1565 = arith.constant 192 : index
      %swap3A_1566 = tpu.vector_load %arg11[%swap3A_1565] {strides = array<i32>} : memref<288xi32, #tpu.memory_space<vmem>>, vector<16xi32>,
      tpu.vector_store %arg11[%swap3A_1565], %add3A_1564 {strides = array<i32>} : memref<288xi32, #tpu.memory_space<vmem>>, vector<16xi32>,
      %mul3A_1567 = arith.constant 96 : i32
      %mul3A_1568 = arith.muli %add3A_1293, %mul3A_1567 : i32
      %add3A_1569 = arith.constant 64 : i32
      %add3A_1570 = vector.broadcast %add3A_1569 : i32 to vector<16xi32>
      %add3A_1571 = arith.addi %shift_right_logical3A_61, %add3A_1570 : vector<16xi32>
      %add3A_1572 = vector.broadcast %mul3A_1568 : i32 to vector<16xi32>
      %add3A_1573 = arith.addi %add3A_1572, %add3A_1571 : vector<16xi32>
      %gather3A_1574 = tpu.vector_load_idx %arg6[%add3A_1573] : memref<9408xi32, #tpu.memory_space<vmem>>[vector<16xi32>], vector<16xi32>,
      %gather3A_1575 = tpu.vector_load_idx %arg7[%add3A_1573] : memref<9408xi32, #tpu.memory_space<vmem>>[vector<16xi32>], vector<16xi32>,
      %mul3A_1576 = arith.constant 3 : i32
      %mul3A_1577 = vector.broadcast %mul3A_1576 : i32 to vector<16xi32>
      %mul3A_1578 = arith.muli %gather3A_1574, %mul3A_1577 : vector<16xi32>
      %add3A_1579 = arith.addi %mul3A_1578, %sub3A_65 : vector<16xi32>
      %swap3A_1580 = arith.constant 208 : index
      %swap3A_1581 = tpu.vector_load %arg10[%swap3A_1580] {strides = array<i32>} : memref<288xi32, #tpu.memory_space<vmem>>, vector<16xi32>,
      tpu.vector_store %arg10[%swap3A_1580], %add3A_1579 {strides = array<i32>} : memref<288xi32, #tpu.memory_space<vmem>>, vector<16xi32>,
      %mul3A_1582 = arith.constant 3 : i32
      %mul3A_1583 = vector.broadcast %mul3A_1582 : i32 to vector<16xi32>
      %mul3A_1584 = arith.muli %gather3A_1575, %mul3A_1583 : vector<16xi32>
      %add3A_1585 = arith.addi %mul3A_1584, %sub3A_65 : vector<16xi32>
      %swap3A_1586 = arith.constant 208 : index
      %swap3A_1587 = tpu.vector_load %arg11[%swap3A_1586] {strides = array<i32>} : memref<288xi32, #tpu.memory_space<vmem>>, vector<16xi32>,
      tpu.vector_store %arg11[%swap3A_1586], %add3A_1585 {strides = array<i32>} : memref<288xi32, #tpu.memory_space<vmem>>, vector<16xi32>,
      %mul3A_1588 = arith.constant 96 : i32
      %mul3A_1589 = arith.muli %add3A_1293, %mul3A_1588 : i32
      %add3A_1590 = arith.constant 64 : i32
      %add3A_1591 = vector.broadcast %add3A_1590 : i32 to vector<16xi32>
      %add3A_1592 = arith.addi %shift_right_logical3A_74, %add3A_1591 : vector<16xi32>
      %add3A_1593 = vector.broadcast %mul3A_1589 : i32 to vector<16xi32>
      %add3A_1594 = arith.addi %add3A_1593, %add3A_1592 : vector<16xi32>
      %gather3A_1595 = tpu.vector_load_idx %arg6[%add3A_1594] : memref<9408xi32, #tpu.memory_space<vmem>>[vector<16xi32>], vector<16xi32>,
      %gather3A_1596 = tpu.vector_load_idx %arg7[%add3A_1594] : memref<9408xi32, #tpu.memory_space<vmem>>[vector<16xi32>], vector<16xi32>,
      %mul3A_1597 = arith.constant 3 : i32
      %mul3A_1598 = vector.broadcast %mul3A_1597 : i32 to vector<16xi32>
      %mul3A_1599 = arith.muli %gather3A_1595, %mul3A_1598 : vector<16xi32>
      %add3A_1600 = arith.addi %mul3A_1599, %sub3A_78 : vector<16xi32>
      %swap3A_1601 = arith.constant 224 : index
      %swap3A_1602 = tpu.vector_load %arg10[%swap3A_1601] {strides = array<i32>} : memref<288xi32, #tpu.memory_space<vmem>>, vector<16xi32>,
      tpu.vector_store %arg10[%swap3A_1601], %add3A_1600 {strides = array<i32>} : memref<288xi32, #tpu.memory_space<vmem>>, vector<16xi32>,
      %mul3A_1603 = arith.constant 3 : i32
      %mul3A_1604 = vector.broadcast %mul3A_1603 : i32 to vector<16xi32>
      %mul3A_1605 = arith.muli %gather3A_1596, %mul3A_1604 : vector<16xi32>
      %add3A_1606 = arith.addi %mul3A_1605, %sub3A_78 : vector<16xi32>
      %swap3A_1607 = arith.constant 224 : index
      %swap3A_1608 = tpu.vector_load %arg11[%swap3A_1607] {strides = array<i32>} : memref<288xi32, #tpu.memory_space<vmem>>, vector<16xi32>,
      tpu.vector_store %arg11[%swap3A_1607], %add3A_1606 {strides = array<i32>} : memref<288xi32, #tpu.memory_space<vmem>>, vector<16xi32>,
      %mul3A_1609 = arith.constant 96 : i32
      %mul3A_1610 = arith.muli %add3A_1293, %mul3A_1609 : i32
      %add3A_1611 = arith.constant 80 : i32
      %add3A_1612 = vector.broadcast %add3A_1611 : i32 to vector<16xi32>
      %add3A_1613 = arith.addi %shift_right_logical3A_48, %add3A_1612 : vector<16xi32>
      %add3A_1614 = vector.broadcast %mul3A_1610 : i32 to vector<16xi32>
      %add3A_1615 = arith.addi %add3A_1614, %add3A_1613 : vector<16xi32>
      %gather3A_1616 = tpu.vector_load_idx %arg6[%add3A_1615] : memref<9408xi32, #tpu.memory_space<vmem>>[vector<16xi32>], vector<16xi32>,
      %gather3A_1617 = tpu.vector_load_idx %arg7[%add3A_1615] : memref<9408xi32, #tpu.memory_space<vmem>>[vector<16xi32>], vector<16xi32>,
      %mul3A_1618 = arith.constant 3 : i32
      %mul3A_1619 = vector.broadcast %mul3A_1618 : i32 to vector<16xi32>
      %mul3A_1620 = arith.muli %gather3A_1616, %mul3A_1619 : vector<16xi32>
      %add3A_1621 = arith.addi %mul3A_1620, %sub3A_52 : vector<16xi32>
      %swap3A_1622 = arith.constant 240 : index
      %swap3A_1623 = tpu.vector_load %arg10[%swap3A_1622] {strides = array<i32>} : memref<288xi32, #tpu.memory_space<vmem>>, vector<16xi32>,
      tpu.vector_store %arg10[%swap3A_1622], %add3A_1621 {strides = array<i32>} : memref<288xi32, #tpu.memory_space<vmem>>, vector<16xi32>,
      %mul3A_1624 = arith.constant 3 : i32
      %mul3A_1625 = vector.broadcast %mul3A_1624 : i32 to vector<16xi32>
      %mul3A_1626 = arith.muli %gather3A_1617, %mul3A_1625 : vector<16xi32>
      %add3A_1627 = arith.addi %mul3A_1626, %sub3A_52 : vector<16xi32>
      %swap3A_1628 = arith.constant 240 : index
      %swap3A_1629 = tpu.vector_load %arg11[%swap3A_1628] {strides = array<i32>} : memref<288xi32, #tpu.memory_space<vmem>>, vector<16xi32>,
      tpu.vector_store %arg11[%swap3A_1628], %add3A_1627 {strides = array<i32>} : memref<288xi32, #tpu.memory_space<vmem>>, vector<16xi32>,
      %mul3A_1630 = arith.constant 96 : i32
      %mul3A_1631 = arith.muli %add3A_1293, %mul3A_1630 : i32
      %add3A_1632 = arith.constant 80 : i32
      %add3A_1633 = vector.broadcast %add3A_1632 : i32 to vector<16xi32>
      %add3A_1634 = arith.addi %shift_right_logical3A_61, %add3A_1633 : vector<16xi32>
      %add3A_1635 = vector.broadcast %mul3A_1631 : i32 to vector<16xi32>
      %add3A_1636 = arith.addi %add3A_1635, %add3A_1634 : vector<16xi32>
      %gather3A_1637 = tpu.vector_load_idx %arg6[%add3A_1636] : memref<9408xi32, #tpu.memory_space<vmem>>[vector<16xi32>], vector<16xi32>,
      %gather3A_1638 = tpu.vector_load_idx %arg7[%add3A_1636] : memref<9408xi32, #tpu.memory_space<vmem>>[vector<16xi32>], vector<16xi32>,
      %mul3A_1639 = arith.constant 3 : i32
      %mul3A_1640 = vector.broadcast %mul3A_1639 : i32 to vector<16xi32>
      %mul3A_1641 = arith.muli %gather3A_1637, %mul3A_1640 : vector<16xi32>
      %add3A_1642 = arith.addi %mul3A_1641, %sub3A_65 : vector<16xi32>
      %swap3A_1643 = arith.constant 256 : index
      %swap3A_1644 = tpu.vector_load %arg10[%swap3A_1643] {strides = array<i32>} : memref<288xi32, #tpu.memory_space<vmem>>, vector<16xi32>,
      tpu.vector_store %arg10[%swap3A_1643], %add3A_1642 {strides = array<i32>} : memref<288xi32, #tpu.memory_space<vmem>>, vector<16xi32>,
      %mul3A_1645 = arith.constant 3 : i32
      %mul3A_1646 = vector.broadcast %mul3A_1645 : i32 to vector<16xi32>
      %mul3A_1647 = arith.muli %gather3A_1638, %mul3A_1646 : vector<16xi32>
      %add3A_1648 = arith.addi %mul3A_1647, %sub3A_65 : vector<16xi32>
      %swap3A_1649 = arith.constant 256 : index
      %swap3A_1650 = tpu.vector_load %arg11[%swap3A_1649] {strides = array<i32>} : memref<288xi32, #tpu.memory_space<vmem>>, vector<16xi32>,
      tpu.vector_store %arg11[%swap3A_1649], %add3A_1648 {strides = array<i32>} : memref<288xi32, #tpu.memory_space<vmem>>, vector<16xi32>,
      %mul3A_1651 = arith.constant 96 : i32
      %mul3A_1652 = arith.muli %add3A_1293, %mul3A_1651 : i32
      %add3A_1653 = arith.constant 80 : i32
      %add3A_1654 = vector.broadcast %add3A_1653 : i32 to vector<16xi32>
      %add3A_1655 = arith.addi %shift_right_logical3A_74, %add3A_1654 : vector<16xi32>
      %add3A_1656 = vector.broadcast %mul3A_1652 : i32 to vector<16xi32>
      %add3A_1657 = arith.addi %add3A_1656, %add3A_1655 : vector<16xi32>
      %gather3A_1658 = tpu.vector_load_idx %arg6[%add3A_1657] : memref<9408xi32, #tpu.memory_space<vmem>>[vector<16xi32>], vector<16xi32>,
      %gather3A_1659 = tpu.vector_load_idx %arg7[%add3A_1657] : memref<9408xi32, #tpu.memory_space<vmem>>[vector<16xi32>], vector<16xi32>,
      %mul3A_1660 = arith.constant 3 : i32
      %mul3A_1661 = vector.broadcast %mul3A_1660 : i32 to vector<16xi32>
      %mul3A_1662 = arith.muli %gather3A_1658, %mul3A_1661 : vector<16xi32>
      %add3A_1663 = arith.addi %mul3A_1662, %sub3A_78 : vector<16xi32>
      %swap3A_1664 = arith.constant 272 : index
      %swap3A_1665 = tpu.vector_load %arg10[%swap3A_1664] {strides = array<i32>} : memref<288xi32, #tpu.memory_space<vmem>>, vector<16xi32>,
      tpu.vector_store %arg10[%swap3A_1664], %add3A_1663 {strides = array<i32>} : memref<288xi32, #tpu.memory_space<vmem>>, vector<16xi32>,
      %mul3A_1666 = arith.constant 3 : i32
      %mul3A_1667 = vector.broadcast %mul3A_1666 : i32 to vector<16xi32>
      %mul3A_1668 = arith.muli %gather3A_1659, %mul3A_1667 : vector<16xi32>
      %add3A_1669 = arith.addi %mul3A_1668, %sub3A_78 : vector<16xi32>
      %swap3A_1670 = arith.constant 272 : index
      %swap3A_1671 = tpu.vector_load %arg11[%swap3A_1670] {strides = array<i32>} : memref<288xi32, #tpu.memory_space<vmem>>, vector<16xi32>,
      tpu.vector_store %arg11[%swap3A_1670], %add3A_1669 {strides = array<i32>} : memref<288xi32, #tpu.memory_space<vmem>>, vector<16xi32>,
      %dma_start3A_1672 = arith.constant 0 : i32
      %dma_start3A_1673 = tpu.memref_slice %arg4[%dma_start3A_1672] : memref<300000xf32, #tpu.memory_space<hbm>> -> memref<300000xf32, #tpu.memory_space<hbm>>
      tpu.enqueue_indirect_dma source(%dma_start3A_1673 : memref<300000xf32, #tpu.memory_space<hbm>>) target(%arg13 : memref<288xf32, #tpu.memory_space<vmem>>) offsets(%arg10 : memref<288xi32, #tpu.memory_space<vmem>>) semaphore(%arg19 : memref<!tpu.dma_semaphore, #tpu.memory_space<semaphore_mem>>)
      %dma_start3A_1674 = arith.constant 0 : i32
      %dma_start3A_1675 = tpu.memref_slice %arg4[%dma_start3A_1674] : memref<300000xf32, #tpu.memory_space<hbm>> -> memref<300000xf32, #tpu.memory_space<hbm>>
      tpu.enqueue_indirect_dma source(%dma_start3A_1675 : memref<300000xf32, #tpu.memory_space<hbm>>) target(%arg15 : memref<288xf32, #tpu.memory_space<vmem>>) offsets(%arg11 : memref<288xi32, #tpu.memory_space<vmem>>) semaphore(%arg19 : memref<!tpu.dma_semaphore, #tpu.memory_space<semaphore_mem>>)
      %mul3A_1676 = arith.constant 288 : i32
      %mul3A_1677 = arith.muli %add3A_1279, %mul3A_1676 : i32
      %add3A_1678 = arith.addi %mul3A_40, %mul3A_1677 : i32
      %dma_start3A_1679 = arith.constant 0 : i32
      %dma_start3A_1680 = tpu.memref_slice %arg17[%dma_start3A_1679] : memref<288xf32, #tpu.memory_space<vmem>> -> memref<288xf32, #tpu.memory_space<vmem>>
      %dma_start3A_1681 = tpu.memref_slice %arg5[%add3A_1678] : memref<900000xf32, #tpu.memory_space<hbm>> -> memref<288xf32, #tpu.memory_space<hbm>>
      %dma_start3A_1682 = tpu.memref_slice %arg5[%add3A_1678] : memref<900000xf32, #tpu.memory_space<hbm>> -> memref<288xf32, #tpu.memory_space<hbm>>
      %dma_start3A_1683 = arith.constant 0 : i32
      %dma_start3A_1684 = tpu.memref_slice %arg17[%dma_start3A_1683] : memref<288xf32, #tpu.memory_space<vmem>> -> memref<288xf32, #tpu.memory_space<vmem>>
      tpu.enqueue_dma source(%dma_start3A_1684 : memref<288xf32, #tpu.memory_space<vmem>>) target(%dma_start3A_1682 : memref<288xf32, #tpu.memory_space<hbm>>) target_semaphore(%arg21 : memref<!tpu.dma_semaphore, #tpu.memory_space<semaphore_mem>>)
    }
    %scan3A_808 = arith.constant 48 : i32
    %dma_wait3A = arith.constant 0 : i32
    %dma_wait3A_809 = tpu.memref_slice %arg4[%dma_wait3A] : memref<300000xf32, #tpu.memory_space<hbm>> -> memref<300000xf32, #tpu.memory_space<hbm>>
    tpu.wait_indirect_dma semaphore(%arg18 : memref<!tpu.dma_semaphore, #tpu.memory_space<semaphore_mem>>) src(%dma_wait3A_809 : memref<300000xf32, #tpu.memory_space<hbm>>) dst(%arg12 : memref<288xf32, #tpu.memory_space<vmem>>)
    %dma_wait3A_810 = arith.constant 0 : i32
    %dma_wait3A_811 = tpu.memref_slice %arg4[%dma_wait3A_810] : memref<300000xf32, #tpu.memory_space<hbm>> -> memref<300000xf32, #tpu.memory_space<hbm>>
    tpu.wait_indirect_dma semaphore(%arg18 : memref<!tpu.dma_semaphore, #tpu.memory_space<semaphore_mem>>) src(%dma_wait3A_811 : memref<300000xf32, #tpu.memory_space<hbm>>) dst(%arg14 : memref<288xf32, #tpu.memory_space<vmem>>)
    %dma_wait3A_812 = arith.constant 0 : i32
    %dma_wait3A_813 = tpu.memref_slice %arg16[%dma_wait3A_812] : memref<288xf32, #tpu.memory_space<vmem>> -> memref<288xf32, #tpu.memory_space<vmem>>
    %dma_wait3A_814 = arith.constant 0 : i32
    %dma_wait3A_815 = tpu.memref_slice %arg5[%dma_wait3A_814] : memref<900000xf32, #tpu.memory_space<hbm>> -> memref<288xf32, #tpu.memory_space<hbm>>
    %dma_wait3A_816 = arith.constant 0 : i32
    %dma_wait3A_817 = tpu.memref_slice %arg5[%dma_wait3A_816] : memref<900000xf32, #tpu.memory_space<hbm>> -> memref<288xf32, #tpu.memory_space<hbm>>
    %dma_wait3A_818 = arith.constant 0 : i32
    %dma_wait3A_819 = tpu.memref_slice %arg16[%dma_wait3A_818] : memref<288xf32, #tpu.memory_space<vmem>> -> memref<288xf32, #tpu.memory_space<vmem>>
    tpu.wait_dma2 semaphore(%arg20 : memref<!tpu.dma_semaphore, #tpu.memory_space<semaphore_mem>>) src(%dma_wait3A_819 : memref<288xf32, #tpu.memory_space<vmem>>) dst(%dma_wait3A_817 : memref<288xf32, #tpu.memory_space<hbm>>)
    %parallel_loop3A = arith.constant 0 : i32
    %parallel_loop3A_820 = arith.constant 18 : i32
    %parallel_loop3A_821 = arith.constant 1 : i32
    scf.for %parallel_loop3A_869 = %parallel_loop3A to %parallel_loop3A_820 step %parallel_loop3A_821  : i32 {
      %parallel_loop3A_870 = arith.constant 16 : i32
      %parallel_loop3A_871 = arith.muli %parallel_loop3A_869, %parallel_loop3A_870 : i32
      %parallel_loop3A_872 = arith.index_cast %parallel_loop3A_871 : i32 to index
      %parallel_loop3A_873 = tpu.vector_load %arg12[%parallel_loop3A_872] {strides = array<i32>} : memref<288xf32, #tpu.memory_space<vmem>>, vector<16xf32>,
      %parallel_loop3A_874 = arith.constant 16 : i32
      %parallel_loop3A_875 = arith.muli %parallel_loop3A_869, %parallel_loop3A_874 : i32
      %parallel_loop3A_876 = arith.index_cast %parallel_loop3A_875 : i32 to index
      %parallel_loop3A_877 = tpu.vector_load %arg14[%parallel_loop3A_876] {strides = array<i32>} : memref<288xf32, #tpu.memory_space<vmem>>, vector<16xf32>,
      %parallel_loop3A_878 = arith.addf %parallel_loop3A_873, %parallel_loop3A_877 : vector<16xf32>
      %parallel_loop3A_879 = arith.constant 5.000000e-01 : f32
      %parallel_loop3A_880 = vector.broadcast %parallel_loop3A_879 : f32 to vector<16xf32>
      %parallel_loop3A_881 = arith.mulf %parallel_loop3A_878, %parallel_loop3A_880 : vector<16xf32>
      %parallel_loop3A_882 = arith.constant 16 : i32
      %parallel_loop3A_883 = arith.muli %parallel_loop3A_869, %parallel_loop3A_882 : i32
      %parallel_loop3A_884 = arith.index_cast %parallel_loop3A_883 : i32 to index
      %parallel_loop3A_885 = tpu.vector_load %arg16[%parallel_loop3A_884] {strides = array<i32>} : memref<288xf32, #tpu.memory_space<vmem>>, vector<16xf32>,
      tpu.vector_store %arg16[%parallel_loop3A_884], %parallel_loop3A_881 {strides = array<i32>} : memref<288xf32, #tpu.memory_space<vmem>>, vector<16xf32>,
    } {sc.loop_unroll_factor = 2 : i64, sc.parallel_access}
    %add3A_822 = arith.constant 27648 : i32
    %add3A_823 = arith.addi %mul3A_40, %add3A_822 : i32
    %dma_start3A_824 = arith.constant 0 : i32
    %dma_start3A_825 = tpu.memref_slice %arg16[%dma_start3A_824] : memref<288xf32, #tpu.memory_space<vmem>> -> memref<288xf32, #tpu.memory_space<vmem>>
    %dma_start3A_826 = tpu.memref_slice %arg5[%add3A_823] : memref<900000xf32, #tpu.memory_space<hbm>> -> memref<288xf32, #tpu.memory_space<hbm>>
    %dma_start3A_827 = tpu.memref_slice %arg5[%add3A_823] : memref<900000xf32, #tpu.memory_space<hbm>> -> memref<288xf32, #tpu.memory_space<hbm>>
    %dma_start3A_828 = arith.constant 0 : i32
    %dma_start3A_829 = tpu.memref_slice %arg16[%dma_start3A_828] : memref<288xf32, #tpu.memory_space<vmem>> -> memref<288xf32, #tpu.memory_space<vmem>>
    tpu.enqueue_dma source(%dma_start3A_829 : memref<288xf32, #tpu.memory_space<vmem>>) target(%dma_start3A_827 : memref<288xf32, #tpu.memory_space<hbm>>) target_semaphore(%arg20 : memref<!tpu.dma_semaphore, #tpu.memory_space<semaphore_mem>>)
    %dma_wait3A_830 = arith.constant 0 : i32
    %dma_wait3A_831 = tpu.memref_slice %arg4[%dma_wait3A_830] : memref<300000xf32, #tpu.memory_space<hbm>> -> memref<300000xf32, #tpu.memory_space<hbm>>
    tpu.wait_indirect_dma semaphore(%arg19 : memref<!tpu.dma_semaphore, #tpu.memory_space<semaphore_mem>>) src(%dma_wait3A_831 : memref<300000xf32, #tpu.memory_space<hbm>>) dst(%arg13 : memref<288xf32, #tpu.memory_space<vmem>>)
    %dma_wait3A_832 = arith.constant 0 : i32
    %dma_wait3A_833 = tpu.memref_slice %arg4[%dma_wait3A_832] : memref<300000xf32, #tpu.memory_space<hbm>> -> memref<300000xf32, #tpu.memory_space<hbm>>
    tpu.wait_indirect_dma semaphore(%arg19 : memref<!tpu.dma_semaphore, #tpu.memory_space<semaphore_mem>>) src(%dma_wait3A_833 : memref<300000xf32, #tpu.memory_space<hbm>>) dst(%arg15 : memref<288xf32, #tpu.memory_space<vmem>>)
    %dma_wait3A_834 = arith.constant 0 : i32
    %dma_wait3A_835 = tpu.memref_slice %arg17[%dma_wait3A_834] : memref<288xf32, #tpu.memory_space<vmem>> -> memref<288xf32, #tpu.memory_space<vmem>>
    %dma_wait3A_836 = arith.constant 0 : i32
    %dma_wait3A_837 = tpu.memref_slice %arg5[%dma_wait3A_836] : memref<900000xf32, #tpu.memory_space<hbm>> -> memref<288xf32, #tpu.memory_space<hbm>>
    %dma_wait3A_838 = arith.constant 0 : i32
    %dma_wait3A_839 = tpu.memref_slice %arg5[%dma_wait3A_838] : memref<900000xf32, #tpu.memory_space<hbm>> -> memref<288xf32, #tpu.memory_space<hbm>>
    %dma_wait3A_840 = arith.constant 0 : i32
    %dma_wait3A_841 = tpu.memref_slice %arg17[%dma_wait3A_840] : memref<288xf32, #tpu.memory_space<vmem>> -> memref<288xf32, #tpu.memory_space<vmem>>
    tpu.wait_dma2 semaphore(%arg21 : memref<!tpu.dma_semaphore, #tpu.memory_space<semaphore_mem>>) src(%dma_wait3A_841 : memref<288xf32, #tpu.memory_space<vmem>>) dst(%dma_wait3A_839 : memref<288xf32, #tpu.memory_space<hbm>>)
    %parallel_loop3A_842 = arith.constant 0 : i32
    %parallel_loop3A_843 = arith.constant 18 : i32
    %parallel_loop3A_844 = arith.constant 1 : i32
    scf.for %parallel_loop3A_869 = %parallel_loop3A_842 to %parallel_loop3A_843 step %parallel_loop3A_844  : i32 {
      %parallel_loop3A_870 = arith.constant 16 : i32
      %parallel_loop3A_871 = arith.muli %parallel_loop3A_869, %parallel_loop3A_870 : i32
      %parallel_loop3A_872 = arith.index_cast %parallel_loop3A_871 : i32 to index
      %parallel_loop3A_873 = tpu.vector_load %arg13[%parallel_loop3A_872] {strides = array<i32>} : memref<288xf32, #tpu.memory_space<vmem>>, vector<16xf32>,
      %parallel_loop3A_874 = arith.constant 16 : i32
      %parallel_loop3A_875 = arith.muli %parallel_loop3A_869, %parallel_loop3A_874 : i32
      %parallel_loop3A_876 = arith.index_cast %parallel_loop3A_875 : i32 to index
      %parallel_loop3A_877 = tpu.vector_load %arg15[%parallel_loop3A_876] {strides = array<i32>} : memref<288xf32, #tpu.memory_space<vmem>>, vector<16xf32>,
      %parallel_loop3A_878 = arith.addf %parallel_loop3A_873, %parallel_loop3A_877 : vector<16xf32>
      %parallel_loop3A_879 = arith.constant 5.000000e-01 : f32
      %parallel_loop3A_880 = vector.broadcast %parallel_loop3A_879 : f32 to vector<16xf32>
      %parallel_loop3A_881 = arith.mulf %parallel_loop3A_878, %parallel_loop3A_880 : vector<16xf32>
      %parallel_loop3A_882 = arith.constant 16 : i32
      %parallel_loop3A_883 = arith.muli %parallel_loop3A_869, %parallel_loop3A_882 : i32
      %parallel_loop3A_884 = arith.index_cast %parallel_loop3A_883 : i32 to index
      %parallel_loop3A_885 = tpu.vector_load %arg17[%parallel_loop3A_884] {strides = array<i32>} : memref<288xf32, #tpu.memory_space<vmem>>, vector<16xf32>,
      tpu.vector_store %arg17[%parallel_loop3A_884], %parallel_loop3A_881 {strides = array<i32>} : memref<288xf32, #tpu.memory_space<vmem>>, vector<16xf32>,
    } {sc.loop_unroll_factor = 2 : i64, sc.parallel_access}
    %add3A_845 = arith.constant 27936 : i32
    %add3A_846 = arith.addi %mul3A_40, %add3A_845 : i32
    %dma_start3A_847 = arith.constant 0 : i32
    %dma_start3A_848 = tpu.memref_slice %arg17[%dma_start3A_847] : memref<288xf32, #tpu.memory_space<vmem>> -> memref<192xf32, #tpu.memory_space<vmem>>
    %dma_start3A_849 = tpu.memref_slice %arg5[%add3A_846] : memref<900000xf32, #tpu.memory_space<hbm>> -> memref<192xf32, #tpu.memory_space<hbm>>
    %dma_start3A_850 = tpu.memref_slice %arg5[%add3A_846] : memref<900000xf32, #tpu.memory_space<hbm>> -> memref<192xf32, #tpu.memory_space<hbm>>
    %dma_start3A_851 = arith.constant 0 : i32
    %dma_start3A_852 = tpu.memref_slice %arg17[%dma_start3A_851] : memref<288xf32, #tpu.memory_space<vmem>> -> memref<192xf32, #tpu.memory_space<vmem>>
    tpu.enqueue_dma source(%dma_start3A_852 : memref<192xf32, #tpu.memory_space<vmem>>) target(%dma_start3A_850 : memref<192xf32, #tpu.memory_space<hbm>>) target_semaphore(%arg21 : memref<!tpu.dma_semaphore, #tpu.memory_space<semaphore_mem>>)
    %dma_wait3A_853 = arith.constant 0 : i32
    %dma_wait3A_854 = tpu.memref_slice %arg16[%dma_wait3A_853] : memref<288xf32, #tpu.memory_space<vmem>> -> memref<288xf32, #tpu.memory_space<vmem>>
    %dma_wait3A_855 = arith.constant 0 : i32
    %dma_wait3A_856 = tpu.memref_slice %arg5[%dma_wait3A_855] : memref<900000xf32, #tpu.memory_space<hbm>> -> memref<288xf32, #tpu.memory_space<hbm>>
    %dma_wait3A_857 = arith.constant 0 : i32
    %dma_wait3A_858 = tpu.memref_slice %arg5[%dma_wait3A_857] : memref<900000xf32, #tpu.memory_space<hbm>> -> memref<288xf32, #tpu.memory_space<hbm>>
    %dma_wait3A_859 = arith.constant 0 : i32
    %dma_wait3A_860 = tpu.memref_slice %arg16[%dma_wait3A_859] : memref<288xf32, #tpu.memory_space<vmem>> -> memref<288xf32, #tpu.memory_space<vmem>>
    tpu.wait_dma2 semaphore(%arg20 : memref<!tpu.dma_semaphore, #tpu.memory_space<semaphore_mem>>) src(%dma_wait3A_860 : memref<288xf32, #tpu.memory_space<vmem>>) dst(%dma_wait3A_858 : memref<288xf32, #tpu.memory_space<hbm>>)
    %dma_wait3A_861 = arith.constant 0 : i32
    %dma_wait3A_862 = tpu.memref_slice %arg17[%dma_wait3A_861] : memref<288xf32, #tpu.memory_space<vmem>> -> memref<192xf32, #tpu.memory_space<vmem>>
    %dma_wait3A_863 = arith.constant 0 : i32
    %dma_wait3A_864 = tpu.memref_slice %arg5[%dma_wait3A_863] : memref<900000xf32, #tpu.memory_space<hbm>> -> memref<192xf32, #tpu.memory_space<hbm>>
    %dma_wait3A_865 = arith.constant 0 : i32
    %dma_wait3A_866 = tpu.memref_slice %arg5[%dma_wait3A_865] : memref<900000xf32, #tpu.memory_space<hbm>> -> memref<192xf32, #tpu.memory_space<hbm>>
    %dma_wait3A_867 = arith.constant 0 : i32
    %dma_wait3A_868 = tpu.memref_slice %arg17[%dma_wait3A_867] : memref<288xf32, #tpu.memory_space<vmem>> -> memref<192xf32, #tpu.memory_space<vmem>>
    tpu.wait_dma2 semaphore(%arg21 : memref<!tpu.dma_semaphore, #tpu.memory_space<semaphore_mem>>) src(%dma_wait3A_868 : memref<192xf32, #tpu.memory_space<vmem>>) dst(%dma_wait3A_866 : memref<192xf32, #tpu.memory_space<hbm>>)
    return
  }
}

#map = affine_map<(d0, d1) -> (0)>
#map1 = affine_map<(d0, d1) -> (0, 0)>
module attributes {stable_mosaic.version = 14 : i64} {
  func.func @_run(%arg0: i32, %arg1: i32, %arg2: memref<301056xi32, #tpu.memory_space<hbm>>, %arg3: memref<301056xi32, #tpu.memory_space<hbm>>, %arg4: memref<100000x128xf32, #tpu.memory_space<hbm>>, %arg5: memref<400000x128xf32, #tpu.memory_space<hbm>>, %arg6: memref<9408xi32, #tpu.memory_space<vmem>>, %arg7: memref<9408xi32, #tpu.memory_space<vmem>>, %arg8: memref<96x128xf32, #tpu.memory_space<vmem>>, %arg9: memref<96x128xf32, #tpu.memory_space<vmem>>, %arg10: memref<96x128xf32, #tpu.memory_space<vmem>>, %arg11: memref<96x128xf32, #tpu.memory_space<vmem>>, %arg12: memref<96x128xf32, #tpu.memory_space<vmem>>, %arg13: memref<96x128xf32, #tpu.memory_space<vmem>>, %arg14: memref<!tpu.dma_semaphore, #tpu.memory_space<semaphore_mem>>, %arg15: memref<!tpu.dma_semaphore, #tpu.memory_space<semaphore_mem>>, %arg16: memref<!tpu.dma_semaphore, #tpu.memory_space<semaphore_mem>>, %arg17: memref<!tpu.dma_semaphore, #tpu.memory_space<semaphore_mem>>, %arg18: memref<!tpu.dma_semaphore, #tpu.memory_space<semaphore_mem>>, %arg19: memref<!tpu.dma_semaphore, #tpu.memory_space<semaphore_mem>>, %arg20: memref<!tpu.dma_semaphore, #tpu.memory_space<semaphore_mem>>, %arg21: memref<!tpu.dma_semaphore, #tpu.memory_space<semaphore_mem>>) attributes {dimension_semantics = [#tpu.dimension_semantics<core_parallel>, #tpu.dimension_semantics<subcore_parallel>], iteration_bounds = array<i64: 2, 16>, scalar_prefetch = 0 : i64, scratch_operands = 16 : i64, tpu.core_type = #tpu.core_type<sc_vector_subcore>, window_params = [{transform_indices = #map}, {transform_indices = #map}, {transform_indices = #map1}, {transform_indices = #map1}]} {
    %mul3A = arith.constant 2 : i32
    %mul3A_0 = arith.muli %arg1, %mul3A : i32
    %add3A = arith.addi %mul3A_0, %arg0 : i32
    %jit3A = arith.constant 16 : i32
    %div3A = arith.divsi %add3A, %jit3A : i32
    %sign3A = arith.constant 0 : i32
    %sign3A_1 = arith.cmpi sgt, %add3A, %sign3A : i32
    %sign3A_2 = arith.extui %sign3A_1 : i1 to i32
    %sign3A_3 = arith.constant 0 : i32
    %sign3A_4 = arith.cmpi slt, %add3A, %sign3A_3 : i32
    %sign3A_5 = arith.extui %sign3A_4 : i1 to i32
    %sign3A_6 = arith.subi %sign3A_2, %sign3A_5 : i32
    %sign3A_7 = arith.constant 0 : i32
    %sign3A_8 = arith.cmpi sgt, %jit3A, %sign3A_7 : i32
    %sign3A_9 = arith.extui %sign3A_8 : i1 to i32
    %sign3A_10 = arith.constant 0 : i32
    %sign3A_11 = arith.cmpi slt, %jit3A, %sign3A_10 : i32
    %sign3A_12 = arith.extui %sign3A_11 : i1 to i32
    %sign3A_13 = arith.subi %sign3A_9, %sign3A_12 : i32
    %ne3A = arith.cmpi ne, %sign3A_6, %sign3A_13 : i32
    %rem3A = arith.remsi %add3A, %jit3A : i32
    %ne3A_14 = arith.constant 0 : i32
    %ne3A_15 = arith.cmpi ne, %rem3A, %ne3A_14 : i32
    %and3A = arith.andi %ne3A, %ne3A_15 : i1
    %sub3A = arith.constant 1 : i32
    %sub3A_16 = arith.subi %div3A, %sub3A : i32
    %select_n3A = arith.select %and3A, %sub3A_16, %div3A : i32
    %jit3A_17 = arith.constant 16 : i32
    %eq3A = arith.constant 0 : i32
    %eq3A_18 = arith.cmpi eq, %jit3A_17, %eq3A : i32
    %jit3A_19 = arith.constant 1 : i32
    %select_n3A_20 = arith.select %eq3A_18, %jit3A_19, %jit3A_17 : i32
    %rem3A_21 = arith.remsi %add3A, %select_n3A_20 : i32
    %ne3A_22 = arith.constant 0 : i32
    %ne3A_23 = arith.cmpi ne, %rem3A_21, %ne3A_22 : i32
    %lt3A = arith.constant 0 : i32
    %lt3A_24 = arith.cmpi slt, %rem3A_21, %lt3A : i32
    %lt3A_25 = arith.constant 0 : i32
    %lt3A_26 = arith.cmpi slt, %select_n3A_20, %lt3A_25 : i32
    %ne3A_27 = arith.xori %lt3A_24, %lt3A_26 : i1
    %and3A_28 = arith.andi %ne3A_27, %ne3A_23 : i1
    %add3A_29 = arith.addi %rem3A_21, %select_n3A_20 : i32
    %select_n3A_30 = arith.select %and3A_28, %add3A_29, %rem3A_21 : i32
    %mul3A_31 = arith.constant 9408 : i32
    %mul3A_32 = arith.muli %add3A, %mul3A_31 : i32
    %mul3A_33 = arith.constant 9376 : i32
    %mul3A_34 = arith.muli %select_n3A_30, %mul3A_33 : i32
    %min3A = arith.constant 140624 : i32
    %min3A_35 = arith.minsi %mul3A_34, %min3A : i32
    %mul3A_36 = arith.constant 200000 : i32
    %mul3A_37 = arith.muli %select_n3A, %mul3A_36 : i32
    %add3A_38 = arith.constant 50000 : i32
    %add3A_39 = arith.addi %mul3A_37, %add3A_38 : i32
    %add3A_40 = arith.addi %add3A_39, %min3A_35 : i32
    %mul3A_41 = arith.constant 3128 : i32
    %mul3A_42 = arith.muli %select_n3A_30, %mul3A_41 : i32
    %min3A_43 = arith.constant 46872 : i32
    %min3A_44 = arith.minsi %mul3A_42, %min3A_43 : i32
    %mul3A_45 = arith.constant 50000 : i32
    %mul3A_46 = arith.muli %select_n3A, %mul3A_45 : i32
    %add3A_47 = arith.addi %mul3A_46, %min3A_44 : i32
    %mul3A_48 = arith.constant 200000 : i32
    %mul3A_49 = arith.muli %select_n3A, %mul3A_48 : i32
    %add3A_50 = arith.addi %mul3A_49, %min3A_44 : i32
    "tpu.region"() ({
      %run_scoped3A = tpu.sem_alloc : memref<!tpu.dma_semaphore, #tpu.memory_space<semaphore_mem>>
      %dma_start3A_193 = tpu.memref_slice %arg2[%mul3A_32] : memref<301056xi32, #tpu.memory_space<hbm>> -> memref<9408xi32, #tpu.memory_space<hbm>>
      %dma_start3A_194 = tpu.memref_slice %arg2[%mul3A_32] : memref<301056xi32, #tpu.memory_space<hbm>> -> memref<9408xi32, #tpu.memory_space<hbm>>
      tpu.enqueue_dma source(%dma_start3A_194 : memref<9408xi32, #tpu.memory_space<hbm>>) target(%arg6 : memref<9408xi32, #tpu.memory_space<vmem>>) target_semaphore(%run_scoped3A : memref<!tpu.dma_semaphore, #tpu.memory_space<semaphore_mem>>)
      %dma_wait3A_195 = tpu.memref_slice %arg2[%mul3A_32] : memref<301056xi32, #tpu.memory_space<hbm>> -> memref<9408xi32, #tpu.memory_space<hbm>>
      %dma_wait3A_196 = tpu.memref_slice %arg2[%mul3A_32] : memref<301056xi32, #tpu.memory_space<hbm>> -> memref<9408xi32, #tpu.memory_space<hbm>>
      tpu.wait_dma2 semaphore(%run_scoped3A : memref<!tpu.dma_semaphore, #tpu.memory_space<semaphore_mem>>) src(%dma_wait3A_196 : memref<9408xi32, #tpu.memory_space<hbm>>) dst(%arg6 : memref<9408xi32, #tpu.memory_space<vmem>>)
      tpu.yield
    }) : () -> ()
    "tpu.region"() ({
      %run_scoped3A = tpu.sem_alloc : memref<!tpu.dma_semaphore, #tpu.memory_space<semaphore_mem>>
      %dma_start3A_193 = tpu.memref_slice %arg3[%mul3A_32] : memref<301056xi32, #tpu.memory_space<hbm>> -> memref<9408xi32, #tpu.memory_space<hbm>>
      %dma_start3A_194 = tpu.memref_slice %arg3[%mul3A_32] : memref<301056xi32, #tpu.memory_space<hbm>> -> memref<9408xi32, #tpu.memory_space<hbm>>
      tpu.enqueue_dma source(%dma_start3A_194 : memref<9408xi32, #tpu.memory_space<hbm>>) target(%arg7 : memref<9408xi32, #tpu.memory_space<vmem>>) target_semaphore(%run_scoped3A : memref<!tpu.dma_semaphore, #tpu.memory_space<semaphore_mem>>)
      %dma_wait3A_195 = tpu.memref_slice %arg3[%mul3A_32] : memref<301056xi32, #tpu.memory_space<hbm>> -> memref<9408xi32, #tpu.memory_space<hbm>>
      %dma_wait3A_196 = tpu.memref_slice %arg3[%mul3A_32] : memref<301056xi32, #tpu.memory_space<hbm>> -> memref<9408xi32, #tpu.memory_space<hbm>>
      tpu.wait_dma2 semaphore(%run_scoped3A : memref<!tpu.dma_semaphore, #tpu.memory_space<semaphore_mem>>) src(%dma_wait3A_196 : memref<9408xi32, #tpu.memory_space<hbm>>) dst(%arg7 : memref<9408xi32, #tpu.memory_space<vmem>>)
      tpu.yield
    }) : () -> ()
    %dma_start3A = arith.constant 0 : i32
    %dma_start3A_51 = tpu.memref_slice %arg6[%dma_start3A] : memref<9408xi32, #tpu.memory_space<vmem>> -> memref<96xi32, #tpu.memory_space<vmem>>
    %dma_start3A_52 = arith.constant 0 : i32
    %dma_start3A_53 = arith.constant 0 : i32
    %dma_start3A_54 = tpu.memref_slice %arg4[%dma_start3A_52, %dma_start3A_53] : memref<100000x128xf32, #tpu.memory_space<hbm>> -> memref<100000x128xf32, #tpu.memory_space<hbm>>
    tpu.enqueue_indirect_dma source(%dma_start3A_54 : memref<100000x128xf32, #tpu.memory_space<hbm>>) target(%arg8 : memref<96x128xf32, #tpu.memory_space<vmem>>) offsets(%dma_start3A_51 : memref<96xi32, #tpu.memory_space<vmem>>) semaphore(%arg14 : memref<!tpu.dma_semaphore, #tpu.memory_space<semaphore_mem>>)
    %dma_start3A_55 = arith.constant 0 : i32
    %dma_start3A_56 = tpu.memref_slice %arg7[%dma_start3A_55] : memref<9408xi32, #tpu.memory_space<vmem>> -> memref<96xi32, #tpu.memory_space<vmem>>
    %dma_start3A_57 = arith.constant 0 : i32
    %dma_start3A_58 = arith.constant 0 : i32
    %dma_start3A_59 = tpu.memref_slice %arg4[%dma_start3A_57, %dma_start3A_58] : memref<100000x128xf32, #tpu.memory_space<hbm>> -> memref<100000x128xf32, #tpu.memory_space<hbm>>
    tpu.enqueue_indirect_dma source(%dma_start3A_59 : memref<100000x128xf32, #tpu.memory_space<hbm>>) target(%arg10 : memref<96x128xf32, #tpu.memory_space<vmem>>) offsets(%dma_start3A_56 : memref<96xi32, #tpu.memory_space<vmem>>) semaphore(%arg14 : memref<!tpu.dma_semaphore, #tpu.memory_space<semaphore_mem>>)
    %dma_start3A_60 = arith.constant 96 : i32
    %dma_start3A_61 = tpu.memref_slice %arg6[%dma_start3A_60] : memref<9408xi32, #tpu.memory_space<vmem>> -> memref<96xi32, #tpu.memory_space<vmem>>
    %dma_start3A_62 = arith.constant 0 : i32
    %dma_start3A_63 = arith.constant 0 : i32
    %dma_start3A_64 = tpu.memref_slice %arg4[%dma_start3A_62, %dma_start3A_63] : memref<100000x128xf32, #tpu.memory_space<hbm>> -> memref<100000x128xf32, #tpu.memory_space<hbm>>
    tpu.enqueue_indirect_dma source(%dma_start3A_64 : memref<100000x128xf32, #tpu.memory_space<hbm>>) target(%arg9 : memref<96x128xf32, #tpu.memory_space<vmem>>) offsets(%dma_start3A_61 : memref<96xi32, #tpu.memory_space<vmem>>) semaphore(%arg15 : memref<!tpu.dma_semaphore, #tpu.memory_space<semaphore_mem>>)
    %dma_start3A_65 = arith.constant 96 : i32
    %dma_start3A_66 = tpu.memref_slice %arg7[%dma_start3A_65] : memref<9408xi32, #tpu.memory_space<vmem>> -> memref<96xi32, #tpu.memory_space<vmem>>
    %dma_start3A_67 = arith.constant 0 : i32
    %dma_start3A_68 = arith.constant 0 : i32
    %dma_start3A_69 = tpu.memref_slice %arg4[%dma_start3A_67, %dma_start3A_68] : memref<100000x128xf32, #tpu.memory_space<hbm>> -> memref<100000x128xf32, #tpu.memory_space<hbm>>
    tpu.enqueue_indirect_dma source(%dma_start3A_69 : memref<100000x128xf32, #tpu.memory_space<hbm>>) target(%arg11 : memref<96x128xf32, #tpu.memory_space<vmem>>) offsets(%dma_start3A_66 : memref<96xi32, #tpu.memory_space<vmem>>) semaphore(%arg15 : memref<!tpu.dma_semaphore, #tpu.memory_space<semaphore_mem>>)
    %scan3A = arith.constant 0 : i32
    %scan3A_70 = arith.constant 0 : i32
    %scan3A_71 = arith.constant 48 : i32
    %scan3A_72 = arith.addi %scan3A_70, %scan3A_71 : i32
    %scan3A_73 = arith.constant 1 : i32
    scf.for %scan3A_193 = %scan3A_70 to %scan3A_72 step %scan3A_73  : i32 {
      %mul3A_194 = arith.constant 2 : i32
      %mul3A_195 = arith.muli %mul3A_194, %scan3A_193 : i32
      %add3A_196 = arith.constant 0 : i32
      %add3A_197 = arith.addi %mul3A_195, %add3A_196 : i32
      %dma_wait3A_198 = arith.constant 0 : i32
      %dma_wait3A_199 = tpu.memref_slice %arg6[%dma_wait3A_198] : memref<9408xi32, #tpu.memory_space<vmem>> -> memref<96xi32, #tpu.memory_space<vmem>>
      %dma_wait3A_200 = arith.constant 0 : i32
      %dma_wait3A_201 = arith.constant 0 : i32
      %dma_wait3A_202 = tpu.memref_slice %arg4[%dma_wait3A_200, %dma_wait3A_201] : memref<100000x128xf32, #tpu.memory_space<hbm>> -> memref<100000x128xf32, #tpu.memory_space<hbm>>
      tpu.wait_indirect_dma semaphore(%arg14 : memref<!tpu.dma_semaphore, #tpu.memory_space<semaphore_mem>>) src(%dma_wait3A_202 : memref<100000x128xf32, #tpu.memory_space<hbm>>) dst(%arg8 : memref<96x128xf32, #tpu.memory_space<vmem>>)
      %dma_wait3A_203 = arith.constant 0 : i32
      %dma_wait3A_204 = tpu.memref_slice %arg6[%dma_wait3A_203] : memref<9408xi32, #tpu.memory_space<vmem>> -> memref<96xi32, #tpu.memory_space<vmem>>
      %dma_wait3A_205 = arith.constant 0 : i32
      %dma_wait3A_206 = arith.constant 0 : i32
      %dma_wait3A_207 = tpu.memref_slice %arg4[%dma_wait3A_205, %dma_wait3A_206] : memref<100000x128xf32, #tpu.memory_space<hbm>> -> memref<100000x128xf32, #tpu.memory_space<hbm>>
      tpu.wait_indirect_dma semaphore(%arg14 : memref<!tpu.dma_semaphore, #tpu.memory_space<semaphore_mem>>) src(%dma_wait3A_207 : memref<100000x128xf32, #tpu.memory_space<hbm>>) dst(%arg10 : memref<96x128xf32, #tpu.memory_space<vmem>>)
      %ge3A = arith.constant 2 : i32
      %ge3A_208 = arith.cmpi sge, %add3A_197, %ge3A : i32
      %convert_element_type3A = arith.extui %ge3A_208 : i1 to i32
      %cond3A = arith.constant 0 : i32
      %cond3A_209 = arith.cmpi ne, %convert_element_type3A, %cond3A : i32
      scf.if %cond3A_209 {
        %dma_wait3A_289 = arith.constant 0 : i32
        %dma_wait3A_290 = arith.constant 0 : i32
        %dma_wait3A_291 = tpu.memref_slice %arg12[%dma_wait3A_289, %dma_wait3A_290] : memref<96x128xf32, #tpu.memory_space<vmem>> -> memref<96x128xf32, #tpu.memory_space<vmem>>
        %dma_wait3A_292 = arith.constant 0 : i32
        %dma_wait3A_293 = arith.constant 0 : i32
        %dma_wait3A_294 = tpu.memref_slice %arg5[%dma_wait3A_292, %dma_wait3A_293] : memref<400000x128xf32, #tpu.memory_space<hbm>> -> memref<96x128xf32, #tpu.memory_space<hbm>>
        %dma_wait3A_295 = arith.constant 0 : i32
        %dma_wait3A_296 = arith.constant 0 : i32
        %dma_wait3A_297 = tpu.memref_slice %arg5[%dma_wait3A_295, %dma_wait3A_296] : memref<400000x128xf32, #tpu.memory_space<hbm>> -> memref<96x128xf32, #tpu.memory_space<hbm>>
        %dma_wait3A_298 = arith.constant 0 : i32
        %dma_wait3A_299 = arith.constant 0 : i32
        %dma_wait3A_300 = tpu.memref_slice %arg12[%dma_wait3A_298, %dma_wait3A_299] : memref<96x128xf32, #tpu.memory_space<vmem>> -> memref<96x128xf32, #tpu.memory_space<vmem>>
        tpu.wait_dma2 semaphore(%arg16 : memref<!tpu.dma_semaphore, #tpu.memory_space<semaphore_mem>>) src(%dma_wait3A_300 : memref<96x128xf32, #tpu.memory_space<vmem>>) dst(%dma_wait3A_297 : memref<96x128xf32, #tpu.memory_space<hbm>>)
      } else {
      }
      %parallel_loop3A_210 = arith.constant 0 : i32
      %parallel_loop3A_211 = arith.constant 96 : i32
      %parallel_loop3A_212 = arith.constant 1 : i32
      scf.for %parallel_loop3A_289 = %parallel_loop3A_210 to %parallel_loop3A_211 step %parallel_loop3A_212  : i32 {
        %parallel_loop3A_290 = arith.index_cast %parallel_loop3A_289 : i32 to index
        %parallel_loop3A_291 = arith.constant 0 : index
        %parallel_loop3A_292 = tpu.vector_load %arg8[%parallel_loop3A_290, %parallel_loop3A_291] {strides = array<i32>} : memref<96x128xf32, #tpu.memory_space<vmem>>, vector<1x16xf32>,
        %parallel_loop3A_293 = vector.shape_cast %parallel_loop3A_292 : vector<1x16xf32> to vector<16xf32>
        %parallel_loop3A_294 = arith.index_cast %parallel_loop3A_289 : i32 to index
        %parallel_loop3A_295 = arith.constant 0 : index
        %parallel_loop3A_296 = tpu.vector_load %arg10[%parallel_loop3A_294, %parallel_loop3A_295] {strides = array<i32>} : memref<96x128xf32, #tpu.memory_space<vmem>>, vector<1x16xf32>,
        %parallel_loop3A_297 = vector.shape_cast %parallel_loop3A_296 : vector<1x16xf32> to vector<16xf32>
        %parallel_loop3A_298 = arith.addf %parallel_loop3A_293, %parallel_loop3A_297 : vector<16xf32>
        %parallel_loop3A_299 = arith.constant 5.000000e-01 : f32
        %parallel_loop3A_300 = vector.broadcast %parallel_loop3A_299 : f32 to vector<16xf32>
        %parallel_loop3A_301 = arith.mulf %parallel_loop3A_298, %parallel_loop3A_300 : vector<16xf32>
        %parallel_loop3A_302 = arith.index_cast %parallel_loop3A_289 : i32 to index
        %parallel_loop3A_303 = arith.constant 0 : index
        %parallel_loop3A_304 = tpu.vector_load %arg12[%parallel_loop3A_302, %parallel_loop3A_303] {strides = array<i32>} : memref<96x128xf32, #tpu.memory_space<vmem>>, vector<1x16xf32>,
        %parallel_loop3A_305 = vector.shape_cast %parallel_loop3A_304 : vector<1x16xf32> to vector<16xf32>
        %parallel_loop3A_306 = vector.shape_cast %parallel_loop3A_301 : vector<16xf32> to vector<1x16xf32>
        tpu.vector_store %arg12[%parallel_loop3A_302, %parallel_loop3A_303], %parallel_loop3A_306 {strides = array<i32>} : memref<96x128xf32, #tpu.memory_space<vmem>>, vector<1x16xf32>,
        %parallel_loop3A_307 = arith.index_cast %parallel_loop3A_289 : i32 to index
        %parallel_loop3A_308 = arith.constant 16 : index
        %parallel_loop3A_309 = tpu.vector_load %arg8[%parallel_loop3A_307, %parallel_loop3A_308] {strides = array<i32>} : memref<96x128xf32, #tpu.memory_space<vmem>>, vector<1x16xf32>,
        %parallel_loop3A_310 = vector.shape_cast %parallel_loop3A_309 : vector<1x16xf32> to vector<16xf32>
        %parallel_loop3A_311 = arith.index_cast %parallel_loop3A_289 : i32 to index
        %parallel_loop3A_312 = arith.constant 16 : index
        %parallel_loop3A_313 = tpu.vector_load %arg10[%parallel_loop3A_311, %parallel_loop3A_312] {strides = array<i32>} : memref<96x128xf32, #tpu.memory_space<vmem>>, vector<1x16xf32>,
        %parallel_loop3A_314 = vector.shape_cast %parallel_loop3A_313 : vector<1x16xf32> to vector<16xf32>
        %parallel_loop3A_315 = arith.addf %parallel_loop3A_310, %parallel_loop3A_314 : vector<16xf32>
        %parallel_loop3A_316 = arith.constant 5.000000e-01 : f32
        %parallel_loop3A_317 = vector.broadcast %parallel_loop3A_316 : f32 to vector<16xf32>
        %parallel_loop3A_318 = arith.mulf %parallel_loop3A_315, %parallel_loop3A_317 : vector<16xf32>
        %parallel_loop3A_319 = arith.index_cast %parallel_loop3A_289 : i32 to index
        %parallel_loop3A_320 = arith.constant 16 : index
        %parallel_loop3A_321 = tpu.vector_load %arg12[%parallel_loop3A_319, %parallel_loop3A_320] {strides = array<i32>} : memref<96x128xf32, #tpu.memory_space<vmem>>, vector<1x16xf32>,
        %parallel_loop3A_322 = vector.shape_cast %parallel_loop3A_321 : vector<1x16xf32> to vector<16xf32>
        %parallel_loop3A_323 = vector.shape_cast %parallel_loop3A_318 : vector<16xf32> to vector<1x16xf32>
        tpu.vector_store %arg12[%parallel_loop3A_319, %parallel_loop3A_320], %parallel_loop3A_323 {strides = array<i32>} : memref<96x128xf32, #tpu.memory_space<vmem>>, vector<1x16xf32>,
        %parallel_loop3A_324 = arith.index_cast %parallel_loop3A_289 : i32 to index
        %parallel_loop3A_325 = arith.constant 32 : index
        %parallel_loop3A_326 = tpu.vector_load %arg8[%parallel_loop3A_324, %parallel_loop3A_325] {strides = array<i32>} : memref<96x128xf32, #tpu.memory_space<vmem>>, vector<1x16xf32>,
        %parallel_loop3A_327 = vector.shape_cast %parallel_loop3A_326 : vector<1x16xf32> to vector<16xf32>
        %parallel_loop3A_328 = arith.index_cast %parallel_loop3A_289 : i32 to index
        %parallel_loop3A_329 = arith.constant 32 : index
        %parallel_loop3A_330 = tpu.vector_load %arg10[%parallel_loop3A_328, %parallel_loop3A_329] {strides = array<i32>} : memref<96x128xf32, #tpu.memory_space<vmem>>, vector<1x16xf32>,
        %parallel_loop3A_331 = vector.shape_cast %parallel_loop3A_330 : vector<1x16xf32> to vector<16xf32>
        %parallel_loop3A_332 = arith.addf %parallel_loop3A_327, %parallel_loop3A_331 : vector<16xf32>
        %parallel_loop3A_333 = arith.constant 5.000000e-01 : f32
        %parallel_loop3A_334 = vector.broadcast %parallel_loop3A_333 : f32 to vector<16xf32>
        %parallel_loop3A_335 = arith.mulf %parallel_loop3A_332, %parallel_loop3A_334 : vector<16xf32>
        %parallel_loop3A_336 = arith.index_cast %parallel_loop3A_289 : i32 to index
        %parallel_loop3A_337 = arith.constant 32 : index
        %parallel_loop3A_338 = tpu.vector_load %arg12[%parallel_loop3A_336, %parallel_loop3A_337] {strides = array<i32>} : memref<96x128xf32, #tpu.memory_space<vmem>>, vector<1x16xf32>,
        %parallel_loop3A_339 = vector.shape_cast %parallel_loop3A_338 : vector<1x16xf32> to vector<16xf32>
        %parallel_loop3A_340 = vector.shape_cast %parallel_loop3A_335 : vector<16xf32> to vector<1x16xf32>
        tpu.vector_store %arg12[%parallel_loop3A_336, %parallel_loop3A_337], %parallel_loop3A_340 {strides = array<i32>} : memref<96x128xf32, #tpu.memory_space<vmem>>, vector<1x16xf32>,
        %parallel_loop3A_341 = arith.index_cast %parallel_loop3A_289 : i32 to index
        %parallel_loop3A_342 = arith.constant 48 : index
        %parallel_loop3A_343 = tpu.vector_load %arg8[%parallel_loop3A_341, %parallel_loop3A_342] {strides = array<i32>} : memref<96x128xf32, #tpu.memory_space<vmem>>, vector<1x16xf32>,
        %parallel_loop3A_344 = vector.shape_cast %parallel_loop3A_343 : vector<1x16xf32> to vector<16xf32>
        %parallel_loop3A_345 = arith.index_cast %parallel_loop3A_289 : i32 to index
        %parallel_loop3A_346 = arith.constant 48 : index
        %parallel_loop3A_347 = tpu.vector_load %arg10[%parallel_loop3A_345, %parallel_loop3A_346] {strides = array<i32>} : memref<96x128xf32, #tpu.memory_space<vmem>>, vector<1x16xf32>,
        %parallel_loop3A_348 = vector.shape_cast %parallel_loop3A_347 : vector<1x16xf32> to vector<16xf32>
        %parallel_loop3A_349 = arith.addf %parallel_loop3A_344, %parallel_loop3A_348 : vector<16xf32>
        %parallel_loop3A_350 = arith.constant 5.000000e-01 : f32
        %parallel_loop3A_351 = vector.broadcast %parallel_loop3A_350 : f32 to vector<16xf32>
        %parallel_loop3A_352 = arith.mulf %parallel_loop3A_349, %parallel_loop3A_351 : vector<16xf32>
        %parallel_loop3A_353 = arith.index_cast %parallel_loop3A_289 : i32 to index
        %parallel_loop3A_354 = arith.constant 48 : index
        %parallel_loop3A_355 = tpu.vector_load %arg12[%parallel_loop3A_353, %parallel_loop3A_354] {strides = array<i32>} : memref<96x128xf32, #tpu.memory_space<vmem>>, vector<1x16xf32>,
        %parallel_loop3A_356 = vector.shape_cast %parallel_loop3A_355 : vector<1x16xf32> to vector<16xf32>
        %parallel_loop3A_357 = vector.shape_cast %parallel_loop3A_352 : vector<16xf32> to vector<1x16xf32>
        tpu.vector_store %arg12[%parallel_loop3A_353, %parallel_loop3A_354], %parallel_loop3A_357 {strides = array<i32>} : memref<96x128xf32, #tpu.memory_space<vmem>>, vector<1x16xf32>,
        %parallel_loop3A_358 = arith.index_cast %parallel_loop3A_289 : i32 to index
        %parallel_loop3A_359 = arith.constant 64 : index
        %parallel_loop3A_360 = tpu.vector_load %arg8[%parallel_loop3A_358, %parallel_loop3A_359] {strides = array<i32>} : memref<96x128xf32, #tpu.memory_space<vmem>>, vector<1x16xf32>,
        %parallel_loop3A_361 = vector.shape_cast %parallel_loop3A_360 : vector<1x16xf32> to vector<16xf32>
        %parallel_loop3A_362 = arith.index_cast %parallel_loop3A_289 : i32 to index
        %parallel_loop3A_363 = arith.constant 64 : index
        %parallel_loop3A_364 = tpu.vector_load %arg10[%parallel_loop3A_362, %parallel_loop3A_363] {strides = array<i32>} : memref<96x128xf32, #tpu.memory_space<vmem>>, vector<1x16xf32>,
        %parallel_loop3A_365 = vector.shape_cast %parallel_loop3A_364 : vector<1x16xf32> to vector<16xf32>
        %parallel_loop3A_366 = arith.addf %parallel_loop3A_361, %parallel_loop3A_365 : vector<16xf32>
        %parallel_loop3A_367 = arith.constant 5.000000e-01 : f32
        %parallel_loop3A_368 = vector.broadcast %parallel_loop3A_367 : f32 to vector<16xf32>
        %parallel_loop3A_369 = arith.mulf %parallel_loop3A_366, %parallel_loop3A_368 : vector<16xf32>
        %parallel_loop3A_370 = arith.index_cast %parallel_loop3A_289 : i32 to index
        %parallel_loop3A_371 = arith.constant 64 : index
        %parallel_loop3A_372 = tpu.vector_load %arg12[%parallel_loop3A_370, %parallel_loop3A_371] {strides = array<i32>} : memref<96x128xf32, #tpu.memory_space<vmem>>, vector<1x16xf32>,
        %parallel_loop3A_373 = vector.shape_cast %parallel_loop3A_372 : vector<1x16xf32> to vector<16xf32>
        %parallel_loop3A_374 = vector.shape_cast %parallel_loop3A_369 : vector<16xf32> to vector<1x16xf32>
        tpu.vector_store %arg12[%parallel_loop3A_370, %parallel_loop3A_371], %parallel_loop3A_374 {strides = array<i32>} : memref<96x128xf32, #tpu.memory_space<vmem>>, vector<1x16xf32>,
        %parallel_loop3A_375 = arith.index_cast %parallel_loop3A_289 : i32 to index
        %parallel_loop3A_376 = arith.constant 80 : index
        %parallel_loop3A_377 = tpu.vector_load %arg8[%parallel_loop3A_375, %parallel_loop3A_376] {strides = array<i32>} : memref<96x128xf32, #tpu.memory_space<vmem>>, vector<1x16xf32>,
        %parallel_loop3A_378 = vector.shape_cast %parallel_loop3A_377 : vector<1x16xf32> to vector<16xf32>
        %parallel_loop3A_379 = arith.index_cast %parallel_loop3A_289 : i32 to index
        %parallel_loop3A_380 = arith.constant 80 : index
        %parallel_loop3A_381 = tpu.vector_load %arg10[%parallel_loop3A_379, %parallel_loop3A_380] {strides = array<i32>} : memref<96x128xf32, #tpu.memory_space<vmem>>, vector<1x16xf32>,
        %parallel_loop3A_382 = vector.shape_cast %parallel_loop3A_381 : vector<1x16xf32> to vector<16xf32>
        %parallel_loop3A_383 = arith.addf %parallel_loop3A_378, %parallel_loop3A_382 : vector<16xf32>
        %parallel_loop3A_384 = arith.constant 5.000000e-01 : f32
        %parallel_loop3A_385 = vector.broadcast %parallel_loop3A_384 : f32 to vector<16xf32>
        %parallel_loop3A_386 = arith.mulf %parallel_loop3A_383, %parallel_loop3A_385 : vector<16xf32>
        %parallel_loop3A_387 = arith.index_cast %parallel_loop3A_289 : i32 to index
        %parallel_loop3A_388 = arith.constant 80 : index
        %parallel_loop3A_389 = tpu.vector_load %arg12[%parallel_loop3A_387, %parallel_loop3A_388] {strides = array<i32>} : memref<96x128xf32, #tpu.memory_space<vmem>>, vector<1x16xf32>,
        %parallel_loop3A_390 = vector.shape_cast %parallel_loop3A_389 : vector<1x16xf32> to vector<16xf32>
        %parallel_loop3A_391 = vector.shape_cast %parallel_loop3A_386 : vector<16xf32> to vector<1x16xf32>
        tpu.vector_store %arg12[%parallel_loop3A_387, %parallel_loop3A_388], %parallel_loop3A_391 {strides = array<i32>} : memref<96x128xf32, #tpu.memory_space<vmem>>, vector<1x16xf32>,
        %parallel_loop3A_392 = arith.index_cast %parallel_loop3A_289 : i32 to index
        %parallel_loop3A_393 = arith.constant 96 : index
        %parallel_loop3A_394 = tpu.vector_load %arg8[%parallel_loop3A_392, %parallel_loop3A_393] {strides = array<i32>} : memref<96x128xf32, #tpu.memory_space<vmem>>, vector<1x16xf32>,
        %parallel_loop3A_395 = vector.shape_cast %parallel_loop3A_394 : vector<1x16xf32> to vector<16xf32>
        %parallel_loop3A_396 = arith.index_cast %parallel_loop3A_289 : i32 to index
        %parallel_loop3A_397 = arith.constant 96 : index
        %parallel_loop3A_398 = tpu.vector_load %arg10[%parallel_loop3A_396, %parallel_loop3A_397] {strides = array<i32>} : memref<96x128xf32, #tpu.memory_space<vmem>>, vector<1x16xf32>,
        %parallel_loop3A_399 = vector.shape_cast %parallel_loop3A_398 : vector<1x16xf32> to vector<16xf32>
        %parallel_loop3A_400 = arith.addf %parallel_loop3A_395, %parallel_loop3A_399 : vector<16xf32>
        %parallel_loop3A_401 = arith.constant 5.000000e-01 : f32
        %parallel_loop3A_402 = vector.broadcast %parallel_loop3A_401 : f32 to vector<16xf32>
        %parallel_loop3A_403 = arith.mulf %parallel_loop3A_400, %parallel_loop3A_402 : vector<16xf32>
        %parallel_loop3A_404 = arith.index_cast %parallel_loop3A_289 : i32 to index
        %parallel_loop3A_405 = arith.constant 96 : index
        %parallel_loop3A_406 = tpu.vector_load %arg12[%parallel_loop3A_404, %parallel_loop3A_405] {strides = array<i32>} : memref<96x128xf32, #tpu.memory_space<vmem>>, vector<1x16xf32>,
        %parallel_loop3A_407 = vector.shape_cast %parallel_loop3A_406 : vector<1x16xf32> to vector<16xf32>
        %parallel_loop3A_408 = vector.shape_cast %parallel_loop3A_403 : vector<16xf32> to vector<1x16xf32>
        tpu.vector_store %arg12[%parallel_loop3A_404, %parallel_loop3A_405], %parallel_loop3A_408 {strides = array<i32>} : memref<96x128xf32, #tpu.memory_space<vmem>>, vector<1x16xf32>,
        %parallel_loop3A_409 = arith.index_cast %parallel_loop3A_289 : i32 to index
        %parallel_loop3A_410 = arith.constant 112 : index
        %parallel_loop3A_411 = tpu.vector_load %arg8[%parallel_loop3A_409, %parallel_loop3A_410] {strides = array<i32>} : memref<96x128xf32, #tpu.memory_space<vmem>>, vector<1x16xf32>,
        %parallel_loop3A_412 = vector.shape_cast %parallel_loop3A_411 : vector<1x16xf32> to vector<16xf32>
        %parallel_loop3A_413 = arith.index_cast %parallel_loop3A_289 : i32 to index
        %parallel_loop3A_414 = arith.constant 112 : index
        %parallel_loop3A_415 = tpu.vector_load %arg10[%parallel_loop3A_413, %parallel_loop3A_414] {strides = array<i32>} : memref<96x128xf32, #tpu.memory_space<vmem>>, vector<1x16xf32>,
        %parallel_loop3A_416 = vector.shape_cast %parallel_loop3A_415 : vector<1x16xf32> to vector<16xf32>
        %parallel_loop3A_417 = arith.addf %parallel_loop3A_412, %parallel_loop3A_416 : vector<16xf32>
        %parallel_loop3A_418 = arith.constant 5.000000e-01 : f32
        %parallel_loop3A_419 = vector.broadcast %parallel_loop3A_418 : f32 to vector<16xf32>
        %parallel_loop3A_420 = arith.mulf %parallel_loop3A_417, %parallel_loop3A_419 : vector<16xf32>
        %parallel_loop3A_421 = arith.index_cast %parallel_loop3A_289 : i32 to index
        %parallel_loop3A_422 = arith.constant 112 : index
        %parallel_loop3A_423 = tpu.vector_load %arg12[%parallel_loop3A_421, %parallel_loop3A_422] {strides = array<i32>} : memref<96x128xf32, #tpu.memory_space<vmem>>, vector<1x16xf32>,
        %parallel_loop3A_424 = vector.shape_cast %parallel_loop3A_423 : vector<1x16xf32> to vector<16xf32>
        %parallel_loop3A_425 = vector.shape_cast %parallel_loop3A_420 : vector<16xf32> to vector<1x16xf32>
        tpu.vector_store %arg12[%parallel_loop3A_421, %parallel_loop3A_422], %parallel_loop3A_425 {strides = array<i32>} : memref<96x128xf32, #tpu.memory_space<vmem>>, vector<1x16xf32>,
      } {sc.loop_unroll_factor = 4 : i64, sc.parallel_access}
      %add3A_213 = arith.constant 2 : i32
      %add3A_214 = arith.addi %add3A_197, %add3A_213 : i32
      %mul3A_215 = arith.constant 96 : i32
      %mul3A_216 = arith.muli %add3A_214, %mul3A_215 : i32
      %dma_start3A_217 = tpu.memref_slice %arg6[%mul3A_216] : memref<9408xi32, #tpu.memory_space<vmem>> -> memref<96xi32, #tpu.memory_space<vmem>>
      %dma_start3A_218 = arith.constant 0 : i32
      %dma_start3A_219 = arith.constant 0 : i32
      %dma_start3A_220 = tpu.memref_slice %arg4[%dma_start3A_218, %dma_start3A_219] : memref<100000x128xf32, #tpu.memory_space<hbm>> -> memref<100000x128xf32, #tpu.memory_space<hbm>>
      tpu.enqueue_indirect_dma source(%dma_start3A_220 : memref<100000x128xf32, #tpu.memory_space<hbm>>) target(%arg8 : memref<96x128xf32, #tpu.memory_space<vmem>>) offsets(%dma_start3A_217 : memref<96xi32, #tpu.memory_space<vmem>>) semaphore(%arg14 : memref<!tpu.dma_semaphore, #tpu.memory_space<semaphore_mem>>)
      %mul3A_221 = arith.constant 96 : i32
      %mul3A_222 = arith.muli %add3A_214, %mul3A_221 : i32
      %dma_start3A_223 = tpu.memref_slice %arg7[%mul3A_222] : memref<9408xi32, #tpu.memory_space<vmem>> -> memref<96xi32, #tpu.memory_space<vmem>>
      %dma_start3A_224 = arith.constant 0 : i32
      %dma_start3A_225 = arith.constant 0 : i32
      %dma_start3A_226 = tpu.memref_slice %arg4[%dma_start3A_224, %dma_start3A_225] : memref<100000x128xf32, #tpu.memory_space<hbm>> -> memref<100000x128xf32, #tpu.memory_space<hbm>>
      tpu.enqueue_indirect_dma source(%dma_start3A_226 : memref<100000x128xf32, #tpu.memory_space<hbm>>) target(%arg10 : memref<96x128xf32, #tpu.memory_space<vmem>>) offsets(%dma_start3A_223 : memref<96xi32, #tpu.memory_space<vmem>>) semaphore(%arg14 : memref<!tpu.dma_semaphore, #tpu.memory_space<semaphore_mem>>)
      %mul3A_227 = arith.constant 96 : i32
      %mul3A_228 = arith.muli %add3A_197, %mul3A_227 : i32
      %add3A_229 = arith.addi %add3A_40, %mul3A_228 : i32
      %dma_start3A_230 = arith.constant 0 : i32
      %dma_start3A_231 = arith.constant 0 : i32
      %dma_start3A_232 = tpu.memref_slice %arg12[%dma_start3A_230, %dma_start3A_231] : memref<96x128xf32, #tpu.memory_space<vmem>> -> memref<96x128xf32, #tpu.memory_space<vmem>>
      %dma_start3A_233 = arith.constant 0 : i32
      %dma_start3A_234 = tpu.memref_slice %arg5[%add3A_229, %dma_start3A_233] : memref<400000x128xf32, #tpu.memory_space<hbm>> -> memref<96x128xf32, #tpu.memory_space<hbm>>
      %dma_start3A_235 = arith.constant 0 : i32
      %dma_start3A_236 = tpu.memref_slice %arg5[%add3A_229, %dma_start3A_235] : memref<400000x128xf32, #tpu.memory_space<hbm>> -> memref<96x128xf32, #tpu.memory_space<hbm>>
      %dma_start3A_237 = arith.constant 0 : i32
      %dma_start3A_238 = arith.constant 0 : i32
      %dma_start3A_239 = tpu.memref_slice %arg12[%dma_start3A_237, %dma_start3A_238] : memref<96x128xf32, #tpu.memory_space<vmem>> -> memref<96x128xf32, #tpu.memory_space<vmem>>
      tpu.enqueue_dma source(%dma_start3A_239 : memref<96x128xf32, #tpu.memory_space<vmem>>) target(%dma_start3A_236 : memref<96x128xf32, #tpu.memory_space<hbm>>) target_semaphore(%arg16 : memref<!tpu.dma_semaphore, #tpu.memory_space<semaphore_mem>>)
      %mul3A_240 = arith.constant 2 : i32
      %mul3A_241 = arith.muli %mul3A_240, %scan3A_193 : i32
      %add3A_242 = arith.constant 1 : i32
      %add3A_243 = arith.addi %mul3A_241, %add3A_242 : i32
      %dma_wait3A_244 = arith.constant 0 : i32
      %dma_wait3A_245 = tpu.memref_slice %arg6[%dma_wait3A_244] : memref<9408xi32, #tpu.memory_space<vmem>> -> memref<96xi32, #tpu.memory_space<vmem>>
      %dma_wait3A_246 = arith.constant 0 : i32
      %dma_wait3A_247 = arith.constant 0 : i32
      %dma_wait3A_248 = tpu.memref_slice %arg4[%dma_wait3A_246, %dma_wait3A_247] : memref<100000x128xf32, #tpu.memory_space<hbm>> -> memref<100000x128xf32, #tpu.memory_space<hbm>>
      tpu.wait_indirect_dma semaphore(%arg15 : memref<!tpu.dma_semaphore, #tpu.memory_space<semaphore_mem>>) src(%dma_wait3A_248 : memref<100000x128xf32, #tpu.memory_space<hbm>>) dst(%arg9 : memref<96x128xf32, #tpu.memory_space<vmem>>)
      %dma_wait3A_249 = arith.constant 0 : i32
      %dma_wait3A_250 = tpu.memref_slice %arg6[%dma_wait3A_249] : memref<9408xi32, #tpu.memory_space<vmem>> -> memref<96xi32, #tpu.memory_space<vmem>>
      %dma_wait3A_251 = arith.constant 0 : i32
      %dma_wait3A_252 = arith.constant 0 : i32
      %dma_wait3A_253 = tpu.memref_slice %arg4[%dma_wait3A_251, %dma_wait3A_252] : memref<100000x128xf32, #tpu.memory_space<hbm>> -> memref<100000x128xf32, #tpu.memory_space<hbm>>
      tpu.wait_indirect_dma semaphore(%arg15 : memref<!tpu.dma_semaphore, #tpu.memory_space<semaphore_mem>>) src(%dma_wait3A_253 : memref<100000x128xf32, #tpu.memory_space<hbm>>) dst(%arg11 : memref<96x128xf32, #tpu.memory_space<vmem>>)
      %ge3A_254 = arith.constant 2 : i32
      %ge3A_255 = arith.cmpi sge, %add3A_243, %ge3A_254 : i32
      %convert_element_type3A_256 = arith.extui %ge3A_255 : i1 to i32
      %cond3A_257 = arith.constant 0 : i32
      %cond3A_258 = arith.cmpi ne, %convert_element_type3A_256, %cond3A_257 : i32
      scf.if %cond3A_258 {
        %dma_wait3A_289 = arith.constant 0 : i32
        %dma_wait3A_290 = arith.constant 0 : i32
        %dma_wait3A_291 = tpu.memref_slice %arg13[%dma_wait3A_289, %dma_wait3A_290] : memref<96x128xf32, #tpu.memory_space<vmem>> -> memref<96x128xf32, #tpu.memory_space<vmem>>
        %dma_wait3A_292 = arith.constant 0 : i32
        %dma_wait3A_293 = arith.constant 0 : i32
        %dma_wait3A_294 = tpu.memref_slice %arg5[%dma_wait3A_292, %dma_wait3A_293] : memref<400000x128xf32, #tpu.memory_space<hbm>> -> memref<96x128xf32, #tpu.memory_space<hbm>>
        %dma_wait3A_295 = arith.constant 0 : i32
        %dma_wait3A_296 = arith.constant 0 : i32
        %dma_wait3A_297 = tpu.memref_slice %arg5[%dma_wait3A_295, %dma_wait3A_296] : memref<400000x128xf32, #tpu.memory_space<hbm>> -> memref<96x128xf32, #tpu.memory_space<hbm>>
        %dma_wait3A_298 = arith.constant 0 : i32
        %dma_wait3A_299 = arith.constant 0 : i32
        %dma_wait3A_300 = tpu.memref_slice %arg13[%dma_wait3A_298, %dma_wait3A_299] : memref<96x128xf32, #tpu.memory_space<vmem>> -> memref<96x128xf32, #tpu.memory_space<vmem>>
        tpu.wait_dma2 semaphore(%arg17 : memref<!tpu.dma_semaphore, #tpu.memory_space<semaphore_mem>>) src(%dma_wait3A_300 : memref<96x128xf32, #tpu.memory_space<vmem>>) dst(%dma_wait3A_297 : memref<96x128xf32, #tpu.memory_space<hbm>>)
      } else {
      }
      %parallel_loop3A_259 = arith.constant 0 : i32
      %parallel_loop3A_260 = arith.constant 96 : i32
      %parallel_loop3A_261 = arith.constant 1 : i32
      scf.for %parallel_loop3A_289 = %parallel_loop3A_259 to %parallel_loop3A_260 step %parallel_loop3A_261  : i32 {
        %parallel_loop3A_290 = arith.index_cast %parallel_loop3A_289 : i32 to index
        %parallel_loop3A_291 = arith.constant 0 : index
        %parallel_loop3A_292 = tpu.vector_load %arg9[%parallel_loop3A_290, %parallel_loop3A_291] {strides = array<i32>} : memref<96x128xf32, #tpu.memory_space<vmem>>, vector<1x16xf32>,
        %parallel_loop3A_293 = vector.shape_cast %parallel_loop3A_292 : vector<1x16xf32> to vector<16xf32>
        %parallel_loop3A_294 = arith.index_cast %parallel_loop3A_289 : i32 to index
        %parallel_loop3A_295 = arith.constant 0 : index
        %parallel_loop3A_296 = tpu.vector_load %arg11[%parallel_loop3A_294, %parallel_loop3A_295] {strides = array<i32>} : memref<96x128xf32, #tpu.memory_space<vmem>>, vector<1x16xf32>,
        %parallel_loop3A_297 = vector.shape_cast %parallel_loop3A_296 : vector<1x16xf32> to vector<16xf32>
        %parallel_loop3A_298 = arith.addf %parallel_loop3A_293, %parallel_loop3A_297 : vector<16xf32>
        %parallel_loop3A_299 = arith.constant 5.000000e-01 : f32
        %parallel_loop3A_300 = vector.broadcast %parallel_loop3A_299 : f32 to vector<16xf32>
        %parallel_loop3A_301 = arith.mulf %parallel_loop3A_298, %parallel_loop3A_300 : vector<16xf32>
        %parallel_loop3A_302 = arith.index_cast %parallel_loop3A_289 : i32 to index
        %parallel_loop3A_303 = arith.constant 0 : index
        %parallel_loop3A_304 = tpu.vector_load %arg13[%parallel_loop3A_302, %parallel_loop3A_303] {strides = array<i32>} : memref<96x128xf32, #tpu.memory_space<vmem>>, vector<1x16xf32>,
        %parallel_loop3A_305 = vector.shape_cast %parallel_loop3A_304 : vector<1x16xf32> to vector<16xf32>
        %parallel_loop3A_306 = vector.shape_cast %parallel_loop3A_301 : vector<16xf32> to vector<1x16xf32>
        tpu.vector_store %arg13[%parallel_loop3A_302, %parallel_loop3A_303], %parallel_loop3A_306 {strides = array<i32>} : memref<96x128xf32, #tpu.memory_space<vmem>>, vector<1x16xf32>,
        %parallel_loop3A_307 = arith.index_cast %parallel_loop3A_289 : i32 to index
        %parallel_loop3A_308 = arith.constant 16 : index
        %parallel_loop3A_309 = tpu.vector_load %arg9[%parallel_loop3A_307, %parallel_loop3A_308] {strides = array<i32>} : memref<96x128xf32, #tpu.memory_space<vmem>>, vector<1x16xf32>,
        %parallel_loop3A_310 = vector.shape_cast %parallel_loop3A_309 : vector<1x16xf32> to vector<16xf32>
        %parallel_loop3A_311 = arith.index_cast %parallel_loop3A_289 : i32 to index
        %parallel_loop3A_312 = arith.constant 16 : index
        %parallel_loop3A_313 = tpu.vector_load %arg11[%parallel_loop3A_311, %parallel_loop3A_312] {strides = array<i32>} : memref<96x128xf32, #tpu.memory_space<vmem>>, vector<1x16xf32>,
        %parallel_loop3A_314 = vector.shape_cast %parallel_loop3A_313 : vector<1x16xf32> to vector<16xf32>
        %parallel_loop3A_315 = arith.addf %parallel_loop3A_310, %parallel_loop3A_314 : vector<16xf32>
        %parallel_loop3A_316 = arith.constant 5.000000e-01 : f32
        %parallel_loop3A_317 = vector.broadcast %parallel_loop3A_316 : f32 to vector<16xf32>
        %parallel_loop3A_318 = arith.mulf %parallel_loop3A_315, %parallel_loop3A_317 : vector<16xf32>
        %parallel_loop3A_319 = arith.index_cast %parallel_loop3A_289 : i32 to index
        %parallel_loop3A_320 = arith.constant 16 : index
        %parallel_loop3A_321 = tpu.vector_load %arg13[%parallel_loop3A_319, %parallel_loop3A_320] {strides = array<i32>} : memref<96x128xf32, #tpu.memory_space<vmem>>, vector<1x16xf32>,
        %parallel_loop3A_322 = vector.shape_cast %parallel_loop3A_321 : vector<1x16xf32> to vector<16xf32>
        %parallel_loop3A_323 = vector.shape_cast %parallel_loop3A_318 : vector<16xf32> to vector<1x16xf32>
        tpu.vector_store %arg13[%parallel_loop3A_319, %parallel_loop3A_320], %parallel_loop3A_323 {strides = array<i32>} : memref<96x128xf32, #tpu.memory_space<vmem>>, vector<1x16xf32>,
        %parallel_loop3A_324 = arith.index_cast %parallel_loop3A_289 : i32 to index
        %parallel_loop3A_325 = arith.constant 32 : index
        %parallel_loop3A_326 = tpu.vector_load %arg9[%parallel_loop3A_324, %parallel_loop3A_325] {strides = array<i32>} : memref<96x128xf32, #tpu.memory_space<vmem>>, vector<1x16xf32>,
        %parallel_loop3A_327 = vector.shape_cast %parallel_loop3A_326 : vector<1x16xf32> to vector<16xf32>
        %parallel_loop3A_328 = arith.index_cast %parallel_loop3A_289 : i32 to index
        %parallel_loop3A_329 = arith.constant 32 : index
        %parallel_loop3A_330 = tpu.vector_load %arg11[%parallel_loop3A_328, %parallel_loop3A_329] {strides = array<i32>} : memref<96x128xf32, #tpu.memory_space<vmem>>, vector<1x16xf32>,
        %parallel_loop3A_331 = vector.shape_cast %parallel_loop3A_330 : vector<1x16xf32> to vector<16xf32>
        %parallel_loop3A_332 = arith.addf %parallel_loop3A_327, %parallel_loop3A_331 : vector<16xf32>
        %parallel_loop3A_333 = arith.constant 5.000000e-01 : f32
        %parallel_loop3A_334 = vector.broadcast %parallel_loop3A_333 : f32 to vector<16xf32>
        %parallel_loop3A_335 = arith.mulf %parallel_loop3A_332, %parallel_loop3A_334 : vector<16xf32>
        %parallel_loop3A_336 = arith.index_cast %parallel_loop3A_289 : i32 to index
        %parallel_loop3A_337 = arith.constant 32 : index
        %parallel_loop3A_338 = tpu.vector_load %arg13[%parallel_loop3A_336, %parallel_loop3A_337] {strides = array<i32>} : memref<96x128xf32, #tpu.memory_space<vmem>>, vector<1x16xf32>,
        %parallel_loop3A_339 = vector.shape_cast %parallel_loop3A_338 : vector<1x16xf32> to vector<16xf32>
        %parallel_loop3A_340 = vector.shape_cast %parallel_loop3A_335 : vector<16xf32> to vector<1x16xf32>
        tpu.vector_store %arg13[%parallel_loop3A_336, %parallel_loop3A_337], %parallel_loop3A_340 {strides = array<i32>} : memref<96x128xf32, #tpu.memory_space<vmem>>, vector<1x16xf32>,
        %parallel_loop3A_341 = arith.index_cast %parallel_loop3A_289 : i32 to index
        %parallel_loop3A_342 = arith.constant 48 : index
        %parallel_loop3A_343 = tpu.vector_load %arg9[%parallel_loop3A_341, %parallel_loop3A_342] {strides = array<i32>} : memref<96x128xf32, #tpu.memory_space<vmem>>, vector<1x16xf32>,
        %parallel_loop3A_344 = vector.shape_cast %parallel_loop3A_343 : vector<1x16xf32> to vector<16xf32>
        %parallel_loop3A_345 = arith.index_cast %parallel_loop3A_289 : i32 to index
        %parallel_loop3A_346 = arith.constant 48 : index
        %parallel_loop3A_347 = tpu.vector_load %arg11[%parallel_loop3A_345, %parallel_loop3A_346] {strides = array<i32>} : memref<96x128xf32, #tpu.memory_space<vmem>>, vector<1x16xf32>,
        %parallel_loop3A_348 = vector.shape_cast %parallel_loop3A_347 : vector<1x16xf32> to vector<16xf32>
        %parallel_loop3A_349 = arith.addf %parallel_loop3A_344, %parallel_loop3A_348 : vector<16xf32>
        %parallel_loop3A_350 = arith.constant 5.000000e-01 : f32
        %parallel_loop3A_351 = vector.broadcast %parallel_loop3A_350 : f32 to vector<16xf32>
        %parallel_loop3A_352 = arith.mulf %parallel_loop3A_349, %parallel_loop3A_351 : vector<16xf32>
        %parallel_loop3A_353 = arith.index_cast %parallel_loop3A_289 : i32 to index
        %parallel_loop3A_354 = arith.constant 48 : index
        %parallel_loop3A_355 = tpu.vector_load %arg13[%parallel_loop3A_353, %parallel_loop3A_354] {strides = array<i32>} : memref<96x128xf32, #tpu.memory_space<vmem>>, vector<1x16xf32>,
        %parallel_loop3A_356 = vector.shape_cast %parallel_loop3A_355 : vector<1x16xf32> to vector<16xf32>
        %parallel_loop3A_357 = vector.shape_cast %parallel_loop3A_352 : vector<16xf32> to vector<1x16xf32>
        tpu.vector_store %arg13[%parallel_loop3A_353, %parallel_loop3A_354], %parallel_loop3A_357 {strides = array<i32>} : memref<96x128xf32, #tpu.memory_space<vmem>>, vector<1x16xf32>,
        %parallel_loop3A_358 = arith.index_cast %parallel_loop3A_289 : i32 to index
        %parallel_loop3A_359 = arith.constant 64 : index
        %parallel_loop3A_360 = tpu.vector_load %arg9[%parallel_loop3A_358, %parallel_loop3A_359] {strides = array<i32>} : memref<96x128xf32, #tpu.memory_space<vmem>>, vector<1x16xf32>,
        %parallel_loop3A_361 = vector.shape_cast %parallel_loop3A_360 : vector<1x16xf32> to vector<16xf32>
        %parallel_loop3A_362 = arith.index_cast %parallel_loop3A_289 : i32 to index
        %parallel_loop3A_363 = arith.constant 64 : index
        %parallel_loop3A_364 = tpu.vector_load %arg11[%parallel_loop3A_362, %parallel_loop3A_363] {strides = array<i32>} : memref<96x128xf32, #tpu.memory_space<vmem>>, vector<1x16xf32>,
        %parallel_loop3A_365 = vector.shape_cast %parallel_loop3A_364 : vector<1x16xf32> to vector<16xf32>
        %parallel_loop3A_366 = arith.addf %parallel_loop3A_361, %parallel_loop3A_365 : vector<16xf32>
        %parallel_loop3A_367 = arith.constant 5.000000e-01 : f32
        %parallel_loop3A_368 = vector.broadcast %parallel_loop3A_367 : f32 to vector<16xf32>
        %parallel_loop3A_369 = arith.mulf %parallel_loop3A_366, %parallel_loop3A_368 : vector<16xf32>
        %parallel_loop3A_370 = arith.index_cast %parallel_loop3A_289 : i32 to index
        %parallel_loop3A_371 = arith.constant 64 : index
        %parallel_loop3A_372 = tpu.vector_load %arg13[%parallel_loop3A_370, %parallel_loop3A_371] {strides = array<i32>} : memref<96x128xf32, #tpu.memory_space<vmem>>, vector<1x16xf32>,
        %parallel_loop3A_373 = vector.shape_cast %parallel_loop3A_372 : vector<1x16xf32> to vector<16xf32>
        %parallel_loop3A_374 = vector.shape_cast %parallel_loop3A_369 : vector<16xf32> to vector<1x16xf32>
        tpu.vector_store %arg13[%parallel_loop3A_370, %parallel_loop3A_371], %parallel_loop3A_374 {strides = array<i32>} : memref<96x128xf32, #tpu.memory_space<vmem>>, vector<1x16xf32>,
        %parallel_loop3A_375 = arith.index_cast %parallel_loop3A_289 : i32 to index
        %parallel_loop3A_376 = arith.constant 80 : index
        %parallel_loop3A_377 = tpu.vector_load %arg9[%parallel_loop3A_375, %parallel_loop3A_376] {strides = array<i32>} : memref<96x128xf32, #tpu.memory_space<vmem>>, vector<1x16xf32>,
        %parallel_loop3A_378 = vector.shape_cast %parallel_loop3A_377 : vector<1x16xf32> to vector<16xf32>
        %parallel_loop3A_379 = arith.index_cast %parallel_loop3A_289 : i32 to index
        %parallel_loop3A_380 = arith.constant 80 : index
        %parallel_loop3A_381 = tpu.vector_load %arg11[%parallel_loop3A_379, %parallel_loop3A_380] {strides = array<i32>} : memref<96x128xf32, #tpu.memory_space<vmem>>, vector<1x16xf32>,
        %parallel_loop3A_382 = vector.shape_cast %parallel_loop3A_381 : vector<1x16xf32> to vector<16xf32>
        %parallel_loop3A_383 = arith.addf %parallel_loop3A_378, %parallel_loop3A_382 : vector<16xf32>
        %parallel_loop3A_384 = arith.constant 5.000000e-01 : f32
        %parallel_loop3A_385 = vector.broadcast %parallel_loop3A_384 : f32 to vector<16xf32>
        %parallel_loop3A_386 = arith.mulf %parallel_loop3A_383, %parallel_loop3A_385 : vector<16xf32>
        %parallel_loop3A_387 = arith.index_cast %parallel_loop3A_289 : i32 to index
        %parallel_loop3A_388 = arith.constant 80 : index
        %parallel_loop3A_389 = tpu.vector_load %arg13[%parallel_loop3A_387, %parallel_loop3A_388] {strides = array<i32>} : memref<96x128xf32, #tpu.memory_space<vmem>>, vector<1x16xf32>,
        %parallel_loop3A_390 = vector.shape_cast %parallel_loop3A_389 : vector<1x16xf32> to vector<16xf32>
        %parallel_loop3A_391 = vector.shape_cast %parallel_loop3A_386 : vector<16xf32> to vector<1x16xf32>
        tpu.vector_store %arg13[%parallel_loop3A_387, %parallel_loop3A_388], %parallel_loop3A_391 {strides = array<i32>} : memref<96x128xf32, #tpu.memory_space<vmem>>, vector<1x16xf32>,
        %parallel_loop3A_392 = arith.index_cast %parallel_loop3A_289 : i32 to index
        %parallel_loop3A_393 = arith.constant 96 : index
        %parallel_loop3A_394 = tpu.vector_load %arg9[%parallel_loop3A_392, %parallel_loop3A_393] {strides = array<i32>} : memref<96x128xf32, #tpu.memory_space<vmem>>, vector<1x16xf32>,
        %parallel_loop3A_395 = vector.shape_cast %parallel_loop3A_394 : vector<1x16xf32> to vector<16xf32>
        %parallel_loop3A_396 = arith.index_cast %parallel_loop3A_289 : i32 to index
        %parallel_loop3A_397 = arith.constant 96 : index
        %parallel_loop3A_398 = tpu.vector_load %arg11[%parallel_loop3A_396, %parallel_loop3A_397] {strides = array<i32>} : memref<96x128xf32, #tpu.memory_space<vmem>>, vector<1x16xf32>,
        %parallel_loop3A_399 = vector.shape_cast %parallel_loop3A_398 : vector<1x16xf32> to vector<16xf32>
        %parallel_loop3A_400 = arith.addf %parallel_loop3A_395, %parallel_loop3A_399 : vector<16xf32>
        %parallel_loop3A_401 = arith.constant 5.000000e-01 : f32
        %parallel_loop3A_402 = vector.broadcast %parallel_loop3A_401 : f32 to vector<16xf32>
        %parallel_loop3A_403 = arith.mulf %parallel_loop3A_400, %parallel_loop3A_402 : vector<16xf32>
        %parallel_loop3A_404 = arith.index_cast %parallel_loop3A_289 : i32 to index
        %parallel_loop3A_405 = arith.constant 96 : index
        %parallel_loop3A_406 = tpu.vector_load %arg13[%parallel_loop3A_404, %parallel_loop3A_405] {strides = array<i32>} : memref<96x128xf32, #tpu.memory_space<vmem>>, vector<1x16xf32>,
        %parallel_loop3A_407 = vector.shape_cast %parallel_loop3A_406 : vector<1x16xf32> to vector<16xf32>
        %parallel_loop3A_408 = vector.shape_cast %parallel_loop3A_403 : vector<16xf32> to vector<1x16xf32>
        tpu.vector_store %arg13[%parallel_loop3A_404, %parallel_loop3A_405], %parallel_loop3A_408 {strides = array<i32>} : memref<96x128xf32, #tpu.memory_space<vmem>>, vector<1x16xf32>,
        %parallel_loop3A_409 = arith.index_cast %parallel_loop3A_289 : i32 to index
        %parallel_loop3A_410 = arith.constant 112 : index
        %parallel_loop3A_411 = tpu.vector_load %arg9[%parallel_loop3A_409, %parallel_loop3A_410] {strides = array<i32>} : memref<96x128xf32, #tpu.memory_space<vmem>>, vector<1x16xf32>,
        %parallel_loop3A_412 = vector.shape_cast %parallel_loop3A_411 : vector<1x16xf32> to vector<16xf32>
        %parallel_loop3A_413 = arith.index_cast %parallel_loop3A_289 : i32 to index
        %parallel_loop3A_414 = arith.constant 112 : index
        %parallel_loop3A_415 = tpu.vector_load %arg11[%parallel_loop3A_413, %parallel_loop3A_414] {strides = array<i32>} : memref<96x128xf32, #tpu.memory_space<vmem>>, vector<1x16xf32>,
        %parallel_loop3A_416 = vector.shape_cast %parallel_loop3A_415 : vector<1x16xf32> to vector<16xf32>
        %parallel_loop3A_417 = arith.addf %parallel_loop3A_412, %parallel_loop3A_416 : vector<16xf32>
        %parallel_loop3A_418 = arith.constant 5.000000e-01 : f32
        %parallel_loop3A_419 = vector.broadcast %parallel_loop3A_418 : f32 to vector<16xf32>
        %parallel_loop3A_420 = arith.mulf %parallel_loop3A_417, %parallel_loop3A_419 : vector<16xf32>
        %parallel_loop3A_421 = arith.index_cast %parallel_loop3A_289 : i32 to index
        %parallel_loop3A_422 = arith.constant 112 : index
        %parallel_loop3A_423 = tpu.vector_load %arg13[%parallel_loop3A_421, %parallel_loop3A_422] {strides = array<i32>} : memref<96x128xf32, #tpu.memory_space<vmem>>, vector<1x16xf32>,
        %parallel_loop3A_424 = vector.shape_cast %parallel_loop3A_423 : vector<1x16xf32> to vector<16xf32>
        %parallel_loop3A_425 = vector.shape_cast %parallel_loop3A_420 : vector<16xf32> to vector<1x16xf32>
        tpu.vector_store %arg13[%parallel_loop3A_421, %parallel_loop3A_422], %parallel_loop3A_425 {strides = array<i32>} : memref<96x128xf32, #tpu.memory_space<vmem>>, vector<1x16xf32>,
      } {sc.loop_unroll_factor = 4 : i64, sc.parallel_access}
      %add3A_262 = arith.constant 2 : i32
      %add3A_263 = arith.addi %add3A_243, %add3A_262 : i32
      %mul3A_264 = arith.constant 96 : i32
      %mul3A_265 = arith.muli %add3A_263, %mul3A_264 : i32
      %dma_start3A_266 = tpu.memref_slice %arg6[%mul3A_265] : memref<9408xi32, #tpu.memory_space<vmem>> -> memref<96xi32, #tpu.memory_space<vmem>>
      %dma_start3A_267 = arith.constant 0 : i32
      %dma_start3A_268 = arith.constant 0 : i32
      %dma_start3A_269 = tpu.memref_slice %arg4[%dma_start3A_267, %dma_start3A_268] : memref<100000x128xf32, #tpu.memory_space<hbm>> -> memref<100000x128xf32, #tpu.memory_space<hbm>>
      tpu.enqueue_indirect_dma source(%dma_start3A_269 : memref<100000x128xf32, #tpu.memory_space<hbm>>) target(%arg9 : memref<96x128xf32, #tpu.memory_space<vmem>>) offsets(%dma_start3A_266 : memref<96xi32, #tpu.memory_space<vmem>>) semaphore(%arg15 : memref<!tpu.dma_semaphore, #tpu.memory_space<semaphore_mem>>)
      %mul3A_270 = arith.constant 96 : i32
      %mul3A_271 = arith.muli %add3A_263, %mul3A_270 : i32
      %dma_start3A_272 = tpu.memref_slice %arg7[%mul3A_271] : memref<9408xi32, #tpu.memory_space<vmem>> -> memref<96xi32, #tpu.memory_space<vmem>>
      %dma_start3A_273 = arith.constant 0 : i32
      %dma_start3A_274 = arith.constant 0 : i32
      %dma_start3A_275 = tpu.memref_slice %arg4[%dma_start3A_273, %dma_start3A_274] : memref<100000x128xf32, #tpu.memory_space<hbm>> -> memref<100000x128xf32, #tpu.memory_space<hbm>>
      tpu.enqueue_indirect_dma source(%dma_start3A_275 : memref<100000x128xf32, #tpu.memory_space<hbm>>) target(%arg11 : memref<96x128xf32, #tpu.memory_space<vmem>>) offsets(%dma_start3A_272 : memref<96xi32, #tpu.memory_space<vmem>>) semaphore(%arg15 : memref<!tpu.dma_semaphore, #tpu.memory_space<semaphore_mem>>)
      %mul3A_276 = arith.constant 96 : i32
      %mul3A_277 = arith.muli %add3A_243, %mul3A_276 : i32
      %add3A_278 = arith.addi %add3A_40, %mul3A_277 : i32
      %dma_start3A_279 = arith.constant 0 : i32
      %dma_start3A_280 = arith.constant 0 : i32
      %dma_start3A_281 = tpu.memref_slice %arg13[%dma_start3A_279, %dma_start3A_280] : memref<96x128xf32, #tpu.memory_space<vmem>> -> memref<96x128xf32, #tpu.memory_space<vmem>>
      %dma_start3A_282 = arith.constant 0 : i32
      %dma_start3A_283 = tpu.memref_slice %arg5[%add3A_278, %dma_start3A_282] : memref<400000x128xf32, #tpu.memory_space<hbm>> -> memref<96x128xf32, #tpu.memory_space<hbm>>
      %dma_start3A_284 = arith.constant 0 : i32
      %dma_start3A_285 = tpu.memref_slice %arg5[%add3A_278, %dma_start3A_284] : memref<400000x128xf32, #tpu.memory_space<hbm>> -> memref<96x128xf32, #tpu.memory_space<hbm>>
      %dma_start3A_286 = arith.constant 0 : i32
      %dma_start3A_287 = arith.constant 0 : i32
      %dma_start3A_288 = tpu.memref_slice %arg13[%dma_start3A_286, %dma_start3A_287] : memref<96x128xf32, #tpu.memory_space<vmem>> -> memref<96x128xf32, #tpu.memory_space<vmem>>
      tpu.enqueue_dma source(%dma_start3A_288 : memref<96x128xf32, #tpu.memory_space<vmem>>) target(%dma_start3A_285 : memref<96x128xf32, #tpu.memory_space<hbm>>) target_semaphore(%arg17 : memref<!tpu.dma_semaphore, #tpu.memory_space<semaphore_mem>>)
    }
    %scan3A_74 = arith.constant 48 : i32
    %dma_wait3A = arith.constant 0 : i32
    %dma_wait3A_75 = tpu.memref_slice %arg6[%dma_wait3A] : memref<9408xi32, #tpu.memory_space<vmem>> -> memref<96xi32, #tpu.memory_space<vmem>>
    %dma_wait3A_76 = arith.constant 0 : i32
    %dma_wait3A_77 = arith.constant 0 : i32
    %dma_wait3A_78 = tpu.memref_slice %arg4[%dma_wait3A_76, %dma_wait3A_77] : memref<100000x128xf32, #tpu.memory_space<hbm>> -> memref<100000x128xf32, #tpu.memory_space<hbm>>
    tpu.wait_indirect_dma semaphore(%arg14 : memref<!tpu.dma_semaphore, #tpu.memory_space<semaphore_mem>>) src(%dma_wait3A_78 : memref<100000x128xf32, #tpu.memory_space<hbm>>) dst(%arg8 : memref<96x128xf32, #tpu.memory_space<vmem>>)
    %dma_wait3A_79 = arith.constant 0 : i32
    %dma_wait3A_80 = tpu.memref_slice %arg6[%dma_wait3A_79] : memref<9408xi32, #tpu.memory_space<vmem>> -> memref<96xi32, #tpu.memory_space<vmem>>
    %dma_wait3A_81 = arith.constant 0 : i32
    %dma_wait3A_82 = arith.constant 0 : i32
    %dma_wait3A_83 = tpu.memref_slice %arg4[%dma_wait3A_81, %dma_wait3A_82] : memref<100000x128xf32, #tpu.memory_space<hbm>> -> memref<100000x128xf32, #tpu.memory_space<hbm>>
    tpu.wait_indirect_dma semaphore(%arg14 : memref<!tpu.dma_semaphore, #tpu.memory_space<semaphore_mem>>) src(%dma_wait3A_83 : memref<100000x128xf32, #tpu.memory_space<hbm>>) dst(%arg10 : memref<96x128xf32, #tpu.memory_space<vmem>>)
    %dma_wait3A_84 = arith.constant 0 : i32
    %dma_wait3A_85 = arith.constant 0 : i32
    %dma_wait3A_86 = tpu.memref_slice %arg12[%dma_wait3A_84, %dma_wait3A_85] : memref<96x128xf32, #tpu.memory_space<vmem>> -> memref<96x128xf32, #tpu.memory_space<vmem>>
    %dma_wait3A_87 = arith.constant 0 : i32
    %dma_wait3A_88 = arith.constant 0 : i32
    %dma_wait3A_89 = tpu.memref_slice %arg5[%dma_wait3A_87, %dma_wait3A_88] : memref<400000x128xf32, #tpu.memory_space<hbm>> -> memref<96x128xf32, #tpu.memory_space<hbm>>
    %dma_wait3A_90 = arith.constant 0 : i32
    %dma_wait3A_91 = arith.constant 0 : i32
    %dma_wait3A_92 = tpu.memref_slice %arg5[%dma_wait3A_90, %dma_wait3A_91] : memref<400000x128xf32, #tpu.memory_space<hbm>> -> memref<96x128xf32, #tpu.memory_space<hbm>>
    %dma_wait3A_93 = arith.constant 0 : i32
    %dma_wait3A_94 = arith.constant 0 : i32
    %dma_wait3A_95 = tpu.memref_slice %arg12[%dma_wait3A_93, %dma_wait3A_94] : memref<96x128xf32, #tpu.memory_space<vmem>> -> memref<96x128xf32, #tpu.memory_space<vmem>>
    tpu.wait_dma2 semaphore(%arg16 : memref<!tpu.dma_semaphore, #tpu.memory_space<semaphore_mem>>) src(%dma_wait3A_95 : memref<96x128xf32, #tpu.memory_space<vmem>>) dst(%dma_wait3A_92 : memref<96x128xf32, #tpu.memory_space<hbm>>)
    %parallel_loop3A = arith.constant 0 : i32
    %parallel_loop3A_96 = arith.constant 96 : i32
    %parallel_loop3A_97 = arith.constant 1 : i32
    scf.for %parallel_loop3A_193 = %parallel_loop3A to %parallel_loop3A_96 step %parallel_loop3A_97  : i32 {
      %parallel_loop3A_194 = arith.index_cast %parallel_loop3A_193 : i32 to index
      %parallel_loop3A_195 = arith.constant 0 : index
      %parallel_loop3A_196 = tpu.vector_load %arg8[%parallel_loop3A_194, %parallel_loop3A_195] {strides = array<i32>} : memref<96x128xf32, #tpu.memory_space<vmem>>, vector<1x16xf32>,
      %parallel_loop3A_197 = vector.shape_cast %parallel_loop3A_196 : vector<1x16xf32> to vector<16xf32>
      %parallel_loop3A_198 = arith.index_cast %parallel_loop3A_193 : i32 to index
      %parallel_loop3A_199 = arith.constant 0 : index
      %parallel_loop3A_200 = tpu.vector_load %arg10[%parallel_loop3A_198, %parallel_loop3A_199] {strides = array<i32>} : memref<96x128xf32, #tpu.memory_space<vmem>>, vector<1x16xf32>,
      %parallel_loop3A_201 = vector.shape_cast %parallel_loop3A_200 : vector<1x16xf32> to vector<16xf32>
      %parallel_loop3A_202 = arith.addf %parallel_loop3A_197, %parallel_loop3A_201 : vector<16xf32>
      %parallel_loop3A_203 = arith.constant 5.000000e-01 : f32
      %parallel_loop3A_204 = vector.broadcast %parallel_loop3A_203 : f32 to vector<16xf32>
      %parallel_loop3A_205 = arith.mulf %parallel_loop3A_202, %parallel_loop3A_204 : vector<16xf32>
      %parallel_loop3A_206 = arith.index_cast %parallel_loop3A_193 : i32 to index
      %parallel_loop3A_207 = arith.constant 0 : index
      %parallel_loop3A_208 = tpu.vector_load %arg12[%parallel_loop3A_206, %parallel_loop3A_207] {strides = array<i32>} : memref<96x128xf32, #tpu.memory_space<vmem>>, vector<1x16xf32>,
      %parallel_loop3A_209 = vector.shape_cast %parallel_loop3A_208 : vector<1x16xf32> to vector<16xf32>
      %parallel_loop3A_210 = vector.shape_cast %parallel_loop3A_205 : vector<16xf32> to vector<1x16xf32>
      tpu.vector_store %arg12[%parallel_loop3A_206, %parallel_loop3A_207], %parallel_loop3A_210 {strides = array<i32>} : memref<96x128xf32, #tpu.memory_space<vmem>>, vector<1x16xf32>,
      %parallel_loop3A_211 = arith.index_cast %parallel_loop3A_193 : i32 to index
      %parallel_loop3A_212 = arith.constant 16 : index
      %parallel_loop3A_213 = tpu.vector_load %arg8[%parallel_loop3A_211, %parallel_loop3A_212] {strides = array<i32>} : memref<96x128xf32, #tpu.memory_space<vmem>>, vector<1x16xf32>,
      %parallel_loop3A_214 = vector.shape_cast %parallel_loop3A_213 : vector<1x16xf32> to vector<16xf32>
      %parallel_loop3A_215 = arith.index_cast %parallel_loop3A_193 : i32 to index
      %parallel_loop3A_216 = arith.constant 16 : index
      %parallel_loop3A_217 = tpu.vector_load %arg10[%parallel_loop3A_215, %parallel_loop3A_216] {strides = array<i32>} : memref<96x128xf32, #tpu.memory_space<vmem>>, vector<1x16xf32>,
      %parallel_loop3A_218 = vector.shape_cast %parallel_loop3A_217 : vector<1x16xf32> to vector<16xf32>
      %parallel_loop3A_219 = arith.addf %parallel_loop3A_214, %parallel_loop3A_218 : vector<16xf32>
      %parallel_loop3A_220 = arith.constant 5.000000e-01 : f32
      %parallel_loop3A_221 = vector.broadcast %parallel_loop3A_220 : f32 to vector<16xf32>
      %parallel_loop3A_222 = arith.mulf %parallel_loop3A_219, %parallel_loop3A_221 : vector<16xf32>
      %parallel_loop3A_223 = arith.index_cast %parallel_loop3A_193 : i32 to index
      %parallel_loop3A_224 = arith.constant 16 : index
      %parallel_loop3A_225 = tpu.vector_load %arg12[%parallel_loop3A_223, %parallel_loop3A_224] {strides = array<i32>} : memref<96x128xf32, #tpu.memory_space<vmem>>, vector<1x16xf32>,
      %parallel_loop3A_226 = vector.shape_cast %parallel_loop3A_225 : vector<1x16xf32> to vector<16xf32>
      %parallel_loop3A_227 = vector.shape_cast %parallel_loop3A_222 : vector<16xf32> to vector<1x16xf32>
      tpu.vector_store %arg12[%parallel_loop3A_223, %parallel_loop3A_224], %parallel_loop3A_227 {strides = array<i32>} : memref<96x128xf32, #tpu.memory_space<vmem>>, vector<1x16xf32>,
      %parallel_loop3A_228 = arith.index_cast %parallel_loop3A_193 : i32 to index
      %parallel_loop3A_229 = arith.constant 32 : index
      %parallel_loop3A_230 = tpu.vector_load %arg8[%parallel_loop3A_228, %parallel_loop3A_229] {strides = array<i32>} : memref<96x128xf32, #tpu.memory_space<vmem>>, vector<1x16xf32>,
      %parallel_loop3A_231 = vector.shape_cast %parallel_loop3A_230 : vector<1x16xf32> to vector<16xf32>
      %parallel_loop3A_232 = arith.index_cast %parallel_loop3A_193 : i32 to index
      %parallel_loop3A_233 = arith.constant 32 : index
      %parallel_loop3A_234 = tpu.vector_load %arg10[%parallel_loop3A_232, %parallel_loop3A_233] {strides = array<i32>} : memref<96x128xf32, #tpu.memory_space<vmem>>, vector<1x16xf32>,
      %parallel_loop3A_235 = vector.shape_cast %parallel_loop3A_234 : vector<1x16xf32> to vector<16xf32>
      %parallel_loop3A_236 = arith.addf %parallel_loop3A_231, %parallel_loop3A_235 : vector<16xf32>
      %parallel_loop3A_237 = arith.constant 5.000000e-01 : f32
      %parallel_loop3A_238 = vector.broadcast %parallel_loop3A_237 : f32 to vector<16xf32>
      %parallel_loop3A_239 = arith.mulf %parallel_loop3A_236, %parallel_loop3A_238 : vector<16xf32>
      %parallel_loop3A_240 = arith.index_cast %parallel_loop3A_193 : i32 to index
      %parallel_loop3A_241 = arith.constant 32 : index
      %parallel_loop3A_242 = tpu.vector_load %arg12[%parallel_loop3A_240, %parallel_loop3A_241] {strides = array<i32>} : memref<96x128xf32, #tpu.memory_space<vmem>>, vector<1x16xf32>,
      %parallel_loop3A_243 = vector.shape_cast %parallel_loop3A_242 : vector<1x16xf32> to vector<16xf32>
      %parallel_loop3A_244 = vector.shape_cast %parallel_loop3A_239 : vector<16xf32> to vector<1x16xf32>
      tpu.vector_store %arg12[%parallel_loop3A_240, %parallel_loop3A_241], %parallel_loop3A_244 {strides = array<i32>} : memref<96x128xf32, #tpu.memory_space<vmem>>, vector<1x16xf32>,
      %parallel_loop3A_245 = arith.index_cast %parallel_loop3A_193 : i32 to index
      %parallel_loop3A_246 = arith.constant 48 : index
      %parallel_loop3A_247 = tpu.vector_load %arg8[%parallel_loop3A_245, %parallel_loop3A_246] {strides = array<i32>} : memref<96x128xf32, #tpu.memory_space<vmem>>, vector<1x16xf32>,
      %parallel_loop3A_248 = vector.shape_cast %parallel_loop3A_247 : vector<1x16xf32> to vector<16xf32>
      %parallel_loop3A_249 = arith.index_cast %parallel_loop3A_193 : i32 to index
      %parallel_loop3A_250 = arith.constant 48 : index
      %parallel_loop3A_251 = tpu.vector_load %arg10[%parallel_loop3A_249, %parallel_loop3A_250] {strides = array<i32>} : memref<96x128xf32, #tpu.memory_space<vmem>>, vector<1x16xf32>,
      %parallel_loop3A_252 = vector.shape_cast %parallel_loop3A_251 : vector<1x16xf32> to vector<16xf32>
      %parallel_loop3A_253 = arith.addf %parallel_loop3A_248, %parallel_loop3A_252 : vector<16xf32>
      %parallel_loop3A_254 = arith.constant 5.000000e-01 : f32
      %parallel_loop3A_255 = vector.broadcast %parallel_loop3A_254 : f32 to vector<16xf32>
      %parallel_loop3A_256 = arith.mulf %parallel_loop3A_253, %parallel_loop3A_255 : vector<16xf32>
      %parallel_loop3A_257 = arith.index_cast %parallel_loop3A_193 : i32 to index
      %parallel_loop3A_258 = arith.constant 48 : index
      %parallel_loop3A_259 = tpu.vector_load %arg12[%parallel_loop3A_257, %parallel_loop3A_258] {strides = array<i32>} : memref<96x128xf32, #tpu.memory_space<vmem>>, vector<1x16xf32>,
      %parallel_loop3A_260 = vector.shape_cast %parallel_loop3A_259 : vector<1x16xf32> to vector<16xf32>
      %parallel_loop3A_261 = vector.shape_cast %parallel_loop3A_256 : vector<16xf32> to vector<1x16xf32>
      tpu.vector_store %arg12[%parallel_loop3A_257, %parallel_loop3A_258], %parallel_loop3A_261 {strides = array<i32>} : memref<96x128xf32, #tpu.memory_space<vmem>>, vector<1x16xf32>,
      %parallel_loop3A_262 = arith.index_cast %parallel_loop3A_193 : i32 to index
      %parallel_loop3A_263 = arith.constant 64 : index
      %parallel_loop3A_264 = tpu.vector_load %arg8[%parallel_loop3A_262, %parallel_loop3A_263] {strides = array<i32>} : memref<96x128xf32, #tpu.memory_space<vmem>>, vector<1x16xf32>,
      %parallel_loop3A_265 = vector.shape_cast %parallel_loop3A_264 : vector<1x16xf32> to vector<16xf32>
      %parallel_loop3A_266 = arith.index_cast %parallel_loop3A_193 : i32 to index
      %parallel_loop3A_267 = arith.constant 64 : index
      %parallel_loop3A_268 = tpu.vector_load %arg10[%parallel_loop3A_266, %parallel_loop3A_267] {strides = array<i32>} : memref<96x128xf32, #tpu.memory_space<vmem>>, vector<1x16xf32>,
      %parallel_loop3A_269 = vector.shape_cast %parallel_loop3A_268 : vector<1x16xf32> to vector<16xf32>
      %parallel_loop3A_270 = arith.addf %parallel_loop3A_265, %parallel_loop3A_269 : vector<16xf32>
      %parallel_loop3A_271 = arith.constant 5.000000e-01 : f32
      %parallel_loop3A_272 = vector.broadcast %parallel_loop3A_271 : f32 to vector<16xf32>
      %parallel_loop3A_273 = arith.mulf %parallel_loop3A_270, %parallel_loop3A_272 : vector<16xf32>
      %parallel_loop3A_274 = arith.index_cast %parallel_loop3A_193 : i32 to index
      %parallel_loop3A_275 = arith.constant 64 : index
      %parallel_loop3A_276 = tpu.vector_load %arg12[%parallel_loop3A_274, %parallel_loop3A_275] {strides = array<i32>} : memref<96x128xf32, #tpu.memory_space<vmem>>, vector<1x16xf32>,
      %parallel_loop3A_277 = vector.shape_cast %parallel_loop3A_276 : vector<1x16xf32> to vector<16xf32>
      %parallel_loop3A_278 = vector.shape_cast %parallel_loop3A_273 : vector<16xf32> to vector<1x16xf32>
      tpu.vector_store %arg12[%parallel_loop3A_274, %parallel_loop3A_275], %parallel_loop3A_278 {strides = array<i32>} : memref<96x128xf32, #tpu.memory_space<vmem>>, vector<1x16xf32>,
      %parallel_loop3A_279 = arith.index_cast %parallel_loop3A_193 : i32 to index
      %parallel_loop3A_280 = arith.constant 80 : index
      %parallel_loop3A_281 = tpu.vector_load %arg8[%parallel_loop3A_279, %parallel_loop3A_280] {strides = array<i32>} : memref<96x128xf32, #tpu.memory_space<vmem>>, vector<1x16xf32>,
      %parallel_loop3A_282 = vector.shape_cast %parallel_loop3A_281 : vector<1x16xf32> to vector<16xf32>
      %parallel_loop3A_283 = arith.index_cast %parallel_loop3A_193 : i32 to index
      %parallel_loop3A_284 = arith.constant 80 : index
      %parallel_loop3A_285 = tpu.vector_load %arg10[%parallel_loop3A_283, %parallel_loop3A_284] {strides = array<i32>} : memref<96x128xf32, #tpu.memory_space<vmem>>, vector<1x16xf32>,
      %parallel_loop3A_286 = vector.shape_cast %parallel_loop3A_285 : vector<1x16xf32> to vector<16xf32>
      %parallel_loop3A_287 = arith.addf %parallel_loop3A_282, %parallel_loop3A_286 : vector<16xf32>
      %parallel_loop3A_288 = arith.constant 5.000000e-01 : f32
      %parallel_loop3A_289 = vector.broadcast %parallel_loop3A_288 : f32 to vector<16xf32>
      %parallel_loop3A_290 = arith.mulf %parallel_loop3A_287, %parallel_loop3A_289 : vector<16xf32>
      %parallel_loop3A_291 = arith.index_cast %parallel_loop3A_193 : i32 to index
      %parallel_loop3A_292 = arith.constant 80 : index
      %parallel_loop3A_293 = tpu.vector_load %arg12[%parallel_loop3A_291, %parallel_loop3A_292] {strides = array<i32>} : memref<96x128xf32, #tpu.memory_space<vmem>>, vector<1x16xf32>,
      %parallel_loop3A_294 = vector.shape_cast %parallel_loop3A_293 : vector<1x16xf32> to vector<16xf32>
      %parallel_loop3A_295 = vector.shape_cast %parallel_loop3A_290 : vector<16xf32> to vector<1x16xf32>
      tpu.vector_store %arg12[%parallel_loop3A_291, %parallel_loop3A_292], %parallel_loop3A_295 {strides = array<i32>} : memref<96x128xf32, #tpu.memory_space<vmem>>, vector<1x16xf32>,
      %parallel_loop3A_296 = arith.index_cast %parallel_loop3A_193 : i32 to index
      %parallel_loop3A_297 = arith.constant 96 : index
      %parallel_loop3A_298 = tpu.vector_load %arg8[%parallel_loop3A_296, %parallel_loop3A_297] {strides = array<i32>} : memref<96x128xf32, #tpu.memory_space<vmem>>, vector<1x16xf32>,
      %parallel_loop3A_299 = vector.shape_cast %parallel_loop3A_298 : vector<1x16xf32> to vector<16xf32>
      %parallel_loop3A_300 = arith.index_cast %parallel_loop3A_193 : i32 to index
      %parallel_loop3A_301 = arith.constant 96 : index
      %parallel_loop3A_302 = tpu.vector_load %arg10[%parallel_loop3A_300, %parallel_loop3A_301] {strides = array<i32>} : memref<96x128xf32, #tpu.memory_space<vmem>>, vector<1x16xf32>,
      %parallel_loop3A_303 = vector.shape_cast %parallel_loop3A_302 : vector<1x16xf32> to vector<16xf32>
      %parallel_loop3A_304 = arith.addf %parallel_loop3A_299, %parallel_loop3A_303 : vector<16xf32>
      %parallel_loop3A_305 = arith.constant 5.000000e-01 : f32
      %parallel_loop3A_306 = vector.broadcast %parallel_loop3A_305 : f32 to vector<16xf32>
      %parallel_loop3A_307 = arith.mulf %parallel_loop3A_304, %parallel_loop3A_306 : vector<16xf32>
      %parallel_loop3A_308 = arith.index_cast %parallel_loop3A_193 : i32 to index
      %parallel_loop3A_309 = arith.constant 96 : index
      %parallel_loop3A_310 = tpu.vector_load %arg12[%parallel_loop3A_308, %parallel_loop3A_309] {strides = array<i32>} : memref<96x128xf32, #tpu.memory_space<vmem>>, vector<1x16xf32>,
      %parallel_loop3A_311 = vector.shape_cast %parallel_loop3A_310 : vector<1x16xf32> to vector<16xf32>
      %parallel_loop3A_312 = vector.shape_cast %parallel_loop3A_307 : vector<16xf32> to vector<1x16xf32>
      tpu.vector_store %arg12[%parallel_loop3A_308, %parallel_loop3A_309], %parallel_loop3A_312 {strides = array<i32>} : memref<96x128xf32, #tpu.memory_space<vmem>>, vector<1x16xf32>,
      %parallel_loop3A_313 = arith.index_cast %parallel_loop3A_193 : i32 to index
      %parallel_loop3A_314 = arith.constant 112 : index
      %parallel_loop3A_315 = tpu.vector_load %arg8[%parallel_loop3A_313, %parallel_loop3A_314] {strides = array<i32>} : memref<96x128xf32, #tpu.memory_space<vmem>>, vector<1x16xf32>,
      %parallel_loop3A_316 = vector.shape_cast %parallel_loop3A_315 : vector<1x16xf32> to vector<16xf32>
      %parallel_loop3A_317 = arith.index_cast %parallel_loop3A_193 : i32 to index
      %parallel_loop3A_318 = arith.constant 112 : index
      %parallel_loop3A_319 = tpu.vector_load %arg10[%parallel_loop3A_317, %parallel_loop3A_318] {strides = array<i32>} : memref<96x128xf32, #tpu.memory_space<vmem>>, vector<1x16xf32>,
      %parallel_loop3A_320 = vector.shape_cast %parallel_loop3A_319 : vector<1x16xf32> to vector<16xf32>
      %parallel_loop3A_321 = arith.addf %parallel_loop3A_316, %parallel_loop3A_320 : vector<16xf32>
      %parallel_loop3A_322 = arith.constant 5.000000e-01 : f32
      %parallel_loop3A_323 = vector.broadcast %parallel_loop3A_322 : f32 to vector<16xf32>
      %parallel_loop3A_324 = arith.mulf %parallel_loop3A_321, %parallel_loop3A_323 : vector<16xf32>
      %parallel_loop3A_325 = arith.index_cast %parallel_loop3A_193 : i32 to index
      %parallel_loop3A_326 = arith.constant 112 : index
      %parallel_loop3A_327 = tpu.vector_load %arg12[%parallel_loop3A_325, %parallel_loop3A_326] {strides = array<i32>} : memref<96x128xf32, #tpu.memory_space<vmem>>, vector<1x16xf32>,
      %parallel_loop3A_328 = vector.shape_cast %parallel_loop3A_327 : vector<1x16xf32> to vector<16xf32>
      %parallel_loop3A_329 = vector.shape_cast %parallel_loop3A_324 : vector<16xf32> to vector<1x16xf32>
      tpu.vector_store %arg12[%parallel_loop3A_325, %parallel_loop3A_326], %parallel_loop3A_329 {strides = array<i32>} : memref<96x128xf32, #tpu.memory_space<vmem>>, vector<1x16xf32>,
    } {sc.loop_unroll_factor = 4 : i64, sc.parallel_access}
    %add3A_98 = arith.constant 9216 : i32
    %add3A_99 = arith.addi %add3A_40, %add3A_98 : i32
    %dma_start3A_100 = arith.constant 0 : i32
    %dma_start3A_101 = arith.constant 0 : i32
    %dma_start3A_102 = tpu.memref_slice %arg12[%dma_start3A_100, %dma_start3A_101] : memref<96x128xf32, #tpu.memory_space<vmem>> -> memref<96x128xf32, #tpu.memory_space<vmem>>
    %dma_start3A_103 = arith.constant 0 : i32
    %dma_start3A_104 = tpu.memref_slice %arg5[%add3A_99, %dma_start3A_103] : memref<400000x128xf32, #tpu.memory_space<hbm>> -> memref<96x128xf32, #tpu.memory_space<hbm>>
    %dma_start3A_105 = arith.constant 0 : i32
    %dma_start3A_106 = tpu.memref_slice %arg5[%add3A_99, %dma_start3A_105] : memref<400000x128xf32, #tpu.memory_space<hbm>> -> memref<96x128xf32, #tpu.memory_space<hbm>>
    %dma_start3A_107 = arith.constant 0 : i32
    %dma_start3A_108 = arith.constant 0 : i32
    %dma_start3A_109 = tpu.memref_slice %arg12[%dma_start3A_107, %dma_start3A_108] : memref<96x128xf32, #tpu.memory_space<vmem>> -> memref<96x128xf32, #tpu.memory_space<vmem>>
    tpu.enqueue_dma source(%dma_start3A_109 : memref<96x128xf32, #tpu.memory_space<vmem>>) target(%dma_start3A_106 : memref<96x128xf32, #tpu.memory_space<hbm>>) target_semaphore(%arg16 : memref<!tpu.dma_semaphore, #tpu.memory_space<semaphore_mem>>)
    %dma_wait3A_110 = arith.constant 0 : i32
    %dma_wait3A_111 = tpu.memref_slice %arg6[%dma_wait3A_110] : memref<9408xi32, #tpu.memory_space<vmem>> -> memref<96xi32, #tpu.memory_space<vmem>>
    %dma_wait3A_112 = arith.constant 0 : i32
    %dma_wait3A_113 = arith.constant 0 : i32
    %dma_wait3A_114 = tpu.memref_slice %arg4[%dma_wait3A_112, %dma_wait3A_113] : memref<100000x128xf32, #tpu.memory_space<hbm>> -> memref<100000x128xf32, #tpu.memory_space<hbm>>
    tpu.wait_indirect_dma semaphore(%arg15 : memref<!tpu.dma_semaphore, #tpu.memory_space<semaphore_mem>>) src(%dma_wait3A_114 : memref<100000x128xf32, #tpu.memory_space<hbm>>) dst(%arg9 : memref<96x128xf32, #tpu.memory_space<vmem>>)
    %dma_wait3A_115 = arith.constant 0 : i32
    %dma_wait3A_116 = tpu.memref_slice %arg6[%dma_wait3A_115] : memref<9408xi32, #tpu.memory_space<vmem>> -> memref<96xi32, #tpu.memory_space<vmem>>
    %dma_wait3A_117 = arith.constant 0 : i32
    %dma_wait3A_118 = arith.constant 0 : i32
    %dma_wait3A_119 = tpu.memref_slice %arg4[%dma_wait3A_117, %dma_wait3A_118] : memref<100000x128xf32, #tpu.memory_space<hbm>> -> memref<100000x128xf32, #tpu.memory_space<hbm>>
    tpu.wait_indirect_dma semaphore(%arg15 : memref<!tpu.dma_semaphore, #tpu.memory_space<semaphore_mem>>) src(%dma_wait3A_119 : memref<100000x128xf32, #tpu.memory_space<hbm>>) dst(%arg11 : memref<96x128xf32, #tpu.memory_space<vmem>>)
    %dma_wait3A_120 = arith.constant 0 : i32
    %dma_wait3A_121 = arith.constant 0 : i32
    %dma_wait3A_122 = tpu.memref_slice %arg13[%dma_wait3A_120, %dma_wait3A_121] : memref<96x128xf32, #tpu.memory_space<vmem>> -> memref<96x128xf32, #tpu.memory_space<vmem>>
    %dma_wait3A_123 = arith.constant 0 : i32
    %dma_wait3A_124 = arith.constant 0 : i32
    %dma_wait3A_125 = tpu.memref_slice %arg5[%dma_wait3A_123, %dma_wait3A_124] : memref<400000x128xf32, #tpu.memory_space<hbm>> -> memref<96x128xf32, #tpu.memory_space<hbm>>
    %dma_wait3A_126 = arith.constant 0 : i32
    %dma_wait3A_127 = arith.constant 0 : i32
    %dma_wait3A_128 = tpu.memref_slice %arg5[%dma_wait3A_126, %dma_wait3A_127] : memref<400000x128xf32, #tpu.memory_space<hbm>> -> memref<96x128xf32, #tpu.memory_space<hbm>>
    %dma_wait3A_129 = arith.constant 0 : i32
    %dma_wait3A_130 = arith.constant 0 : i32
    %dma_wait3A_131 = tpu.memref_slice %arg13[%dma_wait3A_129, %dma_wait3A_130] : memref<96x128xf32, #tpu.memory_space<vmem>> -> memref<96x128xf32, #tpu.memory_space<vmem>>
    tpu.wait_dma2 semaphore(%arg17 : memref<!tpu.dma_semaphore, #tpu.memory_space<semaphore_mem>>) src(%dma_wait3A_131 : memref<96x128xf32, #tpu.memory_space<vmem>>) dst(%dma_wait3A_128 : memref<96x128xf32, #tpu.memory_space<hbm>>)
    %parallel_loop3A_132 = arith.constant 0 : i32
    %parallel_loop3A_133 = arith.constant 96 : i32
    %parallel_loop3A_134 = arith.constant 1 : i32
    scf.for %parallel_loop3A_193 = %parallel_loop3A_132 to %parallel_loop3A_133 step %parallel_loop3A_134  : i32 {
      %parallel_loop3A_194 = arith.index_cast %parallel_loop3A_193 : i32 to index
      %parallel_loop3A_195 = arith.constant 0 : index
      %parallel_loop3A_196 = tpu.vector_load %arg9[%parallel_loop3A_194, %parallel_loop3A_195] {strides = array<i32>} : memref<96x128xf32, #tpu.memory_space<vmem>>, vector<1x16xf32>,
      %parallel_loop3A_197 = vector.shape_cast %parallel_loop3A_196 : vector<1x16xf32> to vector<16xf32>
      %parallel_loop3A_198 = arith.index_cast %parallel_loop3A_193 : i32 to index
      %parallel_loop3A_199 = arith.constant 0 : index
      %parallel_loop3A_200 = tpu.vector_load %arg11[%parallel_loop3A_198, %parallel_loop3A_199] {strides = array<i32>} : memref<96x128xf32, #tpu.memory_space<vmem>>, vector<1x16xf32>,
      %parallel_loop3A_201 = vector.shape_cast %parallel_loop3A_200 : vector<1x16xf32> to vector<16xf32>
      %parallel_loop3A_202 = arith.addf %parallel_loop3A_197, %parallel_loop3A_201 : vector<16xf32>
      %parallel_loop3A_203 = arith.constant 5.000000e-01 : f32
      %parallel_loop3A_204 = vector.broadcast %parallel_loop3A_203 : f32 to vector<16xf32>
      %parallel_loop3A_205 = arith.mulf %parallel_loop3A_202, %parallel_loop3A_204 : vector<16xf32>
      %parallel_loop3A_206 = arith.index_cast %parallel_loop3A_193 : i32 to index
      %parallel_loop3A_207 = arith.constant 0 : index
      %parallel_loop3A_208 = tpu.vector_load %arg13[%parallel_loop3A_206, %parallel_loop3A_207] {strides = array<i32>} : memref<96x128xf32, #tpu.memory_space<vmem>>, vector<1x16xf32>,
      %parallel_loop3A_209 = vector.shape_cast %parallel_loop3A_208 : vector<1x16xf32> to vector<16xf32>
      %parallel_loop3A_210 = vector.shape_cast %parallel_loop3A_205 : vector<16xf32> to vector<1x16xf32>
      tpu.vector_store %arg13[%parallel_loop3A_206, %parallel_loop3A_207], %parallel_loop3A_210 {strides = array<i32>} : memref<96x128xf32, #tpu.memory_space<vmem>>, vector<1x16xf32>,
      %parallel_loop3A_211 = arith.index_cast %parallel_loop3A_193 : i32 to index
      %parallel_loop3A_212 = arith.constant 16 : index
      %parallel_loop3A_213 = tpu.vector_load %arg9[%parallel_loop3A_211, %parallel_loop3A_212] {strides = array<i32>} : memref<96x128xf32, #tpu.memory_space<vmem>>, vector<1x16xf32>,
      %parallel_loop3A_214 = vector.shape_cast %parallel_loop3A_213 : vector<1x16xf32> to vector<16xf32>
      %parallel_loop3A_215 = arith.index_cast %parallel_loop3A_193 : i32 to index
      %parallel_loop3A_216 = arith.constant 16 : index
      %parallel_loop3A_217 = tpu.vector_load %arg11[%parallel_loop3A_215, %parallel_loop3A_216] {strides = array<i32>} : memref<96x128xf32, #tpu.memory_space<vmem>>, vector<1x16xf32>,
      %parallel_loop3A_218 = vector.shape_cast %parallel_loop3A_217 : vector<1x16xf32> to vector<16xf32>
      %parallel_loop3A_219 = arith.addf %parallel_loop3A_214, %parallel_loop3A_218 : vector<16xf32>
      %parallel_loop3A_220 = arith.constant 5.000000e-01 : f32
      %parallel_loop3A_221 = vector.broadcast %parallel_loop3A_220 : f32 to vector<16xf32>
      %parallel_loop3A_222 = arith.mulf %parallel_loop3A_219, %parallel_loop3A_221 : vector<16xf32>
      %parallel_loop3A_223 = arith.index_cast %parallel_loop3A_193 : i32 to index
      %parallel_loop3A_224 = arith.constant 16 : index
      %parallel_loop3A_225 = tpu.vector_load %arg13[%parallel_loop3A_223, %parallel_loop3A_224] {strides = array<i32>} : memref<96x128xf32, #tpu.memory_space<vmem>>, vector<1x16xf32>,
      %parallel_loop3A_226 = vector.shape_cast %parallel_loop3A_225 : vector<1x16xf32> to vector<16xf32>
      %parallel_loop3A_227 = vector.shape_cast %parallel_loop3A_222 : vector<16xf32> to vector<1x16xf32>
      tpu.vector_store %arg13[%parallel_loop3A_223, %parallel_loop3A_224], %parallel_loop3A_227 {strides = array<i32>} : memref<96x128xf32, #tpu.memory_space<vmem>>, vector<1x16xf32>,
      %parallel_loop3A_228 = arith.index_cast %parallel_loop3A_193 : i32 to index
      %parallel_loop3A_229 = arith.constant 32 : index
      %parallel_loop3A_230 = tpu.vector_load %arg9[%parallel_loop3A_228, %parallel_loop3A_229] {strides = array<i32>} : memref<96x128xf32, #tpu.memory_space<vmem>>, vector<1x16xf32>,
      %parallel_loop3A_231 = vector.shape_cast %parallel_loop3A_230 : vector<1x16xf32> to vector<16xf32>
      %parallel_loop3A_232 = arith.index_cast %parallel_loop3A_193 : i32 to index
      %parallel_loop3A_233 = arith.constant 32 : index
      %parallel_loop3A_234 = tpu.vector_load %arg11[%parallel_loop3A_232, %parallel_loop3A_233] {strides = array<i32>} : memref<96x128xf32, #tpu.memory_space<vmem>>, vector<1x16xf32>,
      %parallel_loop3A_235 = vector.shape_cast %parallel_loop3A_234 : vector<1x16xf32> to vector<16xf32>
      %parallel_loop3A_236 = arith.addf %parallel_loop3A_231, %parallel_loop3A_235 : vector<16xf32>
      %parallel_loop3A_237 = arith.constant 5.000000e-01 : f32
      %parallel_loop3A_238 = vector.broadcast %parallel_loop3A_237 : f32 to vector<16xf32>
      %parallel_loop3A_239 = arith.mulf %parallel_loop3A_236, %parallel_loop3A_238 : vector<16xf32>
      %parallel_loop3A_240 = arith.index_cast %parallel_loop3A_193 : i32 to index
      %parallel_loop3A_241 = arith.constant 32 : index
      %parallel_loop3A_242 = tpu.vector_load %arg13[%parallel_loop3A_240, %parallel_loop3A_241] {strides = array<i32>} : memref<96x128xf32, #tpu.memory_space<vmem>>, vector<1x16xf32>,
      %parallel_loop3A_243 = vector.shape_cast %parallel_loop3A_242 : vector<1x16xf32> to vector<16xf32>
      %parallel_loop3A_244 = vector.shape_cast %parallel_loop3A_239 : vector<16xf32> to vector<1x16xf32>
      tpu.vector_store %arg13[%parallel_loop3A_240, %parallel_loop3A_241], %parallel_loop3A_244 {strides = array<i32>} : memref<96x128xf32, #tpu.memory_space<vmem>>, vector<1x16xf32>,
      %parallel_loop3A_245 = arith.index_cast %parallel_loop3A_193 : i32 to index
      %parallel_loop3A_246 = arith.constant 48 : index
      %parallel_loop3A_247 = tpu.vector_load %arg9[%parallel_loop3A_245, %parallel_loop3A_246] {strides = array<i32>} : memref<96x128xf32, #tpu.memory_space<vmem>>, vector<1x16xf32>,
      %parallel_loop3A_248 = vector.shape_cast %parallel_loop3A_247 : vector<1x16xf32> to vector<16xf32>
      %parallel_loop3A_249 = arith.index_cast %parallel_loop3A_193 : i32 to index
      %parallel_loop3A_250 = arith.constant 48 : index
      %parallel_loop3A_251 = tpu.vector_load %arg11[%parallel_loop3A_249, %parallel_loop3A_250] {strides = array<i32>} : memref<96x128xf32, #tpu.memory_space<vmem>>, vector<1x16xf32>,
      %parallel_loop3A_252 = vector.shape_cast %parallel_loop3A_251 : vector<1x16xf32> to vector<16xf32>
      %parallel_loop3A_253 = arith.addf %parallel_loop3A_248, %parallel_loop3A_252 : vector<16xf32>
      %parallel_loop3A_254 = arith.constant 5.000000e-01 : f32
      %parallel_loop3A_255 = vector.broadcast %parallel_loop3A_254 : f32 to vector<16xf32>
      %parallel_loop3A_256 = arith.mulf %parallel_loop3A_253, %parallel_loop3A_255 : vector<16xf32>
      %parallel_loop3A_257 = arith.index_cast %parallel_loop3A_193 : i32 to index
      %parallel_loop3A_258 = arith.constant 48 : index
      %parallel_loop3A_259 = tpu.vector_load %arg13[%parallel_loop3A_257, %parallel_loop3A_258] {strides = array<i32>} : memref<96x128xf32, #tpu.memory_space<vmem>>, vector<1x16xf32>,
      %parallel_loop3A_260 = vector.shape_cast %parallel_loop3A_259 : vector<1x16xf32> to vector<16xf32>
      %parallel_loop3A_261 = vector.shape_cast %parallel_loop3A_256 : vector<16xf32> to vector<1x16xf32>
      tpu.vector_store %arg13[%parallel_loop3A_257, %parallel_loop3A_258], %parallel_loop3A_261 {strides = array<i32>} : memref<96x128xf32, #tpu.memory_space<vmem>>, vector<1x16xf32>,
      %parallel_loop3A_262 = arith.index_cast %parallel_loop3A_193 : i32 to index
      %parallel_loop3A_263 = arith.constant 64 : index
      %parallel_loop3A_264 = tpu.vector_load %arg9[%parallel_loop3A_262, %parallel_loop3A_263] {strides = array<i32>} : memref<96x128xf32, #tpu.memory_space<vmem>>, vector<1x16xf32>,
      %parallel_loop3A_265 = vector.shape_cast %parallel_loop3A_264 : vector<1x16xf32> to vector<16xf32>
      %parallel_loop3A_266 = arith.index_cast %parallel_loop3A_193 : i32 to index
      %parallel_loop3A_267 = arith.constant 64 : index
      %parallel_loop3A_268 = tpu.vector_load %arg11[%parallel_loop3A_266, %parallel_loop3A_267] {strides = array<i32>} : memref<96x128xf32, #tpu.memory_space<vmem>>, vector<1x16xf32>,
      %parallel_loop3A_269 = vector.shape_cast %parallel_loop3A_268 : vector<1x16xf32> to vector<16xf32>
      %parallel_loop3A_270 = arith.addf %parallel_loop3A_265, %parallel_loop3A_269 : vector<16xf32>
      %parallel_loop3A_271 = arith.constant 5.000000e-01 : f32
      %parallel_loop3A_272 = vector.broadcast %parallel_loop3A_271 : f32 to vector<16xf32>
      %parallel_loop3A_273 = arith.mulf %parallel_loop3A_270, %parallel_loop3A_272 : vector<16xf32>
      %parallel_loop3A_274 = arith.index_cast %parallel_loop3A_193 : i32 to index
      %parallel_loop3A_275 = arith.constant 64 : index
      %parallel_loop3A_276 = tpu.vector_load %arg13[%parallel_loop3A_274, %parallel_loop3A_275] {strides = array<i32>} : memref<96x128xf32, #tpu.memory_space<vmem>>, vector<1x16xf32>,
      %parallel_loop3A_277 = vector.shape_cast %parallel_loop3A_276 : vector<1x16xf32> to vector<16xf32>
      %parallel_loop3A_278 = vector.shape_cast %parallel_loop3A_273 : vector<16xf32> to vector<1x16xf32>
      tpu.vector_store %arg13[%parallel_loop3A_274, %parallel_loop3A_275], %parallel_loop3A_278 {strides = array<i32>} : memref<96x128xf32, #tpu.memory_space<vmem>>, vector<1x16xf32>,
      %parallel_loop3A_279 = arith.index_cast %parallel_loop3A_193 : i32 to index
      %parallel_loop3A_280 = arith.constant 80 : index
      %parallel_loop3A_281 = tpu.vector_load %arg9[%parallel_loop3A_279, %parallel_loop3A_280] {strides = array<i32>} : memref<96x128xf32, #tpu.memory_space<vmem>>, vector<1x16xf32>,
      %parallel_loop3A_282 = vector.shape_cast %parallel_loop3A_281 : vector<1x16xf32> to vector<16xf32>
      %parallel_loop3A_283 = arith.index_cast %parallel_loop3A_193 : i32 to index
      %parallel_loop3A_284 = arith.constant 80 : index
      %parallel_loop3A_285 = tpu.vector_load %arg11[%parallel_loop3A_283, %parallel_loop3A_284] {strides = array<i32>} : memref<96x128xf32, #tpu.memory_space<vmem>>, vector<1x16xf32>,
      %parallel_loop3A_286 = vector.shape_cast %parallel_loop3A_285 : vector<1x16xf32> to vector<16xf32>
      %parallel_loop3A_287 = arith.addf %parallel_loop3A_282, %parallel_loop3A_286 : vector<16xf32>
      %parallel_loop3A_288 = arith.constant 5.000000e-01 : f32
      %parallel_loop3A_289 = vector.broadcast %parallel_loop3A_288 : f32 to vector<16xf32>
      %parallel_loop3A_290 = arith.mulf %parallel_loop3A_287, %parallel_loop3A_289 : vector<16xf32>
      %parallel_loop3A_291 = arith.index_cast %parallel_loop3A_193 : i32 to index
      %parallel_loop3A_292 = arith.constant 80 : index
      %parallel_loop3A_293 = tpu.vector_load %arg13[%parallel_loop3A_291, %parallel_loop3A_292] {strides = array<i32>} : memref<96x128xf32, #tpu.memory_space<vmem>>, vector<1x16xf32>,
      %parallel_loop3A_294 = vector.shape_cast %parallel_loop3A_293 : vector<1x16xf32> to vector<16xf32>
      %parallel_loop3A_295 = vector.shape_cast %parallel_loop3A_290 : vector<16xf32> to vector<1x16xf32>
      tpu.vector_store %arg13[%parallel_loop3A_291, %parallel_loop3A_292], %parallel_loop3A_295 {strides = array<i32>} : memref<96x128xf32, #tpu.memory_space<vmem>>, vector<1x16xf32>,
      %parallel_loop3A_296 = arith.index_cast %parallel_loop3A_193 : i32 to index
      %parallel_loop3A_297 = arith.constant 96 : index
      %parallel_loop3A_298 = tpu.vector_load %arg9[%parallel_loop3A_296, %parallel_loop3A_297] {strides = array<i32>} : memref<96x128xf32, #tpu.memory_space<vmem>>, vector<1x16xf32>,
      %parallel_loop3A_299 = vector.shape_cast %parallel_loop3A_298 : vector<1x16xf32> to vector<16xf32>
      %parallel_loop3A_300 = arith.index_cast %parallel_loop3A_193 : i32 to index
      %parallel_loop3A_301 = arith.constant 96 : index
      %parallel_loop3A_302 = tpu.vector_load %arg11[%parallel_loop3A_300, %parallel_loop3A_301] {strides = array<i32>} : memref<96x128xf32, #tpu.memory_space<vmem>>, vector<1x16xf32>,
      %parallel_loop3A_303 = vector.shape_cast %parallel_loop3A_302 : vector<1x16xf32> to vector<16xf32>
      %parallel_loop3A_304 = arith.addf %parallel_loop3A_299, %parallel_loop3A_303 : vector<16xf32>
      %parallel_loop3A_305 = arith.constant 5.000000e-01 : f32
      %parallel_loop3A_306 = vector.broadcast %parallel_loop3A_305 : f32 to vector<16xf32>
      %parallel_loop3A_307 = arith.mulf %parallel_loop3A_304, %parallel_loop3A_306 : vector<16xf32>
      %parallel_loop3A_308 = arith.index_cast %parallel_loop3A_193 : i32 to index
      %parallel_loop3A_309 = arith.constant 96 : index
      %parallel_loop3A_310 = tpu.vector_load %arg13[%parallel_loop3A_308, %parallel_loop3A_309] {strides = array<i32>} : memref<96x128xf32, #tpu.memory_space<vmem>>, vector<1x16xf32>,
      %parallel_loop3A_311 = vector.shape_cast %parallel_loop3A_310 : vector<1x16xf32> to vector<16xf32>
      %parallel_loop3A_312 = vector.shape_cast %parallel_loop3A_307 : vector<16xf32> to vector<1x16xf32>
      tpu.vector_store %arg13[%parallel_loop3A_308, %parallel_loop3A_309], %parallel_loop3A_312 {strides = array<i32>} : memref<96x128xf32, #tpu.memory_space<vmem>>, vector<1x16xf32>,
      %parallel_loop3A_313 = arith.index_cast %parallel_loop3A_193 : i32 to index
      %parallel_loop3A_314 = arith.constant 112 : index
      %parallel_loop3A_315 = tpu.vector_load %arg9[%parallel_loop3A_313, %parallel_loop3A_314] {strides = array<i32>} : memref<96x128xf32, #tpu.memory_space<vmem>>, vector<1x16xf32>,
      %parallel_loop3A_316 = vector.shape_cast %parallel_loop3A_315 : vector<1x16xf32> to vector<16xf32>
      %parallel_loop3A_317 = arith.index_cast %parallel_loop3A_193 : i32 to index
      %parallel_loop3A_318 = arith.constant 112 : index
      %parallel_loop3A_319 = tpu.vector_load %arg11[%parallel_loop3A_317, %parallel_loop3A_318] {strides = array<i32>} : memref<96x128xf32, #tpu.memory_space<vmem>>, vector<1x16xf32>,
      %parallel_loop3A_320 = vector.shape_cast %parallel_loop3A_319 : vector<1x16xf32> to vector<16xf32>
      %parallel_loop3A_321 = arith.addf %parallel_loop3A_316, %parallel_loop3A_320 : vector<16xf32>
      %parallel_loop3A_322 = arith.constant 5.000000e-01 : f32
      %parallel_loop3A_323 = vector.broadcast %parallel_loop3A_322 : f32 to vector<16xf32>
      %parallel_loop3A_324 = arith.mulf %parallel_loop3A_321, %parallel_loop3A_323 : vector<16xf32>
      %parallel_loop3A_325 = arith.index_cast %parallel_loop3A_193 : i32 to index
      %parallel_loop3A_326 = arith.constant 112 : index
      %parallel_loop3A_327 = tpu.vector_load %arg13[%parallel_loop3A_325, %parallel_loop3A_326] {strides = array<i32>} : memref<96x128xf32, #tpu.memory_space<vmem>>, vector<1x16xf32>,
      %parallel_loop3A_328 = vector.shape_cast %parallel_loop3A_327 : vector<1x16xf32> to vector<16xf32>
      %parallel_loop3A_329 = vector.shape_cast %parallel_loop3A_324 : vector<16xf32> to vector<1x16xf32>
      tpu.vector_store %arg13[%parallel_loop3A_325, %parallel_loop3A_326], %parallel_loop3A_329 {strides = array<i32>} : memref<96x128xf32, #tpu.memory_space<vmem>>, vector<1x16xf32>,
    } {sc.loop_unroll_factor = 4 : i64, sc.parallel_access}
    %add3A_135 = arith.constant 9312 : i32
    %add3A_136 = arith.addi %add3A_40, %add3A_135 : i32
    %dma_start3A_137 = arith.constant 0 : i32
    %dma_start3A_138 = arith.constant 0 : i32
    %dma_start3A_139 = tpu.memref_slice %arg13[%dma_start3A_137, %dma_start3A_138] : memref<96x128xf32, #tpu.memory_space<vmem>> -> memref<64x128xf32, #tpu.memory_space<vmem>>
    %dma_start3A_140 = arith.constant 0 : i32
    %dma_start3A_141 = tpu.memref_slice %arg5[%add3A_136, %dma_start3A_140] : memref<400000x128xf32, #tpu.memory_space<hbm>> -> memref<64x128xf32, #tpu.memory_space<hbm>>
    %dma_start3A_142 = arith.constant 0 : i32
    %dma_start3A_143 = tpu.memref_slice %arg5[%add3A_136, %dma_start3A_142] : memref<400000x128xf32, #tpu.memory_space<hbm>> -> memref<64x128xf32, #tpu.memory_space<hbm>>
    %dma_start3A_144 = arith.constant 0 : i32
    %dma_start3A_145 = arith.constant 0 : i32
    %dma_start3A_146 = tpu.memref_slice %arg13[%dma_start3A_144, %dma_start3A_145] : memref<96x128xf32, #tpu.memory_space<vmem>> -> memref<64x128xf32, #tpu.memory_space<vmem>>
    tpu.enqueue_dma source(%dma_start3A_146 : memref<64x128xf32, #tpu.memory_space<vmem>>) target(%dma_start3A_143 : memref<64x128xf32, #tpu.memory_space<hbm>>) target_semaphore(%arg17 : memref<!tpu.dma_semaphore, #tpu.memory_space<semaphore_mem>>)
    %scan3A_147 = arith.constant 0 : i32
    %scan3A_148 = arith.constant 0 : i32
    %scan3A_149 = arith.constant 16 : i32
    %scan3A_150 = arith.addi %scan3A_148, %scan3A_149 : i32
    %scan3A_151 = arith.constant 1 : i32
    scf.for %scan3A_193 = %scan3A_148 to %scan3A_150 step %scan3A_151  : i32 {
      %mul3A_194 = arith.constant 2 : i32
      %mul3A_195 = arith.muli %mul3A_194, %scan3A_193 : i32
      %add3A_196 = arith.constant 0 : i32
      %add3A_197 = arith.addi %mul3A_195, %add3A_196 : i32
      %ge3A = arith.constant 2 : i32
      %ge3A_198 = arith.cmpi sge, %add3A_197, %ge3A : i32
      %convert_element_type3A = arith.extui %ge3A_198 : i1 to i32
      %cond3A = arith.constant 0 : i32
      %cond3A_199 = arith.cmpi ne, %convert_element_type3A, %cond3A : i32
      scf.if %cond3A_199 {
        %dma_wait3A_257 = arith.constant 0 : i32
        %dma_wait3A_258 = arith.constant 0 : i32
        %dma_wait3A_259 = tpu.memref_slice %arg5[%dma_wait3A_257, %dma_wait3A_258] : memref<400000x128xf32, #tpu.memory_space<hbm>> -> memref<96x128xf32, #tpu.memory_space<hbm>>
        %dma_wait3A_260 = arith.constant 0 : i32
        %dma_wait3A_261 = arith.constant 0 : i32
        %dma_wait3A_262 = tpu.memref_slice %arg5[%dma_wait3A_260, %dma_wait3A_261] : memref<400000x128xf32, #tpu.memory_space<hbm>> -> memref<96x128xf32, #tpu.memory_space<hbm>>
        tpu.wait_dma2 semaphore(%arg20 : memref<!tpu.dma_semaphore, #tpu.memory_space<semaphore_mem>>) src(%arg8 : memref<96x128xf32, #tpu.memory_space<vmem>>) dst(%dma_wait3A_262 : memref<96x128xf32, #tpu.memory_space<hbm>>)
      } else {
      }
      %mul3A_200 = arith.constant 96 : i32
      %mul3A_201 = arith.muli %add3A_197, %mul3A_200 : i32
      %add3A_202 = arith.addi %add3A_47, %mul3A_201 : i32
      %dma_start3A_203 = arith.constant 0 : i32
      %dma_start3A_204 = tpu.memref_slice %arg4[%add3A_202, %dma_start3A_203] : memref<100000x128xf32, #tpu.memory_space<hbm>> -> memref<96x128xf32, #tpu.memory_space<hbm>>
      %dma_start3A_205 = arith.constant 0 : i32
      %dma_start3A_206 = tpu.memref_slice %arg4[%add3A_202, %dma_start3A_205] : memref<100000x128xf32, #tpu.memory_space<hbm>> -> memref<96x128xf32, #tpu.memory_space<hbm>>
      tpu.enqueue_dma source(%dma_start3A_206 : memref<96x128xf32, #tpu.memory_space<hbm>>) target(%arg8 : memref<96x128xf32, #tpu.memory_space<vmem>>) target_semaphore(%arg18 : memref<!tpu.dma_semaphore, #tpu.memory_space<semaphore_mem>>)
      %mul3A_207 = arith.constant 2 : i32
      %mul3A_208 = arith.muli %mul3A_207, %scan3A_193 : i32
      %add3A_209 = arith.constant 1 : i32
      %add3A_210 = arith.addi %mul3A_208, %add3A_209 : i32
      %ge3A_211 = arith.constant 2 : i32
      %ge3A_212 = arith.cmpi sge, %add3A_210, %ge3A_211 : i32
      %convert_element_type3A_213 = arith.extui %ge3A_212 : i1 to i32
      %cond3A_214 = arith.constant 0 : i32
      %cond3A_215 = arith.cmpi ne, %convert_element_type3A_213, %cond3A_214 : i32
      scf.if %cond3A_215 {
        %dma_wait3A_257 = arith.constant 0 : i32
        %dma_wait3A_258 = arith.constant 0 : i32
        %dma_wait3A_259 = tpu.memref_slice %arg5[%dma_wait3A_257, %dma_wait3A_258] : memref<400000x128xf32, #tpu.memory_space<hbm>> -> memref<96x128xf32, #tpu.memory_space<hbm>>
        %dma_wait3A_260 = arith.constant 0 : i32
        %dma_wait3A_261 = arith.constant 0 : i32
        %dma_wait3A_262 = tpu.memref_slice %arg5[%dma_wait3A_260, %dma_wait3A_261] : memref<400000x128xf32, #tpu.memory_space<hbm>> -> memref<96x128xf32, #tpu.memory_space<hbm>>
        tpu.wait_dma2 semaphore(%arg21 : memref<!tpu.dma_semaphore, #tpu.memory_space<semaphore_mem>>) src(%arg9 : memref<96x128xf32, #tpu.memory_space<vmem>>) dst(%dma_wait3A_262 : memref<96x128xf32, #tpu.memory_space<hbm>>)
      } else {
      }
      %mul3A_216 = arith.constant 96 : i32
      %mul3A_217 = arith.muli %add3A_210, %mul3A_216 : i32
      %add3A_218 = arith.addi %add3A_47, %mul3A_217 : i32
      %dma_start3A_219 = arith.constant 0 : i32
      %dma_start3A_220 = tpu.memref_slice %arg4[%add3A_218, %dma_start3A_219] : memref<100000x128xf32, #tpu.memory_space<hbm>> -> memref<96x128xf32, #tpu.memory_space<hbm>>
      %dma_start3A_221 = arith.constant 0 : i32
      %dma_start3A_222 = tpu.memref_slice %arg4[%add3A_218, %dma_start3A_221] : memref<100000x128xf32, #tpu.memory_space<hbm>> -> memref<96x128xf32, #tpu.memory_space<hbm>>
      tpu.enqueue_dma source(%dma_start3A_222 : memref<96x128xf32, #tpu.memory_space<hbm>>) target(%arg9 : memref<96x128xf32, #tpu.memory_space<vmem>>) target_semaphore(%arg19 : memref<!tpu.dma_semaphore, #tpu.memory_space<semaphore_mem>>)
      %mul3A_223 = arith.constant 2 : i32
      %mul3A_224 = arith.muli %mul3A_223, %scan3A_193 : i32
      %add3A_225 = arith.constant 0 : i32
      %add3A_226 = arith.addi %mul3A_224, %add3A_225 : i32
      %dma_wait3A_227 = arith.constant 0 : i32
      %dma_wait3A_228 = arith.constant 0 : i32
      %dma_wait3A_229 = tpu.memref_slice %arg4[%dma_wait3A_227, %dma_wait3A_228] : memref<100000x128xf32, #tpu.memory_space<hbm>> -> memref<96x128xf32, #tpu.memory_space<hbm>>
      %dma_wait3A_230 = arith.constant 0 : i32
      %dma_wait3A_231 = arith.constant 0 : i32
      %dma_wait3A_232 = tpu.memref_slice %arg4[%dma_wait3A_230, %dma_wait3A_231] : memref<100000x128xf32, #tpu.memory_space<hbm>> -> memref<96x128xf32, #tpu.memory_space<hbm>>
      tpu.wait_dma2 semaphore(%arg18 : memref<!tpu.dma_semaphore, #tpu.memory_space<semaphore_mem>>) src(%dma_wait3A_232 : memref<96x128xf32, #tpu.memory_space<hbm>>) dst(%arg8 : memref<96x128xf32, #tpu.memory_space<vmem>>)
      %mul3A_233 = arith.constant 96 : i32
      %mul3A_234 = arith.muli %add3A_226, %mul3A_233 : i32
      %add3A_235 = arith.addi %add3A_50, %mul3A_234 : i32
      %dma_start3A_236 = arith.constant 0 : i32
      %dma_start3A_237 = tpu.memref_slice %arg5[%add3A_235, %dma_start3A_236] : memref<400000x128xf32, #tpu.memory_space<hbm>> -> memref<96x128xf32, #tpu.memory_space<hbm>>
      %dma_start3A_238 = arith.constant 0 : i32
      %dma_start3A_239 = tpu.memref_slice %arg5[%add3A_235, %dma_start3A_238] : memref<400000x128xf32, #tpu.memory_space<hbm>> -> memref<96x128xf32, #tpu.memory_space<hbm>>
      tpu.enqueue_dma source(%arg8 : memref<96x128xf32, #tpu.memory_space<vmem>>) target(%dma_start3A_239 : memref<96x128xf32, #tpu.memory_space<hbm>>) target_semaphore(%arg20 : memref<!tpu.dma_semaphore, #tpu.memory_space<semaphore_mem>>)
      %mul3A_240 = arith.constant 2 : i32
      %mul3A_241 = arith.muli %mul3A_240, %scan3A_193 : i32
      %add3A_242 = arith.constant 1 : i32
      %add3A_243 = arith.addi %mul3A_241, %add3A_242 : i32
      %dma_wait3A_244 = arith.constant 0 : i32
      %dma_wait3A_245 = arith.constant 0 : i32
      %dma_wait3A_246 = tpu.memref_slice %arg4[%dma_wait3A_244, %dma_wait3A_245] : memref<100000x128xf32, #tpu.memory_space<hbm>> -> memref<96x128xf32, #tpu.memory_space<hbm>>
      %dma_wait3A_247 = arith.constant 0 : i32
      %dma_wait3A_248 = arith.constant 0 : i32
      %dma_wait3A_249 = tpu.memref_slice %arg4[%dma_wait3A_247, %dma_wait3A_248] : memref<100000x128xf32, #tpu.memory_space<hbm>> -> memref<96x128xf32, #tpu.memory_space<hbm>>
      tpu.wait_dma2 semaphore(%arg19 : memref<!tpu.dma_semaphore, #tpu.memory_space<semaphore_mem>>) src(%dma_wait3A_249 : memref<96x128xf32, #tpu.memory_space<hbm>>) dst(%arg9 : memref<96x128xf32, #tpu.memory_space<vmem>>)
      %mul3A_250 = arith.constant 96 : i32
      %mul3A_251 = arith.muli %add3A_243, %mul3A_250 : i32
      %add3A_252 = arith.addi %add3A_50, %mul3A_251 : i32
      %dma_start3A_253 = arith.constant 0 : i32
      %dma_start3A_254 = tpu.memref_slice %arg5[%add3A_252, %dma_start3A_253] : memref<400000x128xf32, #tpu.memory_space<hbm>> -> memref<96x128xf32, #tpu.memory_space<hbm>>
      %dma_start3A_255 = arith.constant 0 : i32
      %dma_start3A_256 = tpu.memref_slice %arg5[%add3A_252, %dma_start3A_255] : memref<400000x128xf32, #tpu.memory_space<hbm>> -> memref<96x128xf32, #tpu.memory_space<hbm>>
      tpu.enqueue_dma source(%arg9 : memref<96x128xf32, #tpu.memory_space<vmem>>) target(%dma_start3A_256 : memref<96x128xf32, #tpu.memory_space<hbm>>) target_semaphore(%arg21 : memref<!tpu.dma_semaphore, #tpu.memory_space<semaphore_mem>>)
    }
    %scan3A_152 = arith.constant 16 : i32
    %dma_wait3A_153 = arith.constant 0 : i32
    %dma_wait3A_154 = arith.constant 0 : i32
    %dma_wait3A_155 = tpu.memref_slice %arg5[%dma_wait3A_153, %dma_wait3A_154] : memref<400000x128xf32, #tpu.memory_space<hbm>> -> memref<96x128xf32, #tpu.memory_space<hbm>>
    %dma_wait3A_156 = arith.constant 0 : i32
    %dma_wait3A_157 = arith.constant 0 : i32
    %dma_wait3A_158 = tpu.memref_slice %arg5[%dma_wait3A_156, %dma_wait3A_157] : memref<400000x128xf32, #tpu.memory_space<hbm>> -> memref<96x128xf32, #tpu.memory_space<hbm>>
    tpu.wait_dma2 semaphore(%arg20 : memref<!tpu.dma_semaphore, #tpu.memory_space<semaphore_mem>>) src(%arg8 : memref<96x128xf32, #tpu.memory_space<vmem>>) dst(%dma_wait3A_158 : memref<96x128xf32, #tpu.memory_space<hbm>>)
    %dma_wait3A_159 = arith.constant 0 : i32
    %dma_wait3A_160 = arith.constant 0 : i32
    %dma_wait3A_161 = tpu.memref_slice %arg5[%dma_wait3A_159, %dma_wait3A_160] : memref<400000x128xf32, #tpu.memory_space<hbm>> -> memref<96x128xf32, #tpu.memory_space<hbm>>
    %dma_wait3A_162 = arith.constant 0 : i32
    %dma_wait3A_163 = arith.constant 0 : i32
    %dma_wait3A_164 = tpu.memref_slice %arg5[%dma_wait3A_162, %dma_wait3A_163] : memref<400000x128xf32, #tpu.memory_space<hbm>> -> memref<96x128xf32, #tpu.memory_space<hbm>>
    tpu.wait_dma2 semaphore(%arg21 : memref<!tpu.dma_semaphore, #tpu.memory_space<semaphore_mem>>) src(%arg9 : memref<96x128xf32, #tpu.memory_space<vmem>>) dst(%dma_wait3A_164 : memref<96x128xf32, #tpu.memory_space<hbm>>)
    %add3A_165 = arith.constant 3072 : i32
    %add3A_166 = arith.addi %add3A_47, %add3A_165 : i32
    "tpu.region"() ({
      %run_scoped3A = tpu.sem_alloc : memref<!tpu.dma_semaphore, #tpu.memory_space<semaphore_mem>>
      %dma_start3A_193 = arith.constant 0 : i32
      %dma_start3A_194 = arith.constant 0 : i32
      %dma_start3A_195 = tpu.memref_slice %arg8[%dma_start3A_193, %dma_start3A_194] : memref<96x128xf32, #tpu.memory_space<vmem>> -> memref<56x128xf32, #tpu.memory_space<vmem>>
      %dma_start3A_196 = arith.constant 0 : i32
      %dma_start3A_197 = tpu.memref_slice %arg4[%add3A_166, %dma_start3A_196] : memref<100000x128xf32, #tpu.memory_space<hbm>> -> memref<56x128xf32, #tpu.memory_space<hbm>>
      %dma_start3A_198 = arith.constant 0 : i32
      %dma_start3A_199 = arith.constant 0 : i32
      %dma_start3A_200 = tpu.memref_slice %arg8[%dma_start3A_198, %dma_start3A_199] : memref<96x128xf32, #tpu.memory_space<vmem>> -> memref<56x128xf32, #tpu.memory_space<vmem>>
      %dma_start3A_201 = arith.constant 0 : i32
      %dma_start3A_202 = tpu.memref_slice %arg4[%add3A_166, %dma_start3A_201] : memref<100000x128xf32, #tpu.memory_space<hbm>> -> memref<56x128xf32, #tpu.memory_space<hbm>>
      tpu.enqueue_dma source(%dma_start3A_202 : memref<56x128xf32, #tpu.memory_space<hbm>>) target(%dma_start3A_200 : memref<56x128xf32, #tpu.memory_space<vmem>>) target_semaphore(%run_scoped3A : memref<!tpu.dma_semaphore, #tpu.memory_space<semaphore_mem>>)
      %dma_wait3A_203 = arith.constant 0 : i32
      %dma_wait3A_204 = arith.constant 0 : i32
      %dma_wait3A_205 = tpu.memref_slice %arg8[%dma_wait3A_203, %dma_wait3A_204] : memref<96x128xf32, #tpu.memory_space<vmem>> -> memref<56x128xf32, #tpu.memory_space<vmem>>
      %dma_wait3A_206 = arith.constant 0 : i32
      %dma_wait3A_207 = tpu.memref_slice %arg4[%add3A_166, %dma_wait3A_206] : memref<100000x128xf32, #tpu.memory_space<hbm>> -> memref<56x128xf32, #tpu.memory_space<hbm>>
      %dma_wait3A_208 = arith.constant 0 : i32
      %dma_wait3A_209 = arith.constant 0 : i32
      %dma_wait3A_210 = tpu.memref_slice %arg8[%dma_wait3A_208, %dma_wait3A_209] : memref<96x128xf32, #tpu.memory_space<vmem>> -> memref<56x128xf32, #tpu.memory_space<vmem>>
      %dma_wait3A_211 = arith.constant 0 : i32
      %dma_wait3A_212 = tpu.memref_slice %arg4[%add3A_166, %dma_wait3A_211] : memref<100000x128xf32, #tpu.memory_space<hbm>> -> memref<56x128xf32, #tpu.memory_space<hbm>>
      tpu.wait_dma2 semaphore(%run_scoped3A : memref<!tpu.dma_semaphore, #tpu.memory_space<semaphore_mem>>) src(%dma_wait3A_212 : memref<56x128xf32, #tpu.memory_space<hbm>>) dst(%dma_wait3A_210 : memref<56x128xf32, #tpu.memory_space<vmem>>)
      tpu.yield
    }) : () -> ()
    %add3A_167 = arith.constant 3072 : i32
    %add3A_168 = arith.addi %add3A_50, %add3A_167 : i32
    "tpu.region"() ({
      %run_scoped3A = tpu.sem_alloc : memref<!tpu.dma_semaphore, #tpu.memory_space<semaphore_mem>>
      %dma_start3A_193 = arith.constant 0 : i32
      %dma_start3A_194 = arith.constant 0 : i32
      %dma_start3A_195 = tpu.memref_slice %arg8[%dma_start3A_193, %dma_start3A_194] : memref<96x128xf32, #tpu.memory_space<vmem>> -> memref<56x128xf32, #tpu.memory_space<vmem>>
      %dma_start3A_196 = arith.constant 0 : i32
      %dma_start3A_197 = tpu.memref_slice %arg5[%add3A_168, %dma_start3A_196] : memref<400000x128xf32, #tpu.memory_space<hbm>> -> memref<56x128xf32, #tpu.memory_space<hbm>>
      %dma_start3A_198 = arith.constant 0 : i32
      %dma_start3A_199 = tpu.memref_slice %arg5[%add3A_168, %dma_start3A_198] : memref<400000x128xf32, #tpu.memory_space<hbm>> -> memref<56x128xf32, #tpu.memory_space<hbm>>
      %dma_start3A_200 = arith.constant 0 : i32
      %dma_start3A_201 = arith.constant 0 : i32
      %dma_start3A_202 = tpu.memref_slice %arg8[%dma_start3A_200, %dma_start3A_201] : memref<96x128xf32, #tpu.memory_space<vmem>> -> memref<56x128xf32, #tpu.memory_space<vmem>>
      tpu.enqueue_dma source(%dma_start3A_202 : memref<56x128xf32, #tpu.memory_space<vmem>>) target(%dma_start3A_199 : memref<56x128xf32, #tpu.memory_space<hbm>>) target_semaphore(%run_scoped3A : memref<!tpu.dma_semaphore, #tpu.memory_space<semaphore_mem>>)
      %dma_wait3A_203 = arith.constant 0 : i32
      %dma_wait3A_204 = arith.constant 0 : i32
      %dma_wait3A_205 = tpu.memref_slice %arg8[%dma_wait3A_203, %dma_wait3A_204] : memref<96x128xf32, #tpu.memory_space<vmem>> -> memref<56x128xf32, #tpu.memory_space<vmem>>
      %dma_wait3A_206 = arith.constant 0 : i32
      %dma_wait3A_207 = tpu.memref_slice %arg5[%add3A_168, %dma_wait3A_206] : memref<400000x128xf32, #tpu.memory_space<hbm>> -> memref<56x128xf32, #tpu.memory_space<hbm>>
      %dma_wait3A_208 = arith.constant 0 : i32
      %dma_wait3A_209 = tpu.memref_slice %arg5[%add3A_168, %dma_wait3A_208] : memref<400000x128xf32, #tpu.memory_space<hbm>> -> memref<56x128xf32, #tpu.memory_space<hbm>>
      %dma_wait3A_210 = arith.constant 0 : i32
      %dma_wait3A_211 = arith.constant 0 : i32
      %dma_wait3A_212 = tpu.memref_slice %arg8[%dma_wait3A_210, %dma_wait3A_211] : memref<96x128xf32, #tpu.memory_space<vmem>> -> memref<56x128xf32, #tpu.memory_space<vmem>>
      tpu.wait_dma2 semaphore(%run_scoped3A : memref<!tpu.dma_semaphore, #tpu.memory_space<semaphore_mem>>) src(%dma_wait3A_212 : memref<56x128xf32, #tpu.memory_space<vmem>>) dst(%dma_wait3A_209 : memref<56x128xf32, #tpu.memory_space<hbm>>)
      tpu.yield
    }) : () -> ()
    %dma_wait3A_169 = arith.constant 0 : i32
    %dma_wait3A_170 = arith.constant 0 : i32
    %dma_wait3A_171 = tpu.memref_slice %arg12[%dma_wait3A_169, %dma_wait3A_170] : memref<96x128xf32, #tpu.memory_space<vmem>> -> memref<96x128xf32, #tpu.memory_space<vmem>>
    %dma_wait3A_172 = arith.constant 0 : i32
    %dma_wait3A_173 = arith.constant 0 : i32
    %dma_wait3A_174 = tpu.memref_slice %arg5[%dma_wait3A_172, %dma_wait3A_173] : memref<400000x128xf32, #tpu.memory_space<hbm>> -> memref<96x128xf32, #tpu.memory_space<hbm>>
    %dma_wait3A_175 = arith.constant 0 : i32
    %dma_wait3A_176 = arith.constant 0 : i32
    %dma_wait3A_177 = tpu.memref_slice %arg5[%dma_wait3A_175, %dma_wait3A_176] : memref<400000x128xf32, #tpu.memory_space<hbm>> -> memref<96x128xf32, #tpu.memory_space<hbm>>
    %dma_wait3A_178 = arith.constant 0 : i32
    %dma_wait3A_179 = arith.constant 0 : i32
    %dma_wait3A_180 = tpu.memref_slice %arg12[%dma_wait3A_178, %dma_wait3A_179] : memref<96x128xf32, #tpu.memory_space<vmem>> -> memref<96x128xf32, #tpu.memory_space<vmem>>
    tpu.wait_dma2 semaphore(%arg16 : memref<!tpu.dma_semaphore, #tpu.memory_space<semaphore_mem>>) src(%dma_wait3A_180 : memref<96x128xf32, #tpu.memory_space<vmem>>) dst(%dma_wait3A_177 : memref<96x128xf32, #tpu.memory_space<hbm>>)
    %dma_wait3A_181 = arith.constant 0 : i32
    %dma_wait3A_182 = arith.constant 0 : i32
    %dma_wait3A_183 = tpu.memref_slice %arg13[%dma_wait3A_181, %dma_wait3A_182] : memref<96x128xf32, #tpu.memory_space<vmem>> -> memref<64x128xf32, #tpu.memory_space<vmem>>
    %dma_wait3A_184 = arith.constant 0 : i32
    %dma_wait3A_185 = arith.constant 0 : i32
    %dma_wait3A_186 = tpu.memref_slice %arg5[%dma_wait3A_184, %dma_wait3A_185] : memref<400000x128xf32, #tpu.memory_space<hbm>> -> memref<64x128xf32, #tpu.memory_space<hbm>>
    %dma_wait3A_187 = arith.constant 0 : i32
    %dma_wait3A_188 = arith.constant 0 : i32
    %dma_wait3A_189 = tpu.memref_slice %arg5[%dma_wait3A_187, %dma_wait3A_188] : memref<400000x128xf32, #tpu.memory_space<hbm>> -> memref<64x128xf32, #tpu.memory_space<hbm>>
    %dma_wait3A_190 = arith.constant 0 : i32
    %dma_wait3A_191 = arith.constant 0 : i32
    %dma_wait3A_192 = tpu.memref_slice %arg13[%dma_wait3A_190, %dma_wait3A_191] : memref<96x128xf32, #tpu.memory_space<vmem>> -> memref<64x128xf32, #tpu.memory_space<vmem>>
    tpu.wait_dma2 semaphore(%arg17 : memref<!tpu.dma_semaphore, #tpu.memory_space<semaphore_mem>>) src(%dma_wait3A_192 : memref<64x128xf32, #tpu.memory_space<vmem>>) dst(%dma_wait3A_189 : memref<64x128xf32, #tpu.memory_space<hbm>>)
    return
  }
}

</mosaic_0001>

<sc_bundles>
// kernel: kernel.4.cloned.1.call-start
scs
__scs_entry_jumppad:
0x0: {  	(pc) =	sbr.rel $0x88, $3  }
0x1: {  	(tag) =	ssettag $0x0;
	lr =	simm.s32 $0x1  }
0x2: {  	[smem:$0x3F9E] =	sst lr;
	_ =	strace $0xD0000000  }
0x3: {  	_ = 	snop  }
0x4: {  	_ = 	snop  }
0x5: {  	_ = 	snop  }
0x6: {  	_ = 	snop  }
0x7: {  	_ = 	snop  }
__scs_overlays_trampoline_lowered:
0x8: {  	[smem:$0x3FAD] =	sst s0  }
0x9: {  	[smem:$0x3FAE] =	sst s1  }
0xa: {  	[smem:$0x3FAF] =	sst s2  }
0xb: {  	[smem:$0x3FB0] =	sst s3  }
0xc: {  	[smem:$0x3FB1] =	sst s4  }
0xd: {  	[smem:$0x3FB2] =	sst s5  }
0xe: {  	[smem:$0x3FB3] =	sst s6  }
0xf: {  	[smem:$0x3FB4] =	sst s7  }
0x10: {  	[smem:$0x3FB5] =	sst s8  }
0x11: {  	[smem:$0x3FB6] =	sst s9;
	s0 =	simm.s32 @!p0 $0x0  }
0x12: {  	s1 =	sld [smem:$0x3F9C];
	s0 =	simm.s32 @p0 $0x1  }
0x13: {  	[smem:$0x3FB7] =	sst s0;
	s0 =	simm.s32 @!p1 $0x0  }
0x14: {  	s2 =	sld [smem:$0x3F9B];
	s0 =	simm.s32 @p1 $0x1  }
0x15: {  	[smem:$0x3FB8] =	sst s0;
	s0 =	simm.s32 @!p2 $0x0  }
0x16: {  	s3 =	sld [smem:$0x3FDB];
	s0 =	simm.s32 @p2 $0x1  }
0x17: {  	s4 =	simm.s32 $0x1BF5;
	[smem:$0x3FBA] =	sst s0  }
0x18: {  	s0 =	sld [smem:$0x3F9D];
	_ =	swait.ge [sflag:s4], $0x0  }
0x19: {  	s7 =	sld [smem:$0x3F9E]  }
0x1a: {  	s8 =	sadd.s32 $0xFFFFE003, lr  }
0x1b: {  	s9 =	sadd.s32 $0xFFFFFEF7, lr;
	s5 =	simm.s32 $0xFFFFFFFF;
	p2 =	slt.u32 s8, $0xFFFFF086  }
0x1c: {  	p1 =	slt.u32 s9, $0xF7A;
	s5 =	simm.s32 @!p2 $0x0  }
0x1d: {  	s5 =	simm.s32 @p1 $0x1;
	p0 =	seq.s32 s7, s2  }
0x1e: {  	s7 =	smul.u32 @!p0 $0xF7A, s2;
	p2 =	seq.s32 @!p0 s5, $0x0  }
0x1f: {  	s9 =	smul.u32 $0xF7A, s1;
	s8 =	simm.s32 @!p0 $0x1BF5;
	p2 =	por !p2, p0  }
0x20: {  	[sflag:s8] =	ssyncset.s32 @!p0 $0xFFFFF086;
	s6 =	sadd.s32 @!p0 s3, s7;
	s7 =	simm.s32 @!p0 $0x108  }
0x21: {  	s3 =	sadd.s32 s3, s9;
	s6 =	sadd.s32 @!p0 $0x88, s6;
	s7 =	simm.s32 @p2 $0x1082  }
0x22: {  	[simem:s7], [sflag:s8] =	dma.local @!p0 [hbm:s6], $0xF7A  }
0x23: {  	s9 =	sor.u32 $0xD0000000, s2;
	s6 =	simm.s32 $0x108;
	_ =	swait.ge @!p0 [sflag:s8], $0x0  }
0x24: {  	s3 =	sadd.s32 $0x88, s3;
	s6 =	simm.s32 @!p1 $0x1082;
	[sflag:s4] =	ssyncset.s32 $0xFFFFF086  }
0x25: {  	[simem:s6], [sflag:s4] =	dma.local [hbm:s3], $0xF7A  }
0x26: {  	[smem:$0x3F9E] =	sst s1;
	(tag) =	ssettag s2;
	_ =	strace s9  }
0x27: {  	s1 =	sld [smem:$0x3FAE]  }
0x28: {  	s2 =	sld [smem:$0x3FAF]  }
0x29: {  	s4 =	sld [smem:$0x3FB1]  }
0x2a: {  	p0 =	seq.s32 s5, $0x0;
	s5 =	sld [smem:$0x3FB2]  }
0x2b: {  	s6 =	sld [smem:$0x3FB3]  }
0x2c: {  	s7 =	sld [smem:$0x3FB4]  }
0x2d: {  	s3 =	simm.s32 $0x108;
	s8 =	sld [smem:$0x3FB5]  }
0x2e: {  	s3 =	simm.s32 @!p0 $0x1082;
	s9 =	sld [smem:$0x3FB6]  }
0x2f: {  	lr =	sadd.s32 s0, s3;
	s0 =	sld [smem:$0x3FAD]  }
0x30: {  	s3 =	sld [smem:$0x3FB0]  }
0x31: {  	[smem:$0x3FB9] =	sst s10  }
0x32: {  	s10 =	sld [smem:$0x3FB7];
	_ =	sdelay $0x3  }
0x33: {  	p0 =	seq.s32 s10, $0x1;
	s10 =	sld [smem:$0x3FB9];
	_ =	sdelay $0x3  }
0x34: {  	[smem:$0x3FB9] =	sst s10  }
0x35: {  	s10 =	sld [smem:$0x3FB8];
	_ =	sdelay $0x3  }
0x36: {  	p1 =	seq.s32 s10, $0x1;
	s10 =	sld [smem:$0x3FB9];
	_ =	sdelay $0x3  }
0x37: {  	[smem:$0x3FB9] =	sst s10  }
0x38: {  	s10 =	sld [smem:$0x3FBA]  }
0x39: {  	_ = 	snop;
	(pc) =	sbr.ind lr, $3  }
0x3a: {  	_ = 	snop  }
0x3b: {  	_ = 	snop  }
0x3c: {  	p2 =	seq.s32 s10, $0x1;
	s10 =	sld [smem:$0x3FB9]  }
0x3d: {  	_ =	shalt  }
0x3e: {  	_ =	shalt  }
0x3f: {  	_ =	shalt  }
0x40: {  	_ =	shalt  }
0x41: {  	_ =	shalt  }
0x42: {  	_ =	shalt  }
0x43: {  	_ =	shalt  }
0x44: {  	_ =	shalt  }
0x45: {  	_ =	shalt  }
0x46: {  	_ =	shalt  }
0x47: {  	_ =	shalt  }
0x48: {  	_ =	shalt  }
0x49: {  	_ =	shalt  }
0x4a: {  	_ =	shalt  }
0x4b: {  	_ =	shalt  }
0x4c: {  	_ =	shalt  }
0x4d: {  	_ =	shalt  }
0x4e: {  	_ =	shalt  }
0x4f: {  	_ =	shalt  }
0x50: {  	_ =	shalt  }
0x51: {  	_ =	shalt  }
0x52: {  	_ =	shalt  }
0x53: {  	_ =	shalt  }
0x54: {  	_ =	shalt  }
0x55: {  	_ =	shalt  }
0x56: {  	_ =	shalt  }
0x57: {  	_ =	shalt  }
0x58: {  	_ =	shalt  }
0x59: {  	_ =	shalt  }
0x5a: {  	_ =	shalt  }
0x5b: {  	_ =	shalt  }
0x5c: {  	_ =	shalt  }
0x5d: {  	_ =	shalt  }
0x5e: {  	_ =	shalt  }
0x5f: {  	_ =	shalt  }
0x60: {  	_ =	shalt  }
0x61: {  	_ =	shalt  }
0x62: {  	_ =	shalt  }
0x63: {  	_ =	shalt  }
0x64: {  	_ =	shalt  }
0x65: {  	_ =	shalt  }
0x66: {  	_ =	shalt  }
0x67: {  	_ =	shalt  }
0x68: {  	_ =	shalt  }
0x69: {  	_ =	shalt  }
0x6a: {  	_ =	shalt  }
0x6b: {  	_ =	shalt  }
0x6c: {  	_ =	shalt  }
0x6d: {  	_ =	shalt  }
0x6e: {  	_ =	shalt  }
0x6f: {  	_ =	shalt  }
0x70: {  	_ =	shalt  }
0x71: {  	_ =	shalt  }
0x72: {  	_ =	shalt  }
0x73: {  	_ =	shalt  }
0x74: {  	_ =	shalt  }
0x75: {  	_ =	shalt  }
0x76: {  	_ =	shalt  }
0x77: {  	_ =	shalt  }
0x78: {  	_ =	shalt  }
0x79: {  	_ =	shalt  }
0x7a: {  	_ =	shalt  }
0x7b: {  	_ =	shalt  }
0x7c: {  	_ =	shalt  }
0x7d: {  	_ =	shalt  }
0x7e: {  	_ =	shalt  }
0x7f: {  	_ =	shalt  }
0x80: {  	_ =	shalt  }
0x81: {  	_ =	shalt  }
0x82: {  	_ =	shalt  }
0x83: {  	_ =	shalt  }
0x84: {  	_ =	shalt  }
0x85: {  	_ =	shalt  }
0x86: {  	_ =	shalt  }
0x87: {  	_ =	shalt  }
.Lfunc_end0:
.L_simem_size_0:
called_computation_lowered:
.L_overlay_start_0:
0x88: {  	s2 =	sld [smem:$0x3FD9]  }
0x89: {  	s3 =	sld [smem:$0x3FFE];
	_ =	sdelay $0x1  }
0x8a: {  	s1 =	srdreg.scid  }
0x8b: {  	s0 =	sand.u32 $0x1, s1  }
0x8c: {  	s15 =	sshll.u32 s0, $0xA;
	s2 =	sadd.s32 s3, s2  }
0x8d: {  	s2 =	sadd.s32 s2, s15  }
0x8e: {  	[smem:$0x3FC5] =	sst s2  }
0x8f: {  	_ = 	snop  }
0x90: {  	s16 =	sld [smem:$0x3FD0];
	_ =	sdelay $0x2  }
0x91: {  	s4 =	simm.s32 $0xB;
	s5 =	simm.s32 $0x10;
	s2 =	sld [smem:$0x3FC8]  }
0x92: {  	[smem:s5], [sflag:s4] =	dma.local [hbm:s16], $0x1  }
0x93: {  	_ =	swait.eq [sflag:s4], $0x1  }
0x94: {  	[sflag:s4] =	ssyncset.done $0x0  }
0x95: {  	[sflag:s4] =	ssyncadd.s32 $0xFFFFFFFF  }
0x96: {  	s17 =	sld [smem:$0x11];
	(tm) =	ssettm $0x1  }
0x97: {  	s18 =	sld [smem:$0x3FFB];
	_ =	sdelay $0x3  }
0x98: {  	_ =	strace s18  }
0x99: {  	s3 =	sld [smem:$0x3FFC];
	_ =	sdelay $0x3  }
0x9a: {  	_ =	strace s3  }
0x9b: {  	s3 =	sld [smem:$0x3FFD];
	_ =	sdelay $0x3  }
0x9c: {  	_ =	strace s3  }
0x9d: {  	_ =	strace $0x8FFFFFFF  }
0x9e: {  	s19 =	sld [smem:$0x3FDB];
	_ =	sdelay $0x1  }
0x9f: {  	s20 =	simm.s32 $_scs_section_size  }
0xa0: {  	s6 =	simm.s32 $_size__tile_overlayer_lowered;
	s7 =	simm.s32 $_tile_overlayer_lowered  }
0xa1: {  	s8 =	simm.s32 $0x1BFF;
	s21 =	sshll.u32 s7, $0x1;
	s5 =	sadd.s32 s20, s19  }
0xa2: {  	s22 =	simm.s32 $0x0;
	s6 =	sshll.u32 s6, $0x1;
	s7 =	sadd.s32 s21, s5  }
0xa3: {  	[timem:s22], [sflag:s8] =	dma.local [hbm:s7], s6  }
0xa4: {  	_ =	swait.ge [sflag:s8], s6  }
0xa5: {  	s6 =	ssub.s32 $0x0, s6;
	[sflag:s8] =	ssyncset.done $0x0  }
0xa6: {  	[sflag:s8] =	ssyncadd.s32 s6;
	_ =	sdelay $0x1  }
0xa7: {  	s23 =	simm.s32 $0x1B8B  }
0xa8: {  	_ =	swait.ge [sflag:s23], $0x1  }
0xa9: {  	[sflag:s23] =	ssyncset.done $0x0  }
0xaa: {  	[sflag:s23] =	ssyncadd.s32 $0xFFFFFFFF  }
0xab: {  	s6 =	sld [smem:$0x0]  }
0xac: {  	s7 =	sand.u32 $0xFFFFFFFE, s1  }
0xad: {  	p0 =	sne.s32 s1, s7  }
0xae: {  	s7 =	sshll.u32 @p0 s7, $0xE  }
0xaf: {  	s7 =	sadd.s32 @p0 $0x11B8D, s7;
	s8 =	sshll.u32 @p0 s6, $0x11  }
0xb0: {  	s7 =	sor.u32 @p0 s8, s7  }
0xb1: {  	[sflag:s7] =	ssyncadd.remote.s32 @p0 $0x1;
	_ =	sdelay $0x1  }
0xb2: {  	s7 =	simm.s32 @p0 $0x1B8D  }
0xb3: {  	_ =	swait.eq @p0 [sflag:s7], $0x1  }
0xb4: {  	[sflag:s7] =	ssyncadd.s32 @p0 $0xFFFFFFFF  }
0xb5: {  	s8 =	sshll.u32 @!p0 s1, $0xE  }
0xb6: {  	s8 =	sor.u32 @!p0 $0x4000, s8;
	s7 =	simm.s32 @!p0 $0x1B8D  }
0xb7: {  	s6 =	sshll.u32 @!p0 s6, $0x11;
	s8 =	sadd.s32 @!p0 $0x11B8D, s8;
	_ =	swait.eq @!p0 [sflag:s7], $0x1  }
0xb8: {  	s6 =	sor.u32 @!p0 s6, s8;
	[sflag:s7] =	ssyncadd.s32 @!p0 $0xFFFFFFFF  }
0xb9: {  	s25 =	simm.s32 $0x1B8E;
	s24 =	sld [smem:$0x3FFE];
	[sflag:s6] =	ssyncadd.remote.s32 @!p0 $0x1  }
0xba: {  	s26 =	simm.s32 $execute0_lowered;
	[smem:$0x3FD2] =	sst s25  }
0xbb: {  	s7 =	sshll.u32 s26, $0x1;
	_ =	strace $0x80000049;
	[dreg:$0x1] =	wrdreg $0xFFFFFFFF  }
0xbc: {  	s28 =	simm.s32 $_size_execute0_lowered;
	s5 =	sadd.s32 s5, s7;
	[dreg:$0x0] =	wrdreg $0x0  }
0xbd: {  	s7 =	sshll.u32 s28, $0x1;
	[dreg:$0x2] =	wrdreg s5  }
0xbe: {  	[dreg:$0x3] =	wrdreg s7  }
0xbf: {  	[dreg:$0x4] =	wrdreg $0xC0  }
0xc0: {  	_ =	task [dreg:s22], $0x5FFFF  }
0xc1: {  	[dreg:$0x1] =	wrdreg $0xFFFFFFFF  }
0xc2: {  	[dreg:$0x0] =	wrdreg $0x60  }
0xc3: {  	[dreg:$0x2] =	wrdreg s24  }
0xc4: {  	[dreg:$0x3] =	wrdreg s2  }
0xc5: {  	[dreg:$0x4] =	wrdreg s17  }
0xc6: {  	[dreg:$0x5] =	wrdreg $0x9  }
0xc7: {  	_ =	task.clear_ibuf [dreg:s22], $0x6FFFF;
	_ =	strace $0x90000049  }
0xc8: {  	s29 =	simm.s32 $0x9;
	_ =	strace $0x8000004B  }
0xc9: {  	_ =	swait.ge [sflag:s29], $0x1  }
0xca: {  	[sflag:s29] =	ssyncadd.s32 $0xFFFFFFFF  }
0xcb: {  	_ =	strace $0x9000004B  }
0xcc: {  	_ =	sfence  }
0xcd: {  	s30 =	sld [smem:$0x0];
	_ =	sdelay $0x2  }
0xce: {  	s31 =	sshll.u32 s1, $0xD;
	s1 =	sshrl.u32 s1, $0x2  }
0xcf: {  	s4 =	sand.u32 $0x4000, s31;
	s1 =	sadd.s32 s1, s30  }
0xd0: {  	s0 =	sor.u32 s4, s0;
	s1 =	sshll.u32 s1, $0x11  }
0xd1: {  	s0 =	sor.u32 s1, s0  }
0xd2: {  	s0 =	sadd.s32 $0x8F2B, s0  }
0xd3: {  	[sflag:s0] =	ssyncadd.remote.s32 $0x1  }
0xd4: {  	_ =	sfence.sel $0xFFFF  }
0xd5: {  	[dreg:$0x0] =	wrdreg $0xFFFFFFFF;
	(pc) =	sbr.abs _section_cstart, $3  }
0xd6: {  	[dreg:$0x1] =	wrdreg $0xFFFFFFFF  }
0xd7: {  	_ =	task.clear_ibuf [dreg:s22], $0x2FFFF;
	_ =	strace $0x9FFFFFFF  }
0xd8: {  	(tm) =	ssettm $0x7FFFFFFF  }
0xd9: {  	_ =	shalt  }
tec
execute0_lowered:
.L_overlay_start_1:
0x0: {  	(tag) =	ssettag $0x1  }
0x1: {  	s0 =	rddreg [dreg:$0x0];
	s1 =	srdreg.scid  }
0x2: {  	s7 =	stileid.u32;
	s2 =	rddreg [dreg:$0x1]  }
0x3: {  	s3 =	rddreg [dreg:$0x2];
	s4 =	sshll.u32 s7, $0x1;
	s7 =	sshrl.u32 s7, $0x3  }
0x4: {  	s28 =	simm.s32 $0xDA00;
	s29 =	simm.s32 $0x1;
	s9 =	smul.u32 $0x30D40, s7  }
0x5: {  	s30 =	simm.s32 $0x10A00;
	s1 =	sand.u32 $0x1, s1;
	s12 =	smul.u32 $0xC350, s7  }
0x6: {  	s31 =	simm.s32 $0x2;
	s6 =	sor.u32 s1, s4;
	s20 =	smul.u32 $0xC3500, s7  }
0x7: {  	s4 =	simm.s32 $0x0;
	s1 =	ssub.s32 $0x2, s1;
	s23 =	smul.u32 $0x30D400, s7  }
0x8: {  	s7 =	simm.s32 $0x6;
	s5 =	sand.u32 $0xF, s6;
	s6 =	smul.u32 $0x498, s6  }
0x9: {  	[smem:$0x7FF] =	sst s4;
	s11 =	sshrl.u32 s1, $0x1;
	s8 =	smul.u32 $0x24A0, s5  }
0xa: {  	_ =	strace $0x8000004A;
	s10 =	smul.u32 $0xC38, s5;
	s1 =	ssub.s32 s1, s11  }
0xb: {  	s6 =	sadd.s32 s0, s6;
	s1 =	smax.u32 s1, $0x1;
	s8 =	smin.u32 s8, $0x22550  }
0xc: {  	s10 =	smin.u32 s10, $0xB718;
	[dreg:$0x4] =	wrdreg s6;
	s6 =	sadd.s32 $0x9400, s6  }
0xd: {  	[dreg:$0xc] =	wrdreg s1;
	s1 =	simm.s32 $0x13A00;
	s8 =	sadd.s32 s8, s9  }
0xe: {  	s26 =	sadd.s32 s12, s10;
	s9 =	sadd.s32 s9, s10;
	[dreg:$0x5] =	wrdreg s6  }
0xf: {  	s6 =	sadd.s32 s23, s3;
	s23 =	simm.s32 $0x4A00;
	s5 =	sadd.s32 $0xC350, s8  }
0x10: {  	s8 =	sadd.s32 $0xC3B0, s8;
	s16 =	sshll.u32 s26, $0x4;
	s17 =	sshll.u32 s9, $0x4  }
0x11: {  	s26 =	sshll.u32 s10, $0x4;
	s9 =	simm.s32 $0x7;
	s18 =	sadd.s32 s2, s16  }
0x12: {  	s10 =	simm.s32 $0x8;
	s19 =	sadd.s32 s3, s17;
	[dreg:$0x8] =	wrdreg s18  }
0x13: {  	s13 =	sshll.u32 s5, $0x4;
	s21 =	sadd.s32 $0xC000, s18;
	[dreg:$0x9] =	wrdreg s19  }
0x14: {  	s14 =	sadd.s32 s13, s3;
	s22 =	sadd.s32 $0xC000, s19;
	[dreg:$0xa] =	wrdreg s21  }
0x15: {  	s24 =	sadd.s32 $0x600, s18;
	s25 =	sadd.s32 $0x600, s19;
	[dreg:$0xb] =	wrdreg s22  }
0x16: {  	s19 =	sadd.s32 s26, s6;
	s13 =	simm.s32 $0x0;
	[dreg:$0xd] =	wrdreg s24  }
0x17: {  	s15 =	sadd.s32 $0x24000, s14;
	s0 =	sadd.s32 $0x24600, s14;
	[dreg:$0xe] =	wrdreg s25  }
0x18: {  	s22 =	simm.s32 $0x60;
	s24 =	simm.s32 $0xAA00;
	s25 =	simm.s32 $0x7A00  }
0x19: {  	s21 =	simm.s32 $0x5;
	[dreg:$0x7] =	wrdreg s0;
	s0 =	sadd.s32 s20, s2  }
0x1a: {  	[dreg:$0x6] =	wrdreg s15;
	s20 =	simm.s32 $0x9;
	s18 =	sadd.s32 s26, s0  }
.LBB2_1:
0x1b: {  	s0 =	rddreg [dreg:$0x5]  }
0x1c: {  	[tilespmem:s4], [sflag:$0x9] =	stream.linear.gather [hbm4b:s0+s4], $0x24C0, $0x38;
	[tilespmem:$0x16A00] =	vst v63  }
0x1d: {  	_ =	swait.ge [sflag:s20], $0x24C0  }
0x1e: {  	[sflag:s20] =	ssyncset.done $0x0  }
0x1f: {  	s6 =	simm.s32 $0x2500;
	s17 =	rddreg [dreg:$0x4];
	[sflag:s20] =	ssyncadd.s32 $0xFFFFDB40  }
0x20: {  	[tilespmem:s6], [sflag:$0x9] =	stream.linear.gather [hbm4b:s17+s4], $0x24C0, $0x38;
	[tilespmem:$0x16A00] =	vst v63  }
0x21: {  	_ =	swait.ge [sflag:s20], $0x24C0  }
0x22: {  	[sflag:s20] =	ssyncset.done $0x0  }
0x23: {  	[sflag:s20] =	ssyncadd.s32 $0xFFFFDB40  }
0x24: {  	[tilespmem:s23], [sflag:$0x1] =	stream.indirect.gather [hbm4b:s2+s22], $0x80, s4, s22, $0xb8;
	[tilespmem:$0x16A00] =	vst v63  }
0x25: {  	_ = 	snop  }
0x26: {  	[tilespmem:s24], [sflag:$0x1] =	stream.indirect.gather [hbm4b:s2+s22], $0x80, s6, s22, $0xb8;
	[tilespmem:$0x16A00] =	vst v63  }
0x27: {  	_ = 	snop  }
0x28: {  	[tilespmem:s25], [sflag:$0x2] =	stream.indirect.gather [hbm4b:s2+s22], $0x80, s22, s22, $0xb8;
	[tilespmem:$0x16A00] =	vst v63  }
0x29: {  	s26 =	simm.s32 $0x2560;
	s14 =	simm.s32 $0x0  }
0x2a: {  	[tilespmem:s28], [sflag:$0x2] =	stream.indirect.gather [hbm4b:s2+s22], $0x80, s26, s22, $0xb8;
	[tilespmem:$0x16A00] =	vst v63  }
.LBB2_2:
0x2b: {  	_ =	swait.ge [sflag:s29], $0x3000  }
0x2c: {  	[sflag:s29] =	ssyncset.done $0x0  }
0x2d: {  	[sflag:s29] =	ssyncadd.s32 $0xFFFFD000  }
0x2e: {  	_ =	swait.ge [sflag:s29], $0x3000  }
0x2f: {  	p0 =	seq.s32 s14, $0x0;
	[sflag:s29] =	ssyncset.done $0x0  }
0x30: {  	s0 =	simm.s32 @!p0 $0x3;
	[sflag:s29] =	ssyncadd.s32 $0xFFFFD000  }
0x31: {  	_ =	swait.ge @!p0 [sflag:s0], $0x3000  }
0x32: {  	[sflag:s0] =	ssyncset.done @!p0 $0x0  }
0x33: {  	s12 =	simm.s32 $0x4B00;
	[sflag:s0] =	ssyncadd.s32 @!p0 $0xFFFFD000  }
0x34: {  	s11 =	simm.s32 $0xAB00;
	v0 =	vld [tilespmem:s12+$0x80]  }
0x35: {  	v1 =	vld [tilespmem:s11+$0x80];
	_ =	sdelay $0x4  }
0x36: {  	v2 =	vld [tilespmem:s12+$0xFFFFFF80];
	v0 =	vadd.f32 v1, v0  }
0x37: {  	v1 =	vld [tilespmem:s11+$0xFFFFFF80]  }
0x38: {  	v0 =	vmul.f32 $5.000000000e-01, v0  }
0x39: {  	s15 =	simm.s32 $0x10B00;
	v3 =	vld [tilespmem:s11+$0xFFFFFF00]  }
0x3a: {  	v4 =	vld [tilespmem:s12+$0xFFFFFF00];
	[tilespmem:s15+$0x80] =	vst v0  }
0x3b: {  	v0 =	vld [tilespmem:s12+$0x90]  }
0x3c: {  	v1 =	vadd.f32 v1, v2;
	v2 =	vld [tilespmem:s11+$0x90];
	_ =	sdelay $0x1  }
0x3d: {  	v1 =	vmul.f32 $5.000000000e-01, v1  }
0x3e: {  	v3 =	vadd.f32 v3, v4  }
0x3f: {  	[tilespmem:s15+$0xFFFFFF80] =	vst v1  }
0x40: {  	v1 =	vmul.f32 $5.000000000e-01, v3;
	v3 =	vld [tilespmem:s12+$0xFFFFFF90];
	v0 =	vadd.f32 v2, v0  }
0x41: {  	v2 =	vld [tilespmem:s11+$0xFFFFFF90]  }
0x42: {  	v0 =	vmul.f32 $5.000000000e-01, v0  }
0x43: {  	v5 =	vld [tilespmem:s11+$0x0]  }
0x44: {  	v4 =	vld [tilespmem:s12+$0x0];
	[tilespmem:s15+$0x90] =	vst v0  }
0x45: {  	v0 =	vld [tilespmem:s12+$0xA0]  }
0x46: {  	v2 =	vadd.f32 v2, v3;
	v3 =	vld [tilespmem:s11+$0xA0];
	_ =	sdelay $0x1  }
0x47: {  	[tilespmem:s15+$0xFFFFFF00] =	vst v1;
	v2 =	vmul.f32 $5.000000000e-01, v2  }
0x48: {  	v4 =	vadd.f32 v5, v4;
	v1 =	vld [tilespmem:s12+$0xFFFFFF10]  }
0x49: {  	v6 =	vld [tilespmem:s11+$0xFFFFFF10];
	[tilespmem:s15+$0xFFFFFF90] =	vst v2  }
0x4a: {  	v4 =	vmul.f32 $5.000000000e-01, v4;
	v2 =	vld [tilespmem:s12+$0xFFFFFFA0];
	v0 =	vadd.f32 v3, v0  }
0x4b: {  	v3 =	vld [tilespmem:s11+$0xFFFFFFA0]  }
0x4c: {  	[tilespmem:s15+$0x0] =	vst v4;
	v0 =	vmul.f32 $5.000000000e-01, v0  }
0x4d: {  	v4 =	vld [tilespmem:s12+$0x10]  }
0x4e: {  	v5 =	vld [tilespmem:s11+$0x10];
	v1 =	vadd.f32 v6, v1;
	[tilespmem:s15+$0xA0] =	vst v0  }
0x4f: {  	v0 =	vld [tilespmem:s12+$0xB0]  }
0x50: {  	v1 =	vmul.f32 $5.000000000e-01, v1;
	v2 =	vadd.f32 v3, v2;
	v3 =	vld [tilespmem:s11+$0xB0];
	_ =	sdelay $0x1  }
0x51: {  	[tilespmem:s15+$0xFFFFFF10] =	vst v1;
	v2 =	vmul.f32 $5.000000000e-01, v2  }
0x52: {  	v4 =	vadd.f32 v5, v4;
	v1 =	vld [tilespmem:s12+$0xFFFFFF20]  }
0x53: {  	v6 =	vld [tilespmem:s11+$0xFFFFFF20];
	[tilespmem:s15+$0xFFFFFFA0] =	vst v2  }
0x54: {  	v4 =	vmul.f32 $5.000000000e-01, v4;
	v2 =	vld [tilespmem:s12+$0xFFFFFFB0];
	v0 =	vadd.f32 v3, v0  }
0x55: {  	v3 =	vld [tilespmem:s11+$0xFFFFFFB0]  }
0x56: {  	[tilespmem:s15+$0x10] =	vst v4;
	v0 =	vmul.f32 $5.000000000e-01, v0  }
0x57: {  	v4 =	vld [tilespmem:s12+$0x20]  }
0x58: {  	v5 =	vld [tilespmem:s11+$0x20];
	v1 =	vadd.f32 v6, v1;
	[tilespmem:s15+$0xB0] =	vst v0  }
0x59: {  	v0 =	vld [tilespmem:s12+$0xC0]  }
0x5a: {  	v1 =	vmul.f32 $5.000000000e-01, v1;
	v2 =	vadd.f32 v3, v2;
	v3 =	vld [tilespmem:s11+$0xC0];
	_ =	sdelay $0x1  }
0x5b: {  	[tilespmem:s15+$0xFFFFFF20] =	vst v1;
	v2 =	vmul.f32 $5.000000000e-01, v2  }
0x5c: {  	v4 =	vadd.f32 v5, v4;
	v1 =	vld [tilespmem:s12+$0xFFFFFF30]  }
0x5d: {  	v6 =	vld [tilespmem:s11+$0xFFFFFF30];
	[tilespmem:s15+$0xFFFFFFB0] =	vst v2  }
0x5e: {  	v4 =	vmul.f32 $5.000000000e-01, v4;
	v2 =	vld [tilespmem:s12+$0xFFFFFFC0];
	v0 =	vadd.f32 v3, v0  }
0x5f: {  	v3 =	vld [tilespmem:s11+$0xFFFFFFC0]  }
0x60: {  	[tilespmem:s15+$0x20] =	vst v4;
	v0 =	vmul.f32 $5.000000000e-01, v0  }
0x61: {  	v4 =	vld [tilespmem:s12+$0x30]  }
0x62: {  	v5 =	vld [tilespmem:s11+$0x30];
	v1 =	vadd.f32 v6, v1;
	[tilespmem:s15+$0xC0] =	vst v0  }
0x63: {  	v0 =	vld [tilespmem:s12+$0xD0]  }
0x64: {  	s6 =	simm.s32 $0xAD00;
	v1 =	vmul.f32 $5.000000000e-01, v1;
	v2 =	vadd.f32 v3, v2;
	v3 =	vld [tilespmem:s11+$0xD0]  }
0x65: {  	v7 =	vld [tilespmem:s6+$0x80]  }
0x66: {  	v9 =	vld [tilespmem:s6+$0xFFFFFF00];
	[tilespmem:s15+$0xFFFFFF30] =	vst v1  }
0x67: {  	v4 =	vadd.f32 v5, v4;
	v1 =	vld [tilespmem:s12+$0xFFFFFF40]  }
0x68: {  	s17 =	simm.s32 $0x4D00;
	v6 =	vld [tilespmem:s11+$0xFFFFFF40]  }
0x69: {  	v10 =	vld [tilespmem:s17+$0xFFFFFF80];
	v4 =	vmul.f32 $5.000000000e-01, v4;
	v0 =	vadd.f32 v3, v0  }
0x6a: {  	v11 =	vld [tilespmem:s6+$0xFFFFFF80]  }
0x6b: {  	v12 =	vld [tilespmem:s6+$0x0];
	[tilespmem:s15+$0x30] =	vst v4;
	v0 =	vmul.f32 $5.000000000e-01, v0  }
0x6c: {  	v4 =	vld [tilespmem:s12+$0x40]  }
0x6d: {  	v1 =	vadd.f32 v6, v1;
	v6 =	vld [tilespmem:s17+$0x80];
	[tilespmem:s15+$0xD0] =	vst v0  }
0x6e: {  	v2 =	vmul.f32 $5.000000000e-01, v2;
	v0 =	vld [tilespmem:s12+$0xE0]  }
0x6f: {  	v8 =	vld [tilespmem:s11+$0xE0]  }
0x70: {  	v5 =	vld [tilespmem:s11+$0x40];
	[tilespmem:s15+$0xFFFFFFC0] =	vst v2;
	v1 =	vmul.f32 $5.000000000e-01, v1  }
0x71: {  	v2 =	vld [tilespmem:s12+$0xFFFFFFD0]  }
0x72: {  	v3 =	vld [tilespmem:s11+$0xFFFFFFD0];
	[tilespmem:s15+$0xFFFFFF40] =	vst v1;
	v6 =	vadd.f32 v7, v6  }
0x73: {  	v1 =	vld [tilespmem:s12+$0xFFFFFF50]  }
0x74: {  	v7 =	vld [tilespmem:s17+$0x0];
	v6 =	vmul.f32 $5.000000000e-01, v6;
	v0 =	vadd.f32 v8, v0  }
0x75: {  	s16 =	simm.s32 $0x10D00;
	v8 =	vld [tilespmem:s17+$0xFFFFFF00]  }
0x76: {  	v4 =	vadd.f32 v5, v4;
	v5 =	vld [tilespmem:s11+$0xFFFFFF50];
	[tilespmem:s16+$0x80] =	vst v6;
	v0 =	vmul.f32 $5.000000000e-01, v0  }
0x77: {  	v6 =	vadd.f32 v11, v10;
	v42 =	vld [tilespmem:s17+$0x90]  }
0x78: {  	v4 =	vmul.f32 $5.000000000e-01, v4;
	v43 =	vld [tilespmem:s6+$0x90];
	[tilespmem:s15+$0xE0] =	vst v0  }
0x79: {  	v0 =	vmul.f32 $5.000000000e-01, v6;
	v6 =	vadd.f32 v12, v7;
	v7 =	vld [tilespmem:s12+$0xF0]  }
0x7a: {  	[tilespmem:s15+$0x40] =	vst v4;
	v4 =	vadd.f32 v9, v8;
	v8 =	vld [tilespmem:s11+$0xF0]  }
0x7b: {  	[tilespmem:s16+$0xFFFFFF80] =	vst v0;
	v0 =	vmul.f32 $5.000000000e-01, v6;
	v6 =	vld [tilespmem:s12+$0x50]  }
0x7c: {  	v4 =	vmul.f32 $5.000000000e-01, v4;
	v44 =	vld [tilespmem:s17+$0xFFFFFF90]  }
0x7d: {  	v45 =	vld [tilespmem:s6+$0xFFFFFF90];
	[tilespmem:s16+$0x0] =	vst v0;
	v0 =	vadd.f32 v43, v42  }
0x7e: {  	[tilespmem:s16+$0xFFFFFF00] =	vst v4;
	v4 =	vld [tilespmem:s17+$0x10]  }
0x7f: {  	v46 =	vld [tilespmem:s17+$0xFFFFFF10];
	v0 =	vmul.f32 $5.000000000e-01, v0  }
0x80: {  	v1 =	vadd.f32 v5, v1;
	v5 =	vld [tilespmem:s6+$0xFFFFFF10]  }
0x81: {  	v47 =	vld [tilespmem:s6+$0x10];
	[tilespmem:s16+$0x90] =	vst v0  }
0x82: {  	v0 =	vmul.f32 $5.000000000e-01, v1;
	v1 =	vadd.f32 v45, v44;
	v48 =	vld [tilespmem:s17+$0xA0]  }
0x83: {  	v49 =	vld [tilespmem:s6+$0xA0]  }
0x84: {  	v2 =	vadd.f32 v3, v2;
	[tilespmem:s15+$0xFFFFFF50] =	vst v0;
	v0 =	vmul.f32 $5.000000000e-01, v1;
	v1 =	vld [tilespmem:s11+$0x50]  }
0x85: {  	v3 =	vadd.f32 v5, v46;
	v5 =	vld [tilespmem:s12+$0xFFFFFF60]  }
0x86: {  	v2 =	vmul.f32 $5.000000000e-01, v2;
	[tilespmem:s16+$0xFFFFFF90] =	vst v0;
	v0 =	vld [tilespmem:s11+$0xFFFFFF60]  }
0x87: {  	v4 =	vadd.f32 v47, v4;
	v3 =	vmul.f32 $5.000000000e-01, v3;
	v50 =	vld [tilespmem:s17+$0xFFFFFFA0]  }
0x88: {  	[tilespmem:s15+$0xFFFFFFD0] =	vst v2;
	v2 =	vld [tilespmem:s6+$0xFFFFFFA0];
	v9 =	vadd.f32 v49, v48  }
0x89: {  	v4 =	vmul.f32 $5.000000000e-01, v4;
	[tilespmem:s16+$0xFFFFFF10] =	vst v3;
	v3 =	vld [tilespmem:s12+$0xFFFFFFE0]  }
0x8a: {  	v51 =	vld [tilespmem:s17+$0xFFFFFF20];
	v9 =	vmul.f32 $5.000000000e-01, v9  }
0x8b: {  	[tilespmem:s16+$0x10] =	vst v4;
	v4 =	vld [tilespmem:s6+$0xFFFFFF20]  }
0x8c: {  	v1 =	vadd.f32 v1, v6;
	v6 =	vld [tilespmem:s17+$0x20];
	[tilespmem:s16+$0xA0] =	vst v9  }
0x8d: {  	v2 =	vadd.f32 v2, v50;
	v9 =	vld [tilespmem:s17+$0xB0]  }
0x8e: {  	v1 =	vmul.f32 $5.000000000e-01, v1;
	v52 =	vld [tilespmem:s6+$0xB0]  }
0x8f: {  	v53 =	vld [tilespmem:s6+$0x20];
	v0 =	vadd.f32 v0, v5;
	v2 =	vmul.f32 $5.000000000e-01, v2  }
0x90: {  	[tilespmem:s15+$0x50] =	vst v1;
	v1 =	vadd.f32 v4, v51;
	v4 =	vld [tilespmem:s11+$0xFFFFFFE0]  }
0x91: {  	v0 =	vmul.f32 $5.000000000e-01, v0;
	[tilespmem:s16+$0xFFFFFFA0] =	vst v2;
	v2 =	vld [tilespmem:s12+$0x60]  }
0x92: {  	v1 =	vmul.f32 $5.000000000e-01, v1;
	v5 =	vld [tilespmem:s17+$0xFFFFFFB0]  }
0x93: {  	[tilespmem:s15+$0xFFFFFF60] =	vst v0;
	v54 =	vld [tilespmem:s6+$0xFFFFFFB0];
	v9 =	vadd.f32 v52, v9  }
0x94: {  	v56 =	vld [tilespmem:s12+$0xFFFFFF70];
	[tilespmem:s16+$0xFFFFFF20] =	vst v1  }
0x95: {  	v6 =	vadd.f32 v53, v6;
	v55 =	vld [tilespmem:s17+$0xFFFFFF30];
	v9 =	vmul.f32 $5.000000000e-01, v9  }
0x96: {  	v0 =	vld [tilespmem:s6+$0xFFFFFF30]  }
0x97: {  	v6 =	vmul.f32 $5.000000000e-01, v6;
	v1 =	vld [tilespmem:s11+$0x60];
	[tilespmem:s16+$0xB0] =	vst v9  }
0x98: {  	v5 =	vadd.f32 v54, v5;
	v57 =	vld [tilespmem:s17+$0xC0]  }
0x99: {  	[tilespmem:s16+$0x20] =	vst v6;
	v6 =	vld [tilespmem:s6+$0xC0]  }
0x9a: {  	v58 =	vld [tilespmem:s6+$0x30];
	v3 =	vadd.f32 v4, v3;
	v4 =	vmul.f32 $5.000000000e-01, v5  }
0x9b: {  	v5 =	vld [tilespmem:s17+$0x30];
	v0 =	vadd.f32 v0, v55  }
0x9c: {  	v3 =	vmul.f32 $5.000000000e-01, v3;
	[tilespmem:s16+$0xFFFFFFB0] =	vst v4;
	v4 =	vld [tilespmem:s11+$0xFFFFFF70]  }
0x9d: {  	v0 =	vmul.f32 $5.000000000e-01, v0;
	v59 =	vld [tilespmem:s17+$0xFFFFFFC0]  }
0x9e: {  	[tilespmem:s15+$0xFFFFFFE0] =	vst v3;
	v3 =	vld [tilespmem:s6+$0xFFFFFFC0];
	v6 =	vadd.f32 v6, v57  }
0x9f: {  	[tilespmem:s16+$0xFFFFFF30] =	vst v0;
	v0 =	vld [tilespmem:s12+$0xFFFFFFF0]  }
0xa0: {  	v5 =	vadd.f32 v58, v5;
	v60 =	vld [tilespmem:s17+$0xFFFFFF40];
	v6 =	vmul.f32 $5.000000000e-01, v6  }
0xa1: {  	v61 =	vld [tilespmem:s6+$0xFFFFFF40]  }
0xa2: {  	v1 =	vadd.f32 v1, v2;
	v2 =	vmul.f32 $5.000000000e-01, v5;
	v5 =	vld [tilespmem:s11+$0xFFFFFFF0];
	[tilespmem:s16+$0xC0] =	vst v6  }
0xa3: {  	v3 =	vadd.f32 v3, v59;
	v6 =	vld [tilespmem:s17+$0xD0]  }
0xa4: {  	v7 =	vadd.f32 v8, v7;
	v1 =	vmul.f32 $5.000000000e-01, v1;
	[tilespmem:s16+$0x30] =	vst v2;
	v2 =	vld [tilespmem:s6+$0xD0]  }
0xa5: {  	v4 =	vadd.f32 v4, v56;
	v3 =	vmul.f32 $5.000000000e-01, v3;
	v8 =	vld [tilespmem:s17+$0x40]  }
0xa6: {  	[tilespmem:s15+$0x60] =	vst v1;
	v1 =	vmul.f32 $5.000000000e-01, v7;
	v62 =	vld [tilespmem:s6+$0x40];
	v7 =	vadd.f32 v61, v60  }
0xa7: {  	v4 =	vmul.f32 $5.000000000e-01, v4;
	[tilespmem:s16+$0xFFFFFFC0] =	vst v3;
	v5 =	vadd.f32 v5, v0;
	v0 =	vld [tilespmem:s12+$0x70]  }
0xa8: {  	[tilespmem:s15+$0xF0] =	vst v1;
	v1 =	vmul.f32 $5.000000000e-01, v7;
	v3 =	vld [tilespmem:s17+$0xFFFFFFD0]  }
0xa9: {  	[tilespmem:s15+$0xFFFFFF70] =	vst v4;
	v4 =	vld [tilespmem:s6+$0xFFFFFFD0];
	v7 =	vadd.f32 v2, v6;
	v63 =	vmul.f32 $5.000000000e-01, v5  }
0xaa: {  	v2 =	vld [tilespmem:s11+$0x70];
	[tilespmem:s16+$0xFFFFFF40] =	vst v1  }
0xab: {  	s0 =	simm.s32 $0x4;
	s12 =	simm.s32 $0x4F00;
	s11 =	simm.s32 $0xAD00;
	v6 =	vadd.f32 v62, v8;
	v1 =	vld [tilespmem:s17+$0xFFFFFF50];
	v5 =	vmul.f32 $5.000000000e-01, v7;
	[tilespmem:s15+$0xFFFFFFF0] =	vst v63  }
.LBB2_3:
0xac: {  	v7 =	vld [tilespmem:s12+$0x80];
	s6 =	sadd.s32 $0x200, s6  }
0xad: {  	v8 =	vld [tilespmem:s6+$0x80];
	v6 =	vmul.f32 $5.000000000e-01, v6;
	[tilespmem:s16+$0xD0] =	vst v5  }
0xae: {  	v3 =	vadd.f32 v4, v3;
	v4 =	vld [tilespmem:s17+$0xE0]  }
0xaf: {  	[tilespmem:s16+$0x40] =	vst v6;
	v5 =	vld [tilespmem:s11+$0xE0];
	v0 =	vadd.f32 v2, v0  }
0xb0: {  	v2 =	vld [tilespmem:s6+$0xFFFFFF00];
	v3 =	vmul.f32 $5.000000000e-01, v3  }
0xb1: {  	v6 =	vld [tilespmem:s12+$0xFFFFFF80];
	v0 =	vmul.f32 $5.000000000e-01, v0  }
0xb2: {  	v9 =	vld [tilespmem:s6+$0xFFFFFF80];
	v7 =	vadd.f32 v8, v7;
	[tilespmem:s16+$0xFFFFFFD0] =	vst v3  }
0xb3: {  	v3 =	vld [tilespmem:s12+$0x0];
	[tilespmem:s15+$0x70] =	vst v0;
	s15 =	smov.u32 s16  }
0xb4: {  	s0 =	sadd.s32 $0x4, s0;
	v0 =	vld [tilespmem:s6+$0x0];
	v7 =	vmul.f32 $5.000000000e-01, v7;
	v4 =	vadd.f32 v5, v4  }
0xb5: {  	p1 =	slt.u32 s0, $0x5C;
	s16 =	sadd.s32 $0x200, s16;
	v5 =	vld [tilespmem:s12+$0xFFFFFF00]  }
0xb6: {  	[tilespmem:s16+$0x80] =	vst v7;
	v7 =	vld [tilespmem:s11+$0xFFFFFF50];
	v4 =	vmul.f32 $5.000000000e-01, v4  }
0xb7: {  	v6 =	vadd.f32 v9, v6;
	v8 =	vld [tilespmem:s12+$0x90]  }
0xb8: {  	v9 =	vld [tilespmem:s6+$0x90];
	[tilespmem:s15+$0xE0] =	vst v4  }
0xb9: {  	v4 =	vmul.f32 $5.000000000e-01, v6;
	v0 =	vadd.f32 v0, v3;
	v3 =	vld [tilespmem:s17+$0xF0]  }
0xba: {  	v2 =	vadd.f32 v2, v5;
	v5 =	vld [tilespmem:s11+$0xF0]  }
0xbb: {  	[tilespmem:s16+$0xFFFFFF80] =	vst v4;
	v0 =	vmul.f32 $5.000000000e-01, v0;
	v1 =	vadd.f32 v7, v1;
	v4 =	vld [tilespmem:s17+$0x50]  }
0xbc: {  	v2 =	vmul.f32 $5.000000000e-01, v2;
	v6 =	vld [tilespmem:s12+$0xFFFFFF90]  }
0xbd: {  	v7 =	vld [tilespmem:s6+$0xFFFFFF90];
	[tilespmem:s16+$0x0] =	vst v0;
	v0 =	vadd.f32 v9, v8;
	v1 =	vmul.f32 $5.000000000e-01, v1  }
0xbe: {  	[tilespmem:s16+$0xFFFFFF00] =	vst v2;
	v2 =	vld [tilespmem:s12+$0x10]  }
0xbf: {  	v8 =	vld [tilespmem:s12+$0xFFFFFF10];
	v0 =	vmul.f32 $5.000000000e-01, v0;
	[tilespmem:s15+$0xFFFFFF50] =	vst v1;
	v1 =	vadd.f32 v5, v3  }
0xc0: {  	v3 =	vld [tilespmem:s6+$0xFFFFFF10]  }
0xc1: {  	v5 =	vld [tilespmem:s6+$0x10];
	[tilespmem:s16+$0x90] =	vst v0;
	v0 =	vmul.f32 $5.000000000e-01, v1  }
0xc2: {  	v1 =	vadd.f32 v7, v6;
	v6 =	vld [tilespmem:s12+$0xA0]  }
0xc3: {  	v7 =	vld [tilespmem:s6+$0xA0];
	[tilespmem:s15+$0xF0] =	vst v0  }
0xc4: {  	v0 =	vmul.f32 $5.000000000e-01, v1;
	v1 =	vld [tilespmem:s11+$0x50]  }
0xc5: {  	v3 =	vadd.f32 v3, v8;
	v8 =	vld [tilespmem:s17+$0xFFFFFF60]  }
0xc6: {  	[tilespmem:s16+$0xFFFFFF90] =	vst v0;
	v0 =	vadd.f32 v5, v2;
	v2 =	vld [tilespmem:s11+$0xFFFFFF60]  }
0xc7: {  	v3 =	vmul.f32 $5.000000000e-01, v3;
	v5 =	vld [tilespmem:s12+$0xFFFFFFA0]  }
0xc8: {  	v9 =	vld [tilespmem:s6+$0xFFFFFFA0];
	v0 =	vmul.f32 $5.000000000e-01, v0;
	v6 =	vadd.f32 v7, v6  }
0xc9: {  	[tilespmem:s16+$0xFFFFFF10] =	vst v3;
	v3 =	vld [tilespmem:s17+$0xFFFFFFE0];
	v1 =	vadd.f32 v1, v4  }
0xca: {  	v4 =	vld [tilespmem:s12+$0xFFFFFF20];
	[tilespmem:s16+$0x10] =	vst v0;
	v0 =	vmul.f32 $5.000000000e-01, v6  }
0xcb: {  	v6 =	vld [tilespmem:s6+$0xFFFFFF20];
	v2 =	vadd.f32 v2, v8;
	v1 =	vmul.f32 $5.000000000e-01, v1  }
0xcc: {  	v7 =	vld [tilespmem:s12+$0x20];
	[tilespmem:s16+$0xA0] =	vst v0  }
0xcd: {  	v0 =	vadd.f32 v9, v5;
	v5 =	vld [tilespmem:s12+$0xB0];
	v2 =	vmul.f32 $5.000000000e-01, v2;
	[tilespmem:s15+$0x50] =	vst v1  }
0xce: {  	v1 =	vld [tilespmem:s6+$0xB0]  }
0xcf: {  	v0 =	vmul.f32 $5.000000000e-01, v0;
	v8 =	vld [tilespmem:s6+$0x20];
	[tilespmem:s15+$0xFFFFFF60] =	vst v2  }
0xd0: {  	v2 =	vadd.f32 v6, v4;
	v4 =	vld [tilespmem:s11+$0xFFFFFFE0]  }
0xd1: {  	[tilespmem:s16+$0xFFFFFFA0] =	vst v0;
	v0 =	vld [tilespmem:s17+$0x60]  }
0xd2: {  	v2 =	vmul.f32 $5.000000000e-01, v2;
	v6 =	vld [tilespmem:s12+$0xFFFFFFB0]  }
0xd3: {  	v9 =	vld [tilespmem:s6+$0xFFFFFFB0];
	v1 =	vadd.f32 v1, v5  }
0xd4: {  	[tilespmem:s16+$0xFFFFFF20] =	vst v2;
	v2 =	vadd.f32 v8, v7;
	v5 =	vld [tilespmem:s11+$0x60]  }
0xd5: {  	v7 =	vld [tilespmem:s12+$0xFFFFFF30];
	v1 =	vmul.f32 $5.000000000e-01, v1;
	v3 =	vadd.f32 v4, v3  }
0xd6: {  	v4 =	vld [tilespmem:s6+$0xFFFFFF30];
	v2 =	vmul.f32 $5.000000000e-01, v2  }
0xd7: {  	[tilespmem:s16+$0xB0] =	vst v1;
	v1 =	vld [tilespmem:s17+$0xFFFFFF70];
	v3 =	vmul.f32 $5.000000000e-01, v3  }
0xd8: {  	v6 =	vadd.f32 v9, v6;
	[tilespmem:s16+$0x20] =	vst v2;
	v2 =	vld [tilespmem:s12+$0xC0]  }
0xd9: {  	v8 =	vld [tilespmem:s6+$0xC0];
	[tilespmem:s15+$0xFFFFFFE0] =	vst v3;
	v0 =	vadd.f32 v5, v0  }
0xda: {  	v3 =	vmul.f32 $5.000000000e-01, v6;
	v5 =	vld [tilespmem:s12+$0x30]  }
0xdb: {  	v4 =	vadd.f32 v4, v7;
	v6 =	vld [tilespmem:s6+$0x30];
	v0 =	vmul.f32 $5.000000000e-01, v0  }
0xdc: {  	[tilespmem:s16+$0xFFFFFFB0] =	vst v3;
	v3 =	vld [tilespmem:s11+$0xFFFFFF70]  }
0xdd: {  	v4 =	vmul.f32 $5.000000000e-01, v4;
	v7 =	vld [tilespmem:s12+$0xFFFFFFC0];
	[tilespmem:s15+$0x60] =	vst v0  }
0xde: {  	v0 =	vld [tilespmem:s6+$0xFFFFFFC0];
	v2 =	vadd.f32 v8, v2  }
0xdf: {  	[tilespmem:s16+$0xFFFFFF30] =	vst v4;
	v4 =	vld [tilespmem:s17+$0xFFFFFFF0]  }
0xe0: {  	v8 =	vld [tilespmem:s12+$0xFFFFFF40];
	v5 =	vadd.f32 v6, v5;
	v2 =	vmul.f32 $5.000000000e-01, v2  }
0xe1: {  	v6 =	vld [tilespmem:s6+$0xFFFFFF40];
	v1 =	vadd.f32 v3, v1  }
0xe2: {  	v3 =	vmul.f32 $5.000000000e-01, v5;
	[tilespmem:s16+$0xC0] =	vst v2;
	v2 =	vld [tilespmem:s11+$0xFFFFFFF0]  }
0xe3: {  	v0 =	vadd.f32 v0, v7;
	v5 =	vld [tilespmem:s12+$0xD0];
	v1 =	vmul.f32 $5.000000000e-01, v1  }
0xe4: {  	[tilespmem:s16+$0x30] =	vst v3;
	v7 =	vld [tilespmem:s6+$0xD0]  }
0xe5: {  	v0 =	vmul.f32 $5.000000000e-01, v0;
	v9 =	vld [tilespmem:s12+$0x40];
	[tilespmem:s15+$0xFFFFFF70] =	vst v1  }
0xe6: {  	v1 =	vadd.f32 v6, v8;
	v6 =	vld [tilespmem:s6+$0x40]  }
.Ltmp0:
0xe7: {  	[tilespmem:s16+$0xFFFFFFC0] =	vst v0;
	v2 =	vadd.f32 v2, v4;
	v0 =	vld [tilespmem:s17+$0x70];
	s17 =	smov.u32 s12;
	(pc) =	sbr.rel @p1 .LBB2_3-.Ltmp0, $4  }
0xe8: {  	v1 =	vmul.f32 $5.000000000e-01, v1;
	v3 =	vld [tilespmem:s12+$0xFFFFFFD0]  }
0xe9: {  	v4 =	vld [tilespmem:s6+$0xFFFFFFD0];
	v5 =	vadd.f32 v7, v5;
	v7 =	vmul.f32 $5.000000000e-01, v2  }
0xea: {  	[tilespmem:s16+$0xFFFFFF40] =	vst v1;
	v2 =	vld [tilespmem:s11+$0x70];
	s11 =	smov.u32 s6  }
0xeb: {  	s12 =	sadd.s32 $0x200, s12;
	v1 =	vld [tilespmem:s17+$0xFFFFFF50];
	v6 =	vadd.f32 v6, v9;
	v5 =	vmul.f32 $5.000000000e-01, v5;
	[tilespmem:s15+$0xFFFFFFF0] =	vst v7  }
0xec: {  	_ = 	snop  }
0xed: {  	v7 =	vld [tilespmem:s11+$0xFFFFFF50];
	v6 =	vmul.f32 $5.000000000e-01, v6;
	_ =	sdelay $0x1  }
0xee: {  	[tilespmem:s16+$0x40] =	vst v6  }
0xef: {  	v6 =	vld [tilespmem:s17+$0x50]  }
0xf0: {  	v8 =	vld [tilespmem:s11+$0x50]  }
0xf1: {  	v1 =	vadd.f32 v7, v1;
	_ =	sdelay $0x1  }
0xf2: {  	[tilespmem:s16+$0xD0] =	vst v5;
	v3 =	vadd.f32 v4, v3;
	v1 =	vmul.f32 $5.000000000e-01, v1  }
0xf3: {  	v4 =	vld [tilespmem:s17+$0xE0]  }
0xf4: {  	v5 =	vld [tilespmem:s11+$0xE0];
	v3 =	vmul.f32 $5.000000000e-01, v3;
	[tilespmem:s16+$0xFFFFFF50] =	vst v1;
	v1 =	vadd.f32 v8, v6  }
0xf5: {  	v6 =	vld [tilespmem:s17+$0xFFFFFF60]  }
0xf6: {  	[tilespmem:s16+$0xFFFFFFD0] =	vst v3;
	v3 =	vld [tilespmem:s11+$0xFFFFFF60];
	v1 =	vmul.f32 $5.000000000e-01, v1  }
0xf7: {  	v7 =	vld [tilespmem:s17+$0xFFFFFFE0]  }
0xf8: {  	[tilespmem:s16+$0x50] =	vst v1;
	v1 =	vld [tilespmem:s11+$0xFFFFFFE0]  }
0xf9: {  	v4 =	vadd.f32 v5, v4;
	v5 =	vld [tilespmem:s17+$0x60]  }
0xfa: {  	v8 =	vld [tilespmem:s11+$0x60]  }
0xfb: {  	v4 =	vmul.f32 $5.000000000e-01, v4;
	v3 =	vadd.f32 v3, v6;
	_ =	sdelay $0x1  }
0xfc: {  	[tilespmem:s16+$0xE0] =	vst v4;
	v3 =	vmul.f32 $5.000000000e-01, v3;
	v1 =	vadd.f32 v1, v7  }
0xfd: {  	v4 =	vld [tilespmem:s17+$0xF0]  }
0xfe: {  	v6 =	vld [tilespmem:s11+$0xF0];
	[tilespmem:s16+$0xFFFFFF60] =	vst v3;
	v3 =	vadd.f32 v8, v5;
	v1 =	vmul.f32 $5.000000000e-01, v1  }
0xff: {  	v5 =	vld [tilespmem:s17+$0xFFFFFF70]  }
0x100: {  	[tilespmem:s16+$0xFFFFFFE0] =	vst v1;
	v1 =	vmul.f32 $5.000000000e-01, v3;
	v3 =	vld [tilespmem:s11+$0xFFFFFF70]  }
0x101: {  	v7 =	vld [tilespmem:s17+$0xFFFFFFF0]  }
0x102: {  	[tilespmem:s16+$0x60] =	vst v1;
	v1 =	vld [tilespmem:s11+$0xFFFFFFF0]  }
0x103: {  	v8 =	vld [tilespmem:s17+$0x70]  }
0x104: {  	v9 =	vld [tilespmem:s11+$0x70]  }
0x105: {  	v0 =	vadd.f32 v2, v0  }
0x106: {  	v2 =	vadd.f32 v6, v4  }
0x107: {  	v0 =	vmul.f32 $5.000000000e-01, v0;
	v3 =	vadd.f32 v3, v5  }
0x108: {  	v2 =	vmul.f32 $5.000000000e-01, v2;
	v1 =	vadd.f32 v1, v7  }
0x109: {  	[tilespmem:s15+$0x70] =	vst v0;
	v0 =	vmul.f32 $5.000000000e-01, v3;
	v3 =	vadd.f32 v9, v8  }
0x10a: {  	[tilespmem:s16+$0xF0] =	vst v2;
	v1 =	vmul.f32 $5.000000000e-01, v1  }
0x10b: {  	s15 =	smul.u32 $0xC0, s14;
	[tilespmem:s16+$0xFFFFFF70] =	vst v0;
	v0 =	vmul.f32 $5.000000000e-01, v3  }
0x10c: {  	[tilespmem:s16+$0xFFFFFFF0] =	vst v1  }
0x10d: {  	s0 =	sadd.s32 $0xC0, s15;
	s17 =	sadd.s32 s5, s15;
	[tilespmem:s16+$0x70] =	vst v0  }
0x10e: {  	[tilespmem:s23], [sflag:$0x1] =	stream.indirect.gather [hbm4b:s2+s22], $0x80, s0, s22, $0xb8;
	[tilespmem:$0x16A00] =	vst v63  }
0x10f: {  	s16 =	sadd.s32 $0x25C0, s15;
	s0 =	sshll.u32 s17, $0x4  }
0x110: {  	[tilespmem:s24], [sflag:$0x1] =	stream.indirect.gather [hbm4b:s2+s22], $0x80, s16, s22, $0xb8;
	[tilespmem:$0x16A00] =	vst v63  }
0x111: {  	s0 =	sadd.s32 s3, s0  }
0x112: {  	[hbm4b:s0+s4] =	stream.linear.scatter [tilespmem:s30], [sflag:$0x3], $0x3000, $0x38;
	[tilespmem:$0x16A00] =	vst v63  }
0x113: {  	_ =	swait.ge [sflag:s31], $0x3000  }
0x114: {  	[sflag:s31] =	ssyncset.done $0x0  }
0x115: {  	[sflag:s31] =	ssyncadd.s32 $0xFFFFD000  }
0x116: {  	_ =	swait.ge [sflag:s31], $0x3000  }
0x117: {  	[sflag:s31] =	ssyncset.done $0x0  }
0x118: {  	s0 =	simm.s32 @!p0 $0x4;
	[sflag:s31] =	ssyncadd.s32 $0xFFFFD000  }
0x119: {  	_ =	swait.ge @!p0 [sflag:s0], $0x3000  }
0x11a: {  	[sflag:s0] =	ssyncset.done @!p0 $0x0  }
0x11b: {  	s26 =	simm.s32 $0x7B00;
	[sflag:s0] =	ssyncadd.s32 @!p0 $0xFFFFD000  }
0x11c: {  	s12 =	simm.s32 $0xDB00;
	v0 =	vld [tilespmem:s26+$0x80]  }
0x11d: {  	v1 =	vld [tilespmem:s12+$0x80];
	_ =	sdelay $0x4  }
0x11e: {  	v2 =	vld [tilespmem:s26+$0xFFFFFF80];
	v0 =	vadd.f32 v1, v0  }
0x11f: {  	v1 =	vld [tilespmem:s12+$0xFFFFFF80]  }
0x120: {  	v0 =	vmul.f32 $5.000000000e-01, v0  }
0x121: {  	s16 =	simm.s32 $0x13B00;
	v3 =	vld [tilespmem:s12+$0xFFFFFF00]  }
0x122: {  	v4 =	vld [tilespmem:s26+$0xFFFFFF00];
	[tilespmem:s16+$0x80] =	vst v0  }
0x123: {  	v0 =	vld [tilespmem:s26+$0x90]  }
0x124: {  	v1 =	vadd.f32 v1, v2;
	v2 =	vld [tilespmem:s12+$0x90];
	_ =	sdelay $0x1  }
0x125: {  	v1 =	vmul.f32 $5.000000000e-01, v1  }
0x126: {  	v3 =	vadd.f32 v3, v4  }
0x127: {  	[tilespmem:s16+$0xFFFFFF80] =	vst v1  }
0x128: {  	v1 =	vmul.f32 $5.000000000e-01, v3;
	v3 =	vld [tilespmem:s26+$0xFFFFFF90];
	v0 =	vadd.f32 v2, v0  }
0x129: {  	v2 =	vld [tilespmem:s12+$0xFFFFFF90]  }
0x12a: {  	v0 =	vmul.f32 $5.000000000e-01, v0  }
0x12b: {  	v5 =	vld [tilespmem:s12+$0x0]  }
0x12c: {  	v4 =	vld [tilespmem:s26+$0x0];
	[tilespmem:s16+$0x90] =	vst v0  }
0x12d: {  	v0 =	vld [tilespmem:s26+$0xA0]  }
0x12e: {  	v2 =	vadd.f32 v2, v3;
	v3 =	vld [tilespmem:s12+$0xA0];
	_ =	sdelay $0x1  }
0x12f: {  	[tilespmem:s16+$0xFFFFFF00] =	vst v1;
	v2 =	vmul.f32 $5.000000000e-01, v2  }
0x130: {  	v4 =	vadd.f32 v5, v4;
	v1 =	vld [tilespmem:s26+$0xFFFFFF10]  }
0x131: {  	v6 =	vld [tilespmem:s12+$0xFFFFFF10];
	[tilespmem:s16+$0xFFFFFF90] =	vst v2  }
0x132: {  	v4 =	vmul.f32 $5.000000000e-01, v4;
	v2 =	vld [tilespmem:s26+$0xFFFFFFA0];
	v0 =	vadd.f32 v3, v0  }
0x133: {  	v3 =	vld [tilespmem:s12+$0xFFFFFFA0]  }
0x134: {  	[tilespmem:s16+$0x0] =	vst v4;
	v0 =	vmul.f32 $5.000000000e-01, v0  }
0x135: {  	v4 =	vld [tilespmem:s26+$0x10]  }
0x136: {  	v5 =	vld [tilespmem:s12+$0x10];
	v1 =	vadd.f32 v6, v1;
	[tilespmem:s16+$0xA0] =	vst v0  }
0x137: {  	v0 =	vld [tilespmem:s26+$0xB0]  }
0x138: {  	v1 =	vmul.f32 $5.000000000e-01, v1;
	v2 =	vadd.f32 v3, v2;
	v3 =	vld [tilespmem:s12+$0xB0];
	_ =	sdelay $0x1  }
0x139: {  	[tilespmem:s16+$0xFFFFFF10] =	vst v1;
	v2 =	vmul.f32 $5.000000000e-01, v2  }
0x13a: {  	v4 =	vadd.f32 v5, v4;
	v1 =	vld [tilespmem:s26+$0xFFFFFF20]  }
0x13b: {  	v6 =	vld [tilespmem:s12+$0xFFFFFF20];
	[tilespmem:s16+$0xFFFFFFA0] =	vst v2  }
0x13c: {  	v4 =	vmul.f32 $5.000000000e-01, v4;
	v2 =	vld [tilespmem:s26+$0xFFFFFFB0];
	v0 =	vadd.f32 v3, v0  }
0x13d: {  	v3 =	vld [tilespmem:s12+$0xFFFFFFB0]  }
0x13e: {  	[tilespmem:s16+$0x10] =	vst v4;
	v0 =	vmul.f32 $5.000000000e-01, v0  }
0x13f: {  	v4 =	vld [tilespmem:s26+$0x20]  }
0x140: {  	v5 =	vld [tilespmem:s12+$0x20];
	v1 =	vadd.f32 v6, v1;
	[tilespmem:s16+$0xB0] =	vst v0  }
0x141: {  	v0 =	vld [tilespmem:s26+$0xC0]  }
0x142: {  	v1 =	vmul.f32 $5.000000000e-01, v1;
	v2 =	vadd.f32 v3, v2;
	v3 =	vld [tilespmem:s12+$0xC0];
	_ =	sdelay $0x1  }
0x143: {  	[tilespmem:s16+$0xFFFFFF20] =	vst v1;
	v2 =	vmul.f32 $5.000000000e-01, v2  }
0x144: {  	v4 =	vadd.f32 v5, v4;
	v1 =	vld [tilespmem:s26+$0xFFFFFF30]  }
0x145: {  	v6 =	vld [tilespmem:s12+$0xFFFFFF30];
	[tilespmem:s16+$0xFFFFFFB0] =	vst v2  }
0x146: {  	v4 =	vmul.f32 $5.000000000e-01, v4;
	v2 =	vld [tilespmem:s26+$0xFFFFFFC0];
	v0 =	vadd.f32 v3, v0  }
0x147: {  	v3 =	vld [tilespmem:s12+$0xFFFFFFC0]  }
0x148: {  	[tilespmem:s16+$0x20] =	vst v4;
	v0 =	vmul.f32 $5.000000000e-01, v0  }
0x149: {  	v4 =	vld [tilespmem:s26+$0x30]  }
0x14a: {  	v5 =	vld [tilespmem:s12+$0x30];
	v1 =	vadd.f32 v6, v1;
	[tilespmem:s16+$0xC0] =	vst v0  }
0x14b: {  	v0 =	vld [tilespmem:s26+$0xD0]  }
0x14c: {  	s11 =	simm.s32 $0xDD00;
	v1 =	vmul.f32 $5.000000000e-01, v1;
	v2 =	vadd.f32 v3, v2;
	v3 =	vld [tilespmem:s12+$0xD0]  }
0x14d: {  	v7 =	vld [tilespmem:s11+$0x80]  }
0x14e: {  	v41 =	vld [tilespmem:s11+$0xFFFFFF00];
	[tilespmem:s16+$0xFFFFFF30] =	vst v1  }
0x14f: {  	v4 =	vadd.f32 v5, v4;
	v1 =	vld [tilespmem:s26+$0xFFFFFF40]  }
0x150: {  	s6 =	simm.s32 $0x7D00;
	v6 =	vld [tilespmem:s12+$0xFFFFFF40]  }
0x151: {  	v10 =	vld [tilespmem:s6+$0xFFFFFF80];
	v4 =	vmul.f32 $5.000000000e-01, v4;
	v0 =	vadd.f32 v3, v0  }
0x152: {  	v11 =	vld [tilespmem:s11+$0xFFFFFF80]  }
0x153: {  	v12 =	vld [tilespmem:s11+$0x0];
	[tilespmem:s16+$0x30] =	vst v4;
	v0 =	vmul.f32 $5.000000000e-01, v0  }
0x154: {  	v4 =	vld [tilespmem:s26+$0x40]  }
0x155: {  	v1 =	vadd.f32 v6, v1;
	v6 =	vld [tilespmem:s6+$0x80];
	[tilespmem:s16+$0xD0] =	vst v0  }
0x156: {  	v2 =	vmul.f32 $5.000000000e-01, v2;
	v0 =	vld [tilespmem:s26+$0xE0]  }
0x157: {  	v8 =	vld [tilespmem:s12+$0xE0]  }
0x158: {  	v5 =	vld [tilespmem:s12+$0x40];
	[tilespmem:s16+$0xFFFFFFC0] =	vst v2;
	v1 =	vmul.f32 $5.000000000e-01, v1  }
0x159: {  	v2 =	vld [tilespmem:s26+$0xFFFFFFD0]  }
0x15a: {  	v3 =	vld [tilespmem:s12+$0xFFFFFFD0];
	[tilespmem:s16+$0xFFFFFF40] =	vst v1;
	v6 =	vadd.f32 v7, v6  }
0x15b: {  	v1 =	vld [tilespmem:s26+$0xFFFFFF50]  }
0x15c: {  	v7 =	vld [tilespmem:s6+$0x0];
	v6 =	vmul.f32 $5.000000000e-01, v6;
	v0 =	vadd.f32 v8, v0  }
0x15d: {  	s17 =	simm.s32 $0x13D00;
	v8 =	vld [tilespmem:s6+$0xFFFFFF00]  }
0x15e: {  	v4 =	vadd.f32 v5, v4;
	v5 =	vld [tilespmem:s12+$0xFFFFFF50];
	[tilespmem:s17+$0x80] =	vst v6;
	v0 =	vmul.f32 $5.000000000e-01, v0  }
0x15f: {  	v6 =	vadd.f32 v11, v10;
	v42 =	vld [tilespmem:s6+$0x90]  }
0x160: {  	v4 =	vmul.f32 $5.000000000e-01, v4;
	v43 =	vld [tilespmem:s11+$0x90];
	[tilespmem:s16+$0xE0] =	vst v0  }
0x161: {  	v0 =	vmul.f32 $5.000000000e-01, v6;
	v6 =	vadd.f32 v12, v7;
	v7 =	vld [tilespmem:s26+$0xF0]  }
0x162: {  	[tilespmem:s16+$0x40] =	vst v4;
	v4 =	vadd.f32 v41, v8;
	v8 =	vld [tilespmem:s12+$0xF0]  }
0x163: {  	[tilespmem:s17+$0xFFFFFF80] =	vst v0;
	v0 =	vmul.f32 $5.000000000e-01, v6;
	v6 =	vld [tilespmem:s26+$0x50]  }
0x164: {  	v4 =	vmul.f32 $5.000000000e-01, v4;
	v44 =	vld [tilespmem:s6+$0xFFFFFF90]  }
0x165: {  	v45 =	vld [tilespmem:s11+$0xFFFFFF90];
	[tilespmem:s17+$0x0] =	vst v0;
	v0 =	vadd.f32 v43, v42  }
0x166: {  	[tilespmem:s17+$0xFFFFFF00] =	vst v4;
	v4 =	vld [tilespmem:s6+$0x10]  }
0x167: {  	v46 =	vld [tilespmem:s6+$0xFFFFFF10];
	v0 =	vmul.f32 $5.000000000e-01, v0  }
0x168: {  	v1 =	vadd.f32 v5, v1;
	v5 =	vld [tilespmem:s11+$0xFFFFFF10]  }
0x169: {  	v47 =	vld [tilespmem:s11+$0x10];
	[tilespmem:s17+$0x90] =	vst v0  }
0x16a: {  	v0 =	vmul.f32 $5.000000000e-01, v1;
	v1 =	vadd.f32 v45, v44;
	v48 =	vld [tilespmem:s6+$0xA0]  }
0x16b: {  	v49 =	vld [tilespmem:s11+$0xA0]  }
0x16c: {  	v2 =	vadd.f32 v3, v2;
	[tilespmem:s16+$0xFFFFFF50] =	vst v0;
	v0 =	vmul.f32 $5.000000000e-01, v1;
	v1 =	vld [tilespmem:s12+$0x50]  }
0x16d: {  	v3 =	vadd.f32 v5, v46;
	v5 =	vld [tilespmem:s26+$0xFFFFFF60]  }
0x16e: {  	v2 =	vmul.f32 $5.000000000e-01, v2;
	[tilespmem:s17+$0xFFFFFF90] =	vst v0;
	v0 =	vld [tilespmem:s12+$0xFFFFFF60]  }
0x16f: {  	v4 =	vadd.f32 v47, v4;
	v3 =	vmul.f32 $5.000000000e-01, v3;
	v50 =	vld [tilespmem:s6+$0xFFFFFFA0]  }
0x170: {  	[tilespmem:s16+$0xFFFFFFD0] =	vst v2;
	v2 =	vld [tilespmem:s11+$0xFFFFFFA0];
	v9 =	vadd.f32 v49, v48  }
0x171: {  	v4 =	vmul.f32 $5.000000000e-01, v4;
	[tilespmem:s17+$0xFFFFFF10] =	vst v3;
	v3 =	vld [tilespmem:s26+$0xFFFFFFE0]  }
0x172: {  	v51 =	vld [tilespmem:s6+$0xFFFFFF20];
	v9 =	vmul.f32 $5.000000000e-01, v9  }
0x173: {  	[tilespmem:s17+$0x10] =	vst v4;
	v4 =	vld [tilespmem:s11+$0xFFFFFF20]  }
0x174: {  	v1 =	vadd.f32 v1, v6;
	v6 =	vld [tilespmem:s6+$0x20];
	[tilespmem:s17+$0xA0] =	vst v9  }
0x175: {  	v2 =	vadd.f32 v2, v50;
	v9 =	vld [tilespmem:s6+$0xB0]  }
0x176: {  	v1 =	vmul.f32 $5.000000000e-01, v1;
	v52 =	vld [tilespmem:s11+$0xB0]  }
0x177: {  	v53 =	vld [tilespmem:s11+$0x20];
	v0 =	vadd.f32 v0, v5;
	v2 =	vmul.f32 $5.000000000e-01, v2  }
0x178: {  	[tilespmem:s16+$0x50] =	vst v1;
	v1 =	vadd.f32 v4, v51;
	v4 =	vld [tilespmem:s12+$0xFFFFFFE0]  }
0x179: {  	v0 =	vmul.f32 $5.000000000e-01, v0;
	[tilespmem:s17+$0xFFFFFFA0] =	vst v2;
	v2 =	vld [tilespmem:s26+$0x60]  }
0x17a: {  	v1 =	vmul.f32 $5.000000000e-01, v1;
	v5 =	vld [tilespmem:s6+$0xFFFFFFB0]  }
0x17b: {  	[tilespmem:s16+$0xFFFFFF60] =	vst v0;
	v54 =	vld [tilespmem:s11+$0xFFFFFFB0];
	v9 =	vadd.f32 v52, v9  }
0x17c: {  	v56 =	vld [tilespmem:s26+$0xFFFFFF70];
	[tilespmem:s17+$0xFFFFFF20] =	vst v1  }
0x17d: {  	v6 =	vadd.f32 v53, v6;
	v55 =	vld [tilespmem:s6+$0xFFFFFF30];
	v9 =	vmul.f32 $5.000000000e-01, v9  }
0x17e: {  	v0 =	vld [tilespmem:s11+$0xFFFFFF30]  }
0x17f: {  	v6 =	vmul.f32 $5.000000000e-01, v6;
	v1 =	vld [tilespmem:s12+$0x60];
	[tilespmem:s17+$0xB0] =	vst v9  }
0x180: {  	v5 =	vadd.f32 v54, v5;
	v57 =	vld [tilespmem:s6+$0xC0]  }
0x181: {  	[tilespmem:s17+$0x20] =	vst v6;
	v6 =	vld [tilespmem:s11+$0xC0]  }
0x182: {  	v58 =	vld [tilespmem:s11+$0x30];
	v3 =	vadd.f32 v4, v3;
	v4 =	vmul.f32 $5.000000000e-01, v5  }
0x183: {  	v5 =	vld [tilespmem:s6+$0x30];
	v0 =	vadd.f32 v0, v55  }
0x184: {  	v3 =	vmul.f32 $5.000000000e-01, v3;
	[tilespmem:s17+$0xFFFFFFB0] =	vst v4;
	v4 =	vld [tilespmem:s12+$0xFFFFFF70]  }
0x185: {  	v0 =	vmul.f32 $5.000000000e-01, v0;
	v59 =	vld [tilespmem:s6+$0xFFFFFFC0]  }
0x186: {  	[tilespmem:s16+$0xFFFFFFE0] =	vst v3;
	v3 =	vld [tilespmem:s11+$0xFFFFFFC0];
	v6 =	vadd.f32 v6, v57  }
0x187: {  	[tilespmem:s17+$0xFFFFFF30] =	vst v0;
	v0 =	vld [tilespmem:s26+$0xFFFFFFF0]  }
0x188: {  	v5 =	vadd.f32 v58, v5;
	v60 =	vld [tilespmem:s6+$0xFFFFFF40];
	v6 =	vmul.f32 $5.000000000e-01, v6  }
0x189: {  	v61 =	vld [tilespmem:s11+$0xFFFFFF40]  }
0x18a: {  	v1 =	vadd.f32 v1, v2;
	v2 =	vmul.f32 $5.000000000e-01, v5;
	v5 =	vld [tilespmem:s12+$0xFFFFFFF0];
	[tilespmem:s17+$0xC0] =	vst v6  }
0x18b: {  	v3 =	vadd.f32 v3, v59;
	v6 =	vld [tilespmem:s6+$0xD0]  }
0x18c: {  	v7 =	vadd.f32 v8, v7;
	v1 =	vmul.f32 $5.000000000e-01, v1;
	[tilespmem:s17+$0x30] =	vst v2;
	v2 =	vld [tilespmem:s11+$0xD0]  }
0x18d: {  	v4 =	vadd.f32 v4, v56;
	v3 =	vmul.f32 $5.000000000e-01, v3;
	v8 =	vld [tilespmem:s6+$0x40]  }
0x18e: {  	[tilespmem:s16+$0x60] =	vst v1;
	v1 =	vmul.f32 $5.000000000e-01, v7;
	v62 =	vld [tilespmem:s11+$0x40];
	v7 =	vadd.f32 v61, v60  }
0x18f: {  	v4 =	vmul.f32 $5.000000000e-01, v4;
	[tilespmem:s17+$0xFFFFFFC0] =	vst v3;
	v5 =	vadd.f32 v5, v0;
	v0 =	vld [tilespmem:s26+$0x70]  }
0x190: {  	[tilespmem:s16+$0xF0] =	vst v1;
	v1 =	vmul.f32 $5.000000000e-01, v7;
	v3 =	vld [tilespmem:s6+$0xFFFFFFD0]  }
0x191: {  	[tilespmem:s16+$0xFFFFFF70] =	vst v4;
	v4 =	vld [tilespmem:s11+$0xFFFFFFD0];
	v7 =	vadd.f32 v2, v6;
	v63 =	vmul.f32 $5.000000000e-01, v5  }
0x192: {  	v2 =	vld [tilespmem:s12+$0x70];
	[tilespmem:s17+$0xFFFFFF40] =	vst v1  }
0x193: {  	s0 =	simm.s32 $0x4;
	s26 =	simm.s32 $0x7F00;
	s12 =	simm.s32 $0xDD00;
	v6 =	vadd.f32 v62, v8;
	v1 =	vld [tilespmem:s6+$0xFFFFFF50];
	v5 =	vmul.f32 $5.000000000e-01, v7;
	[tilespmem:s16+$0xFFFFFFF0] =	vst v63  }
.LBB2_5:
0x194: {  	v7 =	vld [tilespmem:s26+$0x80];
	s11 =	sadd.s32 $0x200, s11  }
0x195: {  	v8 =	vld [tilespmem:s11+$0x80];
	v6 =	vmul.f32 $5.000000000e-01, v6;
	[tilespmem:s17+$0xD0] =	vst v5  }
0x196: {  	v3 =	vadd.f32 v4, v3;
	v4 =	vld [tilespmem:s6+$0xE0]  }
0x197: {  	[tilespmem:s17+$0x40] =	vst v6;
	v5 =	vld [tilespmem:s12+$0xE0];
	v0 =	vadd.f32 v2, v0  }
0x198: {  	v2 =	vld [tilespmem:s11+$0xFFFFFF00];
	v3 =	vmul.f32 $5.000000000e-01, v3  }
0x199: {  	v6 =	vld [tilespmem:s26+$0xFFFFFF80];
	v0 =	vmul.f32 $5.000000000e-01, v0  }
0x19a: {  	v9 =	vld [tilespmem:s11+$0xFFFFFF80];
	v7 =	vadd.f32 v8, v7;
	[tilespmem:s17+$0xFFFFFFD0] =	vst v3  }
0x19b: {  	v3 =	vld [tilespmem:s26+$0x0];
	[tilespmem:s16+$0x70] =	vst v0;
	s16 =	smov.u32 s17  }
0x19c: {  	s0 =	sadd.s32 $0x4, s0;
	v0 =	vld [tilespmem:s11+$0x0];
	v7 =	vmul.f32 $5.000000000e-01, v7;
	v4 =	vadd.f32 v5, v4  }
0x19d: {  	p0 =	slt.u32 s0, $0x5C;
	s17 =	sadd.s32 $0x200, s17;
	v5 =	vld [tilespmem:s26+$0xFFFFFF00]  }
0x19e: {  	[tilespmem:s17+$0x80] =	vst v7;
	v7 =	vld [tilespmem:s12+$0xFFFFFF50];
	v4 =	vmul.f32 $5.000000000e-01, v4  }
0x19f: {  	v6 =	vadd.f32 v9, v6;
	v8 =	vld [tilespmem:s26+$0x90]  }
0x1a0: {  	v9 =	vld [tilespmem:s11+$0x90];
	[tilespmem:s16+$0xE0] =	vst v4  }
0x1a1: {  	v4 =	vmul.f32 $5.000000000e-01, v6;
	v0 =	vadd.f32 v0, v3;
	v3 =	vld [tilespmem:s6+$0xF0]  }
0x1a2: {  	v2 =	vadd.f32 v2, v5;
	v5 =	vld [tilespmem:s12+$0xF0]  }
0x1a3: {  	[tilespmem:s17+$0xFFFFFF80] =	vst v4;
	v0 =	vmul.f32 $5.000000000e-01, v0;
	v1 =	vadd.f32 v7, v1;
	v4 =	vld [tilespmem:s6+$0x50]  }
0x1a4: {  	v2 =	vmul.f32 $5.000000000e-01, v2;
	v6 =	vld [tilespmem:s26+$0xFFFFFF90]  }
0x1a5: {  	v7 =	vld [tilespmem:s11+$0xFFFFFF90];
	[tilespmem:s17+$0x0] =	vst v0;
	v0 =	vadd.f32 v9, v8;
	v1 =	vmul.f32 $5.000000000e-01, v1  }
0x1a6: {  	[tilespmem:s17+$0xFFFFFF00] =	vst v2;
	v2 =	vld [tilespmem:s26+$0x10]  }
0x1a7: {  	v8 =	vld [tilespmem:s26+$0xFFFFFF10];
	v0 =	vmul.f32 $5.000000000e-01, v0;
	[tilespmem:s16+$0xFFFFFF50] =	vst v1;
	v1 =	vadd.f32 v5, v3  }
0x1a8: {  	v3 =	vld [tilespmem:s11+$0xFFFFFF10]  }
0x1a9: {  	v5 =	vld [tilespmem:s11+$0x10];
	[tilespmem:s17+$0x90] =	vst v0;
	v0 =	vmul.f32 $5.000000000e-01, v1  }
0x1aa: {  	v1 =	vadd.f32 v7, v6;
	v6 =	vld [tilespmem:s26+$0xA0]  }
0x1ab: {  	v7 =	vld [tilespmem:s11+$0xA0];
	[tilespmem:s16+$0xF0] =	vst v0  }
0x1ac: {  	v0 =	vmul.f32 $5.000000000e-01, v1;
	v1 =	vld [tilespmem:s12+$0x50]  }
0x1ad: {  	v3 =	vadd.f32 v3, v8;
	v8 =	vld [tilespmem:s6+$0xFFFFFF60]  }
0x1ae: {  	[tilespmem:s17+$0xFFFFFF90] =	vst v0;
	v0 =	vadd.f32 v5, v2;
	v2 =	vld [tilespmem:s12+$0xFFFFFF60]  }
0x1af: {  	v3 =	vmul.f32 $5.000000000e-01, v3;
	v5 =	vld [tilespmem:s26+$0xFFFFFFA0]  }
0x1b0: {  	v9 =	vld [tilespmem:s11+$0xFFFFFFA0];
	v0 =	vmul.f32 $5.000000000e-01, v0;
	v6 =	vadd.f32 v7, v6  }
0x1b1: {  	[tilespmem:s17+$0xFFFFFF10] =	vst v3;
	v3 =	vld [tilespmem:s6+$0xFFFFFFE0];
	v1 =	vadd.f32 v1, v4  }
0x1b2: {  	v4 =	vld [tilespmem:s26+$0xFFFFFF20];
	[tilespmem:s17+$0x10] =	vst v0;
	v0 =	vmul.f32 $5.000000000e-01, v6  }
0x1b3: {  	v6 =	vld [tilespmem:s11+$0xFFFFFF20];
	v2 =	vadd.f32 v2, v8;
	v1 =	vmul.f32 $5.000000000e-01, v1  }
0x1b4: {  	v7 =	vld [tilespmem:s26+$0x20];
	[tilespmem:s17+$0xA0] =	vst v0  }
0x1b5: {  	v0 =	vadd.f32 v9, v5;
	v5 =	vld [tilespmem:s26+$0xB0];
	v2 =	vmul.f32 $5.000000000e-01, v2;
	[tilespmem:s16+$0x50] =	vst v1  }
0x1b6: {  	v1 =	vld [tilespmem:s11+$0xB0]  }
0x1b7: {  	v0 =	vmul.f32 $5.000000000e-01, v0;
	v8 =	vld [tilespmem:s11+$0x20];
	[tilespmem:s16+$0xFFFFFF60] =	vst v2  }
0x1b8: {  	v2 =	vadd.f32 v6, v4;
	v4 =	vld [tilespmem:s12+$0xFFFFFFE0]  }
0x1b9: {  	[tilespmem:s17+$0xFFFFFFA0] =	vst v0;
	v0 =	vld [tilespmem:s6+$0x60]  }
0x1ba: {  	v2 =	vmul.f32 $5.000000000e-01, v2;
	v6 =	vld [tilespmem:s26+$0xFFFFFFB0]  }
0x1bb: {  	v9 =	vld [tilespmem:s11+$0xFFFFFFB0];
	v1 =	vadd.f32 v1, v5  }
0x1bc: {  	[tilespmem:s17+$0xFFFFFF20] =	vst v2;
	v2 =	vadd.f32 v8, v7;
	v5 =	vld [tilespmem:s12+$0x60]  }
0x1bd: {  	v7 =	vld [tilespmem:s26+$0xFFFFFF30];
	v1 =	vmul.f32 $5.000000000e-01, v1;
	v3 =	vadd.f32 v4, v3  }
0x1be: {  	v4 =	vld [tilespmem:s11+$0xFFFFFF30];
	v2 =	vmul.f32 $5.000000000e-01, v2  }
0x1bf: {  	[tilespmem:s17+$0xB0] =	vst v1;
	v1 =	vld [tilespmem:s6+$0xFFFFFF70];
	v3 =	vmul.f32 $5.000000000e-01, v3  }
0x1c0: {  	v6 =	vadd.f32 v9, v6;
	[tilespmem:s17+$0x20] =	vst v2;
	v2 =	vld [tilespmem:s26+$0xC0]  }
0x1c1: {  	v8 =	vld [tilespmem:s11+$0xC0];
	[tilespmem:s16+$0xFFFFFFE0] =	vst v3;
	v0 =	vadd.f32 v5, v0  }
0x1c2: {  	v3 =	vmul.f32 $5.000000000e-01, v6;
	v5 =	vld [tilespmem:s26+$0x30]  }
0x1c3: {  	v4 =	vadd.f32 v4, v7;
	v6 =	vld [tilespmem:s11+$0x30];
	v0 =	vmul.f32 $5.000000000e-01, v0  }
0x1c4: {  	[tilespmem:s17+$0xFFFFFFB0] =	vst v3;
	v3 =	vld [tilespmem:s12+$0xFFFFFF70]  }
0x1c5: {  	v4 =	vmul.f32 $5.000000000e-01, v4;
	v7 =	vld [tilespmem:s26+$0xFFFFFFC0];
	[tilespmem:s16+$0x60] =	vst v0  }
0x1c6: {  	v0 =	vld [tilespmem:s11+$0xFFFFFFC0];
	v2 =	vadd.f32 v8, v2  }
0x1c7: {  	[tilespmem:s17+$0xFFFFFF30] =	vst v4;
	v4 =	vld [tilespmem:s6+$0xFFFFFFF0]  }
0x1c8: {  	v8 =	vld [tilespmem:s26+$0xFFFFFF40];
	v5 =	vadd.f32 v6, v5;
	v2 =	vmul.f32 $5.000000000e-01, v2  }
0x1c9: {  	v6 =	vld [tilespmem:s11+$0xFFFFFF40];
	v1 =	vadd.f32 v3, v1  }
0x1ca: {  	v3 =	vmul.f32 $5.000000000e-01, v5;
	[tilespmem:s17+$0xC0] =	vst v2;
	v2 =	vld [tilespmem:s12+$0xFFFFFFF0]  }
0x1cb: {  	v0 =	vadd.f32 v0, v7;
	v5 =	vld [tilespmem:s26+$0xD0];
	v1 =	vmul.f32 $5.000000000e-01, v1  }
0x1cc: {  	[tilespmem:s17+$0x30] =	vst v3;
	v7 =	vld [tilespmem:s11+$0xD0]  }
0x1cd: {  	v0 =	vmul.f32 $5.000000000e-01, v0;
	v9 =	vld [tilespmem:s26+$0x40];
	[tilespmem:s16+$0xFFFFFF70] =	vst v1  }
0x1ce: {  	v1 =	vadd.f32 v6, v8;
	v6 =	vld [tilespmem:s11+$0x40]  }
.Ltmp1:
0x1cf: {  	[tilespmem:s17+$0xFFFFFFC0] =	vst v0;
	v2 =	vadd.f32 v2, v4;
	v0 =	vld [tilespmem:s6+$0x70];
	s6 =	smov.u32 s26;
	(pc) =	sbr.rel @p0 .LBB2_5-.Ltmp1, $4  }
0x1d0: {  	v1 =	vmul.f32 $5.000000000e-01, v1;
	v3 =	vld [tilespmem:s26+$0xFFFFFFD0]  }
0x1d1: {  	v4 =	vld [tilespmem:s11+$0xFFFFFFD0];
	v5 =	vadd.f32 v7, v5;
	v7 =	vmul.f32 $5.000000000e-01, v2  }
0x1d2: {  	[tilespmem:s17+$0xFFFFFF40] =	vst v1;
	v2 =	vld [tilespmem:s12+$0x70];
	s12 =	smov.u32 s11  }
0x1d3: {  	s26 =	sadd.s32 $0x200, s26;
	v1 =	vld [tilespmem:s6+$0xFFFFFF50];
	v6 =	vadd.f32 v6, v9;
	v5 =	vmul.f32 $5.000000000e-01, v5;
	[tilespmem:s16+$0xFFFFFFF0] =	vst v7  }
0x1d4: {  	_ = 	snop  }
0x1d5: {  	v6 =	vmul.f32 $5.000000000e-01, v6;
	_ =	sdelay $0x1  }
0x1d6: {  	v7 =	vld [tilespmem:s12+$0xFFFFFF50];
	[tilespmem:s17+$0x40] =	vst v6  }
0x1d7: {  	v6 =	vld [tilespmem:s6+$0x50]  }
0x1d8: {  	v8 =	vld [tilespmem:s12+$0x50]  }
0x1d9: {  	v3 =	vadd.f32 v4, v3;
	_ =	sdelay $0x1  }
0x1da: {  	[tilespmem:s17+$0xD0] =	vst v5;
	v3 =	vmul.f32 $5.000000000e-01, v3;
	v1 =	vadd.f32 v7, v1  }
0x1db: {  	v44 =	vld [tilespmem:s6+$0xE0]  }
0x1dc: {  	v5 =	vld [tilespmem:s12+$0xE0];
	[tilespmem:s17+$0xFFFFFFD0] =	vst v3;
	v1 =	vmul.f32 $5.000000000e-01, v1;
	v45 =	vadd.f32 v8, v6  }
0x1dd: {  	v48 =	vld [tilespmem:s6+$0xFFFFFFE0]  }
0x1de: {  	v49 =	vld [tilespmem:s12+$0xFFFFFFE0];
	[tilespmem:s17+$0xFFFFFF50] =	vst v1;
	v1 =	vmul.f32 $5.000000000e-01, v45  }
0x1df: {  	v46 =	vld [tilespmem:s6+$0xFFFFFF60]  }
0x1e0: {  	v47 =	vld [tilespmem:s12+$0xFFFFFF60];
	[tilespmem:s17+$0x50] =	vst v1  }
0x1e1: {  	v4 =	vadd.f32 v5, v44;
	v50 =	vld [tilespmem:s6+$0x60]  }
0x1e2: {  	v51 =	vld [tilespmem:s12+$0x60]  }
0x1e3: {  	v4 =	vmul.f32 $5.000000000e-01, v4;
	v1 =	vadd.f32 v49, v48;
	_ =	sdelay $0x1  }
0x1e4: {  	[tilespmem:s17+$0xE0] =	vst v4;
	v3 =	vadd.f32 v47, v46;
	v1 =	vmul.f32 $5.000000000e-01, v1  }
0x1e5: {  	v4 =	vld [tilespmem:s6+$0xF0]  }
0x1e6: {  	v52 =	vld [tilespmem:s12+$0xF0];
	v3 =	vmul.f32 $5.000000000e-01, v3;
	[tilespmem:s17+$0xFFFFFFE0] =	vst v1;
	v53 =	vadd.f32 v51, v50  }
0x1e7: {  	v57 =	vld [tilespmem:s6+$0xFFFFFFF0]  }
0x1e8: {  	v58 =	vld [tilespmem:s12+$0xFFFFFFF0];
	[tilespmem:s17+$0xFFFFFF60] =	vst v3;
	v55 =	vmul.f32 $5.000000000e-01, v53  }
0x1e9: {  	v54 =	vld [tilespmem:s6+$0xFFFFFF70]  }
0x1ea: {  	v56 =	vld [tilespmem:s12+$0xFFFFFF70];
	[tilespmem:s17+$0x60] =	vst v55  }
0x1eb: {  	v59 =	vld [tilespmem:s6+$0x70]  }
0x1ec: {  	v9 =	vld [tilespmem:s12+$0x70]  }
0x1ed: {  	v0 =	vadd.f32 v2, v0  }
0x1ee: {  	v60 =	vadd.f32 v52, v4  }
0x1ef: {  	v0 =	vmul.f32 $5.000000000e-01, v0;
	v1 =	vadd.f32 v58, v57  }
0x1f0: {  	v2 =	vmul.f32 $5.000000000e-01, v60;
	v3 =	vadd.f32 v56, v54  }
0x1f1: {  	[tilespmem:s16+$0x70] =	vst v0;
	v1 =	vmul.f32 $5.000000000e-01, v1;
	v62 =	vadd.f32 v9, v59  }
0x1f2: {  	[tilespmem:s17+$0xF0] =	vst v2;
	v61 =	vmul.f32 $5.000000000e-01, v3  }
0x1f3: {  	[tilespmem:s17+$0xFFFFFFF0] =	vst v1;
	v63 =	vmul.f32 $5.000000000e-01, v62  }
0x1f4: {  	s14 =	sadd.s32 $0x1, s14;
	[tilespmem:s17+$0xFFFFFF70] =	vst v61  }
0x1f5: {  	s0 =	sadd.s32 $0x120, s15;
	p0 =	sne.s32 s14, $0x30;
	[tilespmem:s17+$0x70] =	vst v63  }
0x1f6: {  	[tilespmem:s25], [sflag:$0x2] =	stream.indirect.gather [hbm4b:s2+s22], $0x80, s0, s22, $0xb8;
	[tilespmem:$0x16A00] =	vst v63  }
.Ltmp2:
0x1f7: {  	s26 =	sadd.s32 s15, s8;
	(pc) =	sbr.rel @p0 .LBB2_2-.Ltmp2, $4  }
0x1f8: {  	s17 =	sadd.s32 $0x2620, s15;
	s0 =	sshll.u32 s26, $0x4  }
0x1f9: {  	[tilespmem:s28], [sflag:$0x2] =	stream.indirect.gather [hbm4b:s2+s22], $0x80, s17, s22, $0xb8;
	[tilespmem:$0x16A00] =	vst v63  }
0x1fa: {  	s0 =	sadd.s32 s3, s0  }
0x1fb: {  	[hbm4b:s0+s4] =	stream.linear.scatter [tilespmem:s1], [sflag:$0x4], $0x3000, $0x38;
	[tilespmem:$0x16A00] =	vst v63  }
0x1fc: {  	_ =	swait.ge [sflag:s29], $0x3000  }
0x1fd: {  	[sflag:s29] =	ssyncset.done $0x0  }
0x1fe: {  	[sflag:s29] =	ssyncadd.s32 $0xFFFFD000  }
0x1ff: {  	_ =	swait.ge [sflag:s29], $0x3000  }
0x200: {  	[sflag:s29] =	ssyncset.done $0x0  }
0x201: {  	s17 =	simm.s32 $0x3;
	[sflag:s29] =	ssyncadd.s32 $0xFFFFD000  }
0x202: {  	_ =	swait.ge [sflag:s17], $0x3000  }
0x203: {  	[sflag:s17] =	ssyncset.done $0x0  }
0x204: {  	s0 =	simm.s32 $0x4B00;
	[sflag:s17] =	ssyncadd.s32 $0xFFFFD000  }
0x205: {  	s12 =	simm.s32 $0xAB00;
	v0 =	vld [tilespmem:s0+$0x80]  }
0x206: {  	v1 =	vld [tilespmem:s12+$0x80];
	_ =	sdelay $0x4  }
0x207: {  	v2 =	vld [tilespmem:s0+$0xFFFFFF80];
	v0 =	vadd.f32 v1, v0  }
0x208: {  	v1 =	vld [tilespmem:s12+$0xFFFFFF80]  }
0x209: {  	v0 =	vmul.f32 $5.000000000e-01, v0  }
0x20a: {  	s14 =	simm.s32 $0x10B00;
	v3 =	vld [tilespmem:s12+$0xFFFFFF00]  }
0x20b: {  	v4 =	vld [tilespmem:s0+$0xFFFFFF00];
	[tilespmem:s14+$0x80] =	vst v0  }
0x20c: {  	v0 =	vld [tilespmem:s0+$0x90]  }
0x20d: {  	v1 =	vadd.f32 v1, v2;
	v2 =	vld [tilespmem:s12+$0x90];
	_ =	sdelay $0x1  }
0x20e: {  	v1 =	vmul.f32 $5.000000000e-01, v1  }
0x20f: {  	v3 =	vadd.f32 v3, v4  }
0x210: {  	[tilespmem:s14+$0xFFFFFF80] =	vst v1  }
0x211: {  	v1 =	vmul.f32 $5.000000000e-01, v3;
	v3 =	vld [tilespmem:s0+$0xFFFFFF90];
	v0 =	vadd.f32 v2, v0  }
0x212: {  	v2 =	vld [tilespmem:s12+$0xFFFFFF90]  }
0x213: {  	v0 =	vmul.f32 $5.000000000e-01, v0  }
0x214: {  	v5 =	vld [tilespmem:s12+$0x0]  }
0x215: {  	v4 =	vld [tilespmem:s0+$0x0];
	[tilespmem:s14+$0x90] =	vst v0  }
0x216: {  	v0 =	vld [tilespmem:s0+$0xA0]  }
0x217: {  	v2 =	vadd.f32 v2, v3;
	v3 =	vld [tilespmem:s12+$0xA0];
	_ =	sdelay $0x1  }
0x218: {  	[tilespmem:s14+$0xFFFFFF00] =	vst v1;
	v2 =	vmul.f32 $5.000000000e-01, v2  }
0x219: {  	v4 =	vadd.f32 v5, v4;
	v1 =	vld [tilespmem:s0+$0xFFFFFF10]  }
0x21a: {  	v6 =	vld [tilespmem:s12+$0xFFFFFF10];
	[tilespmem:s14+$0xFFFFFF90] =	vst v2  }
0x21b: {  	v4 =	vmul.f32 $5.000000000e-01, v4;
	v2 =	vld [tilespmem:s0+$0xFFFFFFA0];
	v0 =	vadd.f32 v3, v0  }
0x21c: {  	v3 =	vld [tilespmem:s12+$0xFFFFFFA0]  }
0x21d: {  	[tilespmem:s14+$0x0] =	vst v4;
	v0 =	vmul.f32 $5.000000000e-01, v0  }
0x21e: {  	v4 =	vld [tilespmem:s0+$0x10]  }
0x21f: {  	v5 =	vld [tilespmem:s12+$0x10];
	v1 =	vadd.f32 v6, v1;
	[tilespmem:s14+$0xA0] =	vst v0  }
0x220: {  	v0 =	vld [tilespmem:s0+$0xB0]  }
0x221: {  	v1 =	vmul.f32 $5.000000000e-01, v1;
	v2 =	vadd.f32 v3, v2;
	v3 =	vld [tilespmem:s12+$0xB0];
	_ =	sdelay $0x1  }
0x222: {  	[tilespmem:s14+$0xFFFFFF10] =	vst v1;
	v2 =	vmul.f32 $5.000000000e-01, v2  }
0x223: {  	v4 =	vadd.f32 v5, v4;
	v1 =	vld [tilespmem:s0+$0xFFFFFF20]  }
0x224: {  	v6 =	vld [tilespmem:s12+$0xFFFFFF20];
	[tilespmem:s14+$0xFFFFFFA0] =	vst v2  }
0x225: {  	v4 =	vmul.f32 $5.000000000e-01, v4;
	v2 =	vld [tilespmem:s0+$0xFFFFFFB0];
	v0 =	vadd.f32 v3, v0  }
0x226: {  	v3 =	vld [tilespmem:s12+$0xFFFFFFB0]  }
0x227: {  	[tilespmem:s14+$0x10] =	vst v4;
	v0 =	vmul.f32 $5.000000000e-01, v0  }
0x228: {  	v4 =	vld [tilespmem:s0+$0x20]  }
0x229: {  	v5 =	vld [tilespmem:s12+$0x20];
	v1 =	vadd.f32 v6, v1;
	[tilespmem:s14+$0xB0] =	vst v0  }
0x22a: {  	v0 =	vld [tilespmem:s0+$0xC0]  }
0x22b: {  	v1 =	vmul.f32 $5.000000000e-01, v1;
	v2 =	vadd.f32 v3, v2;
	v3 =	vld [tilespmem:s12+$0xC0];
	_ =	sdelay $0x1  }
0x22c: {  	[tilespmem:s14+$0xFFFFFF20] =	vst v1;
	v2 =	vmul.f32 $5.000000000e-01, v2  }
0x22d: {  	v4 =	vadd.f32 v5, v4;
	v1 =	vld [tilespmem:s0+$0xFFFFFF30]  }
0x22e: {  	v6 =	vld [tilespmem:s12+$0xFFFFFF30];
	[tilespmem:s14+$0xFFFFFFB0] =	vst v2  }
0x22f: {  	v4 =	vmul.f32 $5.000000000e-01, v4;
	v2 =	vld [tilespmem:s0+$0xFFFFFFC0];
	v0 =	vadd.f32 v3, v0  }
0x230: {  	v3 =	vld [tilespmem:s12+$0xFFFFFFC0]  }
0x231: {  	[tilespmem:s14+$0x20] =	vst v4;
	v0 =	vmul.f32 $5.000000000e-01, v0  }
0x232: {  	v4 =	vld [tilespmem:s0+$0x30]  }
0x233: {  	v5 =	vld [tilespmem:s12+$0x30];
	v1 =	vadd.f32 v6, v1;
	[tilespmem:s14+$0xC0] =	vst v0  }
0x234: {  	v0 =	vld [tilespmem:s0+$0xD0]  }
0x235: {  	s11 =	simm.s32 $0xAD00;
	v1 =	vmul.f32 $5.000000000e-01, v1;
	v2 =	vadd.f32 v3, v2;
	v3 =	vld [tilespmem:s12+$0xD0]  }
0x236: {  	v7 =	vld [tilespmem:s11+$0x80]  }
0x237: {  	v9 =	vld [tilespmem:s11+$0xFFFFFF00];
	[tilespmem:s14+$0xFFFFFF30] =	vst v1  }
0x238: {  	v4 =	vadd.f32 v5, v4;
	v1 =	vld [tilespmem:s0+$0xFFFFFF40]  }
0x239: {  	s6 =	simm.s32 $0x4D00;
	v6 =	vld [tilespmem:s12+$0xFFFFFF40]  }
0x23a: {  	v10 =	vld [tilespmem:s6+$0xFFFFFF80];
	v4 =	vmul.f32 $5.000000000e-01, v4;
	v0 =	vadd.f32 v3, v0  }
0x23b: {  	v11 =	vld [tilespmem:s11+$0xFFFFFF80]  }
0x23c: {  	v12 =	vld [tilespmem:s11+$0x0];
	[tilespmem:s14+$0x30] =	vst v4;
	v0 =	vmul.f32 $5.000000000e-01, v0  }
0x23d: {  	v4 =	vld [tilespmem:s0+$0x40]  }
0x23e: {  	v1 =	vadd.f32 v6, v1;
	v6 =	vld [tilespmem:s6+$0x80];
	[tilespmem:s14+$0xD0] =	vst v0  }
0x23f: {  	v2 =	vmul.f32 $5.000000000e-01, v2;
	v0 =	vld [tilespmem:s0+$0xE0]  }
0x240: {  	v8 =	vld [tilespmem:s12+$0xE0]  }
0x241: {  	v5 =	vld [tilespmem:s12+$0x40];
	[tilespmem:s14+$0xFFFFFFC0] =	vst v2;
	v1 =	vmul.f32 $5.000000000e-01, v1  }
0x242: {  	v2 =	vld [tilespmem:s0+$0xFFFFFFD0]  }
0x243: {  	v3 =	vld [tilespmem:s12+$0xFFFFFFD0];
	[tilespmem:s14+$0xFFFFFF40] =	vst v1;
	v6 =	vadd.f32 v7, v6  }
0x244: {  	v1 =	vld [tilespmem:s0+$0xFFFFFF50]  }
0x245: {  	v7 =	vld [tilespmem:s6+$0x0];
	v6 =	vmul.f32 $5.000000000e-01, v6;
	v0 =	vadd.f32 v8, v0  }
0x246: {  	s15 =	simm.s32 $0x10D00;
	v8 =	vld [tilespmem:s6+$0xFFFFFF00]  }
0x247: {  	v4 =	vadd.f32 v5, v4;
	v5 =	vld [tilespmem:s12+$0xFFFFFF50];
	[tilespmem:s15+$0x80] =	vst v6;
	v0 =	vmul.f32 $5.000000000e-01, v0  }
0x248: {  	v6 =	vadd.f32 v11, v10;
	v42 =	vld [tilespmem:s6+$0x90]  }
0x249: {  	v4 =	vmul.f32 $5.000000000e-01, v4;
	v43 =	vld [tilespmem:s11+$0x90];
	[tilespmem:s14+$0xE0] =	vst v0  }
0x24a: {  	v0 =	vmul.f32 $5.000000000e-01, v6;
	v6 =	vadd.f32 v12, v7;
	v7 =	vld [tilespmem:s0+$0xF0]  }
0x24b: {  	[tilespmem:s14+$0x40] =	vst v4;
	v4 =	vadd.f32 v9, v8;
	v8 =	vld [tilespmem:s12+$0xF0]  }
0x24c: {  	[tilespmem:s15+$0xFFFFFF80] =	vst v0;
	v0 =	vmul.f32 $5.000000000e-01, v6;
	v6 =	vld [tilespmem:s0+$0x50]  }
0x24d: {  	v4 =	vmul.f32 $5.000000000e-01, v4;
	v44 =	vld [tilespmem:s6+$0xFFFFFF90]  }
0x24e: {  	v45 =	vld [tilespmem:s11+$0xFFFFFF90];
	[tilespmem:s15+$0x0] =	vst v0;
	v0 =	vadd.f32 v43, v42  }
0x24f: {  	[tilespmem:s15+$0xFFFFFF00] =	vst v4;
	v4 =	vld [tilespmem:s6+$0x10]  }
0x250: {  	v46 =	vld [tilespmem:s6+$0xFFFFFF10];
	v0 =	vmul.f32 $5.000000000e-01, v0  }
0x251: {  	v1 =	vadd.f32 v5, v1;
	v5 =	vld [tilespmem:s11+$0xFFFFFF10]  }
0x252: {  	v47 =	vld [tilespmem:s11+$0x10];
	[tilespmem:s15+$0x90] =	vst v0  }
0x253: {  	v0 =	vmul.f32 $5.000000000e-01, v1;
	v1 =	vadd.f32 v45, v44;
	v48 =	vld [tilespmem:s6+$0xA0]  }
0x254: {  	v49 =	vld [tilespmem:s11+$0xA0]  }
0x255: {  	v2 =	vadd.f32 v3, v2;
	[tilespmem:s14+$0xFFFFFF50] =	vst v0;
	v0 =	vmul.f32 $5.000000000e-01, v1;
	v1 =	vld [tilespmem:s12+$0x50]  }
0x256: {  	v3 =	vadd.f32 v5, v46;
	v5 =	vld [tilespmem:s0+$0xFFFFFF60]  }
0x257: {  	v2 =	vmul.f32 $5.000000000e-01, v2;
	[tilespmem:s15+$0xFFFFFF90] =	vst v0;
	v0 =	vld [tilespmem:s12+$0xFFFFFF60]  }
0x258: {  	v4 =	vadd.f32 v47, v4;
	v3 =	vmul.f32 $5.000000000e-01, v3;
	v50 =	vld [tilespmem:s6+$0xFFFFFFA0]  }
0x259: {  	[tilespmem:s14+$0xFFFFFFD0] =	vst v2;
	v2 =	vld [tilespmem:s11+$0xFFFFFFA0];
	v9 =	vadd.f32 v49, v48  }
0x25a: {  	v4 =	vmul.f32 $5.000000000e-01, v4;
	[tilespmem:s15+$0xFFFFFF10] =	vst v3;
	v3 =	vld [tilespmem:s0+$0xFFFFFFE0]  }
0x25b: {  	v51 =	vld [tilespmem:s6+$0xFFFFFF20];
	v9 =	vmul.f32 $5.000000000e-01, v9  }
0x25c: {  	[tilespmem:s15+$0x10] =	vst v4;
	v4 =	vld [tilespmem:s11+$0xFFFFFF20]  }
0x25d: {  	v1 =	vadd.f32 v1, v6;
	v6 =	vld [tilespmem:s6+$0x20];
	[tilespmem:s15+$0xA0] =	vst v9  }
0x25e: {  	v2 =	vadd.f32 v2, v50;
	v9 =	vld [tilespmem:s6+$0xB0]  }
0x25f: {  	v1 =	vmul.f32 $5.000000000e-01, v1;
	v52 =	vld [tilespmem:s11+$0xB0]  }
0x260: {  	v53 =	vld [tilespmem:s11+$0x20];
	v0 =	vadd.f32 v0, v5;
	v2 =	vmul.f32 $5.000000000e-01, v2  }
0x261: {  	[tilespmem:s14+$0x50] =	vst v1;
	v1 =	vadd.f32 v4, v51;
	v4 =	vld [tilespmem:s12+$0xFFFFFFE0]  }
0x262: {  	v0 =	vmul.f32 $5.000000000e-01, v0;
	[tilespmem:s15+$0xFFFFFFA0] =	vst v2;
	v2 =	vld [tilespmem:s0+$0x60]  }
0x263: {  	v1 =	vmul.f32 $5.000000000e-01, v1;
	v5 =	vld [tilespmem:s6+$0xFFFFFFB0]  }
0x264: {  	[tilespmem:s14+$0xFFFFFF60] =	vst v0;
	v54 =	vld [tilespmem:s11+$0xFFFFFFB0];
	v9 =	vadd.f32 v52, v9  }
0x265: {  	v56 =	vld [tilespmem:s0+$0xFFFFFF70];
	[tilespmem:s15+$0xFFFFFF20] =	vst v1  }
0x266: {  	v6 =	vadd.f32 v53, v6;
	v55 =	vld [tilespmem:s6+$0xFFFFFF30];
	v9 =	vmul.f32 $5.000000000e-01, v9  }
0x267: {  	v0 =	vld [tilespmem:s11+$0xFFFFFF30]  }
0x268: {  	v6 =	vmul.f32 $5.000000000e-01, v6;
	v1 =	vld [tilespmem:s12+$0x60];
	[tilespmem:s15+$0xB0] =	vst v9  }
0x269: {  	v5 =	vadd.f32 v54, v5;
	v57 =	vld [tilespmem:s6+$0xC0]  }
0x26a: {  	[tilespmem:s15+$0x20] =	vst v6;
	v6 =	vld [tilespmem:s11+$0xC0]  }
0x26b: {  	v58 =	vld [tilespmem:s11+$0x30];
	v3 =	vadd.f32 v4, v3;
	v4 =	vmul.f32 $5.000000000e-01, v5  }
0x26c: {  	v5 =	vld [tilespmem:s6+$0x30];
	v0 =	vadd.f32 v0, v55  }
0x26d: {  	v3 =	vmul.f32 $5.000000000e-01, v3;
	[tilespmem:s15+$0xFFFFFFB0] =	vst v4;
	v4 =	vld [tilespmem:s12+$0xFFFFFF70]  }
0x26e: {  	v0 =	vmul.f32 $5.000000000e-01, v0;
	v59 =	vld [tilespmem:s6+$0xFFFFFFC0]  }
0x26f: {  	[tilespmem:s14+$0xFFFFFFE0] =	vst v3;
	v3 =	vld [tilespmem:s11+$0xFFFFFFC0];
	v6 =	vadd.f32 v6, v57  }
0x270: {  	[tilespmem:s15+$0xFFFFFF30] =	vst v0;
	v0 =	vld [tilespmem:s0+$0xFFFFFFF0]  }
0x271: {  	v5 =	vadd.f32 v58, v5;
	v60 =	vld [tilespmem:s6+$0xFFFFFF40];
	v6 =	vmul.f32 $5.000000000e-01, v6  }
0x272: {  	v61 =	vld [tilespmem:s11+$0xFFFFFF40]  }
0x273: {  	v1 =	vadd.f32 v1, v2;
	v2 =	vmul.f32 $5.000000000e-01, v5;
	v5 =	vld [tilespmem:s12+$0xFFFFFFF0];
	[tilespmem:s15+$0xC0] =	vst v6  }
0x274: {  	v3 =	vadd.f32 v3, v59;
	v6 =	vld [tilespmem:s6+$0xD0]  }
0x275: {  	v7 =	vadd.f32 v8, v7;
	v1 =	vmul.f32 $5.000000000e-01, v1;
	[tilespmem:s15+$0x30] =	vst v2;
	v2 =	vld [tilespmem:s11+$0xD0]  }
0x276: {  	v4 =	vadd.f32 v4, v56;
	v3 =	vmul.f32 $5.000000000e-01, v3;
	v8 =	vld [tilespmem:s6+$0x40]  }
0x277: {  	[tilespmem:s14+$0x60] =	vst v1;
	v1 =	vmul.f32 $5.000000000e-01, v7;
	v62 =	vld [tilespmem:s11+$0x40];
	v7 =	vadd.f32 v61, v60  }
0x278: {  	v4 =	vmul.f32 $5.000000000e-01, v4;
	[tilespmem:s15+$0xFFFFFFC0] =	vst v3;
	v5 =	vadd.f32 v5, v0;
	v0 =	vld [tilespmem:s0+$0x70]  }
0x279: {  	[tilespmem:s14+$0xF0] =	vst v1;
	v1 =	vmul.f32 $5.000000000e-01, v7;
	v3 =	vld [tilespmem:s6+$0xFFFFFFD0]  }
0x27a: {  	[tilespmem:s14+$0xFFFFFF70] =	vst v4;
	v4 =	vld [tilespmem:s11+$0xFFFFFFD0];
	v7 =	vadd.f32 v2, v6;
	v63 =	vmul.f32 $5.000000000e-01, v5  }
0x27b: {  	v2 =	vld [tilespmem:s12+$0x70];
	[tilespmem:s15+$0xFFFFFF40] =	vst v1  }
0x27c: {  	s16 =	simm.s32 $0x4F00;
	s0 =	simm.s32 $0x4;
	s12 =	simm.s32 $0xAD00;
	v6 =	vadd.f32 v62, v8;
	v1 =	vld [tilespmem:s6+$0xFFFFFF50];
	v5 =	vmul.f32 $5.000000000e-01, v7;
	[tilespmem:s14+$0xFFFFFFF0] =	vst v63  }
.LBB2_8:
0x27d: {  	v7 =	vld [tilespmem:s16+$0x80];
	s11 =	sadd.s32 $0x200, s11  }
0x27e: {  	v8 =	vld [tilespmem:s11+$0x80];
	v6 =	vmul.f32 $5.000000000e-01, v6;
	[tilespmem:s15+$0xD0] =	vst v5  }
0x27f: {  	v3 =	vadd.f32 v4, v3;
	v4 =	vld [tilespmem:s6+$0xE0]  }
0x280: {  	[tilespmem:s15+$0x40] =	vst v6;
	v5 =	vld [tilespmem:s12+$0xE0];
	v0 =	vadd.f32 v2, v0  }
0x281: {  	v2 =	vld [tilespmem:s11+$0xFFFFFF00];
	v3 =	vmul.f32 $5.000000000e-01, v3  }
0x282: {  	v6 =	vld [tilespmem:s16+$0xFFFFFF80];
	v0 =	vmul.f32 $5.000000000e-01, v0  }
0x283: {  	v9 =	vld [tilespmem:s11+$0xFFFFFF80];
	v7 =	vadd.f32 v8, v7;
	[tilespmem:s15+$0xFFFFFFD0] =	vst v3  }
0x284: {  	v3 =	vld [tilespmem:s16+$0x0];
	[tilespmem:s14+$0x70] =	vst v0;
	s14 =	smov.u32 s15  }
0x285: {  	s0 =	sadd.s32 $0x4, s0;
	v0 =	vld [tilespmem:s11+$0x0];
	v7 =	vmul.f32 $5.000000000e-01, v7;
	v4 =	vadd.f32 v5, v4  }
0x286: {  	p0 =	slt.u32 s0, $0x5C;
	s15 =	sadd.s32 $0x200, s15;
	v5 =	vld [tilespmem:s16+$0xFFFFFF00]  }
0x287: {  	[tilespmem:s15+$0x80] =	vst v7;
	v7 =	vld [tilespmem:s12+$0xFFFFFF50];
	v4 =	vmul.f32 $5.000000000e-01, v4  }
0x288: {  	v6 =	vadd.f32 v9, v6;
	v8 =	vld [tilespmem:s16+$0x90]  }
0x289: {  	v9 =	vld [tilespmem:s11+$0x90];
	[tilespmem:s14+$0xE0] =	vst v4  }
0x28a: {  	v4 =	vmul.f32 $5.000000000e-01, v6;
	v0 =	vadd.f32 v0, v3;
	v3 =	vld [tilespmem:s6+$0xF0]  }
0x28b: {  	v2 =	vadd.f32 v2, v5;
	v5 =	vld [tilespmem:s12+$0xF0]  }
0x28c: {  	[tilespmem:s15+$0xFFFFFF80] =	vst v4;
	v0 =	vmul.f32 $5.000000000e-01, v0;
	v1 =	vadd.f32 v7, v1;
	v4 =	vld [tilespmem:s6+$0x50]  }
0x28d: {  	v2 =	vmul.f32 $5.000000000e-01, v2;
	v6 =	vld [tilespmem:s16+$0xFFFFFF90]  }
0x28e: {  	v7 =	vld [tilespmem:s11+$0xFFFFFF90];
	[tilespmem:s15+$0x0] =	vst v0;
	v0 =	vadd.f32 v9, v8;
	v1 =	vmul.f32 $5.000000000e-01, v1  }
0x28f: {  	[tilespmem:s15+$0xFFFFFF00] =	vst v2;
	v2 =	vld [tilespmem:s16+$0x10]  }
0x290: {  	v8 =	vld [tilespmem:s16+$0xFFFFFF10];
	v0 =	vmul.f32 $5.000000000e-01, v0;
	[tilespmem:s14+$0xFFFFFF50] =	vst v1;
	v1 =	vadd.f32 v5, v3  }
0x291: {  	v3 =	vld [tilespmem:s11+$0xFFFFFF10]  }
0x292: {  	v5 =	vld [tilespmem:s11+$0x10];
	[tilespmem:s15+$0x90] =	vst v0;
	v0 =	vmul.f32 $5.000000000e-01, v1  }
0x293: {  	v1 =	vadd.f32 v7, v6;
	v6 =	vld [tilespmem:s16+$0xA0]  }
0x294: {  	v7 =	vld [tilespmem:s11+$0xA0];
	[tilespmem:s14+$0xF0] =	vst v0  }
0x295: {  	v0 =	vmul.f32 $5.000000000e-01, v1;
	v1 =	vld [tilespmem:s12+$0x50]  }
0x296: {  	v3 =	vadd.f32 v3, v8;
	v8 =	vld [tilespmem:s6+$0xFFFFFF60]  }
0x297: {  	[tilespmem:s15+$0xFFFFFF90] =	vst v0;
	v0 =	vadd.f32 v5, v2;
	v2 =	vld [tilespmem:s12+$0xFFFFFF60]  }
0x298: {  	v3 =	vmul.f32 $5.000000000e-01, v3;
	v5 =	vld [tilespmem:s16+$0xFFFFFFA0]  }
0x299: {  	v9 =	vld [tilespmem:s11+$0xFFFFFFA0];
	v0 =	vmul.f32 $5.000000000e-01, v0;
	v6 =	vadd.f32 v7, v6  }
0x29a: {  	[tilespmem:s15+$0xFFFFFF10] =	vst v3;
	v3 =	vld [tilespmem:s6+$0xFFFFFFE0];
	v1 =	vadd.f32 v1, v4  }
0x29b: {  	v4 =	vld [tilespmem:s16+$0xFFFFFF20];
	[tilespmem:s15+$0x10] =	vst v0;
	v0 =	vmul.f32 $5.000000000e-01, v6  }
0x29c: {  	v6 =	vld [tilespmem:s11+$0xFFFFFF20];
	v2 =	vadd.f32 v2, v8;
	v1 =	vmul.f32 $5.000000000e-01, v1  }
0x29d: {  	v7 =	vld [tilespmem:s16+$0x20];
	[tilespmem:s15+$0xA0] =	vst v0  }
0x29e: {  	v0 =	vadd.f32 v9, v5;
	v5 =	vld [tilespmem:s16+$0xB0];
	v2 =	vmul.f32 $5.000000000e-01, v2;
	[tilespmem:s14+$0x50] =	vst v1  }
0x29f: {  	v1 =	vld [tilespmem:s11+$0xB0]  }
0x2a0: {  	v0 =	vmul.f32 $5.000000000e-01, v0;
	v8 =	vld [tilespmem:s11+$0x20];
	[tilespmem:s14+$0xFFFFFF60] =	vst v2  }
0x2a1: {  	v2 =	vadd.f32 v6, v4;
	v4 =	vld [tilespmem:s12+$0xFFFFFFE0]  }
0x2a2: {  	[tilespmem:s15+$0xFFFFFFA0] =	vst v0;
	v0 =	vld [tilespmem:s6+$0x60]  }
0x2a3: {  	v2 =	vmul.f32 $5.000000000e-01, v2;
	v6 =	vld [tilespmem:s16+$0xFFFFFFB0]  }
0x2a4: {  	v9 =	vld [tilespmem:s11+$0xFFFFFFB0];
	v1 =	vadd.f32 v1, v5  }
0x2a5: {  	[tilespmem:s15+$0xFFFFFF20] =	vst v2;
	v2 =	vadd.f32 v8, v7;
	v5 =	vld [tilespmem:s12+$0x60]  }
0x2a6: {  	v7 =	vld [tilespmem:s16+$0xFFFFFF30];
	v1 =	vmul.f32 $5.000000000e-01, v1;
	v3 =	vadd.f32 v4, v3  }
0x2a7: {  	v4 =	vld [tilespmem:s11+$0xFFFFFF30];
	v2 =	vmul.f32 $5.000000000e-01, v2  }
0x2a8: {  	[tilespmem:s15+$0xB0] =	vst v1;
	v1 =	vld [tilespmem:s6+$0xFFFFFF70];
	v3 =	vmul.f32 $5.000000000e-01, v3  }
0x2a9: {  	v6 =	vadd.f32 v9, v6;
	[tilespmem:s15+$0x20] =	vst v2;
	v2 =	vld [tilespmem:s16+$0xC0]  }
0x2aa: {  	v8 =	vld [tilespmem:s11+$0xC0];
	[tilespmem:s14+$0xFFFFFFE0] =	vst v3;
	v0 =	vadd.f32 v5, v0  }
0x2ab: {  	v3 =	vmul.f32 $5.000000000e-01, v6;
	v5 =	vld [tilespmem:s16+$0x30]  }
0x2ac: {  	v4 =	vadd.f32 v4, v7;
	v6 =	vld [tilespmem:s11+$0x30];
	v0 =	vmul.f32 $5.000000000e-01, v0  }
0x2ad: {  	[tilespmem:s15+$0xFFFFFFB0] =	vst v3;
	v3 =	vld [tilespmem:s12+$0xFFFFFF70]  }
0x2ae: {  	v4 =	vmul.f32 $5.000000000e-01, v4;
	v7 =	vld [tilespmem:s16+$0xFFFFFFC0];
	[tilespmem:s14+$0x60] =	vst v0  }
0x2af: {  	v0 =	vld [tilespmem:s11+$0xFFFFFFC0];
	v2 =	vadd.f32 v8, v2  }
0x2b0: {  	[tilespmem:s15+$0xFFFFFF30] =	vst v4;
	v4 =	vld [tilespmem:s6+$0xFFFFFFF0]  }
0x2b1: {  	v8 =	vld [tilespmem:s16+$0xFFFFFF40];
	v5 =	vadd.f32 v6, v5;
	v2 =	vmul.f32 $5.000000000e-01, v2  }
0x2b2: {  	v6 =	vld [tilespmem:s11+$0xFFFFFF40];
	v1 =	vadd.f32 v3, v1  }
0x2b3: {  	v3 =	vmul.f32 $5.000000000e-01, v5;
	[tilespmem:s15+$0xC0] =	vst v2;
	v2 =	vld [tilespmem:s12+$0xFFFFFFF0]  }
0x2b4: {  	v0 =	vadd.f32 v0, v7;
	v5 =	vld [tilespmem:s16+$0xD0];
	v1 =	vmul.f32 $5.000000000e-01, v1  }
0x2b5: {  	[tilespmem:s15+$0x30] =	vst v3;
	v7 =	vld [tilespmem:s11+$0xD0]  }
0x2b6: {  	v0 =	vmul.f32 $5.000000000e-01, v0;
	v9 =	vld [tilespmem:s16+$0x40];
	[tilespmem:s14+$0xFFFFFF70] =	vst v1  }
0x2b7: {  	v1 =	vadd.f32 v6, v8;
	v6 =	vld [tilespmem:s11+$0x40]  }
.Ltmp3:
0x2b8: {  	[tilespmem:s15+$0xFFFFFFC0] =	vst v0;
	v2 =	vadd.f32 v2, v4;
	v0 =	vld [tilespmem:s6+$0x70];
	s6 =	smov.u32 s16;
	(pc) =	sbr.rel @p0 .LBB2_8-.Ltmp3, $4  }
0x2b9: {  	v1 =	vmul.f32 $5.000000000e-01, v1;
	v3 =	vld [tilespmem:s16+$0xFFFFFFD0]  }
0x2ba: {  	v4 =	vld [tilespmem:s11+$0xFFFFFFD0];
	v5 =	vadd.f32 v7, v5;
	v7 =	vmul.f32 $5.000000000e-01, v2  }
0x2bb: {  	[tilespmem:s15+$0xFFFFFF40] =	vst v1;
	v2 =	vld [tilespmem:s12+$0x70];
	s12 =	smov.u32 s11  }
0x2bc: {  	s16 =	sadd.s32 $0x200, s16;
	v1 =	vld [tilespmem:s6+$0xFFFFFF50];
	v6 =	vadd.f32 v6, v9;
	v5 =	vmul.f32 $5.000000000e-01, v5;
	[tilespmem:s14+$0xFFFFFFF0] =	vst v7  }
0x2bd: {  	_ = 	snop  }
0x2be: {  	v7 =	vld [tilespmem:s12+$0xFFFFFF50];
	v6 =	vmul.f32 $5.000000000e-01, v6;
	_ =	sdelay $0x1  }
0x2bf: {  	[tilespmem:s15+$0x40] =	vst v6  }
0x2c0: {  	v6 =	vld [tilespmem:s6+$0x50]  }
0x2c1: {  	v8 =	vld [tilespmem:s12+$0x50]  }
0x2c2: {  	v1 =	vadd.f32 v7, v1;
	_ =	sdelay $0x1  }
0x2c3: {  	[tilespmem:s15+$0xD0] =	vst v5;
	v3 =	vadd.f32 v4, v3;
	v1 =	vmul.f32 $5.000000000e-01, v1  }
0x2c4: {  	v4 =	vld [tilespmem:s6+$0xE0]  }
0x2c5: {  	v5 =	vld [tilespmem:s12+$0xE0];
	v3 =	vmul.f32 $5.000000000e-01, v3;
	[tilespmem:s15+$0xFFFFFF50] =	vst v1;
	v1 =	vadd.f32 v8, v6  }
0x2c6: {  	v6 =	vld [tilespmem:s6+$0xFFFFFF60]  }
0x2c7: {  	[tilespmem:s15+$0xFFFFFFD0] =	vst v3;
	v3 =	vld [tilespmem:s12+$0xFFFFFF60];
	v1 =	vmul.f32 $5.000000000e-01, v1  }
0x2c8: {  	v7 =	vld [tilespmem:s6+$0xFFFFFFE0]  }
0x2c9: {  	[tilespmem:s15+$0x50] =	vst v1;
	v1 =	vld [tilespmem:s12+$0xFFFFFFE0]  }
0x2ca: {  	v4 =	vadd.f32 v5, v4;
	v5 =	vld [tilespmem:s6+$0x60]  }
0x2cb: {  	v8 =	vld [tilespmem:s12+$0x60]  }
0x2cc: {  	v4 =	vmul.f32 $5.000000000e-01, v4;
	v3 =	vadd.f32 v3, v6;
	_ =	sdelay $0x1  }
0x2cd: {  	[tilespmem:s15+$0xE0] =	vst v4;
	v3 =	vmul.f32 $5.000000000e-01, v3;
	v1 =	vadd.f32 v1, v7  }
0x2ce: {  	v4 =	vld [tilespmem:s6+$0xF0]  }
0x2cf: {  	v6 =	vld [tilespmem:s12+$0xF0];
	[tilespmem:s15+$0xFFFFFF60] =	vst v3;
	v3 =	vadd.f32 v8, v5;
	v1 =	vmul.f32 $5.000000000e-01, v1  }
0x2d0: {  	v5 =	vld [tilespmem:s6+$0xFFFFFF70]  }
0x2d1: {  	[tilespmem:s15+$0xFFFFFFE0] =	vst v1;
	v1 =	vmul.f32 $5.000000000e-01, v3;
	v3 =	vld [tilespmem:s12+$0xFFFFFF70]  }
0x2d2: {  	v7 =	vld [tilespmem:s6+$0xFFFFFFF0]  }
0x2d3: {  	[tilespmem:s15+$0x60] =	vst v1;
	v1 =	vld [tilespmem:s12+$0xFFFFFFF0]  }
0x2d4: {  	v8 =	vld [tilespmem:s6+$0x70]  }
0x2d5: {  	v9 =	vld [tilespmem:s12+$0x70]  }
0x2d6: {  	v0 =	vadd.f32 v2, v0  }
0x2d7: {  	v2 =	vadd.f32 v6, v4  }
0x2d8: {  	v0 =	vmul.f32 $5.000000000e-01, v0;
	v3 =	vadd.f32 v3, v5  }
0x2d9: {  	v2 =	vmul.f32 $5.000000000e-01, v2;
	v1 =	vadd.f32 v1, v7  }
0x2da: {  	[tilespmem:s14+$0x70] =	vst v0;
	v0 =	vmul.f32 $5.000000000e-01, v3;
	v3 =	vadd.f32 v9, v8  }
0x2db: {  	[tilespmem:s15+$0xF0] =	vst v2;
	v1 =	vmul.f32 $5.000000000e-01, v1  }
0x2dc: {  	[tilespmem:s15+$0xFFFFFF70] =	vst v0;
	v0 =	vmul.f32 $5.000000000e-01, v3  }
0x2dd: {  	[tilespmem:s15+$0xFFFFFFF0] =	vst v1  }
0x2de: {  	[tilespmem:s15+$0x70] =	vst v0  }
0x2df: {  	s0 =	rddreg [dreg:$0x6]  }
0x2e0: {  	[hbm4b:s0+s4] =	stream.linear.scatter [tilespmem:s30], [sflag:$0x3], $0x3000, $0x38;
	[tilespmem:$0x16A00] =	vst v63  }
0x2e1: {  	_ =	swait.ge [sflag:s31], $0x3000  }
0x2e2: {  	[sflag:s31] =	ssyncset.done $0x0  }
0x2e3: {  	[sflag:s31] =	ssyncadd.s32 $0xFFFFD000  }
0x2e4: {  	_ =	swait.ge [sflag:s31], $0x3000  }
0x2e5: {  	[sflag:s31] =	ssyncset.done $0x0  }
0x2e6: {  	s26 =	simm.s32 $0x4;
	[sflag:s31] =	ssyncadd.s32 $0xFFFFD000  }
0x2e7: {  	_ =	swait.ge [sflag:s26], $0x3000  }
0x2e8: {  	[sflag:s26] =	ssyncset.done $0x0  }
0x2e9: {  	s12 =	simm.s32 $0x7B00;
	[sflag:s26] =	ssyncadd.s32 $0xFFFFD000  }
0x2ea: {  	s16 =	simm.s32 $0xDB00;
	v0 =	vld [tilespmem:s12+$0x80]  }
0x2eb: {  	v1 =	vld [tilespmem:s16+$0x80];
	_ =	sdelay $0x4  }
0x2ec: {  	v2 =	vld [tilespmem:s12+$0xFFFFFF80];
	v0 =	vadd.f32 v1, v0  }
0x2ed: {  	v1 =	vld [tilespmem:s16+$0xFFFFFF80]  }
0x2ee: {  	v0 =	vmul.f32 $5.000000000e-01, v0  }
0x2ef: {  	s14 =	simm.s32 $0x13B00;
	v3 =	vld [tilespmem:s16+$0xFFFFFF00]  }
0x2f0: {  	v4 =	vld [tilespmem:s12+$0xFFFFFF00];
	[tilespmem:s14+$0x80] =	vst v0  }
0x2f1: {  	v0 =	vld [tilespmem:s12+$0x90]  }
0x2f2: {  	v1 =	vadd.f32 v1, v2;
	v2 =	vld [tilespmem:s16+$0x90];
	_ =	sdelay $0x1  }
0x2f3: {  	v1 =	vmul.f32 $5.000000000e-01, v1  }
0x2f4: {  	v3 =	vadd.f32 v3, v4  }
0x2f5: {  	[tilespmem:s14+$0xFFFFFF80] =	vst v1  }
0x2f6: {  	v1 =	vmul.f32 $5.000000000e-01, v3;
	v3 =	vld [tilespmem:s12+$0xFFFFFF90];
	v0 =	vadd.f32 v2, v0  }
0x2f7: {  	v2 =	vld [tilespmem:s16+$0xFFFFFF90]  }
0x2f8: {  	v0 =	vmul.f32 $5.000000000e-01, v0  }
0x2f9: {  	v5 =	vld [tilespmem:s16+$0x0]  }
0x2fa: {  	v4 =	vld [tilespmem:s12+$0x0];
	[tilespmem:s14+$0x90] =	vst v0  }
0x2fb: {  	v0 =	vld [tilespmem:s12+$0xA0]  }
0x2fc: {  	v2 =	vadd.f32 v2, v3;
	v3 =	vld [tilespmem:s16+$0xA0];
	_ =	sdelay $0x1  }
0x2fd: {  	[tilespmem:s14+$0xFFFFFF00] =	vst v1;
	v2 =	vmul.f32 $5.000000000e-01, v2  }
0x2fe: {  	v4 =	vadd.f32 v5, v4;
	v1 =	vld [tilespmem:s12+$0xFFFFFF10]  }
0x2ff: {  	v6 =	vld [tilespmem:s16+$0xFFFFFF10];
	[tilespmem:s14+$0xFFFFFF90] =	vst v2  }
0x300: {  	v4 =	vmul.f32 $5.000000000e-01, v4;
	v2 =	vld [tilespmem:s12+$0xFFFFFFA0];
	v0 =	vadd.f32 v3, v0  }
0x301: {  	v3 =	vld [tilespmem:s16+$0xFFFFFFA0]  }
0x302: {  	[tilespmem:s14+$0x0] =	vst v4;
	v0 =	vmul.f32 $5.000000000e-01, v0  }
0x303: {  	v4 =	vld [tilespmem:s12+$0x10]  }
0x304: {  	v5 =	vld [tilespmem:s16+$0x10];
	v1 =	vadd.f32 v6, v1;
	[tilespmem:s14+$0xA0] =	vst v0  }
0x305: {  	v0 =	vld [tilespmem:s12+$0xB0]  }
0x306: {  	v1 =	vmul.f32 $5.000000000e-01, v1;
	v2 =	vadd.f32 v3, v2;
	v3 =	vld [tilespmem:s16+$0xB0];
	_ =	sdelay $0x1  }
0x307: {  	[tilespmem:s14+$0xFFFFFF10] =	vst v1;
	v2 =	vmul.f32 $5.000000000e-01, v2  }
0x308: {  	v4 =	vadd.f32 v5, v4;
	v1 =	vld [tilespmem:s12+$0xFFFFFF20]  }
0x309: {  	v6 =	vld [tilespmem:s16+$0xFFFFFF20];
	[tilespmem:s14+$0xFFFFFFA0] =	vst v2  }
0x30a: {  	v4 =	vmul.f32 $5.000000000e-01, v4;
	v2 =	vld [tilespmem:s12+$0xFFFFFFB0];
	v0 =	vadd.f32 v3, v0  }
0x30b: {  	v3 =	vld [tilespmem:s16+$0xFFFFFFB0]  }
0x30c: {  	[tilespmem:s14+$0x10] =	vst v4;
	v0 =	vmul.f32 $5.000000000e-01, v0  }
0x30d: {  	v4 =	vld [tilespmem:s12+$0x20]  }
0x30e: {  	v5 =	vld [tilespmem:s16+$0x20];
	v1 =	vadd.f32 v6, v1;
	[tilespmem:s14+$0xB0] =	vst v0  }
0x30f: {  	v0 =	vld [tilespmem:s12+$0xC0]  }
0x310: {  	v1 =	vmul.f32 $5.000000000e-01, v1;
	v2 =	vadd.f32 v3, v2;
	v3 =	vld [tilespmem:s16+$0xC0];
	_ =	sdelay $0x1  }
0x311: {  	[tilespmem:s14+$0xFFFFFF20] =	vst v1;
	v2 =	vmul.f32 $5.000000000e-01, v2  }
0x312: {  	v4 =	vadd.f32 v5, v4;
	v1 =	vld [tilespmem:s12+$0xFFFFFF30]  }
0x313: {  	v6 =	vld [tilespmem:s16+$0xFFFFFF30];
	[tilespmem:s14+$0xFFFFFFB0] =	vst v2  }
0x314: {  	v4 =	vmul.f32 $5.000000000e-01, v4;
	v2 =	vld [tilespmem:s12+$0xFFFFFFC0];
	v0 =	vadd.f32 v3, v0  }
0x315: {  	v3 =	vld [tilespmem:s16+$0xFFFFFFC0]  }
0x316: {  	[tilespmem:s14+$0x20] =	vst v4;
	v0 =	vmul.f32 $5.000000000e-01, v0  }
0x317: {  	v4 =	vld [tilespmem:s12+$0x30]  }
0x318: {  	v5 =	vld [tilespmem:s16+$0x30];
	v1 =	vadd.f32 v6, v1;
	[tilespmem:s14+$0xC0] =	vst v0  }
0x319: {  	v0 =	vld [tilespmem:s12+$0xD0]  }
0x31a: {  	s11 =	simm.s32 $0xDD00;
	v1 =	vmul.f32 $5.000000000e-01, v1;
	v2 =	vadd.f32 v3, v2;
	v3 =	vld [tilespmem:s16+$0xD0]  }
0x31b: {  	v7 =	vld [tilespmem:s11+$0x80]  }
0x31c: {  	v41 =	vld [tilespmem:s11+$0xFFFFFF00];
	[tilespmem:s14+$0xFFFFFF30] =	vst v1  }
0x31d: {  	v4 =	vadd.f32 v5, v4;
	v1 =	vld [tilespmem:s12+$0xFFFFFF40]  }
0x31e: {  	s6 =	simm.s32 $0x7D00;
	v6 =	vld [tilespmem:s16+$0xFFFFFF40]  }
0x31f: {  	v10 =	vld [tilespmem:s6+$0xFFFFFF80];
	v4 =	vmul.f32 $5.000000000e-01, v4;
	v0 =	vadd.f32 v3, v0  }
0x320: {  	v11 =	vld [tilespmem:s11+$0xFFFFFF80]  }
0x321: {  	v12 =	vld [tilespmem:s11+$0x0];
	[tilespmem:s14+$0x30] =	vst v4;
	v0 =	vmul.f32 $5.000000000e-01, v0  }
0x322: {  	v4 =	vld [tilespmem:s12+$0x40]  }
0x323: {  	v1 =	vadd.f32 v6, v1;
	v6 =	vld [tilespmem:s6+$0x80];
	[tilespmem:s14+$0xD0] =	vst v0  }
0x324: {  	v2 =	vmul.f32 $5.000000000e-01, v2;
	v0 =	vld [tilespmem:s12+$0xE0]  }
0x325: {  	v8 =	vld [tilespmem:s16+$0xE0]  }
0x326: {  	v5 =	vld [tilespmem:s16+$0x40];
	[tilespmem:s14+$0xFFFFFFC0] =	vst v2;
	v1 =	vmul.f32 $5.000000000e-01, v1  }
0x327: {  	v2 =	vld [tilespmem:s12+$0xFFFFFFD0]  }
0x328: {  	v3 =	vld [tilespmem:s16+$0xFFFFFFD0];
	[tilespmem:s14+$0xFFFFFF40] =	vst v1;
	v6 =	vadd.f32 v7, v6  }
0x329: {  	v1 =	vld [tilespmem:s12+$0xFFFFFF50]  }
0x32a: {  	v7 =	vld [tilespmem:s6+$0x0];
	v6 =	vmul.f32 $5.000000000e-01, v6;
	v0 =	vadd.f32 v8, v0  }
0x32b: {  	s15 =	simm.s32 $0x13D00;
	v8 =	vld [tilespmem:s6+$0xFFFFFF00]  }
0x32c: {  	v4 =	vadd.f32 v5, v4;
	v5 =	vld [tilespmem:s16+$0xFFFFFF50];
	[tilespmem:s15+$0x80] =	vst v6;
	v0 =	vmul.f32 $5.000000000e-01, v0  }
0x32d: {  	v6 =	vadd.f32 v11, v10;
	v42 =	vld [tilespmem:s6+$0x90]  }
0x32e: {  	v4 =	vmul.f32 $5.000000000e-01, v4;
	v43 =	vld [tilespmem:s11+$0x90];
	[tilespmem:s14+$0xE0] =	vst v0  }
0x32f: {  	v0 =	vmul.f32 $5.000000000e-01, v6;
	v6 =	vadd.f32 v12, v7;
	v7 =	vld [tilespmem:s12+$0xF0]  }
0x330: {  	[tilespmem:s14+$0x40] =	vst v4;
	v4 =	vadd.f32 v41, v8;
	v8 =	vld [tilespmem:s16+$0xF0]  }
0x331: {  	[tilespmem:s15+$0xFFFFFF80] =	vst v0;
	v0 =	vmul.f32 $5.000000000e-01, v6;
	v6 =	vld [tilespmem:s12+$0x50]  }
0x332: {  	v4 =	vmul.f32 $5.000000000e-01, v4;
	v44 =	vld [tilespmem:s6+$0xFFFFFF90]  }
0x333: {  	v45 =	vld [tilespmem:s11+$0xFFFFFF90];
	[tilespmem:s15+$0x0] =	vst v0;
	v0 =	vadd.f32 v43, v42  }
0x334: {  	[tilespmem:s15+$0xFFFFFF00] =	vst v4;
	v4 =	vld [tilespmem:s6+$0x10]  }
0x335: {  	v46 =	vld [tilespmem:s6+$0xFFFFFF10];
	v0 =	vmul.f32 $5.000000000e-01, v0  }
0x336: {  	v1 =	vadd.f32 v5, v1;
	v5 =	vld [tilespmem:s11+$0xFFFFFF10]  }
0x337: {  	v47 =	vld [tilespmem:s11+$0x10];
	[tilespmem:s15+$0x90] =	vst v0  }
0x338: {  	v0 =	vmul.f32 $5.000000000e-01, v1;
	v1 =	vadd.f32 v45, v44;
	v48 =	vld [tilespmem:s6+$0xA0]  }
0x339: {  	v49 =	vld [tilespmem:s11+$0xA0]  }
0x33a: {  	v2 =	vadd.f32 v3, v2;
	[tilespmem:s14+$0xFFFFFF50] =	vst v0;
	v0 =	vmul.f32 $5.000000000e-01, v1;
	v1 =	vld [tilespmem:s16+$0x50]  }
0x33b: {  	v3 =	vadd.f32 v5, v46;
	v5 =	vld [tilespmem:s12+$0xFFFFFF60]  }
0x33c: {  	v2 =	vmul.f32 $5.000000000e-01, v2;
	[tilespmem:s15+$0xFFFFFF90] =	vst v0;
	v0 =	vld [tilespmem:s16+$0xFFFFFF60]  }
0x33d: {  	v4 =	vadd.f32 v47, v4;
	v3 =	vmul.f32 $5.000000000e-01, v3;
	v50 =	vld [tilespmem:s6+$0xFFFFFFA0]  }
0x33e: {  	[tilespmem:s14+$0xFFFFFFD0] =	vst v2;
	v2 =	vld [tilespmem:s11+$0xFFFFFFA0];
	v9 =	vadd.f32 v49, v48  }
0x33f: {  	v4 =	vmul.f32 $5.000000000e-01, v4;
	[tilespmem:s15+$0xFFFFFF10] =	vst v3;
	v3 =	vld [tilespmem:s12+$0xFFFFFFE0]  }
0x340: {  	v51 =	vld [tilespmem:s6+$0xFFFFFF20];
	v9 =	vmul.f32 $5.000000000e-01, v9  }
0x341: {  	[tilespmem:s15+$0x10] =	vst v4;
	v4 =	vld [tilespmem:s11+$0xFFFFFF20]  }
0x342: {  	v1 =	vadd.f32 v1, v6;
	v6 =	vld [tilespmem:s6+$0x20];
	[tilespmem:s15+$0xA0] =	vst v9  }
0x343: {  	v2 =	vadd.f32 v2, v50;
	v9 =	vld [tilespmem:s6+$0xB0]  }
0x344: {  	v1 =	vmul.f32 $5.000000000e-01, v1;
	v52 =	vld [tilespmem:s11+$0xB0]  }
0x345: {  	v53 =	vld [tilespmem:s11+$0x20];
	v0 =	vadd.f32 v0, v5;
	v2 =	vmul.f32 $5.000000000e-01, v2  }
0x346: {  	[tilespmem:s14+$0x50] =	vst v1;
	v1 =	vadd.f32 v4, v51;
	v4 =	vld [tilespmem:s16+$0xFFFFFFE0]  }
0x347: {  	v0 =	vmul.f32 $5.000000000e-01, v0;
	[tilespmem:s15+$0xFFFFFFA0] =	vst v2;
	v2 =	vld [tilespmem:s12+$0x60]  }
0x348: {  	v1 =	vmul.f32 $5.000000000e-01, v1;
	v5 =	vld [tilespmem:s6+$0xFFFFFFB0]  }
0x349: {  	[tilespmem:s14+$0xFFFFFF60] =	vst v0;
	v54 =	vld [tilespmem:s11+$0xFFFFFFB0];
	v9 =	vadd.f32 v52, v9  }
0x34a: {  	v56 =	vld [tilespmem:s12+$0xFFFFFF70];
	[tilespmem:s15+$0xFFFFFF20] =	vst v1  }
0x34b: {  	v6 =	vadd.f32 v53, v6;
	v55 =	vld [tilespmem:s6+$0xFFFFFF30];
	v9 =	vmul.f32 $5.000000000e-01, v9  }
0x34c: {  	v0 =	vld [tilespmem:s11+$0xFFFFFF30]  }
0x34d: {  	v6 =	vmul.f32 $5.000000000e-01, v6;
	v1 =	vld [tilespmem:s16+$0x60];
	[tilespmem:s15+$0xB0] =	vst v9  }
0x34e: {  	v5 =	vadd.f32 v54, v5;
	v57 =	vld [tilespmem:s6+$0xC0]  }
0x34f: {  	[tilespmem:s15+$0x20] =	vst v6;
	v6 =	vld [tilespmem:s11+$0xC0]  }
0x350: {  	v58 =	vld [tilespmem:s11+$0x30];
	v3 =	vadd.f32 v4, v3;
	v4 =	vmul.f32 $5.000000000e-01, v5  }
0x351: {  	v5 =	vld [tilespmem:s6+$0x30];
	v0 =	vadd.f32 v0, v55  }
0x352: {  	v3 =	vmul.f32 $5.000000000e-01, v3;
	[tilespmem:s15+$0xFFFFFFB0] =	vst v4;
	v4 =	vld [tilespmem:s16+$0xFFFFFF70]  }
0x353: {  	v0 =	vmul.f32 $5.000000000e-01, v0;
	v59 =	vld [tilespmem:s6+$0xFFFFFFC0]  }
0x354: {  	[tilespmem:s14+$0xFFFFFFE0] =	vst v3;
	v3 =	vld [tilespmem:s11+$0xFFFFFFC0];
	v6 =	vadd.f32 v6, v57  }
0x355: {  	[tilespmem:s15+$0xFFFFFF30] =	vst v0;
	v0 =	vld [tilespmem:s12+$0xFFFFFFF0]  }
0x356: {  	v5 =	vadd.f32 v58, v5;
	v60 =	vld [tilespmem:s6+$0xFFFFFF40];
	v6 =	vmul.f32 $5.000000000e-01, v6  }
0x357: {  	v61 =	vld [tilespmem:s11+$0xFFFFFF40]  }
0x358: {  	v1 =	vadd.f32 v1, v2;
	v2 =	vmul.f32 $5.000000000e-01, v5;
	v5 =	vld [tilespmem:s16+$0xFFFFFFF0];
	[tilespmem:s15+$0xC0] =	vst v6  }
0x359: {  	v3 =	vadd.f32 v3, v59;
	v6 =	vld [tilespmem:s6+$0xD0]  }
0x35a: {  	v7 =	vadd.f32 v8, v7;
	v1 =	vmul.f32 $5.000000000e-01, v1;
	[tilespmem:s15+$0x30] =	vst v2;
	v2 =	vld [tilespmem:s11+$0xD0]  }
0x35b: {  	v4 =	vadd.f32 v4, v56;
	v3 =	vmul.f32 $5.000000000e-01, v3;
	v8 =	vld [tilespmem:s6+$0x40]  }
0x35c: {  	[tilespmem:s14+$0x60] =	vst v1;
	v1 =	vmul.f32 $5.000000000e-01, v7;
	v62 =	vld [tilespmem:s11+$0x40];
	v7 =	vadd.f32 v61, v60  }
0x35d: {  	v4 =	vmul.f32 $5.000000000e-01, v4;
	[tilespmem:s15+$0xFFFFFFC0] =	vst v3;
	v5 =	vadd.f32 v5, v0;
	v0 =	vld [tilespmem:s12+$0x70]  }
0x35e: {  	[tilespmem:s14+$0xF0] =	vst v1;
	v1 =	vmul.f32 $5.000000000e-01, v7;
	v3 =	vld [tilespmem:s6+$0xFFFFFFD0]  }
0x35f: {  	[tilespmem:s14+$0xFFFFFF70] =	vst v4;
	v4 =	vld [tilespmem:s11+$0xFFFFFFD0];
	v7 =	vadd.f32 v2, v6;
	v63 =	vmul.f32 $5.000000000e-01, v5  }
0x360: {  	v2 =	vld [tilespmem:s16+$0x70];
	[tilespmem:s15+$0xFFFFFF40] =	vst v1  }
0x361: {  	s0 =	simm.s32 $0x4;
	s12 =	simm.s32 $0xDD00;
	s16 =	simm.s32 $0x7F00;
	v6 =	vadd.f32 v62, v8;
	v1 =	vld [tilespmem:s6+$0xFFFFFF50];
	v5 =	vmul.f32 $5.000000000e-01, v7;
	[tilespmem:s14+$0xFFFFFFF0] =	vst v63  }
.LBB2_10:
0x362: {  	v7 =	vld [tilespmem:s16+$0x80];
	s11 =	sadd.s32 $0x200, s11  }
0x363: {  	v8 =	vld [tilespmem:s11+$0x80];
	v6 =	vmul.f32 $5.000000000e-01, v6;
	[tilespmem:s15+$0xD0] =	vst v5  }
0x364: {  	v3 =	vadd.f32 v4, v3;
	v4 =	vld [tilespmem:s6+$0xE0]  }
0x365: {  	[tilespmem:s15+$0x40] =	vst v6;
	v5 =	vld [tilespmem:s12+$0xE0];
	v0 =	vadd.f32 v2, v0  }
0x366: {  	v2 =	vld [tilespmem:s11+$0xFFFFFF00];
	v3 =	vmul.f32 $5.000000000e-01, v3  }
0x367: {  	v6 =	vld [tilespmem:s16+$0xFFFFFF80];
	v0 =	vmul.f32 $5.000000000e-01, v0  }
0x368: {  	v9 =	vld [tilespmem:s11+$0xFFFFFF80];
	v7 =	vadd.f32 v8, v7;
	[tilespmem:s15+$0xFFFFFFD0] =	vst v3  }
0x369: {  	v3 =	vld [tilespmem:s16+$0x0];
	[tilespmem:s14+$0x70] =	vst v0;
	s14 =	smov.u32 s15  }
0x36a: {  	s0 =	sadd.s32 $0x4, s0;
	v0 =	vld [tilespmem:s11+$0x0];
	v7 =	vmul.f32 $5.000000000e-01, v7;
	v4 =	vadd.f32 v5, v4  }
0x36b: {  	p0 =	slt.u32 s0, $0x5C;
	s15 =	sadd.s32 $0x200, s15;
	v5 =	vld [tilespmem:s16+$0xFFFFFF00]  }
0x36c: {  	[tilespmem:s15+$0x80] =	vst v7;
	v7 =	vld [tilespmem:s12+$0xFFFFFF50];
	v4 =	vmul.f32 $5.000000000e-01, v4  }
0x36d: {  	v6 =	vadd.f32 v9, v6;
	v8 =	vld [tilespmem:s16+$0x90]  }
0x36e: {  	v9 =	vld [tilespmem:s11+$0x90];
	[tilespmem:s14+$0xE0] =	vst v4  }
0x36f: {  	v4 =	vmul.f32 $5.000000000e-01, v6;
	v0 =	vadd.f32 v0, v3;
	v3 =	vld [tilespmem:s6+$0xF0]  }
0x370: {  	v2 =	vadd.f32 v2, v5;
	v5 =	vld [tilespmem:s12+$0xF0]  }
0x371: {  	[tilespmem:s15+$0xFFFFFF80] =	vst v4;
	v0 =	vmul.f32 $5.000000000e-01, v0;
	v1 =	vadd.f32 v7, v1;
	v4 =	vld [tilespmem:s6+$0x50]  }
0x372: {  	v2 =	vmul.f32 $5.000000000e-01, v2;
	v6 =	vld [tilespmem:s16+$0xFFFFFF90]  }
0x373: {  	v7 =	vld [tilespmem:s11+$0xFFFFFF90];
	[tilespmem:s15+$0x0] =	vst v0;
	v0 =	vadd.f32 v9, v8;
	v1 =	vmul.f32 $5.000000000e-01, v1  }
0x374: {  	[tilespmem:s15+$0xFFFFFF00] =	vst v2;
	v2 =	vld [tilespmem:s16+$0x10]  }
0x375: {  	v8 =	vld [tilespmem:s16+$0xFFFFFF10];
	v0 =	vmul.f32 $5.000000000e-01, v0;
	[tilespmem:s14+$0xFFFFFF50] =	vst v1;
	v1 =	vadd.f32 v5, v3  }
0x376: {  	v3 =	vld [tilespmem:s11+$0xFFFFFF10]  }
0x377: {  	v5 =	vld [tilespmem:s11+$0x10];
	[tilespmem:s15+$0x90] =	vst v0;
	v0 =	vmul.f32 $5.000000000e-01, v1  }
0x378: {  	v1 =	vadd.f32 v7, v6;
	v6 =	vld [tilespmem:s16+$0xA0]  }
0x379: {  	v7 =	vld [tilespmem:s11+$0xA0];
	[tilespmem:s14+$0xF0] =	vst v0  }
0x37a: {  	v0 =	vmul.f32 $5.000000000e-01, v1;
	v1 =	vld [tilespmem:s12+$0x50]  }
0x37b: {  	v3 =	vadd.f32 v3, v8;
	v8 =	vld [tilespmem:s6+$0xFFFFFF60]  }
0x37c: {  	[tilespmem:s15+$0xFFFFFF90] =	vst v0;
	v0 =	vadd.f32 v5, v2;
	v2 =	vld [tilespmem:s12+$0xFFFFFF60]  }
0x37d: {  	v3 =	vmul.f32 $5.000000000e-01, v3;
	v5 =	vld [tilespmem:s16+$0xFFFFFFA0]  }
0x37e: {  	v9 =	vld [tilespmem:s11+$0xFFFFFFA0];
	v0 =	vmul.f32 $5.000000000e-01, v0;
	v6 =	vadd.f32 v7, v6  }
0x37f: {  	[tilespmem:s15+$0xFFFFFF10] =	vst v3;
	v3 =	vld [tilespmem:s6+$0xFFFFFFE0];
	v1 =	vadd.f32 v1, v4  }
0x380: {  	v4 =	vld [tilespmem:s16+$0xFFFFFF20];
	[tilespmem:s15+$0x10] =	vst v0;
	v0 =	vmul.f32 $5.000000000e-01, v6  }
0x381: {  	v6 =	vld [tilespmem:s11+$0xFFFFFF20];
	v2 =	vadd.f32 v2, v8;
	v1 =	vmul.f32 $5.000000000e-01, v1  }
0x382: {  	v7 =	vld [tilespmem:s16+$0x20];
	[tilespmem:s15+$0xA0] =	vst v0  }
0x383: {  	v0 =	vadd.f32 v9, v5;
	v5 =	vld [tilespmem:s16+$0xB0];
	v2 =	vmul.f32 $5.000000000e-01, v2;
	[tilespmem:s14+$0x50] =	vst v1  }
0x384: {  	v1 =	vld [tilespmem:s11+$0xB0]  }
0x385: {  	v0 =	vmul.f32 $5.000000000e-01, v0;
	v8 =	vld [tilespmem:s11+$0x20];
	[tilespmem:s14+$0xFFFFFF60] =	vst v2  }
0x386: {  	v2 =	vadd.f32 v6, v4;
	v4 =	vld [tilespmem:s12+$0xFFFFFFE0]  }
0x387: {  	[tilespmem:s15+$0xFFFFFFA0] =	vst v0;
	v0 =	vld [tilespmem:s6+$0x60]  }
0x388: {  	v2 =	vmul.f32 $5.000000000e-01, v2;
	v6 =	vld [tilespmem:s16+$0xFFFFFFB0]  }
0x389: {  	v9 =	vld [tilespmem:s11+$0xFFFFFFB0];
	v1 =	vadd.f32 v1, v5  }
0x38a: {  	[tilespmem:s15+$0xFFFFFF20] =	vst v2;
	v2 =	vadd.f32 v8, v7;
	v5 =	vld [tilespmem:s12+$0x60]  }
0x38b: {  	v7 =	vld [tilespmem:s16+$0xFFFFFF30];
	v1 =	vmul.f32 $5.000000000e-01, v1;
	v3 =	vadd.f32 v4, v3  }
0x38c: {  	v4 =	vld [tilespmem:s11+$0xFFFFFF30];
	v2 =	vmul.f32 $5.000000000e-01, v2  }
0x38d: {  	[tilespmem:s15+$0xB0] =	vst v1;
	v1 =	vld [tilespmem:s6+$0xFFFFFF70];
	v3 =	vmul.f32 $5.000000000e-01, v3  }
0x38e: {  	v6 =	vadd.f32 v9, v6;
	[tilespmem:s15+$0x20] =	vst v2;
	v2 =	vld [tilespmem:s16+$0xC0]  }
0x38f: {  	v8 =	vld [tilespmem:s11+$0xC0];
	[tilespmem:s14+$0xFFFFFFE0] =	vst v3;
	v0 =	vadd.f32 v5, v0  }
0x390: {  	v3 =	vmul.f32 $5.000000000e-01, v6;
	v5 =	vld [tilespmem:s16+$0x30]  }
0x391: {  	v4 =	vadd.f32 v4, v7;
	v6 =	vld [tilespmem:s11+$0x30];
	v0 =	vmul.f32 $5.000000000e-01, v0  }
0x392: {  	[tilespmem:s15+$0xFFFFFFB0] =	vst v3;
	v3 =	vld [tilespmem:s12+$0xFFFFFF70]  }
0x393: {  	v4 =	vmul.f32 $5.000000000e-01, v4;
	v7 =	vld [tilespmem:s16+$0xFFFFFFC0];
	[tilespmem:s14+$0x60] =	vst v0  }
0x394: {  	v0 =	vld [tilespmem:s11+$0xFFFFFFC0];
	v2 =	vadd.f32 v8, v2  }
0x395: {  	[tilespmem:s15+$0xFFFFFF30] =	vst v4;
	v4 =	vld [tilespmem:s6+$0xFFFFFFF0]  }
0x396: {  	v8 =	vld [tilespmem:s16+$0xFFFFFF40];
	v5 =	vadd.f32 v6, v5;
	v2 =	vmul.f32 $5.000000000e-01, v2  }
0x397: {  	v6 =	vld [tilespmem:s11+$0xFFFFFF40];
	v1 =	vadd.f32 v3, v1  }
0x398: {  	v3 =	vmul.f32 $5.000000000e-01, v5;
	[tilespmem:s15+$0xC0] =	vst v2;
	v2 =	vld [tilespmem:s12+$0xFFFFFFF0]  }
0x399: {  	v0 =	vadd.f32 v0, v7;
	v5 =	vld [tilespmem:s16+$0xD0];
	v1 =	vmul.f32 $5.000000000e-01, v1  }
0x39a: {  	[tilespmem:s15+$0x30] =	vst v3;
	v7 =	vld [tilespmem:s11+$0xD0]  }
0x39b: {  	v0 =	vmul.f32 $5.000000000e-01, v0;
	v9 =	vld [tilespmem:s16+$0x40];
	[tilespmem:s14+$0xFFFFFF70] =	vst v1  }
0x39c: {  	v1 =	vadd.f32 v6, v8;
	v6 =	vld [tilespmem:s11+$0x40]  }
.Ltmp4:
0x39d: {  	[tilespmem:s15+$0xFFFFFFC0] =	vst v0;
	v2 =	vadd.f32 v2, v4;
	v0 =	vld [tilespmem:s6+$0x70];
	s6 =	smov.u32 s16;
	(pc) =	sbr.rel @p0 .LBB2_10-.Ltmp4, $4  }
0x39e: {  	v1 =	vmul.f32 $5.000000000e-01, v1;
	v3 =	vld [tilespmem:s16+$0xFFFFFFD0]  }
0x39f: {  	v4 =	vld [tilespmem:s11+$0xFFFFFFD0];
	v5 =	vadd.f32 v7, v5;
	v7 =	vmul.f32 $5.000000000e-01, v2  }
0x3a0: {  	[tilespmem:s15+$0xFFFFFF40] =	vst v1;
	v2 =	vld [tilespmem:s12+$0x70];
	s12 =	smov.u32 s11  }
0x3a1: {  	s16 =	sadd.s32 $0x200, s16;
	v1 =	vld [tilespmem:s6+$0xFFFFFF50];
	v6 =	vadd.f32 v6, v9;
	v5 =	vmul.f32 $5.000000000e-01, v5;
	[tilespmem:s14+$0xFFFFFFF0] =	vst v7  }
0x3a2: {  	_ = 	snop  }
0x3a3: {  	v6 =	vmul.f32 $5.000000000e-01, v6;
	_ =	sdelay $0x1  }
0x3a4: {  	v7 =	vld [tilespmem:s12+$0xFFFFFF50];
	[tilespmem:s15+$0x40] =	vst v6  }
0x3a5: {  	v6 =	vld [tilespmem:s6+$0x50]  }
0x3a6: {  	v8 =	vld [tilespmem:s12+$0x50]  }
0x3a7: {  	v3 =	vadd.f32 v4, v3;
	_ =	sdelay $0x1  }
0x3a8: {  	[tilespmem:s15+$0xD0] =	vst v5;
	v3 =	vmul.f32 $5.000000000e-01, v3;
	v1 =	vadd.f32 v7, v1  }
0x3a9: {  	v44 =	vld [tilespmem:s6+$0xE0]  }
0x3aa: {  	v5 =	vld [tilespmem:s12+$0xE0];
	[tilespmem:s15+$0xFFFFFFD0] =	vst v3;
	v1 =	vmul.f32 $5.000000000e-01, v1;
	v45 =	vadd.f32 v8, v6  }
0x3ab: {  	v48 =	vld [tilespmem:s6+$0xFFFFFFE0]  }
0x3ac: {  	v49 =	vld [tilespmem:s12+$0xFFFFFFE0];
	[tilespmem:s15+$0xFFFFFF50] =	vst v1;
	v1 =	vmul.f32 $5.000000000e-01, v45  }
0x3ad: {  	v46 =	vld [tilespmem:s6+$0xFFFFFF60]  }
0x3ae: {  	v47 =	vld [tilespmem:s12+$0xFFFFFF60];
	[tilespmem:s15+$0x50] =	vst v1  }
0x3af: {  	v4 =	vadd.f32 v5, v44;
	v50 =	vld [tilespmem:s6+$0x60]  }
0x3b0: {  	v51 =	vld [tilespmem:s12+$0x60]  }
0x3b1: {  	v4 =	vmul.f32 $5.000000000e-01, v4;
	v1 =	vadd.f32 v49, v48;
	_ =	sdelay $0x1  }
0x3b2: {  	[tilespmem:s15+$0xE0] =	vst v4;
	v3 =	vadd.f32 v47, v46;
	v1 =	vmul.f32 $5.000000000e-01, v1  }
0x3b3: {  	v4 =	vld [tilespmem:s6+$0xF0]  }
0x3b4: {  	v52 =	vld [tilespmem:s12+$0xF0];
	v3 =	vmul.f32 $5.000000000e-01, v3;
	[tilespmem:s15+$0xFFFFFFE0] =	vst v1;
	v53 =	vadd.f32 v51, v50  }
0x3b5: {  	v57 =	vld [tilespmem:s6+$0xFFFFFFF0]  }
0x3b6: {  	v58 =	vld [tilespmem:s12+$0xFFFFFFF0];
	[tilespmem:s15+$0xFFFFFF60] =	vst v3;
	v55 =	vmul.f32 $5.000000000e-01, v53  }
0x3b7: {  	v54 =	vld [tilespmem:s6+$0xFFFFFF70]  }
0x3b8: {  	v56 =	vld [tilespmem:s12+$0xFFFFFF70];
	[tilespmem:s15+$0x60] =	vst v55  }
0x3b9: {  	v59 =	vld [tilespmem:s6+$0x70]  }
0x3ba: {  	v9 =	vld [tilespmem:s12+$0x70]  }
0x3bb: {  	v0 =	vadd.f32 v2, v0  }
0x3bc: {  	v60 =	vadd.f32 v52, v4  }
0x3bd: {  	v0 =	vmul.f32 $5.000000000e-01, v0;
	v1 =	vadd.f32 v58, v57  }
0x3be: {  	v2 =	vmul.f32 $5.000000000e-01, v60;
	v3 =	vadd.f32 v56, v54  }
0x3bf: {  	[tilespmem:s14+$0x70] =	vst v0;
	v1 =	vmul.f32 $5.000000000e-01, v1;
	v62 =	vadd.f32 v9, v59  }
0x3c0: {  	[tilespmem:s15+$0xF0] =	vst v2;
	v61 =	vmul.f32 $5.000000000e-01, v3  }
0x3c1: {  	[tilespmem:s15+$0xFFFFFFF0] =	vst v1;
	v63 =	vmul.f32 $5.000000000e-01, v62  }
0x3c2: {  	[tilespmem:s15+$0xFFFFFF70] =	vst v61  }
0x3c3: {  	[tilespmem:s15+$0x70] =	vst v63  }
0x3c4: {  	s0 =	simm.s32 $0x0;
	s12 =	rddreg [dreg:$0x7]  }
0x3c5: {  	[hbm4b:s12+s0] =	stream.linear.scatter [tilespmem:s1], [sflag:$0x4], $0x2000, $0x38;
	[tilespmem:$0x16A00] =	vst v63  }
0x3c6: {  	s14 =	rddreg [dreg:$0x8]  }
0x3c7: {  	[tilespmem:s23], [sflag:$0x5] =	stream.linear.gather [hbm4b:s14+s0], $0x3000, $0x38;
	[tilespmem:$0x16A00] =	vst v63  }
0x3c8: {  	s15 =	rddreg [dreg:$0xd]  }
0x3c9: {  	[tilespmem:s25], [sflag:$0x6] =	stream.linear.gather [hbm4b:s15+s0], $0x3000, $0x38;
	[tilespmem:$0x16A00] =	vst v63  }
0x3ca: {  	_ =	swait.ge [sflag:s21], $0x3000  }
0x3cb: {  	[sflag:s21] =	ssyncset.done $0x0  }
0x3cc: {  	s16 =	rddreg [dreg:$0x9];
	[sflag:s21] =	ssyncadd.s32 $0xFFFFD000  }
0x3cd: {  	[hbm4b:s16+s0] =	stream.linear.scatter [tilespmem:s23], [sflag:$0x7], $0x3000, $0x38;
	[tilespmem:$0x16A00] =	vst v63  }
0x3ce: {  	_ =	swait.ge [sflag:s7], $0x3000  }
0x3cf: {  	[sflag:s7] =	ssyncset.done $0x0  }
0x3d0: {  	s11 =	rddreg [dreg:$0xe];
	[sflag:s7] =	ssyncadd.s32 $0xFFFFD000  }
0x3d1: {  	[hbm4b:s11+s0] =	stream.linear.scatter [tilespmem:s25], [sflag:$0x8], $0x3000, $0x38;
	[tilespmem:$0x16A00] =	vst v63  }
0x3d2: {  	_ =	swait.ge [sflag:s9], $0x3000  }
0x3d3: {  	s12 =	sadd.s32 $0x0, s18;
	[sflag:s9] =	ssyncset.done $0x0  }
0x3d4: {  	s14 =	sadd.s32 $0xC00, s12;
	[sflag:s9] =	ssyncadd.s32 $0xFFFFD000  }
0x3d5: {  	[tilespmem:s23], [sflag:$0x5] =	stream.linear.gather [hbm4b:s14+s4], $0x3000, $0x38;
	[tilespmem:$0x16A00] =	vst v63  }
0x3d6: {  	_ =	swait.ge [sflag:s10], $0x3000  }
0x3d7: {  	[sflag:s10] =	ssyncset.done $0x0  }
0x3d8: {  	s0 =	sadd.s32 $0x1200, s12;
	[sflag:s10] =	ssyncadd.s32 $0xFFFFD000  }
0x3d9: {  	[tilespmem:s25], [sflag:$0x6] =	stream.linear.gather [hbm4b:s0+s4], $0x3000, $0x38;
	[tilespmem:$0x16A00] =	vst v63  }
0x3da: {  	_ =	swait.ge [sflag:s21], $0x3000  }
0x3db: {  	s15 =	sadd.s32 $0x0, s19;
	[sflag:s21] =	ssyncset.done $0x0  }
0x3dc: {  	s16 =	sadd.s32 $0xC00, s15;
	[sflag:s21] =	ssyncadd.s32 $0xFFFFD000  }
0x3dd: {  	[hbm4b:s16+s4] =	stream.linear.scatter [tilespmem:s23], [sflag:$0x7], $0x3000, $0x38;
	[tilespmem:$0x16A00] =	vst v63  }
0x3de: {  	_ =	swait.ge [sflag:s7], $0x3000  }
0x3df: {  	[sflag:s7] =	ssyncset.done $0x0  }
0x3e0: {  	s6 =	sadd.s32 $0x1200, s15;
	s0 =	simm.s32 $0xC00;
	[sflag:s7] =	ssyncadd.s32 $0xFFFFD000  }
.LBB2_12:
0x3e1: {  	[hbm4b:s6+s4] =	stream.linear.scatter [tilespmem:s25], [sflag:$0x8], $0x3000, $0x38;
	[tilespmem:$0x16A00] =	vst v63  }
0x3e2: {  	s6 =	smov.u32 s0  }
0x3e3: {  	p0 =	sne.s32 s0, $0xA800;
	s0 =	sadd.s32 $0xC00, s0;
	_ =	swait.ge [sflag:s9], $0x3000  }
0x3e4: {  	s11 =	sadd.s32 s6, s18;
	[sflag:s9] =	ssyncset.done $0x0  }
0x3e5: {  	s12 =	sadd.s32 $0xC00, s11;
	[sflag:s9] =	ssyncadd.s32 $0xFFFFD000  }
0x3e6: {  	[tilespmem:s23], [sflag:$0x5] =	stream.linear.gather [hbm4b:s12+s4], $0x3000, $0x38;
	[tilespmem:$0x16A00] =	vst v63  }
0x3e7: {  	_ =	swait.ge [sflag:s10], $0x3000  }
0x3e8: {  	[sflag:s10] =	ssyncset.done $0x0  }
0x3e9: {  	s11 =	sadd.s32 $0x1200, s11;
	[sflag:s10] =	ssyncadd.s32 $0xFFFFD000  }
0x3ea: {  	[tilespmem:s25], [sflag:$0x6] =	stream.linear.gather [hbm4b:s11+s4], $0x3000, $0x38;
	[tilespmem:$0x16A00] =	vst v63  }
0x3eb: {  	_ =	swait.ge [sflag:s21], $0x3000  }
0x3ec: {  	s6 =	sadd.s32 s6, s19;
	[sflag:s21] =	ssyncset.done $0x0  }
.Ltmp5:
0x3ed: {  	s11 =	sadd.s32 $0xC00, s6;
	[sflag:s21] =	ssyncadd.s32 $0xFFFFD000;
	(pc) =	sbr.rel @p0 .LBB2_12-.Ltmp5, $4  }
0x3ee: {  	[hbm4b:s11+s4] =	stream.linear.scatter [tilespmem:s23], [sflag:$0x7], $0x3000, $0x38;
	[tilespmem:$0x16A00] =	vst v63  }
0x3ef: {  	_ =	swait.ge [sflag:s7], $0x3000  }
0x3f0: {  	[sflag:s7] =	ssyncset.done $0x0  }
0x3f1: {  	s6 =	sadd.s32 $0x1200, s6;
	[sflag:s7] =	ssyncadd.s32 $0xFFFFD000  }
0x3f2: {  	[hbm4b:s6+s4] =	stream.linear.scatter [tilespmem:s25], [sflag:$0x8], $0x3000, $0x38;
	[tilespmem:$0x16A00] =	vst v63  }
0x3f3: {  	_ =	swait.ge [sflag:s9], $0x3000  }
0x3f4: {  	[sflag:s9] =	ssyncset.done $0x0  }
0x3f5: {  	[sflag:s9] =	ssyncadd.s32 $0xFFFFD000  }
0x3f6: {  	_ =	swait.ge [sflag:s10], $0x3000  }
0x3f7: {  	[sflag:s10] =	ssyncset.done $0x0  }
0x3f8: {  	s0 =	rddreg [dreg:$0xa];
	[sflag:s10] =	ssyncadd.s32 $0xFFFFD000  }
0x3f9: {  	[tilespmem:s23], [sflag:$0x9] =	stream.linear.gather [hbm4b:s0+s4], $0x1C00, $0x38;
	[tilespmem:$0x16A00] =	vst v63  }
0x3fa: {  	_ =	swait.ge [sflag:s20], $0x1C00  }
0x3fb: {  	[sflag:s20] =	ssyncset.done $0x0  }
0x3fc: {  	s16 =	rddreg [dreg:$0xb];
	[sflag:s20] =	ssyncadd.s32 $0xFFFFE400  }
0x3fd: {  	[hbm4b:s16+s4] =	stream.linear.scatter [tilespmem:s23], [sflag:$0x9], $0x1C00, $0x38;
	[tilespmem:$0x16A00] =	vst v63  }
0x3fe: {  	_ =	swait.ge [sflag:s20], $0x1C00  }
0x3ff: {  	[sflag:s20] =	ssyncset.done $0x0  }
0x400: {  	[sflag:s20] =	ssyncadd.s32 $0xFFFFE400  }
0x401: {  	_ =	swait.ge [sflag:s17], $0x3000  }
0x402: {  	[sflag:s17] =	ssyncset.done $0x0  }
0x403: {  	[sflag:s17] =	ssyncadd.s32 $0xFFFFD000  }
0x404: {  	_ =	swait.ge [sflag:s26], $0x2000  }
0x405: {  	s13 =	sadd.s32 $0x1, s13;
	s17 =	rddreg [dreg:$0xc]  }
0x406: {  	p0 =	sne.s32 s13, s17  }
.Ltmp6:
0x407: {  	_ = 	snop;
	(pc) =	sbr.rel @p0 .LBB2_1-.Ltmp6, $3  }
0x408: {  	_ =	sdelay $0x1  }
0x409: {  	[sflag:s26] =	ssyncset.done $0x0  }
0x40a: {  	[sflag:s26] =	ssyncadd.s32 $0xFFFFE000  }
0x40b: {  	_ =	sfence.sel $0x180000  }
0x40c: {  	[bflag:$0x0] =	sbarrier.arrive $0xFFFF  }
0x40d: {  	_ =	strace $0x9000004A  }
0x40e: {  	s0 =	stileid.u32;
	[bflag:$0x2] =	sbarrier.arrive $0xFFFF  }
0x40f: {  	p0 =	sne.s32 s0, $0x0;
	s0 =	rddreg [dreg:$0x3]  }
0x410: {  	s0 =	sadd.s32 @!p0 $0x100000, s0  }
0x411: {  	[sflag:s0] =	ssyncadd.tile.s32 @!p0 $0x1;
	_ =	shalt  }
.Lfunc_end2:
_tile_overlayer_lowered:
.L_overlay_start_2:
0x412: {  	(tag) =	ssettag $0x2  }
0x413: {  	s0 =	rddreg [dreg:$0x0];
	s2 =	stileid.u32  }
0x414: {  	s1 =	rddreg [dreg:$0x1];
	p0 =	sne.s32 s2, $0x0  }
0x415: {  	s3 =	rddreg [dreg:$0x2];
	[bflag:$0x3] =	sbarrier.arrive $0xFFFF;
	s2 =	simm.s32 @!p0 $0x1C09  }
0x416: {  	[timem:s3], [sflag:s2] =	dma.local @!p0 [hbm:s0], s1  }
0x417: {  	s0 =	simm.s32 @!p0 $0x9  }
0x418: {  	_ =	swait.ge @!p0 [sflag:s0], s1  }
0x419: {  	s1 =	ssub.s32 @!p0 $0x0, s1;
	[sflag:s0] =	ssyncset.done @!p0 $0x0  }
0x41a: {  	[sflag:s0] =	ssyncadd.s32 @!p0 s1  }
0x41b: {  	[bflag:$0x3] =	sbarrier.arrive $0xFFFF  }
0x41c: {  	_ =	shalt  }

// kernel: kernel.7.cloned.1.call-start
scs
__scs_entry_jumppad:
0x0: {  	(pc) =	sbr.rel $0x88, $3  }
0x1: {  	(tag) =	ssettag $0x0;
	lr =	simm.s32 $0x1  }
0x2: {  	[smem:$0x3F9E] =	sst lr;
	_ =	strace $0xD0000000  }
0x3: {  	_ = 	snop  }
0x4: {  	_ = 	snop  }
0x5: {  	_ = 	snop  }
0x6: {  	_ = 	snop  }
0x7: {  	_ = 	snop  }
__scs_overlays_trampoline_lowered:
0x8: {  	[smem:$0x3FAD] =	sst s0  }
0x9: {  	[smem:$0x3FAE] =	sst s1  }
0xa: {  	[smem:$0x3FAF] =	sst s2  }
0xb: {  	[smem:$0x3FB0] =	sst s3  }
0xc: {  	[smem:$0x3FB1] =	sst s4  }
0xd: {  	[smem:$0x3FB2] =	sst s5  }
0xe: {  	[smem:$0x3FB3] =	sst s6  }
0xf: {  	[smem:$0x3FB4] =	sst s7  }
0x10: {  	[smem:$0x3FB5] =	sst s8  }
0x11: {  	[smem:$0x3FB6] =	sst s9;
	s0 =	simm.s32 @!p0 $0x0  }
0x12: {  	s1 =	sld [smem:$0x3F9C];
	s0 =	simm.s32 @p0 $0x1  }
0x13: {  	[smem:$0x3FB7] =	sst s0;
	s0 =	simm.s32 @!p1 $0x0  }
0x14: {  	s2 =	sld [smem:$0x3F9B];
	s0 =	simm.s32 @p1 $0x1  }
0x15: {  	[smem:$0x3FB8] =	sst s0;
	s0 =	simm.s32 @!p2 $0x0  }
0x16: {  	s3 =	sld [smem:$0x3FDB];
	s0 =	simm.s32 @p2 $0x1  }
0x17: {  	s4 =	simm.s32 $0x1BF5;
	[smem:$0x3FBA] =	sst s0  }
0x18: {  	s0 =	sld [smem:$0x3F9D];
	_ =	swait.ge [sflag:s4], $0x0  }
0x19: {  	s7 =	sld [smem:$0x3F9E]  }
0x1a: {  	s8 =	sadd.s32 $0xFFFFE003, lr  }
0x1b: {  	s9 =	sadd.s32 $0xFFFFFEF7, lr;
	s5 =	simm.s32 $0xFFFFFFFF;
	p2 =	slt.u32 s8, $0xFFFFF086  }
0x1c: {  	p1 =	slt.u32 s9, $0xF7A;
	s5 =	simm.s32 @!p2 $0x0  }
0x1d: {  	s5 =	simm.s32 @p1 $0x1;
	p0 =	seq.s32 s7, s2  }
0x1e: {  	s7 =	smul.u32 @!p0 $0xF7A, s2;
	p2 =	seq.s32 @!p0 s5, $0x0  }
0x1f: {  	s9 =	smul.u32 $0xF7A, s1;
	s8 =	simm.s32 @!p0 $0x1BF5;
	p2 =	por !p2, p0  }
0x20: {  	[sflag:s8] =	ssyncset.s32 @!p0 $0xFFFFF086;
	s6 =	sadd.s32 @!p0 s3, s7;
	s7 =	simm.s32 @!p0 $0x108  }
0x21: {  	s3 =	sadd.s32 s3, s9;
	s6 =	sadd.s32 @!p0 $0x88, s6;
	s7 =	simm.s32 @p2 $0x1082  }
0x22: {  	[simem:s7], [sflag:s8] =	dma.local @!p0 [hbm:s6], $0xF7A  }
0x23: {  	s9 =	sor.u32 $0xD0000000, s2;
	s6 =	simm.s32 $0x108;
	_ =	swait.ge @!p0 [sflag:s8], $0x0  }
0x24: {  	s3 =	sadd.s32 $0x88, s3;
	s6 =	simm.s32 @!p1 $0x1082;
	[sflag:s4] =	ssyncset.s32 $0xFFFFF086  }
0x25: {  	[simem:s6], [sflag:s4] =	dma.local [hbm:s3], $0xF7A  }
0x26: {  	[smem:$0x3F9E] =	sst s1;
	(tag) =	ssettag s2;
	_ =	strace s9  }
0x27: {  	s1 =	sld [smem:$0x3FAE]  }
0x28: {  	s2 =	sld [smem:$0x3FAF]  }
0x29: {  	s4 =	sld [smem:$0x3FB1]  }
0x2a: {  	p0 =	seq.s32 s5, $0x0;
	s5 =	sld [smem:$0x3FB2]  }
0x2b: {  	s6 =	sld [smem:$0x3FB3]  }
0x2c: {  	s7 =	sld [smem:$0x3FB4]  }
0x2d: {  	s3 =	simm.s32 $0x108;
	s8 =	sld [smem:$0x3FB5]  }
0x2e: {  	s3 =	simm.s32 @!p0 $0x1082;
	s9 =	sld [smem:$0x3FB6]  }
0x2f: {  	lr =	sadd.s32 s0, s3;
	s0 =	sld [smem:$0x3FAD]  }
0x30: {  	s3 =	sld [smem:$0x3FB0]  }
0x31: {  	[smem:$0x3FB9] =	sst s10  }
0x32: {  	s10 =	sld [smem:$0x3FB7];
	_ =	sdelay $0x3  }
0x33: {  	p0 =	seq.s32 s10, $0x1;
	s10 =	sld [smem:$0x3FB9];
	_ =	sdelay $0x3  }
0x34: {  	[smem:$0x3FB9] =	sst s10  }
0x35: {  	s10 =	sld [smem:$0x3FB8];
	_ =	sdelay $0x3  }
0x36: {  	p1 =	seq.s32 s10, $0x1;
	s10 =	sld [smem:$0x3FB9];
	_ =	sdelay $0x3  }
0x37: {  	[smem:$0x3FB9] =	sst s10  }
0x38: {  	s10 =	sld [smem:$0x3FBA]  }
0x39: {  	_ = 	snop;
	(pc) =	sbr.ind lr, $3  }
0x3a: {  	_ = 	snop  }
0x3b: {  	_ = 	snop  }
0x3c: {  	p2 =	seq.s32 s10, $0x1;
	s10 =	sld [smem:$0x3FB9]  }
0x3d: {  	_ =	shalt  }
0x3e: {  	_ =	shalt  }
0x3f: {  	_ =	shalt  }
0x40: {  	_ =	shalt  }
0x41: {  	_ =	shalt  }
0x42: {  	_ =	shalt  }
0x43: {  	_ =	shalt  }
0x44: {  	_ =	shalt  }
0x45: {  	_ =	shalt  }
0x46: {  	_ =	shalt  }
0x47: {  	_ =	shalt  }
0x48: {  	_ =	shalt  }
0x49: {  	_ =	shalt  }
0x4a: {  	_ =	shalt  }
0x4b: {  	_ =	shalt  }
0x4c: {  	_ =	shalt  }
0x4d: {  	_ =	shalt  }
0x4e: {  	_ =	shalt  }
0x4f: {  	_ =	shalt  }
0x50: {  	_ =	shalt  }
0x51: {  	_ =	shalt  }
0x52: {  	_ =	shalt  }
0x53: {  	_ =	shalt  }
0x54: {  	_ =	shalt  }
0x55: {  	_ =	shalt  }
0x56: {  	_ =	shalt  }
0x57: {  	_ =	shalt  }
0x58: {  	_ =	shalt  }
0x59: {  	_ =	shalt  }
0x5a: {  	_ =	shalt  }
0x5b: {  	_ =	shalt  }
0x5c: {  	_ =	shalt  }
0x5d: {  	_ =	shalt  }
0x5e: {  	_ =	shalt  }
0x5f: {  	_ =	shalt  }
0x60: {  	_ =	shalt  }
0x61: {  	_ =	shalt  }
0x62: {  	_ =	shalt  }
0x63: {  	_ =	shalt  }
0x64: {  	_ =	shalt  }
0x65: {  	_ =	shalt  }
0x66: {  	_ =	shalt  }
0x67: {  	_ =	shalt  }
0x68: {  	_ =	shalt  }
0x69: {  	_ =	shalt  }
0x6a: {  	_ =	shalt  }
0x6b: {  	_ =	shalt  }
0x6c: {  	_ =	shalt  }
0x6d: {  	_ =	shalt  }
0x6e: {  	_ =	shalt  }
0x6f: {  	_ =	shalt  }
0x70: {  	_ =	shalt  }
0x71: {  	_ =	shalt  }
0x72: {  	_ =	shalt  }
0x73: {  	_ =	shalt  }
0x74: {  	_ =	shalt  }
0x75: {  	_ =	shalt  }
0x76: {  	_ =	shalt  }
0x77: {  	_ =	shalt  }
0x78: {  	_ =	shalt  }
0x79: {  	_ =	shalt  }
0x7a: {  	_ =	shalt  }
0x7b: {  	_ =	shalt  }
0x7c: {  	_ =	shalt  }
0x7d: {  	_ =	shalt  }
0x7e: {  	_ =	shalt  }
0x7f: {  	_ =	shalt  }
0x80: {  	_ =	shalt  }
0x81: {  	_ =	shalt  }
0x82: {  	_ =	shalt  }
0x83: {  	_ =	shalt  }
0x84: {  	_ =	shalt  }
0x85: {  	_ =	shalt  }
0x86: {  	_ =	shalt  }
0x87: {  	_ =	shalt  }
.Lfunc_end0:
.L_simem_size_0:
called_computation.1_lowered:
.L_overlay_start_0:
0x88: {  	s2 =	sld [smem:$0x3FD9]  }
0x89: {  	s3 =	sld [smem:$0x3FFE];
	_ =	sdelay $0x1  }
0x8a: {  	s1 =	srdreg.scid  }
0x8b: {  	s0 =	sand.u32 $0x1, s1  }
0x8c: {  	s14 =	sshll.u32 s0, $0xA;
	s2 =	sadd.s32 s3, s2  }
0x8d: {  	s2 =	sadd.s32 s2, s14  }
0x8e: {  	[smem:$0x3FC5] =	sst s2  }
0x8f: {  	_ = 	snop  }
0x90: {  	s2 =	sld [smem:$0x3FD0];
	_ =	sdelay $0x2  }
0x91: {  	s15 =	simm.s32 $0xB;
	s4 =	simm.s32 $0x10  }
0x92: {  	[smem:s4], [sflag:s15] =	dma.local [hbm:s2], $0x1  }
0x93: {  	_ =	swait.eq [sflag:s15], $0x1  }
0x94: {  	[sflag:s15] =	ssyncset.done $0x0  }
0x95: {  	[sflag:s15] =	ssyncadd.s32 $0xFFFFFFFF  }
0x96: {  	s16 =	sld [smem:$0x10];
	(tm) =	ssettm $0x1  }
0x97: {  	s17 =	sld [smem:$0x3FFB];
	_ =	sdelay $0x3  }
0x98: {  	_ =	strace s17  }
0x99: {  	s3 =	sld [smem:$0x3FFC];
	_ =	sdelay $0x3  }
0x9a: {  	_ =	strace s3  }
0x9b: {  	s3 =	sld [smem:$0x3FFD];
	_ =	sdelay $0x3  }
0x9c: {  	_ =	strace s3  }
0x9d: {  	_ =	strace $0x8FFFFFFF  }
0x9e: {  	s18 =	sld [smem:$0x3FDB];
	_ =	sdelay $0x1  }
0x9f: {  	s19 =	simm.s32 $_scs_section_size  }
0xa0: {  	s5 =	simm.s32 $_size__tile_overlayer_lowered;
	s6 =	simm.s32 $_tile_overlayer_lowered  }
0xa1: {  	s22 =	simm.s32 $0x1BFF;
	s21 =	sshll.u32 s6, $0x1;
	s3 =	sadd.s32 s19, s18  }
0xa2: {  	s7 =	simm.s32 $0x0;
	s20 =	sshll.u32 s5, $0x1;
	s5 =	sadd.s32 s21, s3  }
0xa3: {  	[timem:s7], [sflag:s22] =	dma.local [hbm:s5], s20  }
0xa4: {  	_ =	swait.ge [sflag:s22], s20  }
0xa5: {  	s4 =	ssub.s32 $0x0, s20;
	[sflag:s22] =	ssyncset.done $0x0  }
0xa6: {  	[sflag:s22] =	ssyncadd.s32 s4;
	_ =	sdelay $0x1  }
0xa7: {  	s23 =	simm.s32 $0x1B8B  }
0xa8: {  	_ =	swait.ge [sflag:s23], $0x1  }
0xa9: {  	[sflag:s23] =	ssyncset.done $0x0  }
0xaa: {  	s25 =	simm.s32 $0x1B8E;
	s24 =	sld [smem:$0x3FFE];
	[sflag:s23] =	ssyncadd.s32 $0xFFFFFFFF  }
0xab: {  	s26 =	simm.s32 $execute0_lowered;
	[smem:$0x3FD2] =	sst s25  }
0xac: {  	s5 =	sshll.u32 s26, $0x1;
	_ =	strace $0x80000046;
	[dreg:$0x1] =	wrdreg $0xFFFFFFFF  }
0xad: {  	s28 =	simm.s32 $_size_execute0_lowered;
	s3 =	sadd.s32 s3, s5;
	[dreg:$0x0] =	wrdreg $0x0  }
0xae: {  	s5 =	sshll.u32 s28, $0x1;
	[dreg:$0x2] =	wrdreg s3  }
0xaf: {  	[dreg:$0x3] =	wrdreg s5  }
0xb0: {  	[dreg:$0x4] =	wrdreg $0xC0  }
0xb1: {  	_ =	task [dreg:s7], $0x5FFFF  }
0xb2: {  	[dreg:$0x1] =	wrdreg $0xFFFFFFFF  }
0xb3: {  	[dreg:$0x0] =	wrdreg $0x60  }
0xb4: {  	[dreg:$0x2] =	wrdreg s24  }
0xb5: {  	[dreg:$0x3] =	wrdreg s16  }
0xb6: {  	[dreg:$0x4] =	wrdreg $0xA  }
0xb7: {  	_ =	task.clear_ibuf [dreg:s7], $0x5FFFF;
	_ =	strace $0x90000046  }
0xb8: {  	s29 =	simm.s32 $0xA;
	_ =	strace $0x80000048  }
0xb9: {  	_ =	swait.ge [sflag:s29], $0x1  }
0xba: {  	[sflag:s29] =	ssyncadd.s32 $0xFFFFFFFF  }
0xbb: {  	_ =	strace $0x90000048  }
0xbc: {  	_ =	sfence  }
0xbd: {  	s30 =	sld [smem:$0x0];
	_ =	sdelay $0x2  }
0xbe: {  	s31 =	sshll.u32 s1, $0xD;
	s1 =	sshrl.u32 s1, $0x2  }
0xbf: {  	s3 =	sand.u32 $0x4000, s31;
	s1 =	sadd.s32 s1, s30  }
0xc0: {  	s0 =	sor.u32 s3, s0;
	s1 =	sshll.u32 s1, $0x11  }
0xc1: {  	s0 =	sor.u32 s1, s0  }
0xc2: {  	s0 =	sadd.s32 $0x8F2B, s0  }
0xc3: {  	[sflag:s0] =	ssyncadd.remote.s32 $0x1  }
0xc4: {  	_ =	sfence.sel $0xFFFF  }
0xc5: {  	[dreg:$0x0] =	wrdreg $0xFFFFFFFF;
	(pc) =	sbr.abs _section_cstart, $3  }
0xc6: {  	[dreg:$0x1] =	wrdreg $0xFFFFFFFF  }
0xc7: {  	_ =	task.clear_ibuf [dreg:s7], $0x2FFFF;
	_ =	strace $0x9FFFFFFF  }
0xc8: {  	(tm) =	ssettm $0x7FFFFFFF  }
0xc9: {  	_ =	shalt  }
tec
execute0_lowered:
.L_overlay_start_1:
0x0: {  	(tag) =	ssettag $0x1  }
0x1: {  	v0 =	vimm.s32 $0xFEA540;
	v1 =	vimm.s32 $0x77766655;
	vm0 =	vcmask $0x2F00  }
0x2: {  	v2 =	vimm.s32 $0x11101010;
	vm1 =	vcmask $0x3B30;
	vm10 =	vcmask $0xF00  }
0x3: {  	v3 =	vimm.s32 $0x1B1B1B1A;
	v4 =	vimm.s32 $0x12121111;
	vm2 =	vcmask $0x1F10  }
0x4: {  	v5 =	vimm.s32 $0x13131312;
	v6 =	vimm.s32 $0x21202020;
	v7 =	vimm.s32 $0x26262525  }
0x5: {  	v8 =	vimm.s32 $0x2B2B2B2A;
	v9 =	vimm.s32 $0x31303030;
	v10 =	vimm.s32 $0x36363535  }
0x6: {  	v11 =	vimm.s32 $0x3B3B3B3A;
	v12 =	vimm.s32 $0x41404040;
	v13 =	vimm.s32 $0x46464545  }
0x7: {  	v14 =	vimm.s32 $0x4B4B4B4A;
	v15 =	vimm.s32 $0x51505050;
	v16 =	vimm.s32 $0x56565555  }
0x8: {  	v17 =	vimm.s32 $0x5B5B5B5A;
	v18 =	vimm.s32 $0x61606060;
	v19 =	vimm.s32 $0x66666565  }
0x9: {  	v20 =	vimm.s32 $0x6B6B6B6A;
	v21 =	vimm.s32 $0x71707070;
	v22 =	vimm.s32 $0x76767575  }
0xa: {  	v23 =	vimm.s32 $0x7B7B7B7A;
	vm11 =	vcmask $0xB00;
	vm12 =	vcmask $0x170C  }
0xb: {  	vm13 =	vcmask $0x2318;
	vm14 =	vcmask $0x2F24;
	vm15 =	vcmask $0x700  }
0xc: {  	vm4 =	vcmask $0x1308;
	vm5 =	vcmask $0x1F14;
	vm6 =	vcmask $0x1F00  }
0xd: {  	vm7 =	vcmask $0x2B20;
	vm8 =	vcmask $0x372C;
	vm9 =	vcmask $0x300  }
0xe: {  	v39 =	vimm.s32 $0x29282828;
	v44 =	vimm.s32 $0x49484848;
	v45 =	vimm.s32 $0x59585858  }
0xf: {  	v40 =	vimm.s32 $0x69686868;
	v47 =	vimm.s32 $0x79787878;
	v48 =	vimm.s32 $0x1000000  }
0x10: {  	v49 =	vimm.s32 $0x54443332;
	v53 =	vimm.s32 $0xE0E0D0D;
	v54 =	vimm.s32 $0x24924924  }
0x11: {  	v55 =	vimm.s32 $0x49249249;
	v41 =	vimm.s32 $0x1E1E1D1D;
	v57 =	vimm.s32 $0x2E2E2D2D  }
0x12: {  	v42 =	vimm.s32 $0x92492492;
	v43 =	vimm.s32 $0x3E3E3D3D;
	v58 =	vimm.s32 $0x4E4E4D4D  }
0x13: {  	v59 =	vimm.s32 $0x5E5E5D5D;
	v60 =	vimm.s32 $0x6E6E6D6D;
	v0 =	vunpack.c.l.s2.s4 v0  }
0x14: {  	v1 =	vunpack.c.l.s4.s8 v1;
	v2 =	vunpack.c.0.s8.s32 v2;
	v3 =	vunpack.c.0.s8.s32 v3  }
0x15: {  	v4 =	vunpack.c.0.s8.s32 v4;
	v5 =	vunpack.c.0.s8.s32 v5;
	v6 =	vunpack.c.0.s8.s32 v6  }
0x16: {  	v7 =	vunpack.c.0.s8.s32 v7;
	v8 =	vunpack.c.0.s8.s32 v8;
	v9 =	vunpack.c.0.s8.s32 v9  }
0x17: {  	v10 =	vunpack.c.0.s8.s32 v10;
	v11 =	vunpack.c.0.s8.s32 v11;
	v12 =	vunpack.c.0.s8.s32 v12  }
0x18: {  	v13 =	vunpack.c.0.s8.s32 v13;
	v14 =	vunpack.c.0.s8.s32 v14;
	v15 =	vunpack.c.0.s8.s32 v15  }
0x19: {  	v16 =	vunpack.c.0.s8.s32 v16;
	v17 =	vunpack.c.0.s8.s32 v17;
	v18 =	vunpack.c.0.s8.s32 v18  }
0x1a: {  	v19 =	vunpack.c.0.s8.s32 v19;
	v20 =	vunpack.c.0.s8.s32 v20;
	v21 =	vunpack.c.0.s8.s32 v21  }
0x1b: {  	v22 =	vunpack.c.0.s8.s32 v22;
	v23 =	vunpack.c.0.s8.s32 v23;
	v62 =	vunpack.c.0.s8.s32 v39  }
0x1c: {  	v46 =	vunpack.c.0.s8.s32 v40;
	v39 =	vunpack.c.l.s4.s8 v49;
	v40 =	vunpack.c.l.s2.s4 v55  }
0x1d: {  	v56 =	vunpack.c.0.s8.s32 v41;
	v41 =	vunpack.c.0.s8.s32 v57;
	v0 =	vunpack.c.l.s4.s8 v0  }
0x1e: {  	v27 =	vunpack.c.0.s8.s32 v1;
	v1 =	vnsel vm10, $0x15, v2;
	v2 =	vimm.s32 $0x16161515  }
0x1f: {  	v3 =	vnsel vm10, $0x1F, v3;
	v6 =	vnsel vm10, $0x25, v6;
	v7 =	vnsel vm10, $0x2A, v7  }
0x20: {  	v8 =	vnsel vm10, $0x2F, v8;
	v9 =	vnsel vm10, $0x35, v9;
	v10 =	vnsel vm10, $0x3A, v10  }
0x21: {  	v11 =	vnsel vm10, $0x3F, v11;
	v12 =	vnsel vm10, $0x45, v12;
	v13 =	vnsel vm10, $0x4A, v13  }
0x22: {  	v14 =	vnsel vm10, $0x4F, v14;
	v15 =	vnsel vm10, $0x55, v15;
	v16 =	vnsel vm10, $0x5A, v16  }
0x23: {  	v17 =	vnsel vm10, $0x5F, v17;
	v18 =	vnsel vm10, $0x65, v18;
	v19 =	vnsel vm10, $0x6A, v19  }
0x24: {  	v20 =	vnsel vm10, $0x6F, v20;
	v26 =	vnsel vm10, $0x75, v21;
	v28 =	vnsel vm10, $0x7A, v22  }
0x25: {  	v34 =	vnsel vm10, $0x7F, v23;
	v21 =	vimm.s32 $0x1D1C1C1C;
	v22 =	vimm.s32 $0x23232322  }
0x26: {  	v51 =	vunpack.c.0.s8.s32 v39;
	v39 =	vunpack.c.l.s2.s4 v54;
	v2 =	vunpack.c.0.s8.s32 v2  }
0x27: {  	v1 =	vsel vm2, v4, v1;
	v23 =	vunpack.c.0.s8.s32 v21;
	v0 =	vunpack.c.0.s8.s32 v0  }
0x28: {  	v4 =	vimm.s32 $0x17171716;
	v22 =	vunpack.c.0.s8.s32 v22;
	v21 =	vimm.s32 $0x27272726  }
0x29: {  	v4 =	vunpack.c.0.s8.s32 v4;
	v29 =	vsel vm2, v23, v3;
	v0 =	vand.u32 $0x3, v0  }
0x2a: {  	v3 =	vimm.s32 $0x32323131;
	v0 =	vnsel vm0, $0x5, v0;
	vm0 =	vcmask $0x2F20  }
0x2b: {  	v3 =	vunpack.c.0.s8.s32 v3;
	v1 =	vsel vm0, v5, v1;
	v5 =	vimm.s32 $0x22222121  }
0x2c: {  	v2 =	vnsel vm10, $0x1A, v2;
	vm10 =	vcmask $0xF04;
	v5 =	vunpack.c.0.s8.s32 v5  }
0x2d: {  	v0 =	vsel vm1, $0x4, v0;
	v3 =	vsel vm2, v3, v9;
	v9 =	vimm.s32 $0x52525151  }
0x2e: {  	v1 =	vsel vm1, $0x14, v1;
	v5 =	vsel vm2, v5, v6;
	v6 =	vunpack.c.0.s8.s32 v21  }
0x2f: {  	v21 =	vsel vm2, v4, v2;
	v4 =	vimm.s32 $0x2D2C2C2C;
	v2 =	vsel vm0, v22, v5  }
0x30: {  	v5 =	vimm.s32 $0x33333332;
	v4 =	vunpack.c.0.s8.s32 v4;
	v2 =	vsel vm1, $0x24, v2  }
0x31: {  	v22 =	vsel vm2, v6, v7;
	v5 =	vunpack.c.0.s8.s32 v5;
	v6 =	vimm.s32 $0x37373736  }
0x32: {  	v7 =	vimm.s32 $0x42424141;
	v6 =	vunpack.c.0.s8.s32 v6;
	v30 =	vsel vm2, v4, v8  }
0x33: {  	v4 =	vunpack.c.0.s8.s32 v7;
	v7 =	vimm.s32 $0x47474746;
	v8 =	vimm.s32 $0x4D4C4C4C  }
0x34: {  	v22 =	vsel vm0, v62, v22;
	v3 =	vsel vm0, v5, v3;
	v5 =	vimm.s32 $0x3D3C3C3C  }
0x35: {  	v7 =	vunpack.c.0.s8.s32 v7;
	v8 =	vunpack.c.0.s8.s32 v8;
	v41 =	vsel vm0, v41, v30  }
0x36: {  	v30 =	vunpack.c.0.s8.s32 v58;
	v3 =	vsel vm1, $0x34, v3;
	v23 =	vsel vm2, v6, v10  }
0x37: {  	v5 =	vunpack.c.0.s8.s32 v5;
	v4 =	vsel vm2, v4, v12;
	v6 =	vimm.s32 $0x43434342  }
0x38: {  	v10 =	vimm.s32 $0x63636362;
	v12 =	vimm.s32 $0xB5;
	v6 =	vunpack.c.0.s8.s32 v6  }
0x39: {  	v24 =	vsel vm2, v7, v13;
	v31 =	vsel vm2, v8, v14;
	v7 =	vimm.s32 $0x57575756  }
0x3a: {  	v8 =	vimm.s32 $0x62626161;
	v12 =	vsel vm11, $0xB0, v12;
	v13 =	vand.u32 $0xF, v27  }
0x3b: {  	v14 =	vimm.s32 $0x9A;
	v27 =	vnsel vm6, $0x2, v27;
	v32 =	vsel vm2, v5, v11  }
0x3c: {  	v5 =	vunpack.c.0.s8.s32 v9;
	v7 =	vunpack.c.0.s8.s32 v7;
	v9 =	vimm.s32 $0x5D5C5C5C  }
0x3d: {  	v8 =	vunpack.c.0.s8.s32 v8;
	v11 =	vimm.s32 $0x7D7C7C7C;
	v12 =	vsel vm12, $0xB1, v12  }
0x3e: {  	v14 =	vsel vm15, $0x95, v14;
	v4 =	vsel vm0, v6, v4;
	v6 =	vimm.s32 $0x53535352  }
0x3f: {  	v14 =	vsel vm4, $0x96, v14;
	v4 =	vsel vm1, $0x44, v4;
	v5 =	vsel vm2, v5, v15  }
0x40: {  	v6 =	vunpack.c.0.s8.s32 v6;
	v25 =	vsel vm2, v7, v16;
	v7 =	vsel vm2, v8, v18  }
0x41: {  	v8 =	vimm.s32 $0x6D6C6C6C;
	v15 =	vimm.s32 $0xAA;
	v16 =	vimm.s32 $0xBA  }
0x42: {  	v14 =	vsel vm5, $0x97, v14;
	v18 =	vimm.s32 $0x9080808;
	v8 =	vunpack.c.0.s8.s32 v8  }
0x43: {  	v15 =	vsel vm15, $0xA5, v15;
	v16 =	vsel vm15, $0xB5, v16;
	v18 =	vunpack.c.0.s8.s32 v18  }
0x44: {  	v5 =	vsel vm0, v6, v5;
	v6 =	vunpack.c.0.s8.s32 v9;
	v9 =	vunpack.c.0.s8.s32 v10  }
0x45: {  	v10 =	vimm.s32 $0x77777776;
	v15 =	vsel vm4, $0xA6, v15;
	v16 =	vsel vm4, $0xB6, v16  }
0x46: {  	v5 =	vsel vm1, $0x54, v5;
	v10 =	vunpack.c.0.s8.s32 v10;
	v35 =	vsel vm2, v8, v20  }
0x47: {  	v15 =	vsel vm5, $0xA7, v15;
	v16 =	vsel vm5, $0xB7, v16;
	v20 =	vimm.s32 $0xAF  }
0x48: {  	v33 =	vsel vm2, v6, v17;
	v6 =	vsel vm0, v9, v7;
	v7 =	vimm.s32 $0x67676766  }
0x49: {  	v9 =	vimm.s32 $0x72727171;
	v17 =	vnsel vm6, $0xA, v13;
	v13 =	vsel vm7, $0x98, v14  }
0x4a: {  	v14 =	vsel vm7, $0xA8, v15;
	v15 =	vsel vm7, $0xB8, v16;
	v16 =	vimm.s32 $0x8F  }
0x4b: {  	v20 =	vsel vm9, $0xAA, v20;
	v6 =	vsel vm1, $0x64, v6;
	v7 =	vunpack.c.0.s8.s32 v7  }
0x4c: {  	v9 =	vunpack.c.0.s8.s32 v9;
	v28 =	vsel vm2, v10, v28;
	v10 =	vimm.s32 $0x95  }
0x4d: {  	v13 =	vsel vm8, $0x99, v13;
	v14 =	vsel vm8, $0xA9, v14;
	v15 =	vsel vm8, $0xB9, v15  }
0x4e: {  	v16 =	vsel vm9, $0x8A, v16;
	v20 =	vsel vm10, $0xAB, v20;
	v37 =	vsel vm0, v18, v17  }
0x4f: {  	v10 =	vsel vm11, $0x90, v10;
	v16 =	vsel vm10, $0x8B, v16;
	v36 =	vsel vm2, v7, v19  }
0x50: {  	v7 =	vunpack.c.0.s8.s32 v11;
	v8 =	vsel vm2, v9, v26;
	v9 =	vimm.s32 $0x73737372  }
0x51: {  	v11 =	vimm.s32 $0xA5;
	v10 =	vsel vm12, $0x91, v10;
	v19 =	vimm.s32 $0x9F  }
0x52: {  	v26 =	vimm.s32 $0xBF;
	v9 =	vunpack.c.0.s8.s32 v9;
	v11 =	vsel vm11, $0xA0, v11  }
0x53: {  	v19 =	vsel vm9, $0x9A, v19;
	v26 =	vsel vm9, $0xBA, v26;
	v34 =	vsel vm2, v7, v34  }
0x54: {  	v7 =	vimm.s32 $0x85;
	v11 =	vsel vm12, $0xA1, v11;
	v19 =	vsel vm10, $0x9B, v19  }
0x55: {  	v26 =	vsel vm10, $0xBB, v26;
	v7 =	vsel vm11, $0x80, v7;
	v8 =	vsel vm0, v9, v8  }
0x56: {  	vm11 =	vcmask $0x1B10;
	v9 =	vsel vm12, $0x81, v7;
	v7 =	vsel vm1, $0x74, v8  }
0x57: {  	v16 =	vsel vm11, $0x8C, v16;
	v17 =	vsel vm11, $0x9C, v19;
	v18 =	vsel vm11, $0xAC, v20  }
0x58: {  	v19 =	vsel vm11, $0xBC, v26;
	vm12 =	vcmask $0x271C;
	v20 =	vimm.s32 $0x19181818  }
0x59: {  	v26 =	vimm.s32 $0xDCCCBBBA;
	v8 =	vsel vm13, $0x82, v9;
	v9 =	vsel vm13, $0x92, v10  }
0x5a: {  	v10 =	vsel vm13, $0xA2, v11;
	v11 =	vsel vm13, $0xB2, v12;
	v12 =	vimm.s32 $0x8A  }
0x5b: {  	v16 =	vsel vm12, $0x8D, v16;
	v17 =	vsel vm12, $0x9D, v17;
	v18 =	vsel vm12, $0xAD, v18  }
0x5c: {  	v19 =	vsel vm12, $0xBD, v19;
	vm13 =	vcmask $0x3328;
	v38 =	vunpack.c.0.s8.s32 v20  }
0x5d: {  	v26 =	vunpack.c.l.s4.s8 v26;
	v8 =	vsel vm14, $0x83, v8;
	v9 =	vsel vm14, $0x93, v9  }
0x5e: {  	v10 =	vsel vm14, $0xA3, v10;
	v11 =	vsel vm14, $0xB3, v11;
	v12 =	vsel vm15, $0x85, v12  }
0x5f: {  	v16 =	vsel vm13, $0x8E, v16;
	v17 =	vsel vm13, $0x9E, v17;
	v18 =	vsel vm13, $0xAE, v18  }
0x60: {  	v19 =	vsel vm13, $0xBE, v19;
	vm14 =	vcmask $0x3730;
	vm15 =	vcmask $0x3330  }
0x61: {  	v8 =	vsel vm1, $0x84, v8;
	v9 =	vsel vm1, $0x94, v9;
	v10 =	vsel vm1, $0xA4, v10  }
0x62: {  	v11 =	vsel vm1, $0xB4, v11;
	v12 =	vsel vm4, $0x86, v12;
	v20 =	vsel vm14, $0x9, v37  }
0x63: {  	v21 =	vsel vm0, v38, v21;
	v63 =	vunpack.c.0.s8.s32 v26;
	v26 =	vimm.s32 $0x39383838  }
0x64: {  	v37 =	vunpack.c.0.s8.s32 v44;
	v22 =	vsel vm14, $0x29, v22;
	v38 =	vunpack.c.0.s8.s32 v53  }
0x65: {  	v44 =	vsel vm0, v30, v31;
	v30 =	vunpack.c.0.s8.s32 v60;
	v31 =	vimm.s32 $0x7E7E7D7D  }
0x66: {  	s0 =	srdreg.scid;
	v12 =	vsel vm5, $0x87, v12;
	v21 =	vsel vm14, $0x19, v21;
	v26 =	vunpack.c.0.s8.s32 v26  }
0x67: {  	s3 =	stileid.u32;
	s6 =	rddreg [dreg:$0x0];
	s12 =	simm.s32 $0x5;
	v12 =	vsel vm7, $0x88, v12;
	v24 =	vsel vm0, v37, v24;
	v37 =	vunpack.c.0.s8.s32 v48  }
0x68: {  	s13 =	simm.s32 $0x24C0;
	s14 =	simm.s32 $0x120;
	s15 =	simm.s32 $0x4980;
	v52 =	vand.u32 $0xF, v63;
	v23 =	vsel vm0, v26, v23;
	v26 =	vunpack.c.0.s8.s32 v45  }
0x69: {  	s16 =	simm.s32 $0x4E00;
	s17 =	simm.s32 $0x4AA0;
	s18 =	simm.s32 $0x5040;
	v35 =	vsel vm0, v30, v35;
	v30 =	vunpack.c.l.s2.s4 v42;
	v63 =	vunpack.c.l.s4.s8 v40  }
0x6a: {  	s19 =	simm.s32 $0x4BC0;
	s0 =	sand.u32 $0x1, s0;
	s1 =	sshll.u32 s3, $0x1;
	v25 =	vsel vm0, v26, v25;
	v26 =	vsel vm0, v46, v36;
	v36 =	vunpack.c.0.s8.s32 v47  }
0x6b: {  	s20 =	simm.s32 $0x4F20;
	s21 =	simm.s32 $0x4CE0;
	s1 =	sor.u32 s0, s1;
	v12 =	vsel vm8, $0x89, v12;
	v24 =	vsel vm14, $0x49, v24;
	v35 =	vsel vm15, $0x6E, v35  }
0x6c: {  	s22 =	simm.s32 $0x5160;
	s23 =	simm.s32 $0x1;
	s2 =	sand.u32 $0xF, s1;
	v23 =	vsel vm14, $0x39, v23;
	v28 =	vsel vm0, v36, v28;
	v36 =	vnsel vm6, $0xF, v52  }
0x6d: {  	s24 =	simm.s32 $0x5280;
	s3 =	sshrl.u32 s3, $0x3;
	s2 =	smul.u32 $0x24A0, s2;
	v36 =	vsel vm0, v38, v36;
	v38 =	vsel vm0, v56, v29;
	v29 =	vunpack.c.0.s8.s32 v43  }
0x6e: {  	s28 =	simm.s32 $0x3;
	s29 =	simm.s32 $0x4;
	s3 =	smul.u32 $0x249F0, s3;
	v50 =	vsel vm0, v37, v27;
	v37 =	vnsel vm6, $0x7, v51;
	v30 =	vunpack.c.l.s4.s8 v30  }
0x6f: {  	s0 =	ssub.s32 $0x2, s0;
	s1 =	smul.u32 $0x498, s1;
	s4 =	smin.u32 s2, $0x22550;
	v40 =	vunpack.c.0.s8.s32 v63;
	v32 =	vsel vm0, v29, v32;
	v29 =	vunpack.c.0.s8.s32 v59  }
0x70: {  	s5 =	sadd.s32 $0x12800, s6;
	s7 =	sshrl.u32 s0, $0x1;
	s4 =	sadd.s32 s3, s4;
	v25 =	vsel vm14, $0x59, v25;
	v26 =	vsel vm14, $0x69, v26;
	v45 =	vunpack.c.0.s8.s32 v30  }
0x71: {  	s0 =	ssub.s32 s0, s7;
	s6 =	sadd.s32 s6, s1;
	s4 =	smul.u32 $0x3, s4;
	v27 =	vsel vm14, $0x79, v28;
	v61 =	vsel vm0, v29, v33;
	v29 =	vunpack.c.0.s8.s32 v31  }
0x72: {  	s0 =	smax.u32 s0, $0x1;
	s2 =	rddreg [dreg:$0x1];
	s3 =	simm.s32 $0x0;
	v28 =	vsel vm14, $0x1, v50;
	v30 =	vsel vm15, $0x1E, v38;
	v31 =	vimm.s32 $0x6060505  }
0x73: {  	s26 =	sadd.s32 $0x9400, s6;
	[smem:$0x7FF] =	sst s3;
	s25 =	sshrl.u32 s4, $0x3;
	v31 =	vunpack.c.0.s8.s32 v31;
	v62 =	vsel vm0, v29, v34;
	v29 =	vunpack.c.l.s4.s8 v39  }
0x74: {  	_ =	strace $0x80000047;
	[dreg:$0x3] =	wrdreg s26;
	s1 =	sadd.s32 s2, s25;
	v32 =	vsel vm15, $0x3E, v32;
	v33 =	vsel vm15, $0x4E, v44;
	v34 =	vsel vm15, $0x5E, v61  }
0x75: {  	s30 =	simm.s32 $0x0;
	[dreg:$0x6] =	wrdreg s0;
	s31 =	sadd.s32 $0xD80, s1;
	v37 =	vsel vm0, v31, v37;
	v31 =	vsel vm15, $0x2E, v41;
	v39 =	vunpack.c.0.s8.s32 v29  }
0x76: {  	s26 =	simm.s32 $0x53A0;
	s1 =	sadd.s32 $0xDA4, s1;
	[dreg:$0x4] =	wrdreg s31;
	v29 =	vsel vm15, $0xE, v36;
	v36 =	vsel vm15, $0x7E, v62;
	v37 =	vsel vm15, $0x6, v37  }
0x77: {  	s8 =	sadd.s32 $0x120, s4;
	s25 =	simm.s32 $0x2;
	[dreg:$0x5] =	wrdreg s1;
	v38 =	vand.u32 $0x3, v39;
	v39 =	vand.u32 $0x3, v40;
	v40 =	vand.u32 $0x3, v45  }
.LBB2_1:
0x78: {  	s0 =	rddreg [dreg:$0x3]  }
0x79: {  	[tilespmem:s3], [sflag:$0x5] =	stream.linear.gather [hbm4b:s0+s3], $0x24C0, $0x38;
	[tilespmem:$0x54C0] =	vst v63  }
0x7a: {  	_ =	swait.ge [sflag:s12], $0x24C0  }
0x7b: {  	[sflag:s12] =	ssyncset.done $0x0  }
0x7c: {  	[sflag:s12] =	ssyncadd.s32 $0xFFFFDB40  }
0x7d: {  	[tilespmem:s13], [sflag:$0x5] =	stream.linear.gather [hbm4b:s6+s3], $0x24C0, $0x38;
	[tilespmem:$0x54C0] =	vst v63  }
0x7e: {  	_ =	swait.ge [sflag:s12], $0x24C0  }
0x7f: {  	[sflag:s12] =	ssyncset.done $0x0  }
0x80: {  	[sflag:s12] =	ssyncadd.s32 $0xFFFFDB40  }
0x81: {  	v41 =	vld.idx.msk [tilespmem:v0+s3+$0x0], $0xffff  }
0x82: {  	v42 =	vld.idx.msk [tilespmem:v0+s13+$0x0], $0xffff;
	_ =	sdelay $0x3  }
0x83: {  	v41 =	vmul.u32 $0x3, v41  }
0x84: {  	v42 =	vmul.u32 $0x3, v42  }
0x85: {  	v41 =	vadd.s32 v38, v41  }
0x86: {  	v52 =	vadd.s32 v38, v42;
	[tilespmem:$0x4980] =	vst v41  }
0x87: {  	[tilespmem:$0x4AA0] =	vst v52  }
0x88: {  	v41 =	vld.idx.msk [tilespmem:v20+s3+$0x0], $0xffff  }
0x89: {  	v53 =	vld.idx.msk [tilespmem:v20+s13+$0x0], $0xffff;
	_ =	sdelay $0x3  }
0x8a: {  	v41 =	vmul.u32 $0x3, v41  }
0x8b: {  	v42 =	vmul.u32 $0x3, v53  }
0x8c: {  	v41 =	vadd.s32 v39, v41  }
0x8d: {  	v54 =	vadd.s32 v39, v42;
	[tilespmem:$0x4990] =	vst v41  }
0x8e: {  	[tilespmem:$0x4AB0] =	vst v54  }
0x8f: {  	v41 =	vld.idx.msk [tilespmem:v29+s3+$0x0], $0xffff  }
0x90: {  	v55 =	vld.idx.msk [tilespmem:v29+s13+$0x0], $0xffff;
	_ =	sdelay $0x3  }
0x91: {  	v41 =	vmul.u32 $0x3, v41  }
0x92: {  	v42 =	vmul.u32 $0x3, v55  }
0x93: {  	v41 =	vadd.s32 v40, v41  }
0x94: {  	v56 =	vadd.s32 v40, v42;
	[tilespmem:$0x49A0] =	vst v41  }
0x95: {  	[tilespmem:$0x4AC0] =	vst v56  }
0x96: {  	v41 =	vld.idx.msk [tilespmem:v1+s3+$0x0], $0xffff  }
0x97: {  	v57 =	vld.idx.msk [tilespmem:v1+s13+$0x0], $0xffff;
	_ =	sdelay $0x3  }
0x98: {  	v41 =	vmul.u32 $0x3, v41  }
0x99: {  	v42 =	vmul.u32 $0x3, v57  }
0x9a: {  	v41 =	vadd.s32 v38, v41  }
0x9b: {  	v58 =	vadd.s32 v38, v42;
	[tilespmem:$0x49B0] =	vst v41  }
0x9c: {  	[tilespmem:$0x4AD0] =	vst v58  }
0x9d: {  	v41 =	vld.idx.msk [tilespmem:v21+s3+$0x0], $0xffff  }
0x9e: {  	v59 =	vld.idx.msk [tilespmem:v21+s13+$0x0], $0xffff;
	_ =	sdelay $0x3  }
0x9f: {  	v41 =	vmul.u32 $0x3, v41  }
0xa0: {  	v42 =	vmul.u32 $0x3, v59  }
0xa1: {  	v41 =	vadd.s32 v39, v41  }
0xa2: {  	v60 =	vadd.s32 v39, v42;
	[tilespmem:$0x49C0] =	vst v41  }
0xa3: {  	[tilespmem:$0x4AE0] =	vst v60  }
0xa4: {  	v41 =	vld.idx.msk [tilespmem:v30+s3+$0x0], $0xffff  }
0xa5: {  	v61 =	vld.idx.msk [tilespmem:v30+s13+$0x0], $0xffff;
	_ =	sdelay $0x3  }
0xa6: {  	v41 =	vmul.u32 $0x3, v41  }
0xa7: {  	v42 =	vmul.u32 $0x3, v61  }
0xa8: {  	v41 =	vadd.s32 v40, v41  }
0xa9: {  	v62 =	vadd.s32 v40, v42;
	[tilespmem:$0x49D0] =	vst v41  }
0xaa: {  	[tilespmem:$0x4AF0] =	vst v62  }
0xab: {  	v41 =	vld.idx.msk [tilespmem:v2+s3+$0x0], $0xffff  }
0xac: {  	v63 =	vld.idx.msk [tilespmem:v2+s13+$0x0], $0xffff;
	_ =	sdelay $0x3  }
0xad: {  	v41 =	vmul.u32 $0x3, v41  }
0xae: {  	v42 =	vmul.u32 $0x3, v63  }
0xaf: {  	v41 =	vadd.s32 v38, v41  }
0xb0: {  	v44 =	vadd.s32 v38, v42;
	[tilespmem:$0x49E0] =	vst v41  }
0xb1: {  	[tilespmem:$0x4B00] =	vst v44  }
0xb2: {  	v41 =	vld.idx.msk [tilespmem:v22+s3+$0x0], $0xffff  }
0xb3: {  	v45 =	vld.idx.msk [tilespmem:v22+s13+$0x0], $0xffff;
	_ =	sdelay $0x3  }
0xb4: {  	v41 =	vmul.u32 $0x3, v41  }
0xb5: {  	v42 =	vmul.u32 $0x3, v45  }
0xb6: {  	v41 =	vadd.s32 v39, v41  }
0xb7: {  	v46 =	vadd.s32 v39, v42;
	[tilespmem:$0x49F0] =	vst v41  }
0xb8: {  	[tilespmem:$0x4B10] =	vst v46  }
0xb9: {  	v41 =	vld.idx.msk [tilespmem:v31+s3+$0x0], $0xffff  }
0xba: {  	v47 =	vld.idx.msk [tilespmem:v31+s13+$0x0], $0xffff;
	_ =	sdelay $0x3  }
0xbb: {  	v41 =	vmul.u32 $0x3, v41  }
0xbc: {  	v42 =	vmul.u32 $0x3, v47  }
0xbd: {  	v41 =	vadd.s32 v40, v41  }
0xbe: {  	v48 =	vadd.s32 v40, v42;
	[tilespmem:$0x4A00] =	vst v41  }
0xbf: {  	[tilespmem:$0x4B20] =	vst v48  }
0xc0: {  	v41 =	vld.idx.msk [tilespmem:v3+s3+$0x0], $0xffff  }
0xc1: {  	v49 =	vld.idx.msk [tilespmem:v3+s13+$0x0], $0xffff;
	_ =	sdelay $0x3  }
0xc2: {  	v41 =	vmul.u32 $0x3, v41  }
0xc3: {  	v42 =	vmul.u32 $0x3, v49  }
0xc4: {  	v41 =	vadd.s32 v38, v41  }
0xc5: {  	v50 =	vadd.s32 v38, v42;
	[tilespmem:$0x4A10] =	vst v41  }
0xc6: {  	[tilespmem:$0x4B30] =	vst v50  }
0xc7: {  	v41 =	vld.idx.msk [tilespmem:v23+s3+$0x0], $0xffff  }
0xc8: {  	v51 =	vld.idx.msk [tilespmem:v23+s13+$0x0], $0xffff;
	_ =	sdelay $0x3  }
0xc9: {  	v41 =	vmul.u32 $0x3, v41  }
0xca: {  	v42 =	vmul.u32 $0x3, v51  }
0xcb: {  	v41 =	vadd.s32 v39, v41  }
0xcc: {  	v52 =	vadd.s32 v39, v42;
	[tilespmem:$0x4A20] =	vst v41  }
0xcd: {  	[tilespmem:$0x4B40] =	vst v52  }
0xce: {  	v41 =	vld.idx.msk [tilespmem:v32+s3+$0x0], $0xffff  }
0xcf: {  	v53 =	vld.idx.msk [tilespmem:v32+s13+$0x0], $0xffff;
	_ =	sdelay $0x3  }
0xd0: {  	v41 =	vmul.u32 $0x3, v41  }
0xd1: {  	v42 =	vmul.u32 $0x3, v53  }
0xd2: {  	v41 =	vadd.s32 v40, v41  }
0xd3: {  	v54 =	vadd.s32 v40, v42;
	[tilespmem:$0x4A30] =	vst v41  }
0xd4: {  	[tilespmem:$0x4B50] =	vst v54  }
0xd5: {  	v41 =	vld.idx.msk [tilespmem:v4+s3+$0x0], $0xffff  }
0xd6: {  	v55 =	vld.idx.msk [tilespmem:v4+s13+$0x0], $0xffff;
	_ =	sdelay $0x3  }
0xd7: {  	v41 =	vmul.u32 $0x3, v41  }
0xd8: {  	v42 =	vmul.u32 $0x3, v55  }
0xd9: {  	v41 =	vadd.s32 v38, v41  }
0xda: {  	v56 =	vadd.s32 v38, v42;
	[tilespmem:$0x4A40] =	vst v41  }
0xdb: {  	[tilespmem:$0x4B60] =	vst v56  }
0xdc: {  	v41 =	vld.idx.msk [tilespmem:v24+s3+$0x0], $0xffff  }
0xdd: {  	v57 =	vld.idx.msk [tilespmem:v24+s13+$0x0], $0xffff;
	_ =	sdelay $0x3  }
0xde: {  	v41 =	vmul.u32 $0x3, v41  }
0xdf: {  	v42 =	vmul.u32 $0x3, v57  }
0xe0: {  	v41 =	vadd.s32 v39, v41  }
0xe1: {  	v58 =	vadd.s32 v39, v42;
	[tilespmem:$0x4A50] =	vst v41  }
0xe2: {  	[tilespmem:$0x4B70] =	vst v58  }
0xe3: {  	v41 =	vld.idx.msk [tilespmem:v33+s3+$0x0], $0xffff  }
0xe4: {  	v59 =	vld.idx.msk [tilespmem:v33+s13+$0x0], $0xffff;
	_ =	sdelay $0x3  }
0xe5: {  	v41 =	vmul.u32 $0x3, v41  }
0xe6: {  	v42 =	vmul.u32 $0x3, v59  }
0xe7: {  	v41 =	vadd.s32 v40, v41  }
0xe8: {  	v60 =	vadd.s32 v40, v42;
	[tilespmem:$0x4A60] =	vst v41  }
0xe9: {  	[tilespmem:$0x4B80] =	vst v60  }
0xea: {  	v41 =	vld.idx.msk [tilespmem:v5+s3+$0x0], $0xffff  }
0xeb: {  	v61 =	vld.idx.msk [tilespmem:v5+s13+$0x0], $0xffff;
	_ =	sdelay $0x3  }
0xec: {  	v41 =	vmul.u32 $0x3, v41  }
0xed: {  	v42 =	vmul.u32 $0x3, v61  }
0xee: {  	v41 =	vadd.s32 v38, v41  }
0xef: {  	v62 =	vadd.s32 v38, v42;
	[tilespmem:$0x4A70] =	vst v41  }
0xf0: {  	[tilespmem:$0x4B90] =	vst v62  }
0xf1: {  	v41 =	vld.idx.msk [tilespmem:v25+s3+$0x0], $0xffff  }
0xf2: {  	v63 =	vld.idx.msk [tilespmem:v25+s13+$0x0], $0xffff;
	_ =	sdelay $0x3  }
0xf3: {  	v41 =	vmul.u32 $0x3, v41  }
0xf4: {  	v42 =	vmul.u32 $0x3, v63  }
0xf5: {  	v41 =	vadd.s32 v39, v41  }
0xf6: {  	v44 =	vadd.s32 v39, v42;
	[tilespmem:$0x4A80] =	vst v41  }
0xf7: {  	[tilespmem:$0x4BA0] =	vst v44  }
0xf8: {  	v41 =	vld.idx.msk [tilespmem:v34+s3+$0x0], $0xffff  }
0xf9: {  	v45 =	vld.idx.msk [tilespmem:v34+s13+$0x0], $0xffff;
	_ =	sdelay $0x3  }
0xfa: {  	v41 =	vmul.u32 $0x3, v41  }
0xfb: {  	v42 =	vmul.u32 $0x3, v45  }
0xfc: {  	v41 =	vadd.s32 v40, v41  }
0xfd: {  	v46 =	vadd.s32 v40, v42;
	[tilespmem:$0x4A90] =	vst v41  }
0xfe: {  	[tilespmem:$0x4BB0] =	vst v46  }
0xff: {  	[tilespmem:s16], [sflag:$0x1] =	stream.indirect.gather [hbm4b:s5+s14], $0x1, s15, s14, $0xb8;
	[tilespmem:$0x54C0] =	vst v63  }
0x100: {  	_ = 	snop  }
0x101: {  	[tilespmem:s18], [sflag:$0x1] =	stream.indirect.gather [hbm4b:s5+s14], $0x1, s17, s14, $0xb8;
	[tilespmem:$0x54C0] =	vst v63  }
0x102: {  	v41 =	vld.idx.msk [tilespmem:v6+s3+$0x0], $0xffff  }
0x103: {  	v47 =	vld.idx.msk [tilespmem:v6+s13+$0x0], $0xffff;
	_ =	sdelay $0x3  }
0x104: {  	v41 =	vmul.u32 $0x3, v41  }
0x105: {  	v42 =	vmul.u32 $0x3, v47  }
0x106: {  	v41 =	vadd.s32 v38, v41  }
0x107: {  	v48 =	vadd.s32 v38, v42;
	[tilespmem:$0x4BC0] =	vst v41  }
0x108: {  	[tilespmem:$0x4CE0] =	vst v48  }
0x109: {  	v41 =	vld.idx.msk [tilespmem:v26+s3+$0x0], $0xffff  }
0x10a: {  	v49 =	vld.idx.msk [tilespmem:v26+s13+$0x0], $0xffff;
	_ =	sdelay $0x3  }
0x10b: {  	v41 =	vmul.u32 $0x3, v41  }
0x10c: {  	v42 =	vmul.u32 $0x3, v49  }
0x10d: {  	v41 =	vadd.s32 v39, v41  }
0x10e: {  	v50 =	vadd.s32 v39, v42;
	[tilespmem:$0x4BD0] =	vst v41  }
0x10f: {  	[tilespmem:$0x4CF0] =	vst v50  }
0x110: {  	v41 =	vld.idx.msk [tilespmem:v35+s3+$0x0], $0xffff  }
0x111: {  	v51 =	vld.idx.msk [tilespmem:v35+s13+$0x0], $0xffff;
	_ =	sdelay $0x3  }
0x112: {  	v41 =	vmul.u32 $0x3, v41  }
0x113: {  	v42 =	vmul.u32 $0x3, v51  }
0x114: {  	v41 =	vadd.s32 v40, v41  }
0x115: {  	v52 =	vadd.s32 v40, v42;
	[tilespmem:$0x4BE0] =	vst v41  }
0x116: {  	[tilespmem:$0x4D00] =	vst v52  }
0x117: {  	v41 =	vld.idx.msk [tilespmem:v7+s3+$0x0], $0xffff  }
0x118: {  	v53 =	vld.idx.msk [tilespmem:v7+s13+$0x0], $0xffff;
	_ =	sdelay $0x3  }
0x119: {  	v41 =	vmul.u32 $0x3, v41  }
0x11a: {  	v42 =	vmul.u32 $0x3, v53  }
0x11b: {  	v41 =	vadd.s32 v38, v41  }
0x11c: {  	v54 =	vadd.s32 v38, v42;
	[tilespmem:$0x4BF0] =	vst v41  }
0x11d: {  	[tilespmem:$0x4D10] =	vst v54  }
0x11e: {  	v41 =	vld.idx.msk [tilespmem:v27+s3+$0x0], $0xffff  }
0x11f: {  	v55 =	vld.idx.msk [tilespmem:v27+s13+$0x0], $0xffff;
	_ =	sdelay $0x3  }
0x120: {  	v41 =	vmul.u32 $0x3, v41  }
0x121: {  	v42 =	vmul.u32 $0x3, v55  }
0x122: {  	v41 =	vadd.s32 v39, v41  }
0x123: {  	v56 =	vadd.s32 v39, v42;
	[tilespmem:$0x4C00] =	vst v41  }
0x124: {  	[tilespmem:$0x4D20] =	vst v56  }
0x125: {  	v41 =	vld.idx.msk [tilespmem:v36+s3+$0x0], $0xffff  }
0x126: {  	v57 =	vld.idx.msk [tilespmem:v36+s13+$0x0], $0xffff;
	_ =	sdelay $0x3  }
0x127: {  	v41 =	vmul.u32 $0x3, v41  }
0x128: {  	v42 =	vmul.u32 $0x3, v57  }
0x129: {  	v41 =	vadd.s32 v40, v41  }
0x12a: {  	v58 =	vadd.s32 v40, v42;
	[tilespmem:$0x4C10] =	vst v41  }
0x12b: {  	[tilespmem:$0x4D30] =	vst v58  }
0x12c: {  	v41 =	vld.idx.msk [tilespmem:v8+s3+$0x0], $0xffff  }
0x12d: {  	v59 =	vld.idx.msk [tilespmem:v8+s13+$0x0], $0xffff;
	_ =	sdelay $0x3  }
0x12e: {  	v41 =	vmul.u32 $0x3, v41  }
0x12f: {  	v42 =	vmul.u32 $0x3, v59  }
0x130: {  	v41 =	vadd.s32 v38, v41  }
0x131: {  	v60 =	vadd.s32 v38, v42;
	[tilespmem:$0x4C20] =	vst v41  }
0x132: {  	[tilespmem:$0x4D40] =	vst v60  }
0x133: {  	v41 =	vld.idx.msk [tilespmem:v12+s3+$0x0], $0xffff  }
0x134: {  	v61 =	vld.idx.msk [tilespmem:v12+s13+$0x0], $0xffff;
	_ =	sdelay $0x3  }
0x135: {  	v41 =	vmul.u32 $0x3, v41  }
0x136: {  	v42 =	vmul.u32 $0x3, v61  }
0x137: {  	v41 =	vadd.s32 v39, v41  }
0x138: {  	v62 =	vadd.s32 v39, v42;
	[tilespmem:$0x4C30] =	vst v41  }
0x139: {  	[tilespmem:$0x4D50] =	vst v62  }
0x13a: {  	v41 =	vld.idx.msk [tilespmem:v16+s3+$0x0], $0xffff  }
0x13b: {  	v63 =	vld.idx.msk [tilespmem:v16+s13+$0x0], $0xffff;
	_ =	sdelay $0x3  }
0x13c: {  	v41 =	vmul.u32 $0x3, v41  }
0x13d: {  	v42 =	vmul.u32 $0x3, v63  }
0x13e: {  	v41 =	vadd.s32 v40, v41  }
0x13f: {  	v45 =	vadd.s32 v40, v42;
	[tilespmem:$0x4C40] =	vst v41  }
0x140: {  	[tilespmem:$0x4D60] =	vst v45  }
0x141: {  	v41 =	vld.idx.msk [tilespmem:v9+s3+$0x0], $0xffff  }
0x142: {  	v46 =	vld.idx.msk [tilespmem:v9+s13+$0x0], $0xffff;
	_ =	sdelay $0x3  }
0x143: {  	v41 =	vmul.u32 $0x3, v41  }
0x144: {  	v42 =	vmul.u32 $0x3, v46  }
0x145: {  	v41 =	vadd.s32 v38, v41  }
0x146: {  	v47 =	vadd.s32 v38, v42;
	[tilespmem:$0x4C50] =	vst v41  }
0x147: {  	[tilespmem:$0x4D70] =	vst v47  }
0x148: {  	v41 =	vld.idx.msk [tilespmem:v13+s3+$0x0], $0xffff  }
0x149: {  	v48 =	vld.idx.msk [tilespmem:v13+s13+$0x0], $0xffff;
	_ =	sdelay $0x3  }
0x14a: {  	v41 =	vmul.u32 $0x3, v41  }
0x14b: {  	v42 =	vmul.u32 $0x3, v48  }
0x14c: {  	v41 =	vadd.s32 v39, v41  }
0x14d: {  	v49 =	vadd.s32 v39, v42;
	[tilespmem:$0x4C60] =	vst v41  }
0x14e: {  	[tilespmem:$0x4D80] =	vst v49  }
0x14f: {  	v41 =	vld.idx.msk [tilespmem:v17+s3+$0x0], $0xffff  }
0x150: {  	v50 =	vld.idx.msk [tilespmem:v17+s13+$0x0], $0xffff;
	_ =	sdelay $0x3  }
0x151: {  	v41 =	vmul.u32 $0x3, v41  }
0x152: {  	v42 =	vmul.u32 $0x3, v50  }
0x153: {  	v41 =	vadd.s32 v40, v41  }
0x154: {  	v51 =	vadd.s32 v40, v42;
	[tilespmem:$0x4C70] =	vst v41  }
0x155: {  	[tilespmem:$0x4D90] =	vst v51  }
0x156: {  	v41 =	vld.idx.msk [tilespmem:v10+s3+$0x0], $0xffff  }
0x157: {  	v52 =	vld.idx.msk [tilespmem:v10+s13+$0x0], $0xffff;
	_ =	sdelay $0x3  }
0x158: {  	v41 =	vmul.u32 $0x3, v41  }
0x159: {  	v42 =	vmul.u32 $0x3, v52  }
0x15a: {  	v41 =	vadd.s32 v38, v41  }
0x15b: {  	v53 =	vadd.s32 v38, v42;
	[tilespmem:$0x4C80] =	vst v41  }
0x15c: {  	[tilespmem:$0x4DA0] =	vst v53  }
0x15d: {  	v41 =	vld.idx.msk [tilespmem:v14+s3+$0x0], $0xffff  }
0x15e: {  	v54 =	vld.idx.msk [tilespmem:v14+s13+$0x0], $0xffff;
	_ =	sdelay $0x3  }
0x15f: {  	v41 =	vmul.u32 $0x3, v41  }
0x160: {  	v42 =	vmul.u32 $0x3, v54  }
0x161: {  	v41 =	vadd.s32 v39, v41  }
0x162: {  	v55 =	vadd.s32 v39, v42;
	[tilespmem:$0x4C90] =	vst v41  }
0x163: {  	[tilespmem:$0x4DB0] =	vst v55  }
0x164: {  	v41 =	vld.idx.msk [tilespmem:v18+s3+$0x0], $0xffff  }
0x165: {  	v56 =	vld.idx.msk [tilespmem:v18+s13+$0x0], $0xffff;
	_ =	sdelay $0x3  }
0x166: {  	v41 =	vmul.u32 $0x3, v41  }
0x167: {  	v42 =	vmul.u32 $0x3, v56  }
0x168: {  	v41 =	vadd.s32 v40, v41  }
0x169: {  	v57 =	vadd.s32 v40, v42;
	[tilespmem:$0x4CA0] =	vst v41  }
0x16a: {  	[tilespmem:$0x4DC0] =	vst v57  }
0x16b: {  	v41 =	vld.idx.msk [tilespmem:v11+s3+$0x0], $0xffff  }
0x16c: {  	v58 =	vld.idx.msk [tilespmem:v11+s13+$0x0], $0xffff;
	_ =	sdelay $0x3  }
0x16d: {  	v41 =	vmul.u32 $0x3, v41  }
0x16e: {  	v42 =	vmul.u32 $0x3, v58  }
0x16f: {  	v41 =	vadd.s32 v38, v41  }
0x170: {  	v59 =	vadd.s32 v38, v42;
	[tilespmem:$0x4CB0] =	vst v41  }
0x171: {  	[tilespmem:$0x4DD0] =	vst v59  }
0x172: {  	v41 =	vld.idx.msk [tilespmem:v15+s3+$0x0], $0xffff  }
0x173: {  	v60 =	vld.idx.msk [tilespmem:v15+s13+$0x0], $0xffff;
	_ =	sdelay $0x3  }
0x174: {  	v41 =	vmul.u32 $0x3, v41  }
0x175: {  	v42 =	vmul.u32 $0x3, v60  }
0x176: {  	v41 =	vadd.s32 v39, v41  }
0x177: {  	v61 =	vadd.s32 v39, v42;
	[tilespmem:$0x4CC0] =	vst v41  }
0x178: {  	[tilespmem:$0x4DE0] =	vst v61  }
0x179: {  	v41 =	vld.idx.msk [tilespmem:v19+s3+$0x0], $0xffff  }
0x17a: {  	v62 =	vld.idx.msk [tilespmem:v19+s13+$0x0], $0xffff;
	_ =	sdelay $0x3  }
0x17b: {  	v41 =	vmul.u32 $0x3, v41  }
0x17c: {  	v42 =	vmul.u32 $0x3, v62  }
0x17d: {  	v41 =	vadd.s32 v40, v41  }
0x17e: {  	v63 =	vadd.s32 v40, v42;
	[tilespmem:$0x4CD0] =	vst v41  }
0x17f: {  	[tilespmem:$0x4DF0] =	vst v63  }
0x180: {  	[tilespmem:s20], [sflag:$0x2] =	stream.indirect.gather [hbm4b:s5+s14], $0x1, s19, s14, $0xb8;
	[tilespmem:$0x54C0] =	vst v63  }
0x181: {  	s31 =	simm.s32 $0x0  }
0x182: {  	[tilespmem:s22], [sflag:$0x2] =	stream.indirect.gather [hbm4b:s5+s14], $0x1, s21, s14, $0xb8;
	[tilespmem:$0x54C0] =	vst v63  }
.LBB2_2:
0x183: {  	_ =	swait.ge [sflag:s23], $0x120  }
0x184: {  	[sflag:s23] =	ssyncset.done $0x0  }
0x185: {  	[sflag:s23] =	ssyncadd.s32 $0xFFFFFEE0  }
0x186: {  	_ =	swait.ge [sflag:s23], $0x120  }
0x187: {  	p0 =	seq.s32 s31, $0x0;
	[sflag:s23] =	ssyncset.done $0x0  }
0x188: {  	s0 =	simm.s32 @!p0 $0x3;
	[sflag:s23] =	ssyncadd.s32 $0xFFFFFEE0  }
0x189: {  	_ =	swait.ge @!p0 [sflag:s0], $0x120  }
0x18a: {  	[sflag:s0] =	ssyncset.done @!p0 $0x0  }
0x18b: {  	s10 =	simm.s32 $0x5050;
	[sflag:s0] =	ssyncadd.s32 @!p0 $0xFFFFFEE0  }
0x18c: {  	s1 =	simm.s32 $0x4E10;
	v41 =	vld [tilespmem:s10+$0x0]  }
0x18d: {  	v42 =	vld [tilespmem:s1+$0x0]  }
0x18e: {  	v43 =	vld [tilespmem:s1+$0xFFFFFFF0]  }
0x18f: {  	v44 =	vld [tilespmem:s10+$0xFFFFFFF0];
	_ =	sdelay $0x1  }
0x190: {  	s11 =	simm.s32 $0x4E30  }
0x191: {  	s0 =	simm.s32 $0x5070;
	v45 =	vadd.f32 v41, v42;
	v42 =	vld [tilespmem:s11+$0xFFFFFFF0]  }
0x192: {  	v41 =	vld [tilespmem:s0+$0x0]  }
0x193: {  	v46 =	vadd.f32 v44, v43;
	v44 =	vld [tilespmem:s11+$0x0];
	v47 =	vmul.f32 $5.000000000e-01, v45  }
0x194: {  	s7 =	simm.s32 $0x5290;
	v43 =	vld [tilespmem:s0+$0xFFFFFFF0]  }
0x195: {  	s9 =	simm.s32 $0x4E50;
	s1 =	simm.s32 $0x2;
	v45 =	vmul.f32 $5.000000000e-01, v46;
	[tilespmem:s7+$0x0] =	vst v47  }
.LBB2_3:
0x196: {  	s1 =	sadd.s32 $0x2, s1  }
0x197: {  	v46 =	vld [tilespmem:s9+$0xFFFFFFF0];
	s0 =	sadd.s32 $0x20, s0;
	[tilespmem:s7+$0xFFFFFFF0] =	vst v45;
	s7 =	sadd.s32 $0x20, s7;
	p1 =	slt.u32 s1, $0x10  }
.Ltmp0:
0x198: {  	v45 =	vadd.f32 v41, v44;
	v41 =	vld [tilespmem:s0+$0x0];
	(pc) =	sbr.rel @p1 .LBB2_3-.Ltmp0, $4  }
0x199: {  	v44 =	vld [tilespmem:s9+$0x0];
	v48 =	vadd.f32 v43, v42  }
0x19a: {  	v43 =	vld [tilespmem:s0+$0xFFFFFFF0];
	v47 =	vmul.f32 $5.000000000e-01, v45  }
0x19b: {  	v45 =	vmul.f32 $5.000000000e-01, v48  }
0x19c: {  	s9 =	sadd.s32 $0x20, s9;
	[tilespmem:s7+$0x0] =	vst v47;
	v42 =	vmov v46  }
0x19d: {  	s0 =	smul.u32 $0xC0, s31;
	_ =	sdelay $0x1  }
0x19e: {  	v41 =	vadd.f32 v41, v44;
	s1 =	sadd.s32 $0xC0, s0  }
0x19f: {  	v42 =	vadd.f32 v43, v42;
	v63 =	vor.u32 s1, v0  }
0x1a0: {  	v41 =	vmul.f32 $5.000000000e-01, v41  }
0x1a1: {  	[tilespmem:s7+$0xFFFFFFF0] =	vst v45;
	s9 =	sadd.s32 $0x20, s7;
	v42 =	vmul.f32 $5.000000000e-01, v42  }
0x1a2: {  	[tilespmem:s9+$0x0] =	vst v41  }
0x1a3: {  	[tilespmem:s9+$0xFFFFFFF0] =	vst v42  }
0x1a4: {  	v41 =	vld.idx.msk [tilespmem:v63+s3+$0x0], $0xffff  }
0x1a5: {  	v42 =	vld.idx.msk [tilespmem:v63+s13+$0x0], $0xffff;
	_ =	sdelay $0x3  }
0x1a6: {  	v46 =	vor.u32 s1, v20;
	v41 =	vmul.u32 $0x3, v41  }
0x1a7: {  	v42 =	vmul.u32 $0x3, v42  }
0x1a8: {  	v41 =	vadd.s32 v38, v41  }
0x1a9: {  	v47 =	vadd.s32 v38, v42;
	[tilespmem:$0x4980] =	vst v41  }
0x1aa: {  	[tilespmem:$0x4AA0] =	vst v47  }
0x1ab: {  	v41 =	vld.idx.msk [tilespmem:v46+s3+$0x0], $0xffff  }
0x1ac: {  	v48 =	vld.idx.msk [tilespmem:v46+s13+$0x0], $0xffff;
	_ =	sdelay $0x3  }
0x1ad: {  	v49 =	vor.u32 s1, v29;
	v41 =	vmul.u32 $0x3, v41  }
0x1ae: {  	v42 =	vmul.u32 $0x3, v48  }
0x1af: {  	v41 =	vadd.s32 v39, v41  }
0x1b0: {  	v50 =	vadd.s32 v39, v42;
	[tilespmem:$0x4990] =	vst v41  }
0x1b1: {  	[tilespmem:$0x4AB0] =	vst v50  }
0x1b2: {  	v41 =	vld.idx.msk [tilespmem:v49+s3+$0x0], $0xffff  }
0x1b3: {  	v51 =	vld.idx.msk [tilespmem:v49+s13+$0x0], $0xffff;
	_ =	sdelay $0x3  }
0x1b4: {  	v52 =	vor.u32 s1, v1;
	v41 =	vmul.u32 $0x3, v41  }
0x1b5: {  	v42 =	vmul.u32 $0x3, v51  }
0x1b6: {  	v41 =	vadd.s32 v40, v41  }
0x1b7: {  	v53 =	vadd.s32 v40, v42;
	[tilespmem:$0x49A0] =	vst v41  }
0x1b8: {  	[tilespmem:$0x4AC0] =	vst v53  }
0x1b9: {  	v41 =	vld.idx.msk [tilespmem:v52+s3+$0x0], $0xffff  }
0x1ba: {  	v54 =	vld.idx.msk [tilespmem:v52+s13+$0x0], $0xffff;
	_ =	sdelay $0x3  }
0x1bb: {  	v55 =	vor.u32 s1, v21;
	v41 =	vmul.u32 $0x3, v41  }
0x1bc: {  	v42 =	vmul.u32 $0x3, v54  }
0x1bd: {  	v41 =	vadd.s32 v38, v41  }
0x1be: {  	v56 =	vadd.s32 v38, v42;
	[tilespmem:$0x49B0] =	vst v41  }
0x1bf: {  	[tilespmem:$0x4AD0] =	vst v56  }
0x1c0: {  	v41 =	vld.idx.msk [tilespmem:v55+s3+$0x0], $0xffff  }
0x1c1: {  	v57 =	vld.idx.msk [tilespmem:v55+s13+$0x0], $0xffff;
	_ =	sdelay $0x3  }
0x1c2: {  	v58 =	vor.u32 s1, v30;
	v41 =	vmul.u32 $0x3, v41  }
0x1c3: {  	v42 =	vmul.u32 $0x3, v57  }
0x1c4: {  	v41 =	vadd.s32 v39, v41  }
0x1c5: {  	v59 =	vadd.s32 v39, v42;
	[tilespmem:$0x49C0] =	vst v41  }
0x1c6: {  	[tilespmem:$0x4AE0] =	vst v59  }
0x1c7: {  	v41 =	vld.idx.msk [tilespmem:v58+s3+$0x0], $0xffff  }
0x1c8: {  	v60 =	vld.idx.msk [tilespmem:v58+s13+$0x0], $0xffff;
	_ =	sdelay $0x3  }
0x1c9: {  	v61 =	vor.u32 s1, v2;
	v41 =	vmul.u32 $0x3, v41  }
0x1ca: {  	v42 =	vmul.u32 $0x3, v60  }
0x1cb: {  	v41 =	vadd.s32 v40, v41  }
0x1cc: {  	v62 =	vadd.s32 v40, v42;
	[tilespmem:$0x49D0] =	vst v41  }
0x1cd: {  	[tilespmem:$0x4AF0] =	vst v62  }
0x1ce: {  	v41 =	vld.idx.msk [tilespmem:v61+s3+$0x0], $0xffff  }
0x1cf: {  	v63 =	vld.idx.msk [tilespmem:v61+s13+$0x0], $0xffff;
	_ =	sdelay $0x3  }
0x1d0: {  	v45 =	vor.u32 s1, v22;
	v41 =	vmul.u32 $0x3, v41  }
0x1d1: {  	v42 =	vmul.u32 $0x3, v63  }
0x1d2: {  	v41 =	vadd.s32 v38, v41  }
0x1d3: {  	v46 =	vadd.s32 v38, v42;
	[tilespmem:$0x49E0] =	vst v41  }
0x1d4: {  	[tilespmem:$0x4B00] =	vst v46  }
0x1d5: {  	v41 =	vld.idx.msk [tilespmem:v45+s3+$0x0], $0xffff  }
0x1d6: {  	v47 =	vld.idx.msk [tilespmem:v45+s13+$0x0], $0xffff;
	_ =	sdelay $0x3  }
0x1d7: {  	v48 =	vor.u32 s1, v31;
	v41 =	vmul.u32 $0x3, v41  }
0x1d8: {  	v42 =	vmul.u32 $0x3, v47  }
0x1d9: {  	v41 =	vadd.s32 v39, v41  }
0x1da: {  	v49 =	vadd.s32 v39, v42;
	[tilespmem:$0x49F0] =	vst v41  }
0x1db: {  	[tilespmem:$0x4B10] =	vst v49  }
0x1dc: {  	v41 =	vld.idx.msk [tilespmem:v48+s3+$0x0], $0xffff  }
0x1dd: {  	v50 =	vld.idx.msk [tilespmem:v48+s13+$0x0], $0xffff;
	_ =	sdelay $0x3  }
0x1de: {  	v51 =	vor.u32 s1, v3;
	v41 =	vmul.u32 $0x3, v41  }
0x1df: {  	v42 =	vmul.u32 $0x3, v50  }
0x1e0: {  	v41 =	vadd.s32 v40, v41  }
0x1e1: {  	v52 =	vadd.s32 v40, v42;
	[tilespmem:$0x4A00] =	vst v41  }
0x1e2: {  	[tilespmem:$0x4B20] =	vst v52  }
0x1e3: {  	v41 =	vld.idx.msk [tilespmem:v51+s3+$0x0], $0xffff  }
0x1e4: {  	v53 =	vld.idx.msk [tilespmem:v51+s13+$0x0], $0xffff;
	_ =	sdelay $0x3  }
0x1e5: {  	v54 =	vor.u32 s1, v23;
	v41 =	vmul.u32 $0x3, v41  }
0x1e6: {  	v42 =	vmul.u32 $0x3, v53  }
0x1e7: {  	v41 =	vadd.s32 v38, v41  }
0x1e8: {  	v55 =	vadd.s32 v38, v42;
	[tilespmem:$0x4A10] =	vst v41  }
0x1e9: {  	[tilespmem:$0x4B30] =	vst v55  }
0x1ea: {  	v41 =	vld.idx.msk [tilespmem:v54+s3+$0x0], $0xffff  }
0x1eb: {  	v56 =	vld.idx.msk [tilespmem:v54+s13+$0x0], $0xffff;
	_ =	sdelay $0x3  }
0x1ec: {  	v57 =	vor.u32 s1, v32;
	v41 =	vmul.u32 $0x3, v41  }
0x1ed: {  	v42 =	vmul.u32 $0x3, v56  }
0x1ee: {  	v41 =	vadd.s32 v39, v41  }
0x1ef: {  	v58 =	vadd.s32 v39, v42;
	[tilespmem:$0x4A20] =	vst v41  }
0x1f0: {  	[tilespmem:$0x4B40] =	vst v58  }
0x1f1: {  	v41 =	vld.idx.msk [tilespmem:v57+s3+$0x0], $0xffff  }
0x1f2: {  	v59 =	vld.idx.msk [tilespmem:v57+s13+$0x0], $0xffff;
	_ =	sdelay $0x1  }
0x1f3: {  	v60 =	vadd.s32 s1, v4  }
0x1f4: {  	v43 =	vand.u32 $0xFFC0, v60  }
0x1f5: {  	v43 =	vor.u32 v0, v43;
	v41 =	vmul.u32 $0x3, v41  }
0x1f6: {  	v42 =	vmul.u32 $0x3, v59  }
0x1f7: {  	v41 =	vadd.s32 v40, v41  }
0x1f8: {  	v61 =	vadd.s32 v40, v42;
	[tilespmem:$0x4A30] =	vst v41  }
0x1f9: {  	[tilespmem:$0x4B50] =	vst v61  }
0x1fa: {  	v41 =	vld.idx.msk [tilespmem:v43+s3+$0x0], $0xffff  }
0x1fb: {  	v62 =	vld.idx.msk [tilespmem:v43+s13+$0x0], $0xffff;
	_ =	sdelay $0x1  }
0x1fc: {  	v63 =	vadd.s32 s1, v24  }
0x1fd: {  	v43 =	vand.u32 $0xFFC8, v63  }
0x1fe: {  	v43 =	vor.u32 v28, v43;
	v41 =	vmul.u32 $0x3, v41  }
0x1ff: {  	v42 =	vmul.u32 $0x3, v62  }
0x200: {  	v41 =	vadd.s32 v38, v41  }
0x201: {  	v44 =	vadd.s32 v38, v42;
	[tilespmem:$0x4A40] =	vst v41  }
0x202: {  	[tilespmem:$0x4B60] =	vst v44  }
0x203: {  	v41 =	vld.idx.msk [tilespmem:v43+s3+$0x0], $0xffff  }
0x204: {  	v45 =	vld.idx.msk [tilespmem:v43+s13+$0x0], $0xffff;
	_ =	sdelay $0x1  }
0x205: {  	v46 =	vadd.s32 s1, v33  }
0x206: {  	v43 =	vand.u32 $0xFFC8, v46  }
0x207: {  	v43 =	vor.u32 v37, v43;
	v41 =	vmul.u32 $0x3, v41  }
0x208: {  	v42 =	vmul.u32 $0x3, v45  }
0x209: {  	v41 =	vadd.s32 v39, v41  }
0x20a: {  	v47 =	vadd.s32 v39, v42;
	[tilespmem:$0x4A50] =	vst v41  }
0x20b: {  	[tilespmem:$0x4B70] =	vst v47  }
0x20c: {  	v41 =	vld.idx.msk [tilespmem:v43+s3+$0x0], $0xffff  }
0x20d: {  	v48 =	vld.idx.msk [tilespmem:v43+s13+$0x0], $0xffff;
	_ =	sdelay $0x1  }
0x20e: {  	v49 =	vadd.s32 s1, v5  }
0x20f: {  	v43 =	vand.u32 $0xFFD0, v49  }
0x210: {  	v43 =	vor.u32 v0, v43;
	v41 =	vmul.u32 $0x3, v41  }
0x211: {  	v42 =	vmul.u32 $0x3, v48  }
0x212: {  	v41 =	vadd.s32 v40, v41  }
0x213: {  	v50 =	vadd.s32 v40, v42;
	[tilespmem:$0x4A60] =	vst v41  }
0x214: {  	[tilespmem:$0x4B80] =	vst v50  }
0x215: {  	v41 =	vld.idx.msk [tilespmem:v43+s3+$0x0], $0xffff  }
0x216: {  	v51 =	vld.idx.msk [tilespmem:v43+s13+$0x0], $0xffff;
	_ =	sdelay $0x1  }
0x217: {  	v52 =	vadd.s32 s1, v25  }
0x218: {  	v43 =	vand.u32 $0xFFD8, v52  }
0x219: {  	v43 =	vor.u32 v28, v43;
	v41 =	vmul.u32 $0x3, v41  }
0x21a: {  	v42 =	vmul.u32 $0x3, v51  }
0x21b: {  	v41 =	vadd.s32 v38, v41  }
0x21c: {  	v53 =	vadd.s32 v38, v42;
	[tilespmem:$0x4A70] =	vst v41  }
0x21d: {  	[tilespmem:$0x4B90] =	vst v53  }
0x21e: {  	v41 =	vld.idx.msk [tilespmem:v43+s3+$0x0], $0xffff  }
0x21f: {  	v54 =	vld.idx.msk [tilespmem:v43+s13+$0x0], $0xffff;
	_ =	sdelay $0x1  }
0x220: {  	v55 =	vadd.s32 s1, v34  }
0x221: {  	v43 =	vand.u32 $0xFFD8, v55  }
0x222: {  	v43 =	vor.u32 v37, v43;
	v41 =	vmul.u32 $0x3, v41  }
0x223: {  	v42 =	vmul.u32 $0x3, v54  }
0x224: {  	v41 =	vadd.s32 v39, v41  }
0x225: {  	v56 =	vadd.s32 v39, v42;
	[tilespmem:$0x4A80] =	vst v41  }
0x226: {  	[tilespmem:$0x4BA0] =	vst v56  }
0x227: {  	v41 =	vld.idx.msk [tilespmem:v43+s3+$0x0], $0xffff  }
0x228: {  	v57 =	vld.idx.msk [tilespmem:v43+s13+$0x0], $0xffff;
	_ =	sdelay $0x3  }
0x229: {  	v41 =	vmul.u32 $0x3, v41  }
0x22a: {  	v42 =	vmul.u32 $0x3, v57  }
0x22b: {  	s1 =	smul.u32 $0x240, s31;
	v41 =	vadd.s32 v40, v41  }
0x22c: {  	v58 =	vadd.s32 v40, v42;
	[tilespmem:$0x4A90] =	vst v41  }
0x22d: {  	s10 =	sadd.s32 s4, s1;
	[tilespmem:$0x4BB0] =	vst v58  }
0x22e: {  	[tilespmem:s16], [sflag:$0x1] =	stream.indirect.gather [hbm4b:s5+s14], $0x1, s15, s14, $0xb8;
	[tilespmem:$0x54C0] =	vst v63  }
0x22f: {  	s7 =	sshrl.u32 s10, $0x3  }
0x230: {  	[tilespmem:s18], [sflag:$0x1] =	stream.indirect.gather [hbm4b:s5+s14], $0x1, s17, s14, $0xb8;
	[tilespmem:$0x54C0] =	vst v63  }
0x231: {  	s7 =	sadd.s32 s2, s7  }
0x232: {  	[hbm4b:s7+s3] =	stream.linear.scatter [tilespmem:s24], [sflag:$0x3], $0x120, $0x38;
	[tilespmem:$0x54C0] =	vst v63  }
0x233: {  	_ =	swait.ge [sflag:s25], $0x120  }
0x234: {  	[sflag:s25] =	ssyncset.done $0x0  }
0x235: {  	[sflag:s25] =	ssyncadd.s32 $0xFFFFFEE0  }
0x236: {  	_ =	swait.ge [sflag:s25], $0x120  }
0x237: {  	[sflag:s25] =	ssyncset.done $0x0  }
0x238: {  	s7 =	simm.s32 @!p0 $0x4;
	[sflag:s25] =	ssyncadd.s32 $0xFFFFFEE0  }
0x239: {  	_ =	swait.ge @!p0 [sflag:s7], $0x120  }
0x23a: {  	[sflag:s7] =	ssyncset.done @!p0 $0x0  }
0x23b: {  	s11 =	simm.s32 $0x5170;
	[sflag:s7] =	ssyncadd.s32 @!p0 $0xFFFFFEE0  }
0x23c: {  	s9 =	simm.s32 $0x4F30;
	v59 =	vld [tilespmem:s11+$0x0]  }
0x23d: {  	v60 =	vld [tilespmem:s9+$0x0]  }
0x23e: {  	v61 =	vld [tilespmem:s9+$0xFFFFFFF0]  }
0x23f: {  	v62 =	vld [tilespmem:s11+$0xFFFFFFF0];
	_ =	sdelay $0x1  }
0x240: {  	s10 =	simm.s32 $0x4F50  }
0x241: {  	v42 =	vld [tilespmem:s10+$0xFFFFFFF0];
	v63 =	vadd.f32 v59, v60  }
0x242: {  	s9 =	simm.s32 $0x5190;
	v44 =	vld [tilespmem:s10+$0x0]  }
0x243: {  	v41 =	vld [tilespmem:s9+$0x0];
	v46 =	vadd.f32 v62, v61;
	v47 =	vmul.f32 $5.000000000e-01, v63  }
0x244: {  	s7 =	simm.s32 $0x53B0;
	v43 =	vld [tilespmem:s9+$0xFFFFFFF0]  }
0x245: {  	s10 =	simm.s32 $0x2;
	s11 =	simm.s32 $0x4F70;
	v45 =	vmul.f32 $5.000000000e-01, v46;
	[tilespmem:s7+$0x0] =	vst v47  }
.LBB2_5:
0x246: {  	s10 =	sadd.s32 $0x2, s10  }
0x247: {  	v46 =	vld [tilespmem:s11+$0xFFFFFFF0];
	s9 =	sadd.s32 $0x20, s9;
	[tilespmem:s7+$0xFFFFFFF0] =	vst v45;
	s7 =	sadd.s32 $0x20, s7;
	p0 =	slt.u32 s10, $0x10  }
.Ltmp1:
0x248: {  	v45 =	vadd.f32 v41, v44;
	v41 =	vld [tilespmem:s9+$0x0];
	(pc) =	sbr.rel @p0 .LBB2_5-.Ltmp1, $4  }
0x249: {  	v44 =	vld [tilespmem:s11+$0x0];
	v48 =	vadd.f32 v43, v42  }
0x24a: {  	v43 =	vld [tilespmem:s9+$0xFFFFFFF0];
	v47 =	vmul.f32 $5.000000000e-01, v45  }
0x24b: {  	v45 =	vmul.f32 $5.000000000e-01, v48  }
0x24c: {  	s11 =	sadd.s32 $0x20, s11;
	[tilespmem:s7+$0x0] =	vst v47;
	v42 =	vmov v46  }
0x24d: {  	_ = 	snop  }
0x24e: {  	s0 =	sadd.s32 $0x120, s0;
	v41 =	vadd.f32 v41, v44  }
0x24f: {  	v50 =	vor.u32 s0, v0;
	v42 =	vadd.f32 v43, v42  }
0x250: {  	v41 =	vmul.f32 $5.000000000e-01, v41  }
0x251: {  	[tilespmem:s7+$0xFFFFFFF0] =	vst v45;
	s10 =	sadd.s32 $0x20, s7;
	v42 =	vmul.f32 $5.000000000e-01, v42  }
0x252: {  	[tilespmem:s10+$0x0] =	vst v41  }
0x253: {  	[tilespmem:s10+$0xFFFFFFF0] =	vst v42  }
0x254: {  	v41 =	vld.idx.msk [tilespmem:v50+s3+$0x0], $0xffff  }
0x255: {  	v42 =	vld.idx.msk [tilespmem:v50+s13+$0x0], $0xffff;
	_ =	sdelay $0x3  }
0x256: {  	v51 =	vor.u32 s0, v20;
	v41 =	vmul.u32 $0x3, v41  }
0x257: {  	v42 =	vmul.u32 $0x3, v42  }
0x258: {  	v41 =	vadd.s32 v38, v41  }
0x259: {  	v52 =	vadd.s32 v38, v42;
	[tilespmem:$0x4BC0] =	vst v41  }
0x25a: {  	[tilespmem:$0x4CE0] =	vst v52  }
0x25b: {  	v41 =	vld.idx.msk [tilespmem:v51+s3+$0x0], $0xffff  }
0x25c: {  	v53 =	vld.idx.msk [tilespmem:v51+s13+$0x0], $0xffff;
	_ =	sdelay $0x3  }
0x25d: {  	v54 =	vor.u32 s0, v29;
	v41 =	vmul.u32 $0x3, v41  }
0x25e: {  	v42 =	vmul.u32 $0x3, v53  }
0x25f: {  	v41 =	vadd.s32 v39, v41  }
0x260: {  	v55 =	vadd.s32 v39, v42;
	[tilespmem:$0x4BD0] =	vst v41  }
0x261: {  	[tilespmem:$0x4CF0] =	vst v55  }
0x262: {  	v41 =	vld.idx.msk [tilespmem:v54+s3+$0x0], $0xffff  }
0x263: {  	v56 =	vld.idx.msk [tilespmem:v54+s13+$0x0], $0xffff;
	_ =	sdelay $0x3  }
0x264: {  	v57 =	vor.u32 s0, v1;
	v41 =	vmul.u32 $0x3, v41  }
0x265: {  	v42 =	vmul.u32 $0x3, v56  }
0x266: {  	v41 =	vadd.s32 v40, v41  }
0x267: {  	v58 =	vadd.s32 v40, v42;
	[tilespmem:$0x4BE0] =	vst v41  }
0x268: {  	[tilespmem:$0x4D00] =	vst v58  }
0x269: {  	v41 =	vld.idx.msk [tilespmem:v57+s3+$0x0], $0xffff  }
0x26a: {  	v59 =	vld.idx.msk [tilespmem:v57+s13+$0x0], $0xffff;
	_ =	sdelay $0x3  }
0x26b: {  	v60 =	vor.u32 s0, v21;
	v41 =	vmul.u32 $0x3, v41  }
0x26c: {  	v42 =	vmul.u32 $0x3, v59  }
0x26d: {  	v41 =	vadd.s32 v38, v41  }
0x26e: {  	v61 =	vadd.s32 v38, v42;
	[tilespmem:$0x4BF0] =	vst v41  }
0x26f: {  	[tilespmem:$0x4D10] =	vst v61  }
0x270: {  	v41 =	vld.idx.msk [tilespmem:v60+s3+$0x0], $0xffff  }
0x271: {  	v62 =	vld.idx.msk [tilespmem:v60+s13+$0x0], $0xffff;
	_ =	sdelay $0x3  }
0x272: {  	v63 =	vor.u32 s0, v30;
	v41 =	vmul.u32 $0x3, v41  }
0x273: {  	v42 =	vmul.u32 $0x3, v62  }
0x274: {  	v41 =	vadd.s32 v39, v41  }
0x275: {  	v44 =	vadd.s32 v39, v42;
	[tilespmem:$0x4C00] =	vst v41  }
0x276: {  	[tilespmem:$0x4D20] =	vst v44  }
0x277: {  	v41 =	vld.idx.msk [tilespmem:v63+s3+$0x0], $0xffff  }
0x278: {  	v45 =	vld.idx.msk [tilespmem:v63+s13+$0x0], $0xffff;
	_ =	sdelay $0x1  }
0x279: {  	v46 =	vadd.s32 s0, v2  }
0x27a: {  	v43 =	vand.u32 $0xFFC0, v46  }
0x27b: {  	v43 =	vor.u32 v0, v43;
	v41 =	vmul.u32 $0x3, v41  }
0x27c: {  	v42 =	vmul.u32 $0x3, v45  }
0x27d: {  	v41 =	vadd.s32 v40, v41  }
0x27e: {  	v47 =	vadd.s32 v40, v42;
	[tilespmem:$0x4C10] =	vst v41  }
0x27f: {  	[tilespmem:$0x4D30] =	vst v47  }
0x280: {  	v41 =	vld.idx.msk [tilespmem:v43+s3+$0x0], $0xffff  }
0x281: {  	v48 =	vld.idx.msk [tilespmem:v43+s13+$0x0], $0xffff;
	_ =	sdelay $0x1  }
0x282: {  	v49 =	vadd.s32 s0, v22  }
0x283: {  	v43 =	vand.u32 $0xFFC8, v49  }
0x284: {  	v43 =	vor.u32 v28, v43;
	v41 =	vmul.u32 $0x3, v41  }
0x285: {  	v42 =	vmul.u32 $0x3, v48  }
0x286: {  	v41 =	vadd.s32 v38, v41  }
0x287: {  	v50 =	vadd.s32 v38, v42;
	[tilespmem:$0x4C20] =	vst v41  }
0x288: {  	[tilespmem:$0x4D40] =	vst v50  }
0x289: {  	v41 =	vld.idx.msk [tilespmem:v43+s3+$0x0], $0xffff  }
0x28a: {  	v51 =	vld.idx.msk [tilespmem:v43+s13+$0x0], $0xffff;
	_ =	sdelay $0x1  }
0x28b: {  	v52 =	vadd.s32 s0, v31  }
0x28c: {  	v43 =	vand.u32 $0xFFC8, v52  }
0x28d: {  	v43 =	vor.u32 v37, v43;
	v41 =	vmul.u32 $0x3, v41  }
0x28e: {  	v42 =	vmul.u32 $0x3, v51  }
0x28f: {  	v41 =	vadd.s32 v39, v41  }
0x290: {  	v53 =	vadd.s32 v39, v42;
	[tilespmem:$0x4C30] =	vst v41  }
0x291: {  	[tilespmem:$0x4D50] =	vst v53  }
0x292: {  	v41 =	vld.idx.msk [tilespmem:v43+s3+$0x0], $0xffff  }
0x293: {  	v54 =	vld.idx.msk [tilespmem:v43+s13+$0x0], $0xffff;
	_ =	sdelay $0x1  }
0x294: {  	v55 =	vadd.s32 s0, v3  }
0x295: {  	v43 =	vand.u32 $0xFFD0, v55  }
0x296: {  	v43 =	vor.u32 v0, v43;
	v41 =	vmul.u32 $0x3, v41  }
0x297: {  	v42 =	vmul.u32 $0x3, v54  }
0x298: {  	v41 =	vadd.s32 v40, v41  }
0x299: {  	v56 =	vadd.s32 v40, v42;
	[tilespmem:$0x4C40] =	vst v41  }
0x29a: {  	[tilespmem:$0x4D60] =	vst v56  }
0x29b: {  	v41 =	vld.idx.msk [tilespmem:v43+s3+$0x0], $0xffff  }
0x29c: {  	v57 =	vld.idx.msk [tilespmem:v43+s13+$0x0], $0xffff;
	_ =	sdelay $0x1  }
0x29d: {  	v58 =	vadd.s32 s0, v23  }
0x29e: {  	v43 =	vand.u32 $0xFFD8, v58  }
0x29f: {  	v43 =	vor.u32 v28, v43;
	v41 =	vmul.u32 $0x3, v41  }
0x2a0: {  	v42 =	vmul.u32 $0x3, v57  }
0x2a1: {  	v41 =	vadd.s32 v38, v41  }
0x2a2: {  	v59 =	vadd.s32 v38, v42;
	[tilespmem:$0x4C50] =	vst v41  }
0x2a3: {  	[tilespmem:$0x4D70] =	vst v59  }
0x2a4: {  	v41 =	vld.idx.msk [tilespmem:v43+s3+$0x0], $0xffff  }
0x2a5: {  	v60 =	vld.idx.msk [tilespmem:v43+s13+$0x0], $0xffff;
	_ =	sdelay $0x1  }
0x2a6: {  	v61 =	vadd.s32 s0, v32  }
0x2a7: {  	v43 =	vand.u32 $0xFFD8, v61  }
0x2a8: {  	v43 =	vor.u32 v37, v43;
	v41 =	vmul.u32 $0x3, v41  }
0x2a9: {  	v42 =	vmul.u32 $0x3, v60  }
0x2aa: {  	v41 =	vadd.s32 v39, v41  }
0x2ab: {  	v62 =	vadd.s32 v39, v42;
	[tilespmem:$0x4C60] =	vst v41  }
0x2ac: {  	[tilespmem:$0x4D80] =	vst v62  }
0x2ad: {  	v41 =	vld.idx.msk [tilespmem:v43+s3+$0x0], $0xffff  }
0x2ae: {  	v63 =	vld.idx.msk [tilespmem:v43+s13+$0x0], $0xffff;
	_ =	sdelay $0x1  }
0x2af: {  	v45 =	vadd.s32 s0, v4  }
0x2b0: {  	v43 =	vand.u32 $0xFFE0, v45  }
0x2b1: {  	v43 =	vor.u32 v0, v43;
	v41 =	vmul.u32 $0x3, v41  }
0x2b2: {  	v42 =	vmul.u32 $0x3, v63  }
0x2b3: {  	v41 =	vadd.s32 v40, v41  }
0x2b4: {  	v46 =	vadd.s32 v40, v42;
	[tilespmem:$0x4C70] =	vst v41  }
0x2b5: {  	[tilespmem:$0x4D90] =	vst v46  }
0x2b6: {  	v41 =	vld.idx.msk [tilespmem:v43+s3+$0x0], $0xffff  }
0x2b7: {  	v47 =	vld.idx.msk [tilespmem:v43+s13+$0x0], $0xffff;
	_ =	sdelay $0x1  }
0x2b8: {  	v48 =	vadd.s32 s0, v24  }
0x2b9: {  	v43 =	vand.u32 $0xFFE8, v48  }
0x2ba: {  	v43 =	vor.u32 v28, v43;
	v41 =	vmul.u32 $0x3, v41  }
0x2bb: {  	v42 =	vmul.u32 $0x3, v47  }
0x2bc: {  	v41 =	vadd.s32 v38, v41  }
0x2bd: {  	v49 =	vadd.s32 v38, v42;
	[tilespmem:$0x4C80] =	vst v41  }
0x2be: {  	[tilespmem:$0x4DA0] =	vst v49  }
0x2bf: {  	v41 =	vld.idx.msk [tilespmem:v43+s3+$0x0], $0xffff  }
0x2c0: {  	v50 =	vld.idx.msk [tilespmem:v43+s13+$0x0], $0xffff;
	_ =	sdelay $0x1  }
0x2c1: {  	v51 =	vadd.s32 s0, v33  }
0x2c2: {  	v43 =	vand.u32 $0xFFE8, v51  }
0x2c3: {  	v43 =	vor.u32 v37, v43;
	v41 =	vmul.u32 $0x3, v41  }
0x2c4: {  	v42 =	vmul.u32 $0x3, v50  }
0x2c5: {  	v41 =	vadd.s32 v39, v41  }
0x2c6: {  	v52 =	vadd.s32 v39, v42;
	[tilespmem:$0x4C90] =	vst v41  }
0x2c7: {  	[tilespmem:$0x4DB0] =	vst v52  }
0x2c8: {  	v41 =	vld.idx.msk [tilespmem:v43+s3+$0x0], $0xffff  }
0x2c9: {  	v53 =	vld.idx.msk [tilespmem:v43+s13+$0x0], $0xffff;
	_ =	sdelay $0x1  }
0x2ca: {  	v54 =	vadd.s32 s0, v5  }
0x2cb: {  	v43 =	vand.u32 $0xFFF0, v54  }
0x2cc: {  	v43 =	vor.u32 v0, v43;
	v41 =	vmul.u32 $0x3, v41  }
0x2cd: {  	v42 =	vmul.u32 $0x3, v53  }
0x2ce: {  	v41 =	vadd.s32 v40, v41  }
0x2cf: {  	v55 =	vadd.s32 v40, v42;
	[tilespmem:$0x4CA0] =	vst v41  }
0x2d0: {  	[tilespmem:$0x4DC0] =	vst v55  }
0x2d1: {  	v41 =	vld.idx.msk [tilespmem:v43+s3+$0x0], $0xffff  }
0x2d2: {  	v56 =	vld.idx.msk [tilespmem:v43+s13+$0x0], $0xffff;
	_ =	sdelay $0x1  }
0x2d3: {  	v57 =	vadd.s32 s0, v25  }
0x2d4: {  	v43 =	vand.u32 $0xFFF8, v57  }
0x2d5: {  	v43 =	vor.u32 v28, v43;
	v41 =	vmul.u32 $0x3, v41  }
0x2d6: {  	v42 =	vmul.u32 $0x3, v56  }
0x2d7: {  	v41 =	vadd.s32 v38, v41  }
0x2d8: {  	v58 =	vadd.s32 v38, v42;
	[tilespmem:$0x4CB0] =	vst v41  }
0x2d9: {  	[tilespmem:$0x4DD0] =	vst v58  }
0x2da: {  	v41 =	vld.idx.msk [tilespmem:v43+s3+$0x0], $0xffff  }
0x2db: {  	v59 =	vld.idx.msk [tilespmem:v43+s13+$0x0], $0xffff;
	_ =	sdelay $0x1  }
0x2dc: {  	v60 =	vadd.s32 s0, v34  }
0x2dd: {  	v43 =	vand.u32 $0xFFF8, v60  }
0x2de: {  	v43 =	vor.u32 v37, v43;
	v41 =	vmul.u32 $0x3, v41  }
0x2df: {  	v42 =	vmul.u32 $0x3, v59  }
0x2e0: {  	v41 =	vadd.s32 v39, v41  }
0x2e1: {  	v61 =	vadd.s32 v39, v42;
	[tilespmem:$0x4CC0] =	vst v41  }
0x2e2: {  	[tilespmem:$0x4DE0] =	vst v61  }
0x2e3: {  	v41 =	vld.idx.msk [tilespmem:v43+s3+$0x0], $0xffff  }
0x2e4: {  	v62 =	vld.idx.msk [tilespmem:v43+s13+$0x0], $0xffff;
	_ =	sdelay $0x3  }
0x2e5: {  	v41 =	vmul.u32 $0x3, v41  }
0x2e6: {  	v42 =	vmul.u32 $0x3, v62  }
0x2e7: {  	v41 =	vadd.s32 v40, v41  }
0x2e8: {  	s31 =	sadd.s32 $0x1, s31;
	v63 =	vadd.s32 v40, v42;
	[tilespmem:$0x4CD0] =	vst v41  }
0x2e9: {  	p0 =	sne.s32 s31, $0x30;
	[tilespmem:$0x4DF0] =	vst v63  }
0x2ea: {  	[tilespmem:s20], [sflag:$0x2] =	stream.indirect.gather [hbm4b:s5+s14], $0x1, s19, s14, $0xb8;
	[tilespmem:$0x54C0] =	vst v63  }
.Ltmp2:
0x2eb: {  	s11 =	sadd.s32 s1, s8;
	(pc) =	sbr.rel @p0 .LBB2_2-.Ltmp2, $4  }
0x2ec: {  	s0 =	sshrl.u32 s11, $0x3  }
0x2ed: {  	[tilespmem:s22], [sflag:$0x2] =	stream.indirect.gather [hbm4b:s5+s14], $0x1, s21, s14, $0xb8;
	[tilespmem:$0x54C0] =	vst v63  }
0x2ee: {  	s0 =	sadd.s32 s2, s0  }
0x2ef: {  	[hbm4b:s0+s3] =	stream.linear.scatter [tilespmem:s26], [sflag:$0x4], $0x120, $0x38;
	[tilespmem:$0x54C0] =	vst v63  }
0x2f0: {  	_ =	swait.ge [sflag:s23], $0x120  }
0x2f1: {  	[sflag:s23] =	ssyncset.done $0x0  }
0x2f2: {  	[sflag:s23] =	ssyncadd.s32 $0xFFFFFEE0  }
0x2f3: {  	_ =	swait.ge [sflag:s23], $0x120  }
0x2f4: {  	[sflag:s23] =	ssyncset.done $0x0  }
0x2f5: {  	[sflag:s23] =	ssyncadd.s32 $0xFFFFFEE0  }
0x2f6: {  	_ =	swait.ge [sflag:s28], $0x120  }
0x2f7: {  	[sflag:s28] =	ssyncset.done $0x0  }
0x2f8: {  	s0 =	simm.s32 $0x5050;
	[sflag:s28] =	ssyncadd.s32 $0xFFFFFEE0  }
0x2f9: {  	s1 =	simm.s32 $0x4E10;
	v41 =	vld [tilespmem:s0+$0x0]  }
0x2fa: {  	v42 =	vld [tilespmem:s1+$0x0]  }
0x2fb: {  	v43 =	vld [tilespmem:s1+$0xFFFFFFF0]  }
0x2fc: {  	v44 =	vld [tilespmem:s0+$0xFFFFFFF0];
	_ =	sdelay $0x1  }
0x2fd: {  	s7 =	simm.s32 $0x4E30  }
0x2fe: {  	s1 =	simm.s32 $0x5070;
	v45 =	vadd.f32 v41, v42;
	v42 =	vld [tilespmem:s7+$0xFFFFFFF0]  }
0x2ff: {  	v41 =	vld [tilespmem:s1+$0x0]  }
0x300: {  	v46 =	vadd.f32 v44, v43;
	v43 =	vld [tilespmem:s7+$0x0];
	v47 =	vmul.f32 $5.000000000e-01, v45  }
0x301: {  	s0 =	simm.s32 $0x5290;
	v44 =	vld [tilespmem:s1+$0xFFFFFFF0]  }
0x302: {  	s9 =	simm.s32 $0x4E50;
	s7 =	simm.s32 $0x2;
	v45 =	vmul.f32 $5.000000000e-01, v46;
	[tilespmem:s0+$0x0] =	vst v47  }
.LBB2_8:
0x303: {  	s7 =	sadd.s32 $0x2, s7  }
0x304: {  	v46 =	vld [tilespmem:s9+$0xFFFFFFF0];
	s1 =	sadd.s32 $0x20, s1;
	[tilespmem:s0+$0xFFFFFFF0] =	vst v45;
	s0 =	sadd.s32 $0x20, s0;
	p0 =	slt.u32 s7, $0x10  }
.Ltmp3:
0x305: {  	v45 =	vadd.f32 v41, v43;
	v41 =	vld [tilespmem:s1+$0x0];
	(pc) =	sbr.rel @p0 .LBB2_8-.Ltmp3, $4  }
0x306: {  	v43 =	vld [tilespmem:s9+$0x0];
	v48 =	vadd.f32 v44, v42  }
0x307: {  	v44 =	vld [tilespmem:s1+$0xFFFFFFF0];
	v47 =	vmul.f32 $5.000000000e-01, v45  }
0x308: {  	v45 =	vmul.f32 $5.000000000e-01, v48  }
0x309: {  	s9 =	sadd.s32 $0x20, s9;
	[tilespmem:s0+$0x0] =	vst v47;
	v42 =	vmov v46  }
0x30a: {  	_ = 	snop  }
0x30b: {  	v41 =	vadd.f32 v41, v43  }
0x30c: {  	v42 =	vadd.f32 v44, v42  }
0x30d: {  	v41 =	vmul.f32 $5.000000000e-01, v41  }
0x30e: {  	[tilespmem:s0+$0xFFFFFFF0] =	vst v45;
	s11 =	sadd.s32 $0x20, s0;
	v42 =	vmul.f32 $5.000000000e-01, v42  }
0x30f: {  	[tilespmem:s11+$0x0] =	vst v41  }
0x310: {  	[tilespmem:s11+$0xFFFFFFF0] =	vst v42  }
0x311: {  	s0 =	rddreg [dreg:$0x4]  }
0x312: {  	[hbm4b:s0+s3] =	stream.linear.scatter [tilespmem:s24], [sflag:$0x3], $0x120, $0x38;
	[tilespmem:$0x54C0] =	vst v63  }
0x313: {  	_ =	swait.ge [sflag:s25], $0x120  }
0x314: {  	[sflag:s25] =	ssyncset.done $0x0  }
0x315: {  	[sflag:s25] =	ssyncadd.s32 $0xFFFFFEE0  }
0x316: {  	_ =	swait.ge [sflag:s25], $0x120  }
0x317: {  	[sflag:s25] =	ssyncset.done $0x0  }
0x318: {  	[sflag:s25] =	ssyncadd.s32 $0xFFFFFEE0  }
0x319: {  	_ =	swait.ge [sflag:s29], $0x120  }
0x31a: {  	[sflag:s29] =	ssyncset.done $0x0  }
0x31b: {  	s31 =	simm.s32 $0x5170;
	[sflag:s29] =	ssyncadd.s32 $0xFFFFFEE0  }
0x31c: {  	s1 =	simm.s32 $0x4F30;
	v59 =	vld [tilespmem:s31+$0x0]  }
0x31d: {  	v60 =	vld [tilespmem:s1+$0x0]  }
0x31e: {  	v61 =	vld [tilespmem:s1+$0xFFFFFFF0]  }
0x31f: {  	v62 =	vld [tilespmem:s31+$0xFFFFFFF0];
	_ =	sdelay $0x1  }
0x320: {  	s7 =	simm.s32 $0x4F50  }
0x321: {  	v42 =	vld [tilespmem:s7+$0xFFFFFFF0];
	v63 =	vadd.f32 v59, v60  }
0x322: {  	s1 =	simm.s32 $0x5190;
	v43 =	vld [tilespmem:s7+$0x0]  }
0x323: {  	v41 =	vld [tilespmem:s1+$0x0];
	v46 =	vadd.f32 v62, v61;
	v47 =	vmul.f32 $5.000000000e-01, v63  }
0x324: {  	s0 =	simm.s32 $0x53B0;
	v44 =	vld [tilespmem:s1+$0xFFFFFFF0]  }
0x325: {  	s9 =	simm.s32 $0x4F70;
	s7 =	simm.s32 $0x2;
	v45 =	vmul.f32 $5.000000000e-01, v46;
	[tilespmem:s0+$0x0] =	vst v47  }
.LBB2_10:
0x326: {  	s7 =	sadd.s32 $0x2, s7  }
0x327: {  	v46 =	vld [tilespmem:s9+$0xFFFFFFF0];
	s1 =	sadd.s32 $0x20, s1;
	[tilespmem:s0+$0xFFFFFFF0] =	vst v45;
	s0 =	sadd.s32 $0x20, s0;
	p0 =	slt.u32 s7, $0x10  }
.Ltmp4:
0x328: {  	v45 =	vadd.f32 v41, v43;
	v41 =	vld [tilespmem:s1+$0x0];
	(pc) =	sbr.rel @p0 .LBB2_10-.Ltmp4, $4  }
0x329: {  	v43 =	vld [tilespmem:s9+$0x0];
	v48 =	vadd.f32 v44, v42  }
0x32a: {  	v44 =	vld [tilespmem:s1+$0xFFFFFFF0];
	v47 =	vmul.f32 $5.000000000e-01, v45  }
0x32b: {  	v45 =	vmul.f32 $5.000000000e-01, v48  }
0x32c: {  	s9 =	sadd.s32 $0x20, s9;
	[tilespmem:s0+$0x0] =	vst v47;
	v42 =	vmov v46  }
0x32d: {  	_ = 	snop  }
0x32e: {  	v41 =	vadd.f32 v41, v43  }
0x32f: {  	v42 =	vadd.f32 v44, v42  }
0x330: {  	v41 =	vmul.f32 $5.000000000e-01, v41  }
0x331: {  	[tilespmem:s0+$0xFFFFFFF0] =	vst v45;
	s11 =	sadd.s32 $0x20, s0;
	v42 =	vmul.f32 $5.000000000e-01, v42  }
0x332: {  	[tilespmem:s11+$0x0] =	vst v41  }
0x333: {  	[tilespmem:s11+$0xFFFFFFF0] =	vst v42  }
0x334: {  	s0 =	rddreg [dreg:$0x5]  }
0x335: {  	[hbm4b:s0+s3] =	stream.linear.scatter [tilespmem:s26], [sflag:$0x4], $0xC0, $0x38;
	[tilespmem:$0x54C0] =	vst v63  }
0x336: {  	_ =	swait.ge [sflag:s28], $0x120  }
0x337: {  	[sflag:s28] =	ssyncset.done $0x0  }
0x338: {  	[sflag:s28] =	ssyncadd.s32 $0xFFFFFEE0  }
0x339: {  	_ =	swait.ge [sflag:s29], $0xC0  }
0x33a: {  	s30 =	sadd.s32 $0x1, s30;
	s31 =	rddreg [dreg:$0x6]  }
0x33b: {  	p0 =	sne.s32 s30, s31  }
.Ltmp5:
0x33c: {  	_ = 	snop;
	(pc) =	sbr.rel @p0 .LBB2_1-.Ltmp5, $3  }
0x33d: {  	_ =	sdelay $0x1  }
0x33e: {  	[sflag:s29] =	ssyncset.done $0x0  }
0x33f: {  	[sflag:s29] =	ssyncadd.s32 $0xFFFFFF40  }
0x340: {  	_ =	sfence.sel $0x180000  }
0x341: {  	[bflag:$0x0] =	sbarrier.arrive $0xFFFF  }
0x342: {  	_ =	strace $0x90000047  }
0x343: {  	s0 =	stileid.u32;
	[bflag:$0x2] =	sbarrier.arrive $0xFFFF  }
0x344: {  	p0 =	sne.s32 s0, $0x0;
	s0 =	rddreg [dreg:$0x2]  }
0x345: {  	s0 =	sadd.s32 @!p0 $0x100000, s0  }
0x346: {  	[sflag:s0] =	ssyncadd.tile.s32 @!p0 $0x1;
	_ =	shalt  }
.Lfunc_end2:
_tile_overlayer_lowered:
.L_overlay_start_2:
0x347: {  	(tag) =	ssettag $0x2  }
0x348: {  	s0 =	rddreg [dreg:$0x0];
	s2 =	stileid.u32  }
0x349: {  	s1 =	rddreg [dreg:$0x1];
	p0 =	sne.s32 s2, $0x0  }
0x34a: {  	s3 =	rddreg [dreg:$0x2];
	[bflag:$0x3] =	sbarrier.arrive $0xFFFF;
	s2 =	simm.s32 @!p0 $0x1C05  }
0x34b: {  	[timem:s3], [sflag:s2] =	dma.local @!p0 [hbm:s0], s1  }
0x34c: {  	s0 =	simm.s32 @!p0 $0x5  }
0x34d: {  	_ =	swait.ge @!p0 [sflag:s0], s1  }
0x34e: {  	s1 =	ssub.s32 @!p0 $0x0, s1;
	[sflag:s0] =	ssyncset.done @!p0 $0x0  }
0x34f: {  	[sflag:s0] =	ssyncadd.s32 @!p0 s1  }
0x350: {  	[bflag:$0x3] =	sbarrier.arrive $0xFFFF  }
0x351: {  	_ =	shalt  }

</sc_bundles>
